<compile_context>
chip_gen: v7x
topology: tpu7x:2x2x1
jax: 0.10.2.dev20260603
libtpu: 0.0.44.dev20260713+nightly
codegen_flags: <defaults>
</compile_context>

<pallas_src>
import functools
import math

import jax
import jax.numpy as jnp
from jax import lax
from jax.experimental import pallas as pl
from jax.experimental.pallas import tpu as pltpu
from jax.experimental.pallas import tpu_sc as plsc

_DT_SCALE = math.log1p(168.0)
_LOG2E = math.log2(math.e)
_DT_SCALE2 = _DT_SCALE * _LOG2E

_B, _L = 16384, 200
_NC, _NS, _LANES = 2, 16, 16
_NW = _NC * _NS
_BR = 8
_BC = _B // _NW
_NR = _L // _BR

_mesh = plsc.VectorSubcoreMesh(core_axis_name="c", subcore_axis_name="s")

_GATHER_DNUMS = lax.GatherDimensionNumbers(
    offset_dims=(), collapsed_slice_dims=(0,), start_index_map=(0,))


@functools.partial(
    pl.kernel,
    mesh=_mesh,
    out_type=jax.ShapeDtypeStruct((_L, _B), jnp.float32),
    scratch_types=[
        pltpu.VMEM((_LANES,), jnp.float32),
        pltpu.VMEM((2, _BR, _BC), jnp.float32),
        pltpu.VMEM((2, _BR, _BC), jnp.float32),
        pltpu.VMEM((2, _BR, _BC), jnp.int32),
        pltpu.VMEM((2, _BR, _BC), jnp.float32),
        pltpu.SemaphoreType.DMA,
        pltpu.SemaphoreType.DMA,
        pltpu.SemaphoreType.DMA,
        pltpu.SemaphoreType.DMA,
    ],
    compiler_params=pltpu.CompilerParams(use_tc_tiling_on_sc=True, skip_device_barrier=True, disable_bounds_checks=True),
)
def _recovery(mpc_hbm, dt_hbm, idx_hbm, tab_hbm, out_hbm,
              tab_v, mpc_v, dt_v, idx_v, out_v,
              in_sem0, in_sem1, out_sem0, out_sem1):
    wid = lax.axis_index("s") * _NC + lax.axis_index("c")
    c0 = wid * _BC
    in_sems = (in_sem0, in_sem1)
    out_sems = (out_sem0, out_sem1)

    pltpu.sync_copy(tab_hbm, tab_v)
    tab_vec = -jnp.exp(-tab_v[...])

    def in_copies(k, b):
        r0 = k * _BR
        blk = (pl.ds(r0, _BR), pl.ds(c0, _BC))
        return (
            pltpu.make_async_copy(mpc_hbm.at[blk], mpc_v.at[b], in_sems[b]),
            pltpu.make_async_copy(dt_hbm.at[blk], dt_v.at[b], in_sems[b]),
            pltpu.make_async_copy(idx_hbm.at[blk], idx_v.at[b], in_sems[b]),
        )

    def out_copy(k, b):
        r0 = k * _BR
        blk = (pl.ds(r0, _BR), pl.ds(c0, _BC))
        return pltpu.make_async_copy(out_v.at[b], out_hbm.at[blk], out_sems[b])

    def start_in(k, b):
        for c in in_copies(k, b):
            c.start()

    def compute(b):
        @plsc.parallel_loop(0, _BC, _LANES, unroll=4)
        def body(c):
            for r in range(_BR):
                sl = pl.ds(c, _LANES)
                neg_inv_tau = lax.gather(
                    tab_vec, idx_v[b, r, sl][:, None], _GATHER_DNUMS, (1,),
                    mode=lax.GatherScatterMode.PROMISE_IN_BOUNDS)
                dt_hours = jnp.exp(dt_v[b, r, sl] * _DT_SCALE) - 1.0
                decay = jnp.exp(dt_hours * neg_inv_tau)
                out_v[b, r, sl] = 1.0 - (1.0 - mpc_v[b, r, sl]) * decay

    start_in(0, 0)

    def round_pair(k, _):
        for b in range(2):
            kb = k + b

            @pl.when(kb < _NR)
            def _():
                @pl.when(kb + 1 < _NR)
                def _():
                    start_in(kb + 1, 1 - b)

                for c in in_copies(kb, b):
                    c.wait()

                @pl.when(kb >= 2)
                def _():
                    out_copy(kb - 2, b).wait()

                compute(b)
                out_copy(kb, b).start()
        return 0

    lax.fori_loop(0, (_NR + 1) // 2, lambda k, s: round_pair(2 * k, s), 0)

    out_copy(_NR - 2, (_NR - 2) % 2).wait()
    out_copy(_NR - 1, (_NR - 1) % 2).wait()


def kernel(mpc, delta_t, muscle_idx, log_tau):
    idx = muscle_idx.astype(jnp.int32)
    tab = jnp.pad(log_tau.astype(jnp.float32), (0, _LANES - log_tau.shape[0]))
    out_t = _recovery(mpc.T, delta_t.T, idx.T, tab)
    return out_t.T

# --- scband reference (transcript-rebuilt; emitter-appended) ---
"""Pipeline reference for scband-exponential-recovery-326417515105 (READ-ONLY COPY).

The authoritative reference and input builder live on the scoring server;
editing this copy changes nothing except your own understanding.
"""

import jax, jax.numpy as jnp
import numpy as np
import math

DT_SCALE = math.log1p(168.0)
FIXED_TAU = [16.0, 13.0, 9.0, 8.0, 10.0, 9.0, 13.0, 13.0, 19.0, 18.0, 15.0, 12.0, 12.0, 8.0, 10.0]

def setup_inputs(seed: int = 0) -> dict:
    key = jax.random.key(seed)
    k1, k2, k3 = jax.random.split(key, 3)
    B, L = 16384, 200
    mpc = jax.random.uniform(k1, (B, L), dtype=jnp.float32)
    delta_t = jax.random.uniform(k2, (B, L), dtype=jnp.float32)
    muscle_idx = jax.random.randint(k3, (B, L), 0, 15, dtype=jnp.int64 if jax.config.jax_enable_x64 else jnp.int32)
    log_tau = jnp.log(jnp.asarray(FIXED_TAU, dtype=jnp.float32))
    return {"mpc": mpc, "delta_t": delta_t, "muscle_idx": muscle_idx, "log_tau": log_tau}

def reference(mpc, delta_t, muscle_idx, log_tau):
    dt_hours = jnp.expm1(delta_t * DT_SCALE)
    tau = jnp.exp(jnp.take(log_tau, muscle_idx, axis=0))
    return 1.0 - (1.0 - mpc) * jnp.exp(-dt_hours / tau)

if __name__ == "__main__":
    import jax
    _d = setup_inputs()
    print(jax.jit(kernel)(*tuple(_d.values())))

</pallas_src>

<mosaic_0001>
#map = affine_map<(d0, d1) -> (0, 0)>
#map1 = affine_map<(d0, d1) -> (0)>
module attributes {stable_mosaic.version = 14 : i64} {
  func.func @_recovery(%arg0: i32, %arg1: i32, %arg2: memref<200x16384xf32, #tpu.memory_space<hbm>>, %arg3: memref<200x16384xf32, #tpu.memory_space<hbm>>, %arg4: memref<200x16384xi32, #tpu.memory_space<hbm>>, %arg5: memref<16xf32, #tpu.memory_space<hbm>>, %arg6: memref<200x16384xf32, #tpu.memory_space<hbm>>, %arg7: memref<16xf32, #tpu.memory_space<vmem>>, %arg8: memref<2x8x512xf32, #tpu.memory_space<vmem>>, %arg9: memref<2x8x512xf32, #tpu.memory_space<vmem>>, %arg10: memref<2x8x512xi32, #tpu.memory_space<vmem>>, %arg11: memref<2x8x512xf32, #tpu.memory_space<vmem>>, %arg12: memref<!tpu.dma_semaphore, #tpu.memory_space<semaphore_mem>>, %arg13: memref<!tpu.dma_semaphore, #tpu.memory_space<semaphore_mem>>, %arg14: memref<!tpu.dma_semaphore, #tpu.memory_space<semaphore_mem>>, %arg15: memref<!tpu.dma_semaphore, #tpu.memory_space<semaphore_mem>>) attributes {dimension_semantics = [#tpu.dimension_semantics<core_parallel>, #tpu.dimension_semantics<subcore_parallel>], iteration_bounds = array<i64: 2, 16>, scalar_prefetch = 0 : i64, scratch_operands = 9 : i64, tpu.core_type = #tpu.core_type<sc_vector_subcore>, window_params = [{transform_indices = #map}, {transform_indices = #map}, {transform_indices = #map}, {transform_indices = #map1}, {transform_indices = #map}]} {
    %mul3A = arith.constant 2 : i32
    %mul3A_0 = arith.muli %arg1, %mul3A : i32
    %add3A = arith.addi %mul3A_0, %arg0 : i32
    %mul3A_1 = arith.constant 512 : i32
    %mul3A_2 = arith.muli %add3A, %mul3A_1 : i32
    "tpu.region"() ({
      %run_scoped3A = tpu.sem_alloc : memref<!tpu.dma_semaphore, #tpu.memory_space<semaphore_mem>>
      tpu.enqueue_dma source(%arg5 : memref<16xf32, #tpu.memory_space<hbm>>) target(%arg7 : memref<16xf32, #tpu.memory_space<vmem>>) target_semaphore(%run_scoped3A : memref<!tpu.dma_semaphore, #tpu.memory_space<semaphore_mem>>)
      tpu.wait_dma2 semaphore(%run_scoped3A : memref<!tpu.dma_semaphore, #tpu.memory_space<semaphore_mem>>) src(%arg5 : memref<16xf32, #tpu.memory_space<hbm>>) dst(%arg7 : memref<16xf32, #tpu.memory_space<vmem>>)
      tpu.yield
    }) : () -> ()
    %get3A = arith.constant 0 : index
    %get3A_3 = tpu.vector_load %arg7[%get3A] {strides = array<i32>} : memref<16xf32, #tpu.memory_space<vmem>>, vector<16xf32>,
    %get3A_4 = vector.shape_cast %get3A_3 : vector<16xf32> to vector<16xf32>
    %neg3A = arith.constant 0.000000e+00 : f32
    %neg3A_5 = vector.broadcast %neg3A : f32 to vector<16xf32>
    %neg3A_6 = arith.subf %neg3A_5, %get3A_4 : vector<16xf32>
    %exp3A = math.exp %neg3A_6 : vector<16xf32>
    %neg3A_7 = arith.constant 0.000000e+00 : f32
    %neg3A_8 = vector.broadcast %neg3A_7 : f32 to vector<16xf32>
    %neg3A_9 = arith.subf %neg3A_8, %exp3A : vector<16xf32>
    %dma_start3A = arith.constant 0 : i32
    %dma_start3A_10 = arith.constant 0 : i32
    %dma_start3A_11 = arith.constant 0 : i32
    %dma_start3A_12 = tpu.memref_slice %arg8[%dma_start3A, %dma_start3A_10, %dma_start3A_11] : memref<2x8x512xf32, #tpu.memory_space<vmem>> -> memref<1x8x512xf32, #tpu.memory_space<vmem>>
    %dma_start3A_13 = tpu.memref_squeeze %dma_start3A_12 : memref<1x8x512xf32, #tpu.memory_space<vmem>> -> memref<8x512xf32, #tpu.memory_space<vmem>>
    %dma_start3A_14 = arith.constant 0 : i32
    %dma_start3A_15 = tpu.memref_slice %arg2[%dma_start3A_14, %mul3A_2] : memref<200x16384xf32, #tpu.memory_space<hbm>> -> memref<8x512xf32, #tpu.memory_space<hbm>>
    %dma_start3A_16 = arith.constant 0 : i32
    %dma_start3A_17 = arith.constant 0 : i32
    %dma_start3A_18 = tpu.memref_slice %arg8[%dma_start3A, %dma_start3A_16, %dma_start3A_17] : memref<2x8x512xf32, #tpu.memory_space<vmem>> -> memref<1x8x512xf32, #tpu.memory_space<vmem>>
    %dma_start3A_19 = tpu.memref_squeeze %dma_start3A_18 : memref<1x8x512xf32, #tpu.memory_space<vmem>> -> memref<8x512xf32, #tpu.memory_space<vmem>>
    %dma_start3A_20 = arith.constant 0 : i32
    %dma_start3A_21 = tpu.memref_slice %arg2[%dma_start3A_20, %mul3A_2] : memref<200x16384xf32, #tpu.memory_space<hbm>> -> memref<8x512xf32, #tpu.memory_space<hbm>>
    tpu.enqueue_dma source(%dma_start3A_21 : memref<8x512xf32, #tpu.memory_space<hbm>>) target(%dma_start3A_19 : memref<8x512xf32, #tpu.memory_space<vmem>>) target_semaphore(%arg12 : memref<!tpu.dma_semaphore, #tpu.memory_space<semaphore_mem>>)
    %dma_start3A_22 = arith.constant 0 : i32
    %dma_start3A_23 = arith.constant 0 : i32
    %dma_start3A_24 = arith.constant 0 : i32
    %dma_start3A_25 = tpu.memref_slice %arg9[%dma_start3A_22, %dma_start3A_23, %dma_start3A_24] : memref<2x8x512xf32, #tpu.memory_space<vmem>> -> memref<1x8x512xf32, #tpu.memory_space<vmem>>
    %dma_start3A_26 = tpu.memref_squeeze %dma_start3A_25 : memref<1x8x512xf32, #tpu.memory_space<vmem>> -> memref<8x512xf32, #tpu.memory_space<vmem>>
    %dma_start3A_27 = arith.constant 0 : i32
    %dma_start3A_28 = tpu.memref_slice %arg3[%dma_start3A_27, %mul3A_2] : memref<200x16384xf32, #tpu.memory_space<hbm>> -> memref<8x512xf32, #tpu.memory_space<hbm>>
    %dma_start3A_29 = arith.constant 0 : i32
    %dma_start3A_30 = arith.constant 0 : i32
    %dma_start3A_31 = tpu.memref_slice %arg9[%dma_start3A_22, %dma_start3A_29, %dma_start3A_30] : memref<2x8x512xf32, #tpu.memory_space<vmem>> -> memref<1x8x512xf32, #tpu.memory_space<vmem>>
    %dma_start3A_32 = tpu.memref_squeeze %dma_start3A_31 : memref<1x8x512xf32, #tpu.memory_space<vmem>> -> memref<8x512xf32, #tpu.memory_space<vmem>>
    %dma_start3A_33 = arith.constant 0 : i32
    %dma_start3A_34 = tpu.memref_slice %arg3[%dma_start3A_33, %mul3A_2] : memref<200x16384xf32, #tpu.memory_space<hbm>> -> memref<8x512xf32, #tpu.memory_space<hbm>>
    tpu.enqueue_dma source(%dma_start3A_34 : memref<8x512xf32, #tpu.memory_space<hbm>>) target(%dma_start3A_32 : memref<8x512xf32, #tpu.memory_space<vmem>>) target_semaphore(%arg12 : memref<!tpu.dma_semaphore, #tpu.memory_space<semaphore_mem>>)
    %dma_start3A_35 = arith.constant 0 : i32
    %dma_start3A_36 = arith.constant 0 : i32
    %dma_start3A_37 = arith.constant 0 : i32
    %dma_start3A_38 = tpu.memref_slice %arg10[%dma_start3A_35, %dma_start3A_36, %dma_start3A_37] : memref<2x8x512xi32, #tpu.memory_space<vmem>> -> memref<1x8x512xi32, #tpu.memory_space<vmem>>
    %dma_start3A_39 = tpu.memref_squeeze %dma_start3A_38 : memref<1x8x512xi32, #tpu.memory_space<vmem>> -> memref<8x512xi32, #tpu.memory_space<vmem>>
    %dma_start3A_40 = arith.constant 0 : i32
    %dma_start3A_41 = tpu.memref_slice %arg4[%dma_start3A_40, %mul3A_2] : memref<200x16384xi32, #tpu.memory_space<hbm>> -> memref<8x512xi32, #tpu.memory_space<hbm>>
    %dma_start3A_42 = arith.constant 0 : i32
    %dma_start3A_43 = arith.constant 0 : i32
    %dma_start3A_44 = tpu.memref_slice %arg10[%dma_start3A_35, %dma_start3A_42, %dma_start3A_43] : memref<2x8x512xi32, #tpu.memory_space<vmem>> -> memref<1x8x512xi32, #tpu.memory_space<vmem>>
    %dma_start3A_45 = tpu.memref_squeeze %dma_start3A_44 : memref<1x8x512xi32, #tpu.memory_space<vmem>> -> memref<8x512xi32, #tpu.memory_space<vmem>>
    %dma_start3A_46 = arith.constant 0 : i32
    %dma_start3A_47 = tpu.memref_slice %arg4[%dma_start3A_46, %mul3A_2] : memref<200x16384xi32, #tpu.memory_space<hbm>> -> memref<8x512xi32, #tpu.memory_space<hbm>>
    tpu.enqueue_dma source(%dma_start3A_47 : memref<8x512xi32, #tpu.memory_space<hbm>>) target(%dma_start3A_45 : memref<8x512xi32, #tpu.memory_space<vmem>>) target_semaphore(%arg12 : memref<!tpu.dma_semaphore, #tpu.memory_space<semaphore_mem>>)
    %scan3A = arith.constant 0 : i32
    %scan3A_48 = arith.constant 0 : i32
    %scan3A_49 = arith.constant 13 : i32
    %scan3A_50 = arith.addi %scan3A_48, %scan3A_49 : i32
    %scan3A_51 = arith.constant 1 : i32
    %scan3A_52 = scf.for %scan3A_79 = %scan3A_48 to %scan3A_50 step %scan3A_51 iter_args(%scan3A_80 = %scan3A) -> (i32)  : i32 {
      %mul3A_81 = arith.constant 2 : i32
      %mul3A_82 = arith.muli %mul3A_81, %scan3A_79 : i32
      %add3A_83 = arith.constant 0 : i32
      %add3A_84 = arith.addi %mul3A_82, %add3A_83 : i32
      %lt3A = arith.constant 25 : i32
      %lt3A_85 = arith.cmpi slt, %add3A_84, %lt3A : i32
      %convert_element_type3A = arith.extui %lt3A_85 : i1 to i32
      %cond3A = arith.constant 0 : i32
      %cond3A_86 = arith.cmpi ne, %convert_element_type3A, %cond3A : i32
      scf.if %cond3A_86 {
        %add3A_95 = arith.constant 1 : i32
        %add3A_96 = arith.addi %add3A_84, %add3A_95 : i32
        %lt3A_97 = arith.constant 25 : i32
        %lt3A_98 = arith.cmpi slt, %add3A_96, %lt3A_97 : i32
        %convert_element_type3A_99 = arith.extui %lt3A_98 : i1 to i32
        %cond3A_100 = arith.constant 0 : i32
        %cond3A_101 = arith.cmpi ne, %convert_element_type3A_99, %cond3A_100 : i32
        scf.if %cond3A_101 {
          %add3A_156 = arith.constant 1 : i32
          %add3A_157 = arith.addi %add3A_84, %add3A_156 : i32
          %mul3A_158 = arith.constant 8 : i32
          %mul3A_159 = arith.muli %add3A_157, %mul3A_158 : i32
          %dma_start3A_160 = arith.constant 1 : i32
          %dma_start3A_161 = arith.constant 0 : i32
          %dma_start3A_162 = arith.constant 0 : i32
          %dma_start3A_163 = tpu.memref_slice %arg8[%dma_start3A_160, %dma_start3A_161, %dma_start3A_162] : memref<2x8x512xf32, #tpu.memory_space<vmem>> -> memref<1x8x512xf32, #tpu.memory_space<vmem>>
          %dma_start3A_164 = tpu.memref_squeeze %dma_start3A_163 : memref<1x8x512xf32, #tpu.memory_space<vmem>> -> memref<8x512xf32, #tpu.memory_space<vmem>>
          %dma_start3A_165 = tpu.memref_slice %arg2[%mul3A_159, %mul3A_2] : memref<200x16384xf32, #tpu.memory_space<hbm>> -> memref<8x512xf32, #tpu.memory_space<hbm>>
          %dma_start3A_166 = arith.constant 0 : i32
          %dma_start3A_167 = arith.constant 0 : i32
          %dma_start3A_168 = tpu.memref_slice %arg8[%dma_start3A_160, %dma_start3A_166, %dma_start3A_167] : memref<2x8x512xf32, #tpu.memory_space<vmem>> -> memref<1x8x512xf32, #tpu.memory_space<vmem>>
          %dma_start3A_169 = tpu.memref_squeeze %dma_start3A_168 : memref<1x8x512xf32, #tpu.memory_space<vmem>> -> memref<8x512xf32, #tpu.memory_space<vmem>>
          %dma_start3A_170 = tpu.memref_slice %arg2[%mul3A_159, %mul3A_2] : memref<200x16384xf32, #tpu.memory_space<hbm>> -> memref<8x512xf32, #tpu.memory_space<hbm>>
          tpu.enqueue_dma source(%dma_start3A_170 : memref<8x512xf32, #tpu.memory_space<hbm>>) target(%dma_start3A_169 : memref<8x512xf32, #tpu.memory_space<vmem>>) target_semaphore(%arg13 : memref<!tpu.dma_semaphore, #tpu.memory_space<semaphore_mem>>)
          %dma_start3A_171 = arith.constant 1 : i32
          %dma_start3A_172 = arith.constant 0 : i32
          %dma_start3A_173 = arith.constant 0 : i32
          %dma_start3A_174 = tpu.memref_slice %arg9[%dma_start3A_171, %dma_start3A_172, %dma_start3A_173] : memref<2x8x512xf32, #tpu.memory_space<vmem>> -> memref<1x8x512xf32, #tpu.memory_space<vmem>>
          %dma_start3A_175 = tpu.memref_squeeze %dma_start3A_174 : memref<1x8x512xf32, #tpu.memory_space<vmem>> -> memref<8x512xf32, #tpu.memory_space<vmem>>
          %dma_start3A_176 = tpu.memref_slice %arg3[%mul3A_159, %mul3A_2] : memref<200x16384xf32, #tpu.memory_space<hbm>> -> memref<8x512xf32, #tpu.memory_space<hbm>>
          %dma_start3A_177 = arith.constant 0 : i32
          %dma_start3A_178 = arith.constant 0 : i32
          %dma_start3A_179 = tpu.memref_slice %arg9[%dma_start3A_171, %dma_start3A_177, %dma_start3A_178] : memref<2x8x512xf32, #tpu.memory_space<vmem>> -> memref<1x8x512xf32, #tpu.memory_space<vmem>>
          %dma_start3A_180 = tpu.memref_squeeze %dma_start3A_179 : memref<1x8x512xf32, #tpu.memory_space<vmem>> -> memref<8x512xf32, #tpu.memory_space<vmem>>
          %dma_start3A_181 = tpu.memref_slice %arg3[%mul3A_159, %mul3A_2] : memref<200x16384xf32, #tpu.memory_space<hbm>> -> memref<8x512xf32, #tpu.memory_space<hbm>>
          tpu.enqueue_dma source(%dma_start3A_181 : memref<8x512xf32, #tpu.memory_space<hbm>>) target(%dma_start3A_180 : memref<8x512xf32, #tpu.memory_space<vmem>>) target_semaphore(%arg13 : memref<!tpu.dma_semaphore, #tpu.memory_space<semaphore_mem>>)
          %dma_start3A_182 = arith.constant 1 : i32
          %dma_start3A_183 = arith.constant 0 : i32
          %dma_start3A_184 = arith.constant 0 : i32
          %dma_start3A_185 = tpu.memref_slice %arg10[%dma_start3A_182, %dma_start3A_183, %dma_start3A_184] : memref<2x8x512xi32, #tpu.memory_space<vmem>> -> memref<1x8x512xi32, #tpu.memory_space<vmem>>
          %dma_start3A_186 = tpu.memref_squeeze %dma_start3A_185 : memref<1x8x512xi32, #tpu.memory_space<vmem>> -> memref<8x512xi32, #tpu.memory_space<vmem>>
          %dma_start3A_187 = tpu.memref_slice %arg4[%mul3A_159, %mul3A_2] : memref<200x16384xi32, #tpu.memory_space<hbm>> -> memref<8x512xi32, #tpu.memory_space<hbm>>
          %dma_start3A_188 = arith.constant 0 : i32
          %dma_start3A_189 = arith.constant 0 : i32
          %dma_start3A_190 = tpu.memref_slice %arg10[%dma_start3A_182, %dma_start3A_188, %dma_start3A_189] : memref<2x8x512xi32, #tpu.memory_space<vmem>> -> memref<1x8x512xi32, #tpu.memory_space<vmem>>
          %dma_start3A_191 = tpu.memref_squeeze %dma_start3A_190 : memref<1x8x512xi32, #tpu.memory_space<vmem>> -> memref<8x512xi32, #tpu.memory_space<vmem>>
          %dma_start3A_192 = tpu.memref_slice %arg4[%mul3A_159, %mul3A_2] : memref<200x16384xi32, #tpu.memory_space<hbm>> -> memref<8x512xi32, #tpu.memory_space<hbm>>
          tpu.enqueue_dma source(%dma_start3A_192 : memref<8x512xi32, #tpu.memory_space<hbm>>) target(%dma_start3A_191 : memref<8x512xi32, #tpu.memory_space<vmem>>) target_semaphore(%arg13 : memref<!tpu.dma_semaphore, #tpu.memory_space<semaphore_mem>>)
        } else {
        }
        %mul3A_102 = arith.constant 8 : i32
        %mul3A_103 = arith.muli %add3A_84, %mul3A_102 : i32
        %dma_wait3A_104 = arith.constant 0 : i32
        %dma_wait3A_105 = arith.constant 0 : i32
        %dma_wait3A_106 = arith.constant 0 : i32
        %dma_wait3A_107 = tpu.memref_slice %arg8[%dma_wait3A_104, %dma_wait3A_105, %dma_wait3A_106] : memref<2x8x512xf32, #tpu.memory_space<vmem>> -> memref<1x8x512xf32, #tpu.memory_space<vmem>>
        %dma_wait3A_108 = tpu.memref_squeeze %dma_wait3A_107 : memref<1x8x512xf32, #tpu.memory_space<vmem>> -> memref<8x512xf32, #tpu.memory_space<vmem>>
        %dma_wait3A_109 = tpu.memref_slice %arg2[%mul3A_103, %mul3A_2] : memref<200x16384xf32, #tpu.memory_space<hbm>> -> memref<8x512xf32, #tpu.memory_space<hbm>>
        %dma_wait3A_110 = arith.constant 0 : i32
        %dma_wait3A_111 = arith.constant 0 : i32
        %dma_wait3A_112 = tpu.memref_slice %arg8[%dma_wait3A_104, %dma_wait3A_110, %dma_wait3A_111] : memref<2x8x512xf32, #tpu.memory_space<vmem>> -> memref<1x8x512xf32, #tpu.memory_space<vmem>>
        %dma_wait3A_113 = tpu.memref_squeeze %dma_wait3A_112 : memref<1x8x512xf32, #tpu.memory_space<vmem>> -> memref<8x512xf32, #tpu.memory_space<vmem>>
        %dma_wait3A_114 = tpu.memref_slice %arg2[%mul3A_103, %mul3A_2] : memref<200x16384xf32, #tpu.memory_space<hbm>> -> memref<8x512xf32, #tpu.memory_space<hbm>>
        tpu.wait_dma2 semaphore(%arg12 : memref<!tpu.dma_semaphore, #tpu.memory_space<semaphore_mem>>) src(%dma_wait3A_114 : memref<8x512xf32, #tpu.memory_space<hbm>>) dst(%dma_wait3A_113 : memref<8x512xf32, #tpu.memory_space<vmem>>)
        %dma_wait3A_115 = arith.constant 0 : i32
        %dma_wait3A_116 = arith.constant 0 : i32
        %dma_wait3A_117 = arith.constant 0 : i32
        %dma_wait3A_118 = tpu.memref_slice %arg9[%dma_wait3A_115, %dma_wait3A_116, %dma_wait3A_117] : memref<2x8x512xf32, #tpu.memory_space<vmem>> -> memref<1x8x512xf32, #tpu.memory_space<vmem>>
        %dma_wait3A_119 = tpu.memref_squeeze %dma_wait3A_118 : memref<1x8x512xf32, #tpu.memory_space<vmem>> -> memref<8x512xf32, #tpu.memory_space<vmem>>
        %dma_wait3A_120 = tpu.memref_slice %arg3[%mul3A_103, %mul3A_2] : memref<200x16384xf32, #tpu.memory_space<hbm>> -> memref<8x512xf32, #tpu.memory_space<hbm>>
        %dma_wait3A_121 = arith.constant 0 : i32
        %dma_wait3A_122 = arith.constant 0 : i32
        %dma_wait3A_123 = tpu.memref_slice %arg9[%dma_wait3A_115, %dma_wait3A_121, %dma_wait3A_122] : memref<2x8x512xf32, #tpu.memory_space<vmem>> -> memref<1x8x512xf32, #tpu.memory_space<vmem>>
        %dma_wait3A_124 = tpu.memref_squeeze %dma_wait3A_123 : memref<1x8x512xf32, #tpu.memory_space<vmem>> -> memref<8x512xf32, #tpu.memory_space<vmem>>
        %dma_wait3A_125 = tpu.memref_slice %arg3[%mul3A_103, %mul3A_2] : memref<200x16384xf32, #tpu.memory_space<hbm>> -> memref<8x512xf32, #tpu.memory_space<hbm>>
        tpu.wait_dma2 semaphore(%arg12 : memref<!tpu.dma_semaphore, #tpu.memory_space<semaphore_mem>>) src(%dma_wait3A_125 : memref<8x512xf32, #tpu.memory_space<hbm>>) dst(%dma_wait3A_124 : memref<8x512xf32, #tpu.memory_space<vmem>>)
        %dma_wait3A_126 = arith.constant 0 : i32
        %dma_wait3A_127 = arith.constant 0 : i32
        %dma_wait3A_128 = arith.constant 0 : i32
        %dma_wait3A_129 = tpu.memref_slice %arg10[%dma_wait3A_126, %dma_wait3A_127, %dma_wait3A_128] : memref<2x8x512xi32, #tpu.memory_space<vmem>> -> memref<1x8x512xi32, #tpu.memory_space<vmem>>
        %dma_wait3A_130 = tpu.memref_squeeze %dma_wait3A_129 : memref<1x8x512xi32, #tpu.memory_space<vmem>> -> memref<8x512xi32, #tpu.memory_space<vmem>>
        %dma_wait3A_131 = tpu.memref_slice %arg4[%mul3A_103, %mul3A_2] : memref<200x16384xi32, #tpu.memory_space<hbm>> -> memref<8x512xi32, #tpu.memory_space<hbm>>
        %dma_wait3A_132 = arith.constant 0 : i32
        %dma_wait3A_133 = arith.constant 0 : i32
        %dma_wait3A_134 = tpu.memref_slice %arg10[%dma_wait3A_126, %dma_wait3A_132, %dma_wait3A_133] : memref<2x8x512xi32, #tpu.memory_space<vmem>> -> memref<1x8x512xi32, #tpu.memory_space<vmem>>
        %dma_wait3A_135 = tpu.memref_squeeze %dma_wait3A_134 : memref<1x8x512xi32, #tpu.memory_space<vmem>> -> memref<8x512xi32, #tpu.memory_space<vmem>>
        %dma_wait3A_136 = tpu.memref_slice %arg4[%mul3A_103, %mul3A_2] : memref<200x16384xi32, #tpu.memory_space<hbm>> -> memref<8x512xi32, #tpu.memory_space<hbm>>
        tpu.wait_dma2 semaphore(%arg12 : memref<!tpu.dma_semaphore, #tpu.memory_space<semaphore_mem>>) src(%dma_wait3A_136 : memref<8x512xi32, #tpu.memory_space<hbm>>) dst(%dma_wait3A_135 : memref<8x512xi32, #tpu.memory_space<vmem>>)
        %ge3A = arith.constant 2 : i32
        %ge3A_137 = arith.cmpi sge, %add3A_84, %ge3A : i32
        %convert_element_type3A_138 = arith.extui %ge3A_137 : i1 to i32
        %cond3A_139 = arith.constant 0 : i32
        %cond3A_140 = arith.cmpi ne, %convert_element_type3A_138, %cond3A_139 : i32
        scf.if %cond3A_140 {
          %sub3A = arith.constant 2 : i32
          %sub3A_156 = arith.subi %add3A_84, %sub3A : i32
          %mul3A_157 = arith.constant 8 : i32
          %mul3A_158 = arith.muli %sub3A_156, %mul3A_157 : i32
          %dma_wait3A_159 = arith.constant 0 : i32
          %dma_wait3A_160 = arith.constant 0 : i32
          %dma_wait3A_161 = arith.constant 0 : i32
          %dma_wait3A_162 = tpu.memref_slice %arg11[%dma_wait3A_159, %dma_wait3A_160, %dma_wait3A_161] : memref<2x8x512xf32, #tpu.memory_space<vmem>> -> memref<1x8x512xf32, #tpu.memory_space<vmem>>
          %dma_wait3A_163 = tpu.memref_squeeze %dma_wait3A_162 : memref<1x8x512xf32, #tpu.memory_space<vmem>> -> memref<8x512xf32, #tpu.memory_space<vmem>>
          %dma_wait3A_164 = tpu.memref_slice %arg6[%mul3A_158, %mul3A_2] : memref<200x16384xf32, #tpu.memory_space<hbm>> -> memref<8x512xf32, #tpu.memory_space<hbm>>
          %dma_wait3A_165 = tpu.memref_slice %arg6[%mul3A_158, %mul3A_2] : memref<200x16384xf32, #tpu.memory_space<hbm>> -> memref<8x512xf32, #tpu.memory_space<hbm>>
          %dma_wait3A_166 = arith.constant 0 : i32
          %dma_wait3A_167 = arith.constant 0 : i32
          %dma_wait3A_168 = tpu.memref_slice %arg11[%dma_wait3A_159, %dma_wait3A_166, %dma_wait3A_167] : memref<2x8x512xf32, #tpu.memory_space<vmem>> -> memref<1x8x512xf32, #tpu.memory_space<vmem>>
          %dma_wait3A_169 = tpu.memref_squeeze %dma_wait3A_168 : memref<1x8x512xf32, #tpu.memory_space<vmem>> -> memref<8x512xf32, #tpu.memory_space<vmem>>
          tpu.wait_dma2 semaphore(%arg14 : memref<!tpu.dma_semaphore, #tpu.memory_space<semaphore_mem>>) src(%dma_wait3A_169 : memref<8x512xf32, #tpu.memory_space<vmem>>) dst(%dma_wait3A_165 : memref<8x512xf32, #tpu.memory_space<hbm>>)
        } else {
        }
        %parallel_loop3A = arith.constant 0 : i32
        %parallel_loop3A_141 = arith.constant 512 : i32
        %parallel_loop3A_142 = arith.constant 16 : i32
        scf.for %parallel_loop3A_156 = %parallel_loop3A to %parallel_loop3A_141 step %parallel_loop3A_142  : i32 {
          %parallel_loop3A_157 = arith.constant 0 : i32
          %parallel_loop3A_158 = arith.constant 0 : i32
          %parallel_loop3A_159 = arith.index_cast %parallel_loop3A_157 : i32 to index
          %parallel_loop3A_160 = arith.index_cast %parallel_loop3A_158 : i32 to index
          %parallel_loop3A_161 = arith.index_cast %parallel_loop3A_156 : i32 to index
          %parallel_loop3A_162 = tpu.vector_load %arg10[%parallel_loop3A_159, %parallel_loop3A_160, %parallel_loop3A_161] {strides = array<i32>} : memref<2x8x512xi32, #tpu.memory_space<vmem>>, vector<1x1x16xi32>,
          %parallel_loop3A_163 = vector.shape_cast %parallel_loop3A_162 : vector<1x1x16xi32> to vector<16xi32>
          %parallel_loop3A_164 = vector.shape_cast %parallel_loop3A_163 : vector<16xi32> to vector<16x1xi32>
          %parallel_loop3A_165 = vector.shape_cast %parallel_loop3A_164 : vector<16x1xi32> to vector<16xi32>
          %parallel_loop3A_166 = tpu.dynamic_gather %neg3A_9[%parallel_loop3A_165] in [0] : vector<16xf32>, vector<16xi32> -> vector<16xf32>
          %parallel_loop3A_167 = arith.constant 0 : i32
          %parallel_loop3A_168 = arith.constant 0 : i32
          %parallel_loop3A_169 = arith.index_cast %parallel_loop3A_167 : i32 to index
          %parallel_loop3A_170 = arith.index_cast %parallel_loop3A_168 : i32 to index
          %parallel_loop3A_171 = arith.index_cast %parallel_loop3A_156 : i32 to index
          %parallel_loop3A_172 = tpu.vector_load %arg9[%parallel_loop3A_169, %parallel_loop3A_170, %parallel_loop3A_171] {strides = array<i32>} : memref<2x8x512xf32, #tpu.memory_space<vmem>>, vector<1x1x16xf32>,
          %parallel_loop3A_173 = vector.shape_cast %parallel_loop3A_172 : vector<1x1x16xf32> to vector<16xf32>
          %parallel_loop3A_174 = arith.constant 5.12989855 : f32
          %parallel_loop3A_175 = vector.broadcast %parallel_loop3A_174 : f32 to vector<16xf32>
          %parallel_loop3A_176 = arith.mulf %parallel_loop3A_173, %parallel_loop3A_175 : vector<16xf32>
          %parallel_loop3A_177 = math.exp %parallel_loop3A_176 : vector<16xf32>
          %parallel_loop3A_178 = arith.constant 1.000000e+00 : f32
          %parallel_loop3A_179 = vector.broadcast %parallel_loop3A_178 : f32 to vector<16xf32>
          %parallel_loop3A_180 = arith.subf %parallel_loop3A_177, %parallel_loop3A_179 : vector<16xf32>
          %parallel_loop3A_181 = arith.mulf %parallel_loop3A_180, %parallel_loop3A_166 : vector<16xf32>
          %parallel_loop3A_182 = math.exp %parallel_loop3A_181 : vector<16xf32>
          %parallel_loop3A_183 = arith.constant 0 : i32
          %parallel_loop3A_184 = arith.constant 0 : i32
          %parallel_loop3A_185 = arith.index_cast %parallel_loop3A_183 : i32 to index
          %parallel_loop3A_186 = arith.index_cast %parallel_loop3A_184 : i32 to index
          %parallel_loop3A_187 = arith.index_cast %parallel_loop3A_156 : i32 to index
          %parallel_loop3A_188 = tpu.vector_load %arg8[%parallel_loop3A_185, %parallel_loop3A_186, %parallel_loop3A_187] {strides = array<i32>} : memref<2x8x512xf32, #tpu.memory_space<vmem>>, vector<1x1x16xf32>,
          %parallel_loop3A_189 = vector.shape_cast %parallel_loop3A_188 : vector<1x1x16xf32> to vector<16xf32>
          %parallel_loop3A_190 = arith.constant 1.000000e+00 : f32
          %parallel_loop3A_191 = vector.broadcast %parallel_loop3A_190 : f32 to vector<16xf32>
          %parallel_loop3A_192 = arith.subf %parallel_loop3A_191, %parallel_loop3A_189 : vector<16xf32>
          %parallel_loop3A_193 = arith.mulf %parallel_loop3A_192, %parallel_loop3A_182 : vector<16xf32>
          %parallel_loop3A_194 = arith.constant 1.000000e+00 : f32
          %parallel_loop3A_195 = vector.broadcast %parallel_loop3A_194 : f32 to vector<16xf32>
          %parallel_loop3A_196 = arith.subf %parallel_loop3A_195, %parallel_loop3A_193 : vector<16xf32>
          %parallel_loop3A_197 = arith.constant 0 : i32
          %parallel_loop3A_198 = arith.constant 0 : i32
          %parallel_loop3A_199 = arith.index_cast %parallel_loop3A_197 : i32 to index
          %parallel_loop3A_200 = arith.index_cast %parallel_loop3A_198 : i32 to index
          %parallel_loop3A_201 = arith.index_cast %parallel_loop3A_156 : i32 to index
          %parallel_loop3A_202 = tpu.vector_load %arg11[%parallel_loop3A_199, %parallel_loop3A_200, %parallel_loop3A_201] {strides = array<i32>} : memref<2x8x512xf32, #tpu.memory_space<vmem>>, vector<1x1x16xf32>,
          %parallel_loop3A_203 = vector.shape_cast %parallel_loop3A_202 : vector<1x1x16xf32> to vector<16xf32>
          %parallel_loop3A_204 = vector.shape_cast %parallel_loop3A_196 : vector<16xf32> to vector<1x1x16xf32>
          tpu.vector_store %arg11[%parallel_loop3A_199, %parallel_loop3A_200, %parallel_loop3A_201], %parallel_loop3A_204 {strides = array<i32>} : memref<2x8x512xf32, #tpu.memory_space<vmem>>, vector<1x1x16xf32>,
          %parallel_loop3A_205 = arith.constant 0 : i32
          %parallel_loop3A_206 = arith.constant 1 : i32
          %parallel_loop3A_207 = arith.index_cast %parallel_loop3A_205 : i32 to index
          %parallel_loop3A_208 = arith.index_cast %parallel_loop3A_206 : i32 to index
          %parallel_loop3A_209 = arith.index_cast %parallel_loop3A_156 : i32 to index
          %parallel_loop3A_210 = tpu.vector_load %arg10[%parallel_loop3A_207, %parallel_loop3A_208, %parallel_loop3A_209] {strides = array<i32>} : memref<2x8x512xi32, #tpu.memory_space<vmem>>, vector<1x1x16xi32>,
          %parallel_loop3A_211 = vector.shape_cast %parallel_loop3A_210 : vector<1x1x16xi32> to vector<16xi32>
          %parallel_loop3A_212 = vector.shape_cast %parallel_loop3A_211 : vector<16xi32> to vector<16x1xi32>
          %parallel_loop3A_213 = vector.shape_cast %parallel_loop3A_212 : vector<16x1xi32> to vector<16xi32>
          %parallel_loop3A_214 = tpu.dynamic_gather %neg3A_9[%parallel_loop3A_213] in [0] : vector<16xf32>, vector<16xi32> -> vector<16xf32>
          %parallel_loop3A_215 = arith.constant 0 : i32
          %parallel_loop3A_216 = arith.constant 1 : i32
          %parallel_loop3A_217 = arith.index_cast %parallel_loop3A_215 : i32 to index
          %parallel_loop3A_218 = arith.index_cast %parallel_loop3A_216 : i32 to index
          %parallel_loop3A_219 = arith.index_cast %parallel_loop3A_156 : i32 to index
          %parallel_loop3A_220 = tpu.vector_load %arg9[%parallel_loop3A_217, %parallel_loop3A_218, %parallel_loop3A_219] {strides = array<i32>} : memref<2x8x512xf32, #tpu.memory_space<vmem>>, vector<1x1x16xf32>,
          %parallel_loop3A_221 = vector.shape_cast %parallel_loop3A_220 : vector<1x1x16xf32> to vector<16xf32>
          %parallel_loop3A_222 = arith.constant 5.12989855 : f32
          %parallel_loop3A_223 = vector.broadcast %parallel_loop3A_222 : f32 to vector<16xf32>
          %parallel_loop3A_224 = arith.mulf %parallel_loop3A_221, %parallel_loop3A_223 : vector<16xf32>
          %parallel_loop3A_225 = math.exp %parallel_loop3A_224 : vector<16xf32>
          %parallel_loop3A_226 = arith.constant 1.000000e+00 : f32
          %parallel_loop3A_227 = vector.broadcast %parallel_loop3A_226 : f32 to vector<16xf32>
          %parallel_loop3A_228 = arith.subf %parallel_loop3A_225, %parallel_loop3A_227 : vector<16xf32>
          %parallel_loop3A_229 = arith.mulf %parallel_loop3A_228, %parallel_loop3A_214 : vector<16xf32>
          %parallel_loop3A_230 = math.exp %parallel_loop3A_229 : vector<16xf32>
          %parallel_loop3A_231 = arith.constant 0 : i32
          %parallel_loop3A_232 = arith.constant 1 : i32
          %parallel_loop3A_233 = arith.index_cast %parallel_loop3A_231 : i32 to index
          %parallel_loop3A_234 = arith.index_cast %parallel_loop3A_232 : i32 to index
          %parallel_loop3A_235 = arith.index_cast %parallel_loop3A_156 : i32 to index
          %parallel_loop3A_236 = tpu.vector_load %arg8[%parallel_loop3A_233, %parallel_loop3A_234, %parallel_loop3A_235] {strides = array<i32>} : memref<2x8x512xf32, #tpu.memory_space<vmem>>, vector<1x1x16xf32>,
          %parallel_loop3A_237 = vector.shape_cast %parallel_loop3A_236 : vector<1x1x16xf32> to vector<16xf32>
          %parallel_loop3A_238 = arith.constant 1.000000e+00 : f32
          %parallel_loop3A_239 = vector.broadcast %parallel_loop3A_238 : f32 to vector<16xf32>
          %parallel_loop3A_240 = arith.subf %parallel_loop3A_239, %parallel_loop3A_237 : vector<16xf32>
          %parallel_loop3A_241 = arith.mulf %parallel_loop3A_240, %parallel_loop3A_230 : vector<16xf32>
          %parallel_loop3A_242 = arith.constant 1.000000e+00 : f32
          %parallel_loop3A_243 = vector.broadcast %parallel_loop3A_242 : f32 to vector<16xf32>
          %parallel_loop3A_244 = arith.subf %parallel_loop3A_243, %parallel_loop3A_241 : vector<16xf32>
          %parallel_loop3A_245 = arith.constant 0 : i32
          %parallel_loop3A_246 = arith.constant 1 : i32
          %parallel_loop3A_247 = arith.index_cast %parallel_loop3A_245 : i32 to index
          %parallel_loop3A_248 = arith.index_cast %parallel_loop3A_246 : i32 to index
          %parallel_loop3A_249 = arith.index_cast %parallel_loop3A_156 : i32 to index
          %parallel_loop3A_250 = tpu.vector_load %arg11[%parallel_loop3A_247, %parallel_loop3A_248, %parallel_loop3A_249] {strides = array<i32>} : memref<2x8x512xf32, #tpu.memory_space<vmem>>, vector<1x1x16xf32>,
          %parallel_loop3A_251 = vector.shape_cast %parallel_loop3A_250 : vector<1x1x16xf32> to vector<16xf32>
          %parallel_loop3A_252 = vector.shape_cast %parallel_loop3A_244 : vector<16xf32> to vector<1x1x16xf32>
          tpu.vector_store %arg11[%parallel_loop3A_247, %parallel_loop3A_248, %parallel_loop3A_249], %parallel_loop3A_252 {strides = array<i32>} : memref<2x8x512xf32, #tpu.memory_space<vmem>>, vector<1x1x16xf32>,
          %parallel_loop3A_253 = arith.constant 0 : i32
          %parallel_loop3A_254 = arith.constant 2 : i32
          %parallel_loop3A_255 = arith.index_cast %parallel_loop3A_253 : i32 to index
          %parallel_loop3A_256 = arith.index_cast %parallel_loop3A_254 : i32 to index
          %parallel_loop3A_257 = arith.index_cast %parallel_loop3A_156 : i32 to index
          %parallel_loop3A_258 = tpu.vector_load %arg10[%parallel_loop3A_255, %parallel_loop3A_256, %parallel_loop3A_257] {strides = array<i32>} : memref<2x8x512xi32, #tpu.memory_space<vmem>>, vector<1x1x16xi32>,
          %parallel_loop3A_259 = vector.shape_cast %parallel_loop3A_258 : vector<1x1x16xi32> to vector<16xi32>
          %parallel_loop3A_260 = vector.shape_cast %parallel_loop3A_259 : vector<16xi32> to vector<16x1xi32>
          %parallel_loop3A_261 = vector.shape_cast %parallel_loop3A_260 : vector<16x1xi32> to vector<16xi32>
          %parallel_loop3A_262 = tpu.dynamic_gather %neg3A_9[%parallel_loop3A_261] in [0] : vector<16xf32>, vector<16xi32> -> vector<16xf32>
          %parallel_loop3A_263 = arith.constant 0 : i32
          %parallel_loop3A_264 = arith.constant 2 : i32
          %parallel_loop3A_265 = arith.index_cast %parallel_loop3A_263 : i32 to index
          %parallel_loop3A_266 = arith.index_cast %parallel_loop3A_264 : i32 to index
          %parallel_loop3A_267 = arith.index_cast %parallel_loop3A_156 : i32 to index
          %parallel_loop3A_268 = tpu.vector_load %arg9[%parallel_loop3A_265, %parallel_loop3A_266, %parallel_loop3A_267] {strides = array<i32>} : memref<2x8x512xf32, #tpu.memory_space<vmem>>, vector<1x1x16xf32>,
          %parallel_loop3A_269 = vector.shape_cast %parallel_loop3A_268 : vector<1x1x16xf32> to vector<16xf32>
          %parallel_loop3A_270 = arith.constant 5.12989855 : f32
          %parallel_loop3A_271 = vector.broadcast %parallel_loop3A_270 : f32 to vector<16xf32>
          %parallel_loop3A_272 = arith.mulf %parallel_loop3A_269, %parallel_loop3A_271 : vector<16xf32>
          %parallel_loop3A_273 = math.exp %parallel_loop3A_272 : vector<16xf32>
          %parallel_loop3A_274 = arith.constant 1.000000e+00 : f32
          %parallel_loop3A_275 = vector.broadcast %parallel_loop3A_274 : f32 to vector<16xf32>
          %parallel_loop3A_276 = arith.subf %parallel_loop3A_273, %parallel_loop3A_275 : vector<16xf32>
          %parallel_loop3A_277 = arith.mulf %parallel_loop3A_276, %parallel_loop3A_262 : vector<16xf32>
          %parallel_loop3A_278 = math.exp %parallel_loop3A_277 : vector<16xf32>
          %parallel_loop3A_279 = arith.constant 0 : i32
          %parallel_loop3A_280 = arith.constant 2 : i32
          %parallel_loop3A_281 = arith.index_cast %parallel_loop3A_279 : i32 to index
          %parallel_loop3A_282 = arith.index_cast %parallel_loop3A_280 : i32 to index
          %parallel_loop3A_283 = arith.index_cast %parallel_loop3A_156 : i32 to index
          %parallel_loop3A_284 = tpu.vector_load %arg8[%parallel_loop3A_281, %parallel_loop3A_282, %parallel_loop3A_283] {strides = array<i32>} : memref<2x8x512xf32, #tpu.memory_space<vmem>>, vector<1x1x16xf32>,
          %parallel_loop3A_285 = vector.shape_cast %parallel_loop3A_284 : vector<1x1x16xf32> to vector<16xf32>
          %parallel_loop3A_286 = arith.constant 1.000000e+00 : f32
          %parallel_loop3A_287 = vector.broadcast %parallel_loop3A_286 : f32 to vector<16xf32>
          %parallel_loop3A_288 = arith.subf %parallel_loop3A_287, %parallel_loop3A_285 : vector<16xf32>
          %parallel_loop3A_289 = arith.mulf %parallel_loop3A_288, %parallel_loop3A_278 : vector<16xf32>
          %parallel_loop3A_290 = arith.constant 1.000000e+00 : f32
          %parallel_loop3A_291 = vector.broadcast %parallel_loop3A_290 : f32 to vector<16xf32>
          %parallel_loop3A_292 = arith.subf %parallel_loop3A_291, %parallel_loop3A_289 : vector<16xf32>
          %parallel_loop3A_293 = arith.constant 0 : i32
          %parallel_loop3A_294 = arith.constant 2 : i32
          %parallel_loop3A_295 = arith.index_cast %parallel_loop3A_293 : i32 to index
          %parallel_loop3A_296 = arith.index_cast %parallel_loop3A_294 : i32 to index
          %parallel_loop3A_297 = arith.index_cast %parallel_loop3A_156 : i32 to index
          %parallel_loop3A_298 = tpu.vector_load %arg11[%parallel_loop3A_295, %parallel_loop3A_296, %parallel_loop3A_297] {strides = array<i32>} : memref<2x8x512xf32, #tpu.memory_space<vmem>>, vector<1x1x16xf32>,
          %parallel_loop3A_299 = vector.shape_cast %parallel_loop3A_298 : vector<1x1x16xf32> to vector<16xf32>
          %parallel_loop3A_300 = vector.shape_cast %parallel_loop3A_292 : vector<16xf32> to vector<1x1x16xf32>
          tpu.vector_store %arg11[%parallel_loop3A_295, %parallel_loop3A_296, %parallel_loop3A_297], %parallel_loop3A_300 {strides = array<i32>} : memref<2x8x512xf32, #tpu.memory_space<vmem>>, vector<1x1x16xf32>,
          %parallel_loop3A_301 = arith.constant 0 : i32
          %parallel_loop3A_302 = arith.constant 3 : i32
          %parallel_loop3A_303 = arith.index_cast %parallel_loop3A_301 : i32 to index
          %parallel_loop3A_304 = arith.index_cast %parallel_loop3A_302 : i32 to index
          %parallel_loop3A_305 = arith.index_cast %parallel_loop3A_156 : i32 to index
          %parallel_loop3A_306 = tpu.vector_load %arg10[%parallel_loop3A_303, %parallel_loop3A_304, %parallel_loop3A_305] {strides = array<i32>} : memref<2x8x512xi32, #tpu.memory_space<vmem>>, vector<1x1x16xi32>,
          %parallel_loop3A_307 = vector.shape_cast %parallel_loop3A_306 : vector<1x1x16xi32> to vector<16xi32>
          %parallel_loop3A_308 = vector.shape_cast %parallel_loop3A_307 : vector<16xi32> to vector<16x1xi32>
          %parallel_loop3A_309 = vector.shape_cast %parallel_loop3A_308 : vector<16x1xi32> to vector<16xi32>
          %parallel_loop3A_310 = tpu.dynamic_gather %neg3A_9[%parallel_loop3A_309] in [0] : vector<16xf32>, vector<16xi32> -> vector<16xf32>
          %parallel_loop3A_311 = arith.constant 0 : i32
          %parallel_loop3A_312 = arith.constant 3 : i32
          %parallel_loop3A_313 = arith.index_cast %parallel_loop3A_311 : i32 to index
          %parallel_loop3A_314 = arith.index_cast %parallel_loop3A_312 : i32 to index
          %parallel_loop3A_315 = arith.index_cast %parallel_loop3A_156 : i32 to index
          %parallel_loop3A_316 = tpu.vector_load %arg9[%parallel_loop3A_313, %parallel_loop3A_314, %parallel_loop3A_315] {strides = array<i32>} : memref<2x8x512xf32, #tpu.memory_space<vmem>>, vector<1x1x16xf32>,
          %parallel_loop3A_317 = vector.shape_cast %parallel_loop3A_316 : vector<1x1x16xf32> to vector<16xf32>
          %parallel_loop3A_318 = arith.constant 5.12989855 : f32
          %parallel_loop3A_319 = vector.broadcast %parallel_loop3A_318 : f32 to vector<16xf32>
          %parallel_loop3A_320 = arith.mulf %parallel_loop3A_317, %parallel_loop3A_319 : vector<16xf32>
          %parallel_loop3A_321 = math.exp %parallel_loop3A_320 : vector<16xf32>
          %parallel_loop3A_322 = arith.constant 1.000000e+00 : f32
          %parallel_loop3A_323 = vector.broadcast %parallel_loop3A_322 : f32 to vector<16xf32>
          %parallel_loop3A_324 = arith.subf %parallel_loop3A_321, %parallel_loop3A_323 : vector<16xf32>
          %parallel_loop3A_325 = arith.mulf %parallel_loop3A_324, %parallel_loop3A_310 : vector<16xf32>
          %parallel_loop3A_326 = math.exp %parallel_loop3A_325 : vector<16xf32>
          %parallel_loop3A_327 = arith.constant 0 : i32
          %parallel_loop3A_328 = arith.constant 3 : i32
          %parallel_loop3A_329 = arith.index_cast %parallel_loop3A_327 : i32 to index
          %parallel_loop3A_330 = arith.index_cast %parallel_loop3A_328 : i32 to index
          %parallel_loop3A_331 = arith.index_cast %parallel_loop3A_156 : i32 to index
          %parallel_loop3A_332 = tpu.vector_load %arg8[%parallel_loop3A_329, %parallel_loop3A_330, %parallel_loop3A_331] {strides = array<i32>} : memref<2x8x512xf32, #tpu.memory_space<vmem>>, vector<1x1x16xf32>,
          %parallel_loop3A_333 = vector.shape_cast %parallel_loop3A_332 : vector<1x1x16xf32> to vector<16xf32>
          %parallel_loop3A_334 = arith.constant 1.000000e+00 : f32
          %parallel_loop3A_335 = vector.broadcast %parallel_loop3A_334 : f32 to vector<16xf32>
          %parallel_loop3A_336 = arith.subf %parallel_loop3A_335, %parallel_loop3A_333 : vector<16xf32>
          %parallel_loop3A_337 = arith.mulf %parallel_loop3A_336, %parallel_loop3A_326 : vector<16xf32>
          %parallel_loop3A_338 = arith.constant 1.000000e+00 : f32
          %parallel_loop3A_339 = vector.broadcast %parallel_loop3A_338 : f32 to vector<16xf32>
          %parallel_loop3A_340 = arith.subf %parallel_loop3A_339, %parallel_loop3A_337 : vector<16xf32>
          %parallel_loop3A_341 = arith.constant 0 : i32
          %parallel_loop3A_342 = arith.constant 3 : i32
          %parallel_loop3A_343 = arith.index_cast %parallel_loop3A_341 : i32 to index
          %parallel_loop3A_344 = arith.index_cast %parallel_loop3A_342 : i32 to index
          %parallel_loop3A_345 = arith.index_cast %parallel_loop3A_156 : i32 to index
          %parallel_loop3A_346 = tpu.vector_load %arg11[%parallel_loop3A_343, %parallel_loop3A_344, %parallel_loop3A_345] {strides = array<i32>} : memref<2x8x512xf32, #tpu.memory_space<vmem>>, vector<1x1x16xf32>,
          %parallel_loop3A_347 = vector.shape_cast %parallel_loop3A_346 : vector<1x1x16xf32> to vector<16xf32>
          %parallel_loop3A_348 = vector.shape_cast %parallel_loop3A_340 : vector<16xf32> to vector<1x1x16xf32>
          tpu.vector_store %arg11[%parallel_loop3A_343, %parallel_loop3A_344, %parallel_loop3A_345], %parallel_loop3A_348 {strides = array<i32>} : memref<2x8x512xf32, #tpu.memory_space<vmem>>, vector<1x1x16xf32>,
          %parallel_loop3A_349 = arith.constant 0 : i32
          %parallel_loop3A_350 = arith.constant 4 : i32
          %parallel_loop3A_351 = arith.index_cast %parallel_loop3A_349 : i32 to index
          %parallel_loop3A_352 = arith.index_cast %parallel_loop3A_350 : i32 to index
          %parallel_loop3A_353 = arith.index_cast %parallel_loop3A_156 : i32 to index
          %parallel_loop3A_354 = tpu.vector_load %arg10[%parallel_loop3A_351, %parallel_loop3A_352, %parallel_loop3A_353] {strides = array<i32>} : memref<2x8x512xi32, #tpu.memory_space<vmem>>, vector<1x1x16xi32>,
          %parallel_loop3A_355 = vector.shape_cast %parallel_loop3A_354 : vector<1x1x16xi32> to vector<16xi32>
          %parallel_loop3A_356 = vector.shape_cast %parallel_loop3A_355 : vector<16xi32> to vector<16x1xi32>
          %parallel_loop3A_357 = vector.shape_cast %parallel_loop3A_356 : vector<16x1xi32> to vector<16xi32>
          %parallel_loop3A_358 = tpu.dynamic_gather %neg3A_9[%parallel_loop3A_357] in [0] : vector<16xf32>, vector<16xi32> -> vector<16xf32>
          %parallel_loop3A_359 = arith.constant 0 : i32
          %parallel_loop3A_360 = arith.constant 4 : i32
          %parallel_loop3A_361 = arith.index_cast %parallel_loop3A_359 : i32 to index
          %parallel_loop3A_362 = arith.index_cast %parallel_loop3A_360 : i32 to index
          %parallel_loop3A_363 = arith.index_cast %parallel_loop3A_156 : i32 to index
          %parallel_loop3A_364 = tpu.vector_load %arg9[%parallel_loop3A_361, %parallel_loop3A_362, %parallel_loop3A_363] {strides = array<i32>} : memref<2x8x512xf32, #tpu.memory_space<vmem>>, vector<1x1x16xf32>,
          %parallel_loop3A_365 = vector.shape_cast %parallel_loop3A_364 : vector<1x1x16xf32> to vector<16xf32>
          %parallel_loop3A_366 = arith.constant 5.12989855 : f32
          %parallel_loop3A_367 = vector.broadcast %parallel_loop3A_366 : f32 to vector<16xf32>
          %parallel_loop3A_368 = arith.mulf %parallel_loop3A_365, %parallel_loop3A_367 : vector<16xf32>
          %parallel_loop3A_369 = math.exp %parallel_loop3A_368 : vector<16xf32>
          %parallel_loop3A_370 = arith.constant 1.000000e+00 : f32
          %parallel_loop3A_371 = vector.broadcast %parallel_loop3A_370 : f32 to vector<16xf32>
          %parallel_loop3A_372 = arith.subf %parallel_loop3A_369, %parallel_loop3A_371 : vector<16xf32>
          %parallel_loop3A_373 = arith.mulf %parallel_loop3A_372, %parallel_loop3A_358 : vector<16xf32>
          %parallel_loop3A_374 = math.exp %parallel_loop3A_373 : vector<16xf32>
          %parallel_loop3A_375 = arith.constant 0 : i32
          %parallel_loop3A_376 = arith.constant 4 : i32
          %parallel_loop3A_377 = arith.index_cast %parallel_loop3A_375 : i32 to index
          %parallel_loop3A_378 = arith.index_cast %parallel_loop3A_376 : i32 to index
          %parallel_loop3A_379 = arith.index_cast %parallel_loop3A_156 : i32 to index
          %parallel_loop3A_380 = tpu.vector_load %arg8[%parallel_loop3A_377, %parallel_loop3A_378, %parallel_loop3A_379] {strides = array<i32>} : memref<2x8x512xf32, #tpu.memory_space<vmem>>, vector<1x1x16xf32>,
          %parallel_loop3A_381 = vector.shape_cast %parallel_loop3A_380 : vector<1x1x16xf32> to vector<16xf32>
          %parallel_loop3A_382 = arith.constant 1.000000e+00 : f32
          %parallel_loop3A_383 = vector.broadcast %parallel_loop3A_382 : f32 to vector<16xf32>
          %parallel_loop3A_384 = arith.subf %parallel_loop3A_383, %parallel_loop3A_381 : vector<16xf32>
          %parallel_loop3A_385 = arith.mulf %parallel_loop3A_384, %parallel_loop3A_374 : vector<16xf32>
          %parallel_loop3A_386 = arith.constant 1.000000e+00 : f32
          %parallel_loop3A_387 = vector.broadcast %parallel_loop3A_386 : f32 to vector<16xf32>
          %parallel_loop3A_388 = arith.subf %parallel_loop3A_387, %parallel_loop3A_385 : vector<16xf32>
          %parallel_loop3A_389 = arith.constant 0 : i32
          %parallel_loop3A_390 = arith.constant 4 : i32
          %parallel_loop3A_391 = arith.index_cast %parallel_loop3A_389 : i32 to index
          %parallel_loop3A_392 = arith.index_cast %parallel_loop3A_390 : i32 to index
          %parallel_loop3A_393 = arith.index_cast %parallel_loop3A_156 : i32 to index
          %parallel_loop3A_394 = tpu.vector_load %arg11[%parallel_loop3A_391, %parallel_loop3A_392, %parallel_loop3A_393] {strides = array<i32>} : memref<2x8x512xf32, #tpu.memory_space<vmem>>, vector<1x1x16xf32>,
          %parallel_loop3A_395 = vector.shape_cast %parallel_loop3A_394 : vector<1x1x16xf32> to vector<16xf32>
          %parallel_loop3A_396 = vector.shape_cast %parallel_loop3A_388 : vector<16xf32> to vector<1x1x16xf32>
          tpu.vector_store %arg11[%parallel_loop3A_391, %parallel_loop3A_392, %parallel_loop3A_393], %parallel_loop3A_396 {strides = array<i32>} : memref<2x8x512xf32, #tpu.memory_space<vmem>>, vector<1x1x16xf32>,
          %parallel_loop3A_397 = arith.constant 0 : i32
          %parallel_loop3A_398 = arith.constant 5 : i32
          %parallel_loop3A_399 = arith.index_cast %parallel_loop3A_397 : i32 to index
          %parallel_loop3A_400 = arith.index_cast %parallel_loop3A_398 : i32 to index
          %parallel_loop3A_401 = arith.index_cast %parallel_loop3A_156 : i32 to index
          %parallel_loop3A_402 = tpu.vector_load %arg10[%parallel_loop3A_399, %parallel_loop3A_400, %parallel_loop3A_401] {strides = array<i32>} : memref<2x8x512xi32, #tpu.memory_space<vmem>>, vector<1x1x16xi32>,
          %parallel_loop3A_403 = vector.shape_cast %parallel_loop3A_402 : vector<1x1x16xi32> to vector<16xi32>
          %parallel_loop3A_404 = vector.shape_cast %parallel_loop3A_403 : vector<16xi32> to vector<16x1xi32>
          %parallel_loop3A_405 = vector.shape_cast %parallel_loop3A_404 : vector<16x1xi32> to vector<16xi32>
          %parallel_loop3A_406 = tpu.dynamic_gather %neg3A_9[%parallel_loop3A_405] in [0] : vector<16xf32>, vector<16xi32> -> vector<16xf32>
          %parallel_loop3A_407 = arith.constant 0 : i32
          %parallel_loop3A_408 = arith.constant 5 : i32
          %parallel_loop3A_409 = arith.index_cast %parallel_loop3A_407 : i32 to index
          %parallel_loop3A_410 = arith.index_cast %parallel_loop3A_408 : i32 to index
          %parallel_loop3A_411 = arith.index_cast %parallel_loop3A_156 : i32 to index
          %parallel_loop3A_412 = tpu.vector_load %arg9[%parallel_loop3A_409, %parallel_loop3A_410, %parallel_loop3A_411] {strides = array<i32>} : memref<2x8x512xf32, #tpu.memory_space<vmem>>, vector<1x1x16xf32>,
          %parallel_loop3A_413 = vector.shape_cast %parallel_loop3A_412 : vector<1x1x16xf32> to vector<16xf32>
          %parallel_loop3A_414 = arith.constant 5.12989855 : f32
          %parallel_loop3A_415 = vector.broadcast %parallel_loop3A_414 : f32 to vector<16xf32>
          %parallel_loop3A_416 = arith.mulf %parallel_loop3A_413, %parallel_loop3A_415 : vector<16xf32>
          %parallel_loop3A_417 = math.exp %parallel_loop3A_416 : vector<16xf32>
          %parallel_loop3A_418 = arith.constant 1.000000e+00 : f32
          %parallel_loop3A_419 = vector.broadcast %parallel_loop3A_418 : f32 to vector<16xf32>
          %parallel_loop3A_420 = arith.subf %parallel_loop3A_417, %parallel_loop3A_419 : vector<16xf32>
          %parallel_loop3A_421 = arith.mulf %parallel_loop3A_420, %parallel_loop3A_406 : vector<16xf32>
          %parallel_loop3A_422 = math.exp %parallel_loop3A_421 : vector<16xf32>
          %parallel_loop3A_423 = arith.constant 0 : i32
          %parallel_loop3A_424 = arith.constant 5 : i32
          %parallel_loop3A_425 = arith.index_cast %parallel_loop3A_423 : i32 to index
          %parallel_loop3A_426 = arith.index_cast %parallel_loop3A_424 : i32 to index
          %parallel_loop3A_427 = arith.index_cast %parallel_loop3A_156 : i32 to index
          %parallel_loop3A_428 = tpu.vector_load %arg8[%parallel_loop3A_425, %parallel_loop3A_426, %parallel_loop3A_427] {strides = array<i32>} : memref<2x8x512xf32, #tpu.memory_space<vmem>>, vector<1x1x16xf32>,
          %parallel_loop3A_429 = vector.shape_cast %parallel_loop3A_428 : vector<1x1x16xf32> to vector<16xf32>
          %parallel_loop3A_430 = arith.constant 1.000000e+00 : f32
          %parallel_loop3A_431 = vector.broadcast %parallel_loop3A_430 : f32 to vector<16xf32>
          %parallel_loop3A_432 = arith.subf %parallel_loop3A_431, %parallel_loop3A_429 : vector<16xf32>
          %parallel_loop3A_433 = arith.mulf %parallel_loop3A_432, %parallel_loop3A_422 : vector<16xf32>
          %parallel_loop3A_434 = arith.constant 1.000000e+00 : f32
          %parallel_loop3A_435 = vector.broadcast %parallel_loop3A_434 : f32 to vector<16xf32>
          %parallel_loop3A_436 = arith.subf %parallel_loop3A_435, %parallel_loop3A_433 : vector<16xf32>
          %parallel_loop3A_437 = arith.constant 0 : i32
          %parallel_loop3A_438 = arith.constant 5 : i32
          %parallel_loop3A_439 = arith.index_cast %parallel_loop3A_437 : i32 to index
          %parallel_loop3A_440 = arith.index_cast %parallel_loop3A_438 : i32 to index
          %parallel_loop3A_441 = arith.index_cast %parallel_loop3A_156 : i32 to index
          %parallel_loop3A_442 = tpu.vector_load %arg11[%parallel_loop3A_439, %parallel_loop3A_440, %parallel_loop3A_441] {strides = array<i32>} : memref<2x8x512xf32, #tpu.memory_space<vmem>>, vector<1x1x16xf32>,
          %parallel_loop3A_443 = vector.shape_cast %parallel_loop3A_442 : vector<1x1x16xf32> to vector<16xf32>
          %parallel_loop3A_444 = vector.shape_cast %parallel_loop3A_436 : vector<16xf32> to vector<1x1x16xf32>
          tpu.vector_store %arg11[%parallel_loop3A_439, %parallel_loop3A_440, %parallel_loop3A_441], %parallel_loop3A_444 {strides = array<i32>} : memref<2x8x512xf32, #tpu.memory_space<vmem>>, vector<1x1x16xf32>,
          %parallel_loop3A_445 = arith.constant 0 : i32
          %parallel_loop3A_446 = arith.constant 6 : i32
          %parallel_loop3A_447 = arith.index_cast %parallel_loop3A_445 : i32 to index
          %parallel_loop3A_448 = arith.index_cast %parallel_loop3A_446 : i32 to index
          %parallel_loop3A_449 = arith.index_cast %parallel_loop3A_156 : i32 to index
          %parallel_loop3A_450 = tpu.vector_load %arg10[%parallel_loop3A_447, %parallel_loop3A_448, %parallel_loop3A_449] {strides = array<i32>} : memref<2x8x512xi32, #tpu.memory_space<vmem>>, vector<1x1x16xi32>,
          %parallel_loop3A_451 = vector.shape_cast %parallel_loop3A_450 : vector<1x1x16xi32> to vector<16xi32>
          %parallel_loop3A_452 = vector.shape_cast %parallel_loop3A_451 : vector<16xi32> to vector<16x1xi32>
          %parallel_loop3A_453 = vector.shape_cast %parallel_loop3A_452 : vector<16x1xi32> to vector<16xi32>
          %parallel_loop3A_454 = tpu.dynamic_gather %neg3A_9[%parallel_loop3A_453] in [0] : vector<16xf32>, vector<16xi32> -> vector<16xf32>
          %parallel_loop3A_455 = arith.constant 0 : i32
          %parallel_loop3A_456 = arith.constant 6 : i32
          %parallel_loop3A_457 = arith.index_cast %parallel_loop3A_455 : i32 to index
          %parallel_loop3A_458 = arith.index_cast %parallel_loop3A_456 : i32 to index
          %parallel_loop3A_459 = arith.index_cast %parallel_loop3A_156 : i32 to index
          %parallel_loop3A_460 = tpu.vector_load %arg9[%parallel_loop3A_457, %parallel_loop3A_458, %parallel_loop3A_459] {strides = array<i32>} : memref<2x8x512xf32, #tpu.memory_space<vmem>>, vector<1x1x16xf32>,
          %parallel_loop3A_461 = vector.shape_cast %parallel_loop3A_460 : vector<1x1x16xf32> to vector<16xf32>
          %parallel_loop3A_462 = arith.constant 5.12989855 : f32
          %parallel_loop3A_463 = vector.broadcast %parallel_loop3A_462 : f32 to vector<16xf32>
          %parallel_loop3A_464 = arith.mulf %parallel_loop3A_461, %parallel_loop3A_463 : vector<16xf32>
          %parallel_loop3A_465 = math.exp %parallel_loop3A_464 : vector<16xf32>
          %parallel_loop3A_466 = arith.constant 1.000000e+00 : f32
          %parallel_loop3A_467 = vector.broadcast %parallel_loop3A_466 : f32 to vector<16xf32>
          %parallel_loop3A_468 = arith.subf %parallel_loop3A_465, %parallel_loop3A_467 : vector<16xf32>
          %parallel_loop3A_469 = arith.mulf %parallel_loop3A_468, %parallel_loop3A_454 : vector<16xf32>
          %parallel_loop3A_470 = math.exp %parallel_loop3A_469 : vector<16xf32>
          %parallel_loop3A_471 = arith.constant 0 : i32
          %parallel_loop3A_472 = arith.constant 6 : i32
          %parallel_loop3A_473 = arith.index_cast %parallel_loop3A_471 : i32 to index
          %parallel_loop3A_474 = arith.index_cast %parallel_loop3A_472 : i32 to index
          %parallel_loop3A_475 = arith.index_cast %parallel_loop3A_156 : i32 to index
          %parallel_loop3A_476 = tpu.vector_load %arg8[%parallel_loop3A_473, %parallel_loop3A_474, %parallel_loop3A_475] {strides = array<i32>} : memref<2x8x512xf32, #tpu.memory_space<vmem>>, vector<1x1x16xf32>,
          %parallel_loop3A_477 = vector.shape_cast %parallel_loop3A_476 : vector<1x1x16xf32> to vector<16xf32>
          %parallel_loop3A_478 = arith.constant 1.000000e+00 : f32
          %parallel_loop3A_479 = vector.broadcast %parallel_loop3A_478 : f32 to vector<16xf32>
          %parallel_loop3A_480 = arith.subf %parallel_loop3A_479, %parallel_loop3A_477 : vector<16xf32>
          %parallel_loop3A_481 = arith.mulf %parallel_loop3A_480, %parallel_loop3A_470 : vector<16xf32>
          %parallel_loop3A_482 = arith.constant 1.000000e+00 : f32
          %parallel_loop3A_483 = vector.broadcast %parallel_loop3A_482 : f32 to vector<16xf32>
          %parallel_loop3A_484 = arith.subf %parallel_loop3A_483, %parallel_loop3A_481 : vector<16xf32>
          %parallel_loop3A_485 = arith.constant 0 : i32
          %parallel_loop3A_486 = arith.constant 6 : i32
          %parallel_loop3A_487 = arith.index_cast %parallel_loop3A_485 : i32 to index
          %parallel_loop3A_488 = arith.index_cast %parallel_loop3A_486 : i32 to index
          %parallel_loop3A_489 = arith.index_cast %parallel_loop3A_156 : i32 to index
          %parallel_loop3A_490 = tpu.vector_load %arg11[%parallel_loop3A_487, %parallel_loop3A_488, %parallel_loop3A_489] {strides = array<i32>} : memref<2x8x512xf32, #tpu.memory_space<vmem>>, vector<1x1x16xf32>,
          %parallel_loop3A_491 = vector.shape_cast %parallel_loop3A_490 : vector<1x1x16xf32> to vector<16xf32>
          %parallel_loop3A_492 = vector.shape_cast %parallel_loop3A_484 : vector<16xf32> to vector<1x1x16xf32>
          tpu.vector_store %arg11[%parallel_loop3A_487, %parallel_loop3A_488, %parallel_loop3A_489], %parallel_loop3A_492 {strides = array<i32>} : memref<2x8x512xf32, #tpu.memory_space<vmem>>, vector<1x1x16xf32>,
          %parallel_loop3A_493 = arith.constant 0 : i32
          %parallel_loop3A_494 = arith.constant 7 : i32
          %parallel_loop3A_495 = arith.index_cast %parallel_loop3A_493 : i32 to index
          %parallel_loop3A_496 = arith.index_cast %parallel_loop3A_494 : i32 to index
          %parallel_loop3A_497 = arith.index_cast %parallel_loop3A_156 : i32 to index
          %parallel_loop3A_498 = tpu.vector_load %arg10[%parallel_loop3A_495, %parallel_loop3A_496, %parallel_loop3A_497] {strides = array<i32>} : memref<2x8x512xi32, #tpu.memory_space<vmem>>, vector<1x1x16xi32>,
          %parallel_loop3A_499 = vector.shape_cast %parallel_loop3A_498 : vector<1x1x16xi32> to vector<16xi32>
          %parallel_loop3A_500 = vector.shape_cast %parallel_loop3A_499 : vector<16xi32> to vector<16x1xi32>
          %parallel_loop3A_501 = vector.shape_cast %parallel_loop3A_500 : vector<16x1xi32> to vector<16xi32>
          %parallel_loop3A_502 = tpu.dynamic_gather %neg3A_9[%parallel_loop3A_501] in [0] : vector<16xf32>, vector<16xi32> -> vector<16xf32>
          %parallel_loop3A_503 = arith.constant 0 : i32
          %parallel_loop3A_504 = arith.constant 7 : i32
          %parallel_loop3A_505 = arith.index_cast %parallel_loop3A_503 : i32 to index
          %parallel_loop3A_506 = arith.index_cast %parallel_loop3A_504 : i32 to index
          %parallel_loop3A_507 = arith.index_cast %parallel_loop3A_156 : i32 to index
          %parallel_loop3A_508 = tpu.vector_load %arg9[%parallel_loop3A_505, %parallel_loop3A_506, %parallel_loop3A_507] {strides = array<i32>} : memref<2x8x512xf32, #tpu.memory_space<vmem>>, vector<1x1x16xf32>,
          %parallel_loop3A_509 = vector.shape_cast %parallel_loop3A_508 : vector<1x1x16xf32> to vector<16xf32>
          %parallel_loop3A_510 = arith.constant 5.12989855 : f32
          %parallel_loop3A_511 = vector.broadcast %parallel_loop3A_510 : f32 to vector<16xf32>
          %parallel_loop3A_512 = arith.mulf %parallel_loop3A_509, %parallel_loop3A_511 : vector<16xf32>
          %parallel_loop3A_513 = math.exp %parallel_loop3A_512 : vector<16xf32>
          %parallel_loop3A_514 = arith.constant 1.000000e+00 : f32
          %parallel_loop3A_515 = vector.broadcast %parallel_loop3A_514 : f32 to vector<16xf32>
          %parallel_loop3A_516 = arith.subf %parallel_loop3A_513, %parallel_loop3A_515 : vector<16xf32>
          %parallel_loop3A_517 = arith.mulf %parallel_loop3A_516, %parallel_loop3A_502 : vector<16xf32>
          %parallel_loop3A_518 = math.exp %parallel_loop3A_517 : vector<16xf32>
          %parallel_loop3A_519 = arith.constant 0 : i32
          %parallel_loop3A_520 = arith.constant 7 : i32
          %parallel_loop3A_521 = arith.index_cast %parallel_loop3A_519 : i32 to index
          %parallel_loop3A_522 = arith.index_cast %parallel_loop3A_520 : i32 to index
          %parallel_loop3A_523 = arith.index_cast %parallel_loop3A_156 : i32 to index
          %parallel_loop3A_524 = tpu.vector_load %arg8[%parallel_loop3A_521, %parallel_loop3A_522, %parallel_loop3A_523] {strides = array<i32>} : memref<2x8x512xf32, #tpu.memory_space<vmem>>, vector<1x1x16xf32>,
          %parallel_loop3A_525 = vector.shape_cast %parallel_loop3A_524 : vector<1x1x16xf32> to vector<16xf32>
          %parallel_loop3A_526 = arith.constant 1.000000e+00 : f32
          %parallel_loop3A_527 = vector.broadcast %parallel_loop3A_526 : f32 to vector<16xf32>
          %parallel_loop3A_528 = arith.subf %parallel_loop3A_527, %parallel_loop3A_525 : vector<16xf32>
          %parallel_loop3A_529 = arith.mulf %parallel_loop3A_528, %parallel_loop3A_518 : vector<16xf32>
          %parallel_loop3A_530 = arith.constant 1.000000e+00 : f32
          %parallel_loop3A_531 = vector.broadcast %parallel_loop3A_530 : f32 to vector<16xf32>
          %parallel_loop3A_532 = arith.subf %parallel_loop3A_531, %parallel_loop3A_529 : vector<16xf32>
          %parallel_loop3A_533 = arith.constant 0 : i32
          %parallel_loop3A_534 = arith.constant 7 : i32
          %parallel_loop3A_535 = arith.index_cast %parallel_loop3A_533 : i32 to index
          %parallel_loop3A_536 = arith.index_cast %parallel_loop3A_534 : i32 to index
          %parallel_loop3A_537 = arith.index_cast %parallel_loop3A_156 : i32 to index
          %parallel_loop3A_538 = tpu.vector_load %arg11[%parallel_loop3A_535, %parallel_loop3A_536, %parallel_loop3A_537] {strides = array<i32>} : memref<2x8x512xf32, #tpu.memory_space<vmem>>, vector<1x1x16xf32>,
          %parallel_loop3A_539 = vector.shape_cast %parallel_loop3A_538 : vector<1x1x16xf32> to vector<16xf32>
          %parallel_loop3A_540 = vector.shape_cast %parallel_loop3A_532 : vector<16xf32> to vector<1x1x16xf32>
          tpu.vector_store %arg11[%parallel_loop3A_535, %parallel_loop3A_536, %parallel_loop3A_537], %parallel_loop3A_540 {strides = array<i32>} : memref<2x8x512xf32, #tpu.memory_space<vmem>>, vector<1x1x16xf32>,
        } {sc.loop_unroll_factor = 4 : i64, sc.parallel_access}
        %mul3A_143 = arith.constant 8 : i32
        %mul3A_144 = arith.muli %add3A_84, %mul3A_143 : i32
        %dma_start3A_145 = arith.constant 0 : i32
        %dma_start3A_146 = arith.constant 0 : i32
        %dma_start3A_147 = arith.constant 0 : i32
        %dma_start3A_148 = tpu.memref_slice %arg11[%dma_start3A_145, %dma_start3A_146, %dma_start3A_147] : memref<2x8x512xf32, #tpu.memory_space<vmem>> -> memref<1x8x512xf32, #tpu.memory_space<vmem>>
        %dma_start3A_149 = tpu.memref_squeeze %dma_start3A_148 : memref<1x8x512xf32, #tpu.memory_space<vmem>> -> memref<8x512xf32, #tpu.memory_space<vmem>>
        %dma_start3A_150 = tpu.memref_slice %arg6[%mul3A_144, %mul3A_2] : memref<200x16384xf32, #tpu.memory_space<hbm>> -> memref<8x512xf32, #tpu.memory_space<hbm>>
        %dma_start3A_151 = tpu.memref_slice %arg6[%mul3A_144, %mul3A_2] : memref<200x16384xf32, #tpu.memory_space<hbm>> -> memref<8x512xf32, #tpu.memory_space<hbm>>
        %dma_start3A_152 = arith.constant 0 : i32
        %dma_start3A_153 = arith.constant 0 : i32
        %dma_start3A_154 = tpu.memref_slice %arg11[%dma_start3A_145, %dma_start3A_152, %dma_start3A_153] : memref<2x8x512xf32, #tpu.memory_space<vmem>> -> memref<1x8x512xf32, #tpu.memory_space<vmem>>
        %dma_start3A_155 = tpu.memref_squeeze %dma_start3A_154 : memref<1x8x512xf32, #tpu.memory_space<vmem>> -> memref<8x512xf32, #tpu.memory_space<vmem>>
        tpu.enqueue_dma source(%dma_start3A_155 : memref<8x512xf32, #tpu.memory_space<vmem>>) target(%dma_start3A_151 : memref<8x512xf32, #tpu.memory_space<hbm>>) target_semaphore(%arg14 : memref<!tpu.dma_semaphore, #tpu.memory_space<semaphore_mem>>)
      } else {
      }
      %add3A_87 = arith.constant 1 : i32
      %add3A_88 = arith.addi %mul3A_82, %add3A_87 : i32
      %lt3A_89 = arith.constant 25 : i32
      %lt3A_90 = arith.cmpi slt, %add3A_88, %lt3A_89 : i32
      %convert_element_type3A_91 = arith.extui %lt3A_90 : i1 to i32
      %cond3A_92 = arith.constant 0 : i32
      %cond3A_93 = arith.cmpi ne, %convert_element_type3A_91, %cond3A_92 : i32
      scf.if %cond3A_93 {
        %add3A_95 = arith.constant 1 : i32
        %add3A_96 = arith.addi %add3A_88, %add3A_95 : i32
        %lt3A_97 = arith.constant 25 : i32
        %lt3A_98 = arith.cmpi slt, %add3A_96, %lt3A_97 : i32
        %convert_element_type3A_99 = arith.extui %lt3A_98 : i1 to i32
        %cond3A_100 = arith.constant 0 : i32
        %cond3A_101 = arith.cmpi ne, %convert_element_type3A_99, %cond3A_100 : i32
        scf.if %cond3A_101 {
          %add3A_156 = arith.constant 1 : i32
          %add3A_157 = arith.addi %add3A_88, %add3A_156 : i32
          %mul3A_158 = arith.constant 8 : i32
          %mul3A_159 = arith.muli %add3A_157, %mul3A_158 : i32
          %dma_start3A_160 = arith.constant 0 : i32
          %dma_start3A_161 = arith.constant 0 : i32
          %dma_start3A_162 = arith.constant 0 : i32
          %dma_start3A_163 = tpu.memref_slice %arg8[%dma_start3A_160, %dma_start3A_161, %dma_start3A_162] : memref<2x8x512xf32, #tpu.memory_space<vmem>> -> memref<1x8x512xf32, #tpu.memory_space<vmem>>
          %dma_start3A_164 = tpu.memref_squeeze %dma_start3A_163 : memref<1x8x512xf32, #tpu.memory_space<vmem>> -> memref<8x512xf32, #tpu.memory_space<vmem>>
          %dma_start3A_165 = tpu.memref_slice %arg2[%mul3A_159, %mul3A_2] : memref<200x16384xf32, #tpu.memory_space<hbm>> -> memref<8x512xf32, #tpu.memory_space<hbm>>
          %dma_start3A_166 = arith.constant 0 : i32
          %dma_start3A_167 = arith.constant 0 : i32
          %dma_start3A_168 = tpu.memref_slice %arg8[%dma_start3A_160, %dma_start3A_166, %dma_start3A_167] : memref<2x8x512xf32, #tpu.memory_space<vmem>> -> memref<1x8x512xf32, #tpu.memory_space<vmem>>
          %dma_start3A_169 = tpu.memref_squeeze %dma_start3A_168 : memref<1x8x512xf32, #tpu.memory_space<vmem>> -> memref<8x512xf32, #tpu.memory_space<vmem>>
          %dma_start3A_170 = tpu.memref_slice %arg2[%mul3A_159, %mul3A_2] : memref<200x16384xf32, #tpu.memory_space<hbm>> -> memref<8x512xf32, #tpu.memory_space<hbm>>
          tpu.enqueue_dma source(%dma_start3A_170 : memref<8x512xf32, #tpu.memory_space<hbm>>) target(%dma_start3A_169 : memref<8x512xf32, #tpu.memory_space<vmem>>) target_semaphore(%arg12 : memref<!tpu.dma_semaphore, #tpu.memory_space<semaphore_mem>>)
          %dma_start3A_171 = arith.constant 0 : i32
          %dma_start3A_172 = arith.constant 0 : i32
          %dma_start3A_173 = arith.constant 0 : i32
          %dma_start3A_174 = tpu.memref_slice %arg9[%dma_start3A_171, %dma_start3A_172, %dma_start3A_173] : memref<2x8x512xf32, #tpu.memory_space<vmem>> -> memref<1x8x512xf32, #tpu.memory_space<vmem>>
          %dma_start3A_175 = tpu.memref_squeeze %dma_start3A_174 : memref<1x8x512xf32, #tpu.memory_space<vmem>> -> memref<8x512xf32, #tpu.memory_space<vmem>>
          %dma_start3A_176 = tpu.memref_slice %arg3[%mul3A_159, %mul3A_2] : memref<200x16384xf32, #tpu.memory_space<hbm>> -> memref<8x512xf32, #tpu.memory_space<hbm>>
          %dma_start3A_177 = arith.constant 0 : i32
          %dma_start3A_178 = arith.constant 0 : i32
          %dma_start3A_179 = tpu.memref_slice %arg9[%dma_start3A_171, %dma_start3A_177, %dma_start3A_178] : memref<2x8x512xf32, #tpu.memory_space<vmem>> -> memref<1x8x512xf32, #tpu.memory_space<vmem>>
          %dma_start3A_180 = tpu.memref_squeeze %dma_start3A_179 : memref<1x8x512xf32, #tpu.memory_space<vmem>> -> memref<8x512xf32, #tpu.memory_space<vmem>>
          %dma_start3A_181 = tpu.memref_slice %arg3[%mul3A_159, %mul3A_2] : memref<200x16384xf32, #tpu.memory_space<hbm>> -> memref<8x512xf32, #tpu.memory_space<hbm>>
          tpu.enqueue_dma source(%dma_start3A_181 : memref<8x512xf32, #tpu.memory_space<hbm>>) target(%dma_start3A_180 : memref<8x512xf32, #tpu.memory_space<vmem>>) target_semaphore(%arg12 : memref<!tpu.dma_semaphore, #tpu.memory_space<semaphore_mem>>)
          %dma_start3A_182 = arith.constant 0 : i32
          %dma_start3A_183 = arith.constant 0 : i32
          %dma_start3A_184 = arith.constant 0 : i32
          %dma_start3A_185 = tpu.memref_slice %arg10[%dma_start3A_182, %dma_start3A_183, %dma_start3A_184] : memref<2x8x512xi32, #tpu.memory_space<vmem>> -> memref<1x8x512xi32, #tpu.memory_space<vmem>>
          %dma_start3A_186 = tpu.memref_squeeze %dma_start3A_185 : memref<1x8x512xi32, #tpu.memory_space<vmem>> -> memref<8x512xi32, #tpu.memory_space<vmem>>
          %dma_start3A_187 = tpu.memref_slice %arg4[%mul3A_159, %mul3A_2] : memref<200x16384xi32, #tpu.memory_space<hbm>> -> memref<8x512xi32, #tpu.memory_space<hbm>>
          %dma_start3A_188 = arith.constant 0 : i32
          %dma_start3A_189 = arith.constant 0 : i32
          %dma_start3A_190 = tpu.memref_slice %arg10[%dma_start3A_182, %dma_start3A_188, %dma_start3A_189] : memref<2x8x512xi32, #tpu.memory_space<vmem>> -> memref<1x8x512xi32, #tpu.memory_space<vmem>>
          %dma_start3A_191 = tpu.memref_squeeze %dma_start3A_190 : memref<1x8x512xi32, #tpu.memory_space<vmem>> -> memref<8x512xi32, #tpu.memory_space<vmem>>
          %dma_start3A_192 = tpu.memref_slice %arg4[%mul3A_159, %mul3A_2] : memref<200x16384xi32, #tpu.memory_space<hbm>> -> memref<8x512xi32, #tpu.memory_space<hbm>>
          tpu.enqueue_dma source(%dma_start3A_192 : memref<8x512xi32, #tpu.memory_space<hbm>>) target(%dma_start3A_191 : memref<8x512xi32, #tpu.memory_space<vmem>>) target_semaphore(%arg12 : memref<!tpu.dma_semaphore, #tpu.memory_space<semaphore_mem>>)
        } else {
        }
        %mul3A_102 = arith.constant 8 : i32
        %mul3A_103 = arith.muli %add3A_88, %mul3A_102 : i32
        %dma_wait3A_104 = arith.constant 1 : i32
        %dma_wait3A_105 = arith.constant 0 : i32
        %dma_wait3A_106 = arith.constant 0 : i32
        %dma_wait3A_107 = tpu.memref_slice %arg8[%dma_wait3A_104, %dma_wait3A_105, %dma_wait3A_106] : memref<2x8x512xf32, #tpu.memory_space<vmem>> -> memref<1x8x512xf32, #tpu.memory_space<vmem>>
        %dma_wait3A_108 = tpu.memref_squeeze %dma_wait3A_107 : memref<1x8x512xf32, #tpu.memory_space<vmem>> -> memref<8x512xf32, #tpu.memory_space<vmem>>
        %dma_wait3A_109 = tpu.memref_slice %arg2[%mul3A_103, %mul3A_2] : memref<200x16384xf32, #tpu.memory_space<hbm>> -> memref<8x512xf32, #tpu.memory_space<hbm>>
        %dma_wait3A_110 = arith.constant 0 : i32
        %dma_wait3A_111 = arith.constant 0 : i32
        %dma_wait3A_112 = tpu.memref_slice %arg8[%dma_wait3A_104, %dma_wait3A_110, %dma_wait3A_111] : memref<2x8x512xf32, #tpu.memory_space<vmem>> -> memref<1x8x512xf32, #tpu.memory_space<vmem>>
        %dma_wait3A_113 = tpu.memref_squeeze %dma_wait3A_112 : memref<1x8x512xf32, #tpu.memory_space<vmem>> -> memref<8x512xf32, #tpu.memory_space<vmem>>
        %dma_wait3A_114 = tpu.memref_slice %arg2[%mul3A_103, %mul3A_2] : memref<200x16384xf32, #tpu.memory_space<hbm>> -> memref<8x512xf32, #tpu.memory_space<hbm>>
        tpu.wait_dma2 semaphore(%arg13 : memref<!tpu.dma_semaphore, #tpu.memory_space<semaphore_mem>>) src(%dma_wait3A_114 : memref<8x512xf32, #tpu.memory_space<hbm>>) dst(%dma_wait3A_113 : memref<8x512xf32, #tpu.memory_space<vmem>>)
        %dma_wait3A_115 = arith.constant 1 : i32
        %dma_wait3A_116 = arith.constant 0 : i32
        %dma_wait3A_117 = arith.constant 0 : i32
        %dma_wait3A_118 = tpu.memref_slice %arg9[%dma_wait3A_115, %dma_wait3A_116, %dma_wait3A_117] : memref<2x8x512xf32, #tpu.memory_space<vmem>> -> memref<1x8x512xf32, #tpu.memory_space<vmem>>
        %dma_wait3A_119 = tpu.memref_squeeze %dma_wait3A_118 : memref<1x8x512xf32, #tpu.memory_space<vmem>> -> memref<8x512xf32, #tpu.memory_space<vmem>>
        %dma_wait3A_120 = tpu.memref_slice %arg3[%mul3A_103, %mul3A_2] : memref<200x16384xf32, #tpu.memory_space<hbm>> -> memref<8x512xf32, #tpu.memory_space<hbm>>
        %dma_wait3A_121 = arith.constant 0 : i32
        %dma_wait3A_122 = arith.constant 0 : i32
        %dma_wait3A_123 = tpu.memref_slice %arg9[%dma_wait3A_115, %dma_wait3A_121, %dma_wait3A_122] : memref<2x8x512xf32, #tpu.memory_space<vmem>> -> memref<1x8x512xf32, #tpu.memory_space<vmem>>
        %dma_wait3A_124 = tpu.memref_squeeze %dma_wait3A_123 : memref<1x8x512xf32, #tpu.memory_space<vmem>> -> memref<8x512xf32, #tpu.memory_space<vmem>>
        %dma_wait3A_125 = tpu.memref_slice %arg3[%mul3A_103, %mul3A_2] : memref<200x16384xf32, #tpu.memory_space<hbm>> -> memref<8x512xf32, #tpu.memory_space<hbm>>
        tpu.wait_dma2 semaphore(%arg13 : memref<!tpu.dma_semaphore, #tpu.memory_space<semaphore_mem>>) src(%dma_wait3A_125 : memref<8x512xf32, #tpu.memory_space<hbm>>) dst(%dma_wait3A_124 : memref<8x512xf32, #tpu.memory_space<vmem>>)
        %dma_wait3A_126 = arith.constant 1 : i32
        %dma_wait3A_127 = arith.constant 0 : i32
        %dma_wait3A_128 = arith.constant 0 : i32
        %dma_wait3A_129 = tpu.memref_slice %arg10[%dma_wait3A_126, %dma_wait3A_127, %dma_wait3A_128] : memref<2x8x512xi32, #tpu.memory_space<vmem>> -> memref<1x8x512xi32, #tpu.memory_space<vmem>>
        %dma_wait3A_130 = tpu.memref_squeeze %dma_wait3A_129 : memref<1x8x512xi32, #tpu.memory_space<vmem>> -> memref<8x512xi32, #tpu.memory_space<vmem>>
        %dma_wait3A_131 = tpu.memref_slice %arg4[%mul3A_103, %mul3A_2] : memref<200x16384xi32, #tpu.memory_space<hbm>> -> memref<8x512xi32, #tpu.memory_space<hbm>>
        %dma_wait3A_132 = arith.constant 0 : i32
        %dma_wait3A_133 = arith.constant 0 : i32
        %dma_wait3A_134 = tpu.memref_slice %arg10[%dma_wait3A_126, %dma_wait3A_132, %dma_wait3A_133] : memref<2x8x512xi32, #tpu.memory_space<vmem>> -> memref<1x8x512xi32, #tpu.memory_space<vmem>>
        %dma_wait3A_135 = tpu.memref_squeeze %dma_wait3A_134 : memref<1x8x512xi32, #tpu.memory_space<vmem>> -> memref<8x512xi32, #tpu.memory_space<vmem>>
        %dma_wait3A_136 = tpu.memref_slice %arg4[%mul3A_103, %mul3A_2] : memref<200x16384xi32, #tpu.memory_space<hbm>> -> memref<8x512xi32, #tpu.memory_space<hbm>>
        tpu.wait_dma2 semaphore(%arg13 : memref<!tpu.dma_semaphore, #tpu.memory_space<semaphore_mem>>) src(%dma_wait3A_136 : memref<8x512xi32, #tpu.memory_space<hbm>>) dst(%dma_wait3A_135 : memref<8x512xi32, #tpu.memory_space<vmem>>)
        %ge3A = arith.constant 2 : i32
        %ge3A_137 = arith.cmpi sge, %add3A_88, %ge3A : i32
        %convert_element_type3A_138 = arith.extui %ge3A_137 : i1 to i32
        %cond3A_139 = arith.constant 0 : i32
        %cond3A_140 = arith.cmpi ne, %convert_element_type3A_138, %cond3A_139 : i32
        scf.if %cond3A_140 {
          %sub3A = arith.constant 2 : i32
          %sub3A_156 = arith.subi %add3A_88, %sub3A : i32
          %mul3A_157 = arith.constant 8 : i32
          %mul3A_158 = arith.muli %sub3A_156, %mul3A_157 : i32
          %dma_wait3A_159 = arith.constant 1 : i32
          %dma_wait3A_160 = arith.constant 0 : i32
          %dma_wait3A_161 = arith.constant 0 : i32
          %dma_wait3A_162 = tpu.memref_slice %arg11[%dma_wait3A_159, %dma_wait3A_160, %dma_wait3A_161] : memref<2x8x512xf32, #tpu.memory_space<vmem>> -> memref<1x8x512xf32, #tpu.memory_space<vmem>>
          %dma_wait3A_163 = tpu.memref_squeeze %dma_wait3A_162 : memref<1x8x512xf32, #tpu.memory_space<vmem>> -> memref<8x512xf32, #tpu.memory_space<vmem>>
          %dma_wait3A_164 = tpu.memref_slice %arg6[%mul3A_158, %mul3A_2] : memref<200x16384xf32, #tpu.memory_space<hbm>> -> memref<8x512xf32, #tpu.memory_space<hbm>>
          %dma_wait3A_165 = tpu.memref_slice %arg6[%mul3A_158, %mul3A_2] : memref<200x16384xf32, #tpu.memory_space<hbm>> -> memref<8x512xf32, #tpu.memory_space<hbm>>
          %dma_wait3A_166 = arith.constant 0 : i32
          %dma_wait3A_167 = arith.constant 0 : i32
          %dma_wait3A_168 = tpu.memref_slice %arg11[%dma_wait3A_159, %dma_wait3A_166, %dma_wait3A_167] : memref<2x8x512xf32, #tpu.memory_space<vmem>> -> memref<1x8x512xf32, #tpu.memory_space<vmem>>
          %dma_wait3A_169 = tpu.memref_squeeze %dma_wait3A_168 : memref<1x8x512xf32, #tpu.memory_space<vmem>> -> memref<8x512xf32, #tpu.memory_space<vmem>>
          tpu.wait_dma2 semaphore(%arg15 : memref<!tpu.dma_semaphore, #tpu.memory_space<semaphore_mem>>) src(%dma_wait3A_169 : memref<8x512xf32, #tpu.memory_space<vmem>>) dst(%dma_wait3A_165 : memref<8x512xf32, #tpu.memory_space<hbm>>)
        } else {
        }
        %parallel_loop3A = arith.constant 0 : i32
        %parallel_loop3A_141 = arith.constant 512 : i32
        %parallel_loop3A_142 = arith.constant 16 : i32
        scf.for %parallel_loop3A_156 = %parallel_loop3A to %parallel_loop3A_141 step %parallel_loop3A_142  : i32 {
          %parallel_loop3A_157 = arith.constant 1 : i32
          %parallel_loop3A_158 = arith.constant 0 : i32
          %parallel_loop3A_159 = arith.index_cast %parallel_loop3A_157 : i32 to index
          %parallel_loop3A_160 = arith.index_cast %parallel_loop3A_158 : i32 to index
          %parallel_loop3A_161 = arith.index_cast %parallel_loop3A_156 : i32 to index
          %parallel_loop3A_162 = tpu.vector_load %arg10[%parallel_loop3A_159, %parallel_loop3A_160, %parallel_loop3A_161] {strides = array<i32>} : memref<2x8x512xi32, #tpu.memory_space<vmem>>, vector<1x1x16xi32>,
          %parallel_loop3A_163 = vector.shape_cast %parallel_loop3A_162 : vector<1x1x16xi32> to vector<16xi32>
          %parallel_loop3A_164 = vector.shape_cast %parallel_loop3A_163 : vector<16xi32> to vector<16x1xi32>
          %parallel_loop3A_165 = vector.shape_cast %parallel_loop3A_164 : vector<16x1xi32> to vector<16xi32>
          %parallel_loop3A_166 = tpu.dynamic_gather %neg3A_9[%parallel_loop3A_165] in [0] : vector<16xf32>, vector<16xi32> -> vector<16xf32>
          %parallel_loop3A_167 = arith.constant 1 : i32
          %parallel_loop3A_168 = arith.constant 0 : i32
          %parallel_loop3A_169 = arith.index_cast %parallel_loop3A_167 : i32 to index
          %parallel_loop3A_170 = arith.index_cast %parallel_loop3A_168 : i32 to index
          %parallel_loop3A_171 = arith.index_cast %parallel_loop3A_156 : i32 to index
          %parallel_loop3A_172 = tpu.vector_load %arg9[%parallel_loop3A_169, %parallel_loop3A_170, %parallel_loop3A_171] {strides = array<i32>} : memref<2x8x512xf32, #tpu.memory_space<vmem>>, vector<1x1x16xf32>,
          %parallel_loop3A_173 = vector.shape_cast %parallel_loop3A_172 : vector<1x1x16xf32> to vector<16xf32>
          %parallel_loop3A_174 = arith.constant 5.12989855 : f32
          %parallel_loop3A_175 = vector.broadcast %parallel_loop3A_174 : f32 to vector<16xf32>
          %parallel_loop3A_176 = arith.mulf %parallel_loop3A_173, %parallel_loop3A_175 : vector<16xf32>
          %parallel_loop3A_177 = math.exp %parallel_loop3A_176 : vector<16xf32>
          %parallel_loop3A_178 = arith.constant 1.000000e+00 : f32
          %parallel_loop3A_179 = vector.broadcast %parallel_loop3A_178 : f32 to vector<16xf32>
          %parallel_loop3A_180 = arith.subf %parallel_loop3A_177, %parallel_loop3A_179 : vector<16xf32>
          %parallel_loop3A_181 = arith.mulf %parallel_loop3A_180, %parallel_loop3A_166 : vector<16xf32>
          %parallel_loop3A_182 = math.exp %parallel_loop3A_181 : vector<16xf32>
          %parallel_loop3A_183 = arith.constant 1 : i32
          %parallel_loop3A_184 = arith.constant 0 : i32
          %parallel_loop3A_185 = arith.index_cast %parallel_loop3A_183 : i32 to index
          %parallel_loop3A_186 = arith.index_cast %parallel_loop3A_184 : i32 to index
          %parallel_loop3A_187 = arith.index_cast %parallel_loop3A_156 : i32 to index
          %parallel_loop3A_188 = tpu.vector_load %arg8[%parallel_loop3A_185, %parallel_loop3A_186, %parallel_loop3A_187] {strides = array<i32>} : memref<2x8x512xf32, #tpu.memory_space<vmem>>, vector<1x1x16xf32>,
          %parallel_loop3A_189 = vector.shape_cast %parallel_loop3A_188 : vector<1x1x16xf32> to vector<16xf32>
          %parallel_loop3A_190 = arith.constant 1.000000e+00 : f32
          %parallel_loop3A_191 = vector.broadcast %parallel_loop3A_190 : f32 to vector<16xf32>
          %parallel_loop3A_192 = arith.subf %parallel_loop3A_191, %parallel_loop3A_189 : vector<16xf32>
          %parallel_loop3A_193 = arith.mulf %parallel_loop3A_192, %parallel_loop3A_182 : vector<16xf32>
          %parallel_loop3A_194 = arith.constant 1.000000e+00 : f32
          %parallel_loop3A_195 = vector.broadcast %parallel_loop3A_194 : f32 to vector<16xf32>
          %parallel_loop3A_196 = arith.subf %parallel_loop3A_195, %parallel_loop3A_193 : vector<16xf32>
          %parallel_loop3A_197 = arith.constant 1 : i32
          %parallel_loop3A_198 = arith.constant 0 : i32
          %parallel_loop3A_199 = arith.index_cast %parallel_loop3A_197 : i32 to index
          %parallel_loop3A_200 = arith.index_cast %parallel_loop3A_198 : i32 to index
          %parallel_loop3A_201 = arith.index_cast %parallel_loop3A_156 : i32 to index
          %parallel_loop3A_202 = tpu.vector_load %arg11[%parallel_loop3A_199, %parallel_loop3A_200, %parallel_loop3A_201] {strides = array<i32>} : memref<2x8x512xf32, #tpu.memory_space<vmem>>, vector<1x1x16xf32>,
          %parallel_loop3A_203 = vector.shape_cast %parallel_loop3A_202 : vector<1x1x16xf32> to vector<16xf32>
          %parallel_loop3A_204 = vector.shape_cast %parallel_loop3A_196 : vector<16xf32> to vector<1x1x16xf32>
          tpu.vector_store %arg11[%parallel_loop3A_199, %parallel_loop3A_200, %parallel_loop3A_201], %parallel_loop3A_204 {strides = array<i32>} : memref<2x8x512xf32, #tpu.memory_space<vmem>>, vector<1x1x16xf32>,
          %parallel_loop3A_205 = arith.constant 1 : i32
          %parallel_loop3A_206 = arith.constant 1 : i32
          %parallel_loop3A_207 = arith.index_cast %parallel_loop3A_205 : i32 to index
          %parallel_loop3A_208 = arith.index_cast %parallel_loop3A_206 : i32 to index
          %parallel_loop3A_209 = arith.index_cast %parallel_loop3A_156 : i32 to index
          %parallel_loop3A_210 = tpu.vector_load %arg10[%parallel_loop3A_207, %parallel_loop3A_208, %parallel_loop3A_209] {strides = array<i32>} : memref<2x8x512xi32, #tpu.memory_space<vmem>>, vector<1x1x16xi32>,
          %parallel_loop3A_211 = vector.shape_cast %parallel_loop3A_210 : vector<1x1x16xi32> to vector<16xi32>
          %parallel_loop3A_212 = vector.shape_cast %parallel_loop3A_211 : vector<16xi32> to vector<16x1xi32>
          %parallel_loop3A_213 = vector.shape_cast %parallel_loop3A_212 : vector<16x1xi32> to vector<16xi32>
          %parallel_loop3A_214 = tpu.dynamic_gather %neg3A_9[%parallel_loop3A_213] in [0] : vector<16xf32>, vector<16xi32> -> vector<16xf32>
          %parallel_loop3A_215 = arith.constant 1 : i32
          %parallel_loop3A_216 = arith.constant 1 : i32
          %parallel_loop3A_217 = arith.index_cast %parallel_loop3A_215 : i32 to index
          %parallel_loop3A_218 = arith.index_cast %parallel_loop3A_216 : i32 to index
          %parallel_loop3A_219 = arith.index_cast %parallel_loop3A_156 : i32 to index
          %parallel_loop3A_220 = tpu.vector_load %arg9[%parallel_loop3A_217, %parallel_loop3A_218, %parallel_loop3A_219] {strides = array<i32>} : memref<2x8x512xf32, #tpu.memory_space<vmem>>, vector<1x1x16xf32>,
          %parallel_loop3A_221 = vector.shape_cast %parallel_loop3A_220 : vector<1x1x16xf32> to vector<16xf32>
          %parallel_loop3A_222 = arith.constant 5.12989855 : f32
          %parallel_loop3A_223 = vector.broadcast %parallel_loop3A_222 : f32 to vector<16xf32>
          %parallel_loop3A_224 = arith.mulf %parallel_loop3A_221, %parallel_loop3A_223 : vector<16xf32>
          %parallel_loop3A_225 = math.exp %parallel_loop3A_224 : vector<16xf32>
          %parallel_loop3A_226 = arith.constant 1.000000e+00 : f32
          %parallel_loop3A_227 = vector.broadcast %parallel_loop3A_226 : f32 to vector<16xf32>
          %parallel_loop3A_228 = arith.subf %parallel_loop3A_225, %parallel_loop3A_227 : vector<16xf32>
          %parallel_loop3A_229 = arith.mulf %parallel_loop3A_228, %parallel_loop3A_214 : vector<16xf32>
          %parallel_loop3A_230 = math.exp %parallel_loop3A_229 : vector<16xf32>
          %parallel_loop3A_231 = arith.constant 1 : i32
          %parallel_loop3A_232 = arith.constant 1 : i32
          %parallel_loop3A_233 = arith.index_cast %parallel_loop3A_231 : i32 to index
          %parallel_loop3A_234 = arith.index_cast %parallel_loop3A_232 : i32 to index
          %parallel_loop3A_235 = arith.index_cast %parallel_loop3A_156 : i32 to index
          %parallel_loop3A_236 = tpu.vector_load %arg8[%parallel_loop3A_233, %parallel_loop3A_234, %parallel_loop3A_235] {strides = array<i32>} : memref<2x8x512xf32, #tpu.memory_space<vmem>>, vector<1x1x16xf32>,
          %parallel_loop3A_237 = vector.shape_cast %parallel_loop3A_236 : vector<1x1x16xf32> to vector<16xf32>
          %parallel_loop3A_238 = arith.constant 1.000000e+00 : f32
          %parallel_loop3A_239 = vector.broadcast %parallel_loop3A_238 : f32 to vector<16xf32>
          %parallel_loop3A_240 = arith.subf %parallel_loop3A_239, %parallel_loop3A_237 : vector<16xf32>
          %parallel_loop3A_241 = arith.mulf %parallel_loop3A_240, %parallel_loop3A_230 : vector<16xf32>
          %parallel_loop3A_242 = arith.constant 1.000000e+00 : f32
          %parallel_loop3A_243 = vector.broadcast %parallel_loop3A_242 : f32 to vector<16xf32>
          %parallel_loop3A_244 = arith.subf %parallel_loop3A_243, %parallel_loop3A_241 : vector<16xf32>
          %parallel_loop3A_245 = arith.constant 1 : i32
          %parallel_loop3A_246 = arith.constant 1 : i32
          %parallel_loop3A_247 = arith.index_cast %parallel_loop3A_245 : i32 to index
          %parallel_loop3A_248 = arith.index_cast %parallel_loop3A_246 : i32 to index
          %parallel_loop3A_249 = arith.index_cast %parallel_loop3A_156 : i32 to index
          %parallel_loop3A_250 = tpu.vector_load %arg11[%parallel_loop3A_247, %parallel_loop3A_248, %parallel_loop3A_249] {strides = array<i32>} : memref<2x8x512xf32, #tpu.memory_space<vmem>>, vector<1x1x16xf32>,
          %parallel_loop3A_251 = vector.shape_cast %parallel_loop3A_250 : vector<1x1x16xf32> to vector<16xf32>
          %parallel_loop3A_252 = vector.shape_cast %parallel_loop3A_244 : vector<16xf32> to vector<1x1x16xf32>
          tpu.vector_store %arg11[%parallel_loop3A_247, %parallel_loop3A_248, %parallel_loop3A_249], %parallel_loop3A_252 {strides = array<i32>} : memref<2x8x512xf32, #tpu.memory_space<vmem>>, vector<1x1x16xf32>,
          %parallel_loop3A_253 = arith.constant 1 : i32
          %parallel_loop3A_254 = arith.constant 2 : i32
          %parallel_loop3A_255 = arith.index_cast %parallel_loop3A_253 : i32 to index
          %parallel_loop3A_256 = arith.index_cast %parallel_loop3A_254 : i32 to index
          %parallel_loop3A_257 = arith.index_cast %parallel_loop3A_156 : i32 to index
          %parallel_loop3A_258 = tpu.vector_load %arg10[%parallel_loop3A_255, %parallel_loop3A_256, %parallel_loop3A_257] {strides = array<i32>} : memref<2x8x512xi32, #tpu.memory_space<vmem>>, vector<1x1x16xi32>,
          %parallel_loop3A_259 = vector.shape_cast %parallel_loop3A_258 : vector<1x1x16xi32> to vector<16xi32>
          %parallel_loop3A_260 = vector.shape_cast %parallel_loop3A_259 : vector<16xi32> to vector<16x1xi32>
          %parallel_loop3A_261 = vector.shape_cast %parallel_loop3A_260 : vector<16x1xi32> to vector<16xi32>
          %parallel_loop3A_262 = tpu.dynamic_gather %neg3A_9[%parallel_loop3A_261] in [0] : vector<16xf32>, vector<16xi32> -> vector<16xf32>
          %parallel_loop3A_263 = arith.constant 1 : i32
          %parallel_loop3A_264 = arith.constant 2 : i32
          %parallel_loop3A_265 = arith.index_cast %parallel_loop3A_263 : i32 to index
          %parallel_loop3A_266 = arith.index_cast %parallel_loop3A_264 : i32 to index
          %parallel_loop3A_267 = arith.index_cast %parallel_loop3A_156 : i32 to index
          %parallel_loop3A_268 = tpu.vector_load %arg9[%parallel_loop3A_265, %parallel_loop3A_266, %parallel_loop3A_267] {strides = array<i32>} : memref<2x8x512xf32, #tpu.memory_space<vmem>>, vector<1x1x16xf32>,
          %parallel_loop3A_269 = vector.shape_cast %parallel_loop3A_268 : vector<1x1x16xf32> to vector<16xf32>
          %parallel_loop3A_270 = arith.constant 5.12989855 : f32
          %parallel_loop3A_271 = vector.broadcast %parallel_loop3A_270 : f32 to vector<16xf32>
          %parallel_loop3A_272 = arith.mulf %parallel_loop3A_269, %parallel_loop3A_271 : vector<16xf32>
          %parallel_loop3A_273 = math.exp %parallel_loop3A_272 : vector<16xf32>
          %parallel_loop3A_274 = arith.constant 1.000000e+00 : f32
          %parallel_loop3A_275 = vector.broadcast %parallel_loop3A_274 : f32 to vector<16xf32>
          %parallel_loop3A_276 = arith.subf %parallel_loop3A_273, %parallel_loop3A_275 : vector<16xf32>
          %parallel_loop3A_277 = arith.mulf %parallel_loop3A_276, %parallel_loop3A_262 : vector<16xf32>
          %parallel_loop3A_278 = math.exp %parallel_loop3A_277 : vector<16xf32>
          %parallel_loop3A_279 = arith.constant 1 : i32
          %parallel_loop3A_280 = arith.constant 2 : i32
          %parallel_loop3A_281 = arith.index_cast %parallel_loop3A_279 : i32 to index
          %parallel_loop3A_282 = arith.index_cast %parallel_loop3A_280 : i32 to index
          %parallel_loop3A_283 = arith.index_cast %parallel_loop3A_156 : i32 to index
          %parallel_loop3A_284 = tpu.vector_load %arg8[%parallel_loop3A_281, %parallel_loop3A_282, %parallel_loop3A_283] {strides = array<i32>} : memref<2x8x512xf32, #tpu.memory_space<vmem>>, vector<1x1x16xf32>,
          %parallel_loop3A_285 = vector.shape_cast %parallel_loop3A_284 : vector<1x1x16xf32> to vector<16xf32>
          %parallel_loop3A_286 = arith.constant 1.000000e+00 : f32
          %parallel_loop3A_287 = vector.broadcast %parallel_loop3A_286 : f32 to vector<16xf32>
          %parallel_loop3A_288 = arith.subf %parallel_loop3A_287, %parallel_loop3A_285 : vector<16xf32>
          %parallel_loop3A_289 = arith.mulf %parallel_loop3A_288, %parallel_loop3A_278 : vector<16xf32>
          %parallel_loop3A_290 = arith.constant 1.000000e+00 : f32
          %parallel_loop3A_291 = vector.broadcast %parallel_loop3A_290 : f32 to vector<16xf32>
          %parallel_loop3A_292 = arith.subf %parallel_loop3A_291, %parallel_loop3A_289 : vector<16xf32>
          %parallel_loop3A_293 = arith.constant 1 : i32
          %parallel_loop3A_294 = arith.constant 2 : i32
          %parallel_loop3A_295 = arith.index_cast %parallel_loop3A_293 : i32 to index
          %parallel_loop3A_296 = arith.index_cast %parallel_loop3A_294 : i32 to index
          %parallel_loop3A_297 = arith.index_cast %parallel_loop3A_156 : i32 to index
          %parallel_loop3A_298 = tpu.vector_load %arg11[%parallel_loop3A_295, %parallel_loop3A_296, %parallel_loop3A_297] {strides = array<i32>} : memref<2x8x512xf32, #tpu.memory_space<vmem>>, vector<1x1x16xf32>,
          %parallel_loop3A_299 = vector.shape_cast %parallel_loop3A_298 : vector<1x1x16xf32> to vector<16xf32>
          %parallel_loop3A_300 = vector.shape_cast %parallel_loop3A_292 : vector<16xf32> to vector<1x1x16xf32>
          tpu.vector_store %arg11[%parallel_loop3A_295, %parallel_loop3A_296, %parallel_loop3A_297], %parallel_loop3A_300 {strides = array<i32>} : memref<2x8x512xf32, #tpu.memory_space<vmem>>, vector<1x1x16xf32>,
          %parallel_loop3A_301 = arith.constant 1 : i32
          %parallel_loop3A_302 = arith.constant 3 : i32
          %parallel_loop3A_303 = arith.index_cast %parallel_loop3A_301 : i32 to index
          %parallel_loop3A_304 = arith.index_cast %parallel_loop3A_302 : i32 to index
          %parallel_loop3A_305 = arith.index_cast %parallel_loop3A_156 : i32 to index
          %parallel_loop3A_306 = tpu.vector_load %arg10[%parallel_loop3A_303, %parallel_loop3A_304, %parallel_loop3A_305] {strides = array<i32>} : memref<2x8x512xi32, #tpu.memory_space<vmem>>, vector<1x1x16xi32>,
          %parallel_loop3A_307 = vector.shape_cast %parallel_loop3A_306 : vector<1x1x16xi32> to vector<16xi32>
          %parallel_loop3A_308 = vector.shape_cast %parallel_loop3A_307 : vector<16xi32> to vector<16x1xi32>
          %parallel_loop3A_309 = vector.shape_cast %parallel_loop3A_308 : vector<16x1xi32> to vector<16xi32>
          %parallel_loop3A_310 = tpu.dynamic_gather %neg3A_9[%parallel_loop3A_309] in [0] : vector<16xf32>, vector<16xi32> -> vector<16xf32>
          %parallel_loop3A_311 = arith.constant 1 : i32
          %parallel_loop3A_312 = arith.constant 3 : i32
          %parallel_loop3A_313 = arith.index_cast %parallel_loop3A_311 : i32 to index
          %parallel_loop3A_314 = arith.index_cast %parallel_loop3A_312 : i32 to index
          %parallel_loop3A_315 = arith.index_cast %parallel_loop3A_156 : i32 to index
          %parallel_loop3A_316 = tpu.vector_load %arg9[%parallel_loop3A_313, %parallel_loop3A_314, %parallel_loop3A_315] {strides = array<i32>} : memref<2x8x512xf32, #tpu.memory_space<vmem>>, vector<1x1x16xf32>,
          %parallel_loop3A_317 = vector.shape_cast %parallel_loop3A_316 : vector<1x1x16xf32> to vector<16xf32>
          %parallel_loop3A_318 = arith.constant 5.12989855 : f32
          %parallel_loop3A_319 = vector.broadcast %parallel_loop3A_318 : f32 to vector<16xf32>
          %parallel_loop3A_320 = arith.mulf %parallel_loop3A_317, %parallel_loop3A_319 : vector<16xf32>
          %parallel_loop3A_321 = math.exp %parallel_loop3A_320 : vector<16xf32>
          %parallel_loop3A_322 = arith.constant 1.000000e+00 : f32
          %parallel_loop3A_323 = vector.broadcast %parallel_loop3A_322 : f32 to vector<16xf32>
          %parallel_loop3A_324 = arith.subf %parallel_loop3A_321, %parallel_loop3A_323 : vector<16xf32>
          %parallel_loop3A_325 = arith.mulf %parallel_loop3A_324, %parallel_loop3A_310 : vector<16xf32>
          %parallel_loop3A_326 = math.exp %parallel_loop3A_325 : vector<16xf32>
          %parallel_loop3A_327 = arith.constant 1 : i32
          %parallel_loop3A_328 = arith.constant 3 : i32
          %parallel_loop3A_329 = arith.index_cast %parallel_loop3A_327 : i32 to index
          %parallel_loop3A_330 = arith.index_cast %parallel_loop3A_328 : i32 to index
          %parallel_loop3A_331 = arith.index_cast %parallel_loop3A_156 : i32 to index
          %parallel_loop3A_332 = tpu.vector_load %arg8[%parallel_loop3A_329, %parallel_loop3A_330, %parallel_loop3A_331] {strides = array<i32>} : memref<2x8x512xf32, #tpu.memory_space<vmem>>, vector<1x1x16xf32>,
          %parallel_loop3A_333 = vector.shape_cast %parallel_loop3A_332 : vector<1x1x16xf32> to vector<16xf32>
          %parallel_loop3A_334 = arith.constant 1.000000e+00 : f32
          %parallel_loop3A_335 = vector.broadcast %parallel_loop3A_334 : f32 to vector<16xf32>
          %parallel_loop3A_336 = arith.subf %parallel_loop3A_335, %parallel_loop3A_333 : vector<16xf32>
          %parallel_loop3A_337 = arith.mulf %parallel_loop3A_336, %parallel_loop3A_326 : vector<16xf32>
          %parallel_loop3A_338 = arith.constant 1.000000e+00 : f32
          %parallel_loop3A_339 = vector.broadcast %parallel_loop3A_338 : f32 to vector<16xf32>
          %parallel_loop3A_340 = arith.subf %parallel_loop3A_339, %parallel_loop3A_337 : vector<16xf32>
          %parallel_loop3A_341 = arith.constant 1 : i32
          %parallel_loop3A_342 = arith.constant 3 : i32
          %parallel_loop3A_343 = arith.index_cast %parallel_loop3A_341 : i32 to index
          %parallel_loop3A_344 = arith.index_cast %parallel_loop3A_342 : i32 to index
          %parallel_loop3A_345 = arith.index_cast %parallel_loop3A_156 : i32 to index
          %parallel_loop3A_346 = tpu.vector_load %arg11[%parallel_loop3A_343, %parallel_loop3A_344, %parallel_loop3A_345] {strides = array<i32>} : memref<2x8x512xf32, #tpu.memory_space<vmem>>, vector<1x1x16xf32>,
          %parallel_loop3A_347 = vector.shape_cast %parallel_loop3A_346 : vector<1x1x16xf32> to vector<16xf32>
          %parallel_loop3A_348 = vector.shape_cast %parallel_loop3A_340 : vector<16xf32> to vector<1x1x16xf32>
          tpu.vector_store %arg11[%parallel_loop3A_343, %parallel_loop3A_344, %parallel_loop3A_345], %parallel_loop3A_348 {strides = array<i32>} : memref<2x8x512xf32, #tpu.memory_space<vmem>>, vector<1x1x16xf32>,
          %parallel_loop3A_349 = arith.constant 1 : i32
          %parallel_loop3A_350 = arith.constant 4 : i32
          %parallel_loop3A_351 = arith.index_cast %parallel_loop3A_349 : i32 to index
          %parallel_loop3A_352 = arith.index_cast %parallel_loop3A_350 : i32 to index
          %parallel_loop3A_353 = arith.index_cast %parallel_loop3A_156 : i32 to index
          %parallel_loop3A_354 = tpu.vector_load %arg10[%parallel_loop3A_351, %parallel_loop3A_352, %parallel_loop3A_353] {strides = array<i32>} : memref<2x8x512xi32, #tpu.memory_space<vmem>>, vector<1x1x16xi32>,
          %parallel_loop3A_355 = vector.shape_cast %parallel_loop3A_354 : vector<1x1x16xi32> to vector<16xi32>
          %parallel_loop3A_356 = vector.shape_cast %parallel_loop3A_355 : vector<16xi32> to vector<16x1xi32>
          %parallel_loop3A_357 = vector.shape_cast %parallel_loop3A_356 : vector<16x1xi32> to vector<16xi32>
          %parallel_loop3A_358 = tpu.dynamic_gather %neg3A_9[%parallel_loop3A_357] in [0] : vector<16xf32>, vector<16xi32> -> vector<16xf32>
          %parallel_loop3A_359 = arith.constant 1 : i32
          %parallel_loop3A_360 = arith.constant 4 : i32
          %parallel_loop3A_361 = arith.index_cast %parallel_loop3A_359 : i32 to index
          %parallel_loop3A_362 = arith.index_cast %parallel_loop3A_360 : i32 to index
          %parallel_loop3A_363 = arith.index_cast %parallel_loop3A_156 : i32 to index
          %parallel_loop3A_364 = tpu.vector_load %arg9[%parallel_loop3A_361, %parallel_loop3A_362, %parallel_loop3A_363] {strides = array<i32>} : memref<2x8x512xf32, #tpu.memory_space<vmem>>, vector<1x1x16xf32>,
          %parallel_loop3A_365 = vector.shape_cast %parallel_loop3A_364 : vector<1x1x16xf32> to vector<16xf32>
          %parallel_loop3A_366 = arith.constant 5.12989855 : f32
          %parallel_loop3A_367 = vector.broadcast %parallel_loop3A_366 : f32 to vector<16xf32>
          %parallel_loop3A_368 = arith.mulf %parallel_loop3A_365, %parallel_loop3A_367 : vector<16xf32>
          %parallel_loop3A_369 = math.exp %parallel_loop3A_368 : vector<16xf32>
          %parallel_loop3A_370 = arith.constant 1.000000e+00 : f32
          %parallel_loop3A_371 = vector.broadcast %parallel_loop3A_370 : f32 to vector<16xf32>
          %parallel_loop3A_372 = arith.subf %parallel_loop3A_369, %parallel_loop3A_371 : vector<16xf32>
          %parallel_loop3A_373 = arith.mulf %parallel_loop3A_372, %parallel_loop3A_358 : vector<16xf32>
          %parallel_loop3A_374 = math.exp %parallel_loop3A_373 : vector<16xf32>
          %parallel_loop3A_375 = arith.constant 1 : i32
          %parallel_loop3A_376 = arith.constant 4 : i32
          %parallel_loop3A_377 = arith.index_cast %parallel_loop3A_375 : i32 to index
          %parallel_loop3A_378 = arith.index_cast %parallel_loop3A_376 : i32 to index
          %parallel_loop3A_379 = arith.index_cast %parallel_loop3A_156 : i32 to index
          %parallel_loop3A_380 = tpu.vector_load %arg8[%parallel_loop3A_377, %parallel_loop3A_378, %parallel_loop3A_379] {strides = array<i32>} : memref<2x8x512xf32, #tpu.memory_space<vmem>>, vector<1x1x16xf32>,
          %parallel_loop3A_381 = vector.shape_cast %parallel_loop3A_380 : vector<1x1x16xf32> to vector<16xf32>
          %parallel_loop3A_382 = arith.constant 1.000000e+00 : f32
          %parallel_loop3A_383 = vector.broadcast %parallel_loop3A_382 : f32 to vector<16xf32>
          %parallel_loop3A_384 = arith.subf %parallel_loop3A_383, %parallel_loop3A_381 : vector<16xf32>
          %parallel_loop3A_385 = arith.mulf %parallel_loop3A_384, %parallel_loop3A_374 : vector<16xf32>
          %parallel_loop3A_386 = arith.constant 1.000000e+00 : f32
          %parallel_loop3A_387 = vector.broadcast %parallel_loop3A_386 : f32 to vector<16xf32>
          %parallel_loop3A_388 = arith.subf %parallel_loop3A_387, %parallel_loop3A_385 : vector<16xf32>
          %parallel_loop3A_389 = arith.constant 1 : i32
          %parallel_loop3A_390 = arith.constant 4 : i32
          %parallel_loop3A_391 = arith.index_cast %parallel_loop3A_389 : i32 to index
          %parallel_loop3A_392 = arith.index_cast %parallel_loop3A_390 : i32 to index
          %parallel_loop3A_393 = arith.index_cast %parallel_loop3A_156 : i32 to index
          %parallel_loop3A_394 = tpu.vector_load %arg11[%parallel_loop3A_391, %parallel_loop3A_392, %parallel_loop3A_393] {strides = array<i32>} : memref<2x8x512xf32, #tpu.memory_space<vmem>>, vector<1x1x16xf32>,
          %parallel_loop3A_395 = vector.shape_cast %parallel_loop3A_394 : vector<1x1x16xf32> to vector<16xf32>
          %parallel_loop3A_396 = vector.shape_cast %parallel_loop3A_388 : vector<16xf32> to vector<1x1x16xf32>
          tpu.vector_store %arg11[%parallel_loop3A_391, %parallel_loop3A_392, %parallel_loop3A_393], %parallel_loop3A_396 {strides = array<i32>} : memref<2x8x512xf32, #tpu.memory_space<vmem>>, vector<1x1x16xf32>,
          %parallel_loop3A_397 = arith.constant 1 : i32
          %parallel_loop3A_398 = arith.constant 5 : i32
          %parallel_loop3A_399 = arith.index_cast %parallel_loop3A_397 : i32 to index
          %parallel_loop3A_400 = arith.index_cast %parallel_loop3A_398 : i32 to index
          %parallel_loop3A_401 = arith.index_cast %parallel_loop3A_156 : i32 to index
          %parallel_loop3A_402 = tpu.vector_load %arg10[%parallel_loop3A_399, %parallel_loop3A_400, %parallel_loop3A_401] {strides = array<i32>} : memref<2x8x512xi32, #tpu.memory_space<vmem>>, vector<1x1x16xi32>,
          %parallel_loop3A_403 = vector.shape_cast %parallel_loop3A_402 : vector<1x1x16xi32> to vector<16xi32>
          %parallel_loop3A_404 = vector.shape_cast %parallel_loop3A_403 : vector<16xi32> to vector<16x1xi32>
          %parallel_loop3A_405 = vector.shape_cast %parallel_loop3A_404 : vector<16x1xi32> to vector<16xi32>
          %parallel_loop3A_406 = tpu.dynamic_gather %neg3A_9[%parallel_loop3A_405] in [0] : vector<16xf32>, vector<16xi32> -> vector<16xf32>
          %parallel_loop3A_407 = arith.constant 1 : i32
          %parallel_loop3A_408 = arith.constant 5 : i32
          %parallel_loop3A_409 = arith.index_cast %parallel_loop3A_407 : i32 to index
          %parallel_loop3A_410 = arith.index_cast %parallel_loop3A_408 : i32 to index
          %parallel_loop3A_411 = arith.index_cast %parallel_loop3A_156 : i32 to index
          %parallel_loop3A_412 = tpu.vector_load %arg9[%parallel_loop3A_409, %parallel_loop3A_410, %parallel_loop3A_411] {strides = array<i32>} : memref<2x8x512xf32, #tpu.memory_space<vmem>>, vector<1x1x16xf32>,
          %parallel_loop3A_413 = vector.shape_cast %parallel_loop3A_412 : vector<1x1x16xf32> to vector<16xf32>
          %parallel_loop3A_414 = arith.constant 5.12989855 : f32
          %parallel_loop3A_415 = vector.broadcast %parallel_loop3A_414 : f32 to vector<16xf32>
          %parallel_loop3A_416 = arith.mulf %parallel_loop3A_413, %parallel_loop3A_415 : vector<16xf32>
          %parallel_loop3A_417 = math.exp %parallel_loop3A_416 : vector<16xf32>
          %parallel_loop3A_418 = arith.constant 1.000000e+00 : f32
          %parallel_loop3A_419 = vector.broadcast %parallel_loop3A_418 : f32 to vector<16xf32>
          %parallel_loop3A_420 = arith.subf %parallel_loop3A_417, %parallel_loop3A_419 : vector<16xf32>
          %parallel_loop3A_421 = arith.mulf %parallel_loop3A_420, %parallel_loop3A_406 : vector<16xf32>
          %parallel_loop3A_422 = math.exp %parallel_loop3A_421 : vector<16xf32>
          %parallel_loop3A_423 = arith.constant 1 : i32
          %parallel_loop3A_424 = arith.constant 5 : i32
          %parallel_loop3A_425 = arith.index_cast %parallel_loop3A_423 : i32 to index
          %parallel_loop3A_426 = arith.index_cast %parallel_loop3A_424 : i32 to index
          %parallel_loop3A_427 = arith.index_cast %parallel_loop3A_156 : i32 to index
          %parallel_loop3A_428 = tpu.vector_load %arg8[%parallel_loop3A_425, %parallel_loop3A_426, %parallel_loop3A_427] {strides = array<i32>} : memref<2x8x512xf32, #tpu.memory_space<vmem>>, vector<1x1x16xf32>,
          %parallel_loop3A_429 = vector.shape_cast %parallel_loop3A_428 : vector<1x1x16xf32> to vector<16xf32>
          %parallel_loop3A_430 = arith.constant 1.000000e+00 : f32
          %parallel_loop3A_431 = vector.broadcast %parallel_loop3A_430 : f32 to vector<16xf32>
          %parallel_loop3A_432 = arith.subf %parallel_loop3A_431, %parallel_loop3A_429 : vector<16xf32>
          %parallel_loop3A_433 = arith.mulf %parallel_loop3A_432, %parallel_loop3A_422 : vector<16xf32>
          %parallel_loop3A_434 = arith.constant 1.000000e+00 : f32
          %parallel_loop3A_435 = vector.broadcast %parallel_loop3A_434 : f32 to vector<16xf32>
          %parallel_loop3A_436 = arith.subf %parallel_loop3A_435, %parallel_loop3A_433 : vector<16xf32>
          %parallel_loop3A_437 = arith.constant 1 : i32
          %parallel_loop3A_438 = arith.constant 5 : i32
          %parallel_loop3A_439 = arith.index_cast %parallel_loop3A_437 : i32 to index
          %parallel_loop3A_440 = arith.index_cast %parallel_loop3A_438 : i32 to index
          %parallel_loop3A_441 = arith.index_cast %parallel_loop3A_156 : i32 to index
          %parallel_loop3A_442 = tpu.vector_load %arg11[%parallel_loop3A_439, %parallel_loop3A_440, %parallel_loop3A_441] {strides = array<i32>} : memref<2x8x512xf32, #tpu.memory_space<vmem>>, vector<1x1x16xf32>,
          %parallel_loop3A_443 = vector.shape_cast %parallel_loop3A_442 : vector<1x1x16xf32> to vector<16xf32>
          %parallel_loop3A_444 = vector.shape_cast %parallel_loop3A_436 : vector<16xf32> to vector<1x1x16xf32>
          tpu.vector_store %arg11[%parallel_loop3A_439, %parallel_loop3A_440, %parallel_loop3A_441], %parallel_loop3A_444 {strides = array<i32>} : memref<2x8x512xf32, #tpu.memory_space<vmem>>, vector<1x1x16xf32>,
          %parallel_loop3A_445 = arith.constant 1 : i32
          %parallel_loop3A_446 = arith.constant 6 : i32
          %parallel_loop3A_447 = arith.index_cast %parallel_loop3A_445 : i32 to index
          %parallel_loop3A_448 = arith.index_cast %parallel_loop3A_446 : i32 to index
          %parallel_loop3A_449 = arith.index_cast %parallel_loop3A_156 : i32 to index
          %parallel_loop3A_450 = tpu.vector_load %arg10[%parallel_loop3A_447, %parallel_loop3A_448, %parallel_loop3A_449] {strides = array<i32>} : memref<2x8x512xi32, #tpu.memory_space<vmem>>, vector<1x1x16xi32>,
          %parallel_loop3A_451 = vector.shape_cast %parallel_loop3A_450 : vector<1x1x16xi32> to vector<16xi32>
          %parallel_loop3A_452 = vector.shape_cast %parallel_loop3A_451 : vector<16xi32> to vector<16x1xi32>
          %parallel_loop3A_453 = vector.shape_cast %parallel_loop3A_452 : vector<16x1xi32> to vector<16xi32>
          %parallel_loop3A_454 = tpu.dynamic_gather %neg3A_9[%parallel_loop3A_453] in [0] : vector<16xf32>, vector<16xi32> -> vector<16xf32>
          %parallel_loop3A_455 = arith.constant 1 : i32
          %parallel_loop3A_456 = arith.constant 6 : i32
          %parallel_loop3A_457 = arith.index_cast %parallel_loop3A_455 : i32 to index
          %parallel_loop3A_458 = arith.index_cast %parallel_loop3A_456 : i32 to index
          %parallel_loop3A_459 = arith.index_cast %parallel_loop3A_156 : i32 to index
          %parallel_loop3A_460 = tpu.vector_load %arg9[%parallel_loop3A_457, %parallel_loop3A_458, %parallel_loop3A_459] {strides = array<i32>} : memref<2x8x512xf32, #tpu.memory_space<vmem>>, vector<1x1x16xf32>,
          %parallel_loop3A_461 = vector.shape_cast %parallel_loop3A_460 : vector<1x1x16xf32> to vector<16xf32>
          %parallel_loop3A_462 = arith.constant 5.12989855 : f32
          %parallel_loop3A_463 = vector.broadcast %parallel_loop3A_462 : f32 to vector<16xf32>
          %parallel_loop3A_464 = arith.mulf %parallel_loop3A_461, %parallel_loop3A_463 : vector<16xf32>
          %parallel_loop3A_465 = math.exp %parallel_loop3A_464 : vector<16xf32>
          %parallel_loop3A_466 = arith.constant 1.000000e+00 : f32
          %parallel_loop3A_467 = vector.broadcast %parallel_loop3A_466 : f32 to vector<16xf32>
          %parallel_loop3A_468 = arith.subf %parallel_loop3A_465, %parallel_loop3A_467 : vector<16xf32>
          %parallel_loop3A_469 = arith.mulf %parallel_loop3A_468, %parallel_loop3A_454 : vector<16xf32>
          %parallel_loop3A_470 = math.exp %parallel_loop3A_469 : vector<16xf32>
          %parallel_loop3A_471 = arith.constant 1 : i32
          %parallel_loop3A_472 = arith.constant 6 : i32
          %parallel_loop3A_473 = arith.index_cast %parallel_loop3A_471 : i32 to index
          %parallel_loop3A_474 = arith.index_cast %parallel_loop3A_472 : i32 to index
          %parallel_loop3A_475 = arith.index_cast %parallel_loop3A_156 : i32 to index
          %parallel_loop3A_476 = tpu.vector_load %arg8[%parallel_loop3A_473, %parallel_loop3A_474, %parallel_loop3A_475] {strides = array<i32>} : memref<2x8x512xf32, #tpu.memory_space<vmem>>, vector<1x1x16xf32>,
          %parallel_loop3A_477 = vector.shape_cast %parallel_loop3A_476 : vector<1x1x16xf32> to vector<16xf32>
          %parallel_loop3A_478 = arith.constant 1.000000e+00 : f32
          %parallel_loop3A_479 = vector.broadcast %parallel_loop3A_478 : f32 to vector<16xf32>
          %parallel_loop3A_480 = arith.subf %parallel_loop3A_479, %parallel_loop3A_477 : vector<16xf32>
          %parallel_loop3A_481 = arith.mulf %parallel_loop3A_480, %parallel_loop3A_470 : vector<16xf32>
          %parallel_loop3A_482 = arith.constant 1.000000e+00 : f32
          %parallel_loop3A_483 = vector.broadcast %parallel_loop3A_482 : f32 to vector<16xf32>
          %parallel_loop3A_484 = arith.subf %parallel_loop3A_483, %parallel_loop3A_481 : vector<16xf32>
          %parallel_loop3A_485 = arith.constant 1 : i32
          %parallel_loop3A_486 = arith.constant 6 : i32
          %parallel_loop3A_487 = arith.index_cast %parallel_loop3A_485 : i32 to index
          %parallel_loop3A_488 = arith.index_cast %parallel_loop3A_486 : i32 to index
          %parallel_loop3A_489 = arith.index_cast %parallel_loop3A_156 : i32 to index
          %parallel_loop3A_490 = tpu.vector_load %arg11[%parallel_loop3A_487, %parallel_loop3A_488, %parallel_loop3A_489] {strides = array<i32>} : memref<2x8x512xf32, #tpu.memory_space<vmem>>, vector<1x1x16xf32>,
          %parallel_loop3A_491 = vector.shape_cast %parallel_loop3A_490 : vector<1x1x16xf32> to vector<16xf32>
          %parallel_loop3A_492 = vector.shape_cast %parallel_loop3A_484 : vector<16xf32> to vector<1x1x16xf32>
          tpu.vector_store %arg11[%parallel_loop3A_487, %parallel_loop3A_488, %parallel_loop3A_489], %parallel_loop3A_492 {strides = array<i32>} : memref<2x8x512xf32, #tpu.memory_space<vmem>>, vector<1x1x16xf32>,
          %parallel_loop3A_493 = arith.constant 1 : i32
          %parallel_loop3A_494 = arith.constant 7 : i32
          %parallel_loop3A_495 = arith.index_cast %parallel_loop3A_493 : i32 to index
          %parallel_loop3A_496 = arith.index_cast %parallel_loop3A_494 : i32 to index
          %parallel_loop3A_497 = arith.index_cast %parallel_loop3A_156 : i32 to index
          %parallel_loop3A_498 = tpu.vector_load %arg10[%parallel_loop3A_495, %parallel_loop3A_496, %parallel_loop3A_497] {strides = array<i32>} : memref<2x8x512xi32, #tpu.memory_space<vmem>>, vector<1x1x16xi32>,
          %parallel_loop3A_499 = vector.shape_cast %parallel_loop3A_498 : vector<1x1x16xi32> to vector<16xi32>
          %parallel_loop3A_500 = vector.shape_cast %parallel_loop3A_499 : vector<16xi32> to vector<16x1xi32>
          %parallel_loop3A_501 = vector.shape_cast %parallel_loop3A_500 : vector<16x1xi32> to vector<16xi32>
          %parallel_loop3A_502 = tpu.dynamic_gather %neg3A_9[%parallel_loop3A_501] in [0] : vector<16xf32>, vector<16xi32> -> vector<16xf32>
          %parallel_loop3A_503 = arith.constant 1 : i32
          %parallel_loop3A_504 = arith.constant 7 : i32
          %parallel_loop3A_505 = arith.index_cast %parallel_loop3A_503 : i32 to index
          %parallel_loop3A_506 = arith.index_cast %parallel_loop3A_504 : i32 to index
          %parallel_loop3A_507 = arith.index_cast %parallel_loop3A_156 : i32 to index
          %parallel_loop3A_508 = tpu.vector_load %arg9[%parallel_loop3A_505, %parallel_loop3A_506, %parallel_loop3A_507] {strides = array<i32>} : memref<2x8x512xf32, #tpu.memory_space<vmem>>, vector<1x1x16xf32>,
          %parallel_loop3A_509 = vector.shape_cast %parallel_loop3A_508 : vector<1x1x16xf32> to vector<16xf32>
          %parallel_loop3A_510 = arith.constant 5.12989855 : f32
          %parallel_loop3A_511 = vector.broadcast %parallel_loop3A_510 : f32 to vector<16xf32>
          %parallel_loop3A_512 = arith.mulf %parallel_loop3A_509, %parallel_loop3A_511 : vector<16xf32>
          %parallel_loop3A_513 = math.exp %parallel_loop3A_512 : vector<16xf32>
          %parallel_loop3A_514 = arith.constant 1.000000e+00 : f32
          %parallel_loop3A_515 = vector.broadcast %parallel_loop3A_514 : f32 to vector<16xf32>
          %parallel_loop3A_516 = arith.subf %parallel_loop3A_513, %parallel_loop3A_515 : vector<16xf32>
          %parallel_loop3A_517 = arith.mulf %parallel_loop3A_516, %parallel_loop3A_502 : vector<16xf32>
          %parallel_loop3A_518 = math.exp %parallel_loop3A_517 : vector<16xf32>
          %parallel_loop3A_519 = arith.constant 1 : i32
          %parallel_loop3A_520 = arith.constant 7 : i32
          %parallel_loop3A_521 = arith.index_cast %parallel_loop3A_519 : i32 to index
          %parallel_loop3A_522 = arith.index_cast %parallel_loop3A_520 : i32 to index
          %parallel_loop3A_523 = arith.index_cast %parallel_loop3A_156 : i32 to index
          %parallel_loop3A_524 = tpu.vector_load %arg8[%parallel_loop3A_521, %parallel_loop3A_522, %parallel_loop3A_523] {strides = array<i32>} : memref<2x8x512xf32, #tpu.memory_space<vmem>>, vector<1x1x16xf32>,
          %parallel_loop3A_525 = vector.shape_cast %parallel_loop3A_524 : vector<1x1x16xf32> to vector<16xf32>
          %parallel_loop3A_526 = arith.constant 1.000000e+00 : f32
          %parallel_loop3A_527 = vector.broadcast %parallel_loop3A_526 : f32 to vector<16xf32>
          %parallel_loop3A_528 = arith.subf %parallel_loop3A_527, %parallel_loop3A_525 : vector<16xf32>
          %parallel_loop3A_529 = arith.mulf %parallel_loop3A_528, %parallel_loop3A_518 : vector<16xf32>
          %parallel_loop3A_530 = arith.constant 1.000000e+00 : f32
          %parallel_loop3A_531 = vector.broadcast %parallel_loop3A_530 : f32 to vector<16xf32>
          %parallel_loop3A_532 = arith.subf %parallel_loop3A_531, %parallel_loop3A_529 : vector<16xf32>
          %parallel_loop3A_533 = arith.constant 1 : i32
          %parallel_loop3A_534 = arith.constant 7 : i32
          %parallel_loop3A_535 = arith.index_cast %parallel_loop3A_533 : i32 to index
          %parallel_loop3A_536 = arith.index_cast %parallel_loop3A_534 : i32 to index
          %parallel_loop3A_537 = arith.index_cast %parallel_loop3A_156 : i32 to index
          %parallel_loop3A_538 = tpu.vector_load %arg11[%parallel_loop3A_535, %parallel_loop3A_536, %parallel_loop3A_537] {strides = array<i32>} : memref<2x8x512xf32, #tpu.memory_space<vmem>>, vector<1x1x16xf32>,
          %parallel_loop3A_539 = vector.shape_cast %parallel_loop3A_538 : vector<1x1x16xf32> to vector<16xf32>
          %parallel_loop3A_540 = vector.shape_cast %parallel_loop3A_532 : vector<16xf32> to vector<1x1x16xf32>
          tpu.vector_store %arg11[%parallel_loop3A_535, %parallel_loop3A_536, %parallel_loop3A_537], %parallel_loop3A_540 {strides = array<i32>} : memref<2x8x512xf32, #tpu.memory_space<vmem>>, vector<1x1x16xf32>,
        } {sc.loop_unroll_factor = 4 : i64, sc.parallel_access}
        %mul3A_143 = arith.constant 8 : i32
        %mul3A_144 = arith.muli %add3A_88, %mul3A_143 : i32
        %dma_start3A_145 = arith.constant 1 : i32
        %dma_start3A_146 = arith.constant 0 : i32
        %dma_start3A_147 = arith.constant 0 : i32
        %dma_start3A_148 = tpu.memref_slice %arg11[%dma_start3A_145, %dma_start3A_146, %dma_start3A_147] : memref<2x8x512xf32, #tpu.memory_space<vmem>> -> memref<1x8x512xf32, #tpu.memory_space<vmem>>
        %dma_start3A_149 = tpu.memref_squeeze %dma_start3A_148 : memref<1x8x512xf32, #tpu.memory_space<vmem>> -> memref<8x512xf32, #tpu.memory_space<vmem>>
        %dma_start3A_150 = tpu.memref_slice %arg6[%mul3A_144, %mul3A_2] : memref<200x16384xf32, #tpu.memory_space<hbm>> -> memref<8x512xf32, #tpu.memory_space<hbm>>
        %dma_start3A_151 = tpu.memref_slice %arg6[%mul3A_144, %mul3A_2] : memref<200x16384xf32, #tpu.memory_space<hbm>> -> memref<8x512xf32, #tpu.memory_space<hbm>>
        %dma_start3A_152 = arith.constant 0 : i32
        %dma_start3A_153 = arith.constant 0 : i32
        %dma_start3A_154 = tpu.memref_slice %arg11[%dma_start3A_145, %dma_start3A_152, %dma_start3A_153] : memref<2x8x512xf32, #tpu.memory_space<vmem>> -> memref<1x8x512xf32, #tpu.memory_space<vmem>>
        %dma_start3A_155 = tpu.memref_squeeze %dma_start3A_154 : memref<1x8x512xf32, #tpu.memory_space<vmem>> -> memref<8x512xf32, #tpu.memory_space<vmem>>
        tpu.enqueue_dma source(%dma_start3A_155 : memref<8x512xf32, #tpu.memory_space<vmem>>) target(%dma_start3A_151 : memref<8x512xf32, #tpu.memory_space<hbm>>) target_semaphore(%arg15 : memref<!tpu.dma_semaphore, #tpu.memory_space<semaphore_mem>>)
      } else {
      }
      %scan3A_94 = arith.constant 0 : i32
      scf.yield %scan3A_94 : i32
    }
    %scan3A_53 = arith.constant 13 : i32
    %dma_wait3A = arith.constant 1 : i32
    %dma_wait3A_54 = arith.constant 0 : i32
    %dma_wait3A_55 = arith.constant 0 : i32
    %dma_wait3A_56 = tpu.memref_slice %arg11[%dma_wait3A, %dma_wait3A_54, %dma_wait3A_55] : memref<2x8x512xf32, #tpu.memory_space<vmem>> -> memref<1x8x512xf32, #tpu.memory_space<vmem>>
    %dma_wait3A_57 = tpu.memref_squeeze %dma_wait3A_56 : memref<1x8x512xf32, #tpu.memory_space<vmem>> -> memref<8x512xf32, #tpu.memory_space<vmem>>
    %dma_wait3A_58 = arith.constant 184 : i32
    %dma_wait3A_59 = tpu.memref_slice %arg6[%dma_wait3A_58, %mul3A_2] : memref<200x16384xf32, #tpu.memory_space<hbm>> -> memref<8x512xf32, #tpu.memory_space<hbm>>
    %dma_wait3A_60 = arith.constant 184 : i32
    %dma_wait3A_61 = tpu.memref_slice %arg6[%dma_wait3A_60, %mul3A_2] : memref<200x16384xf32, #tpu.memory_space<hbm>> -> memref<8x512xf32, #tpu.memory_space<hbm>>
    %dma_wait3A_62 = arith.constant 0 : i32
    %dma_wait3A_63 = arith.constant 0 : i32
    %dma_wait3A_64 = tpu.memref_slice %arg11[%dma_wait3A, %dma_wait3A_62, %dma_wait3A_63] : memref<2x8x512xf32, #tpu.memory_space<vmem>> -> memref<1x8x512xf32, #tpu.memory_space<vmem>>
    %dma_wait3A_65 = tpu.memref_squeeze %dma_wait3A_64 : memref<1x8x512xf32, #tpu.memory_space<vmem>> -> memref<8x512xf32, #tpu.memory_space<vmem>>
    tpu.wait_dma2 semaphore(%arg15 : memref<!tpu.dma_semaphore, #tpu.memory_space<semaphore_mem>>) src(%dma_wait3A_65 : memref<8x512xf32, #tpu.memory_space<vmem>>) dst(%dma_wait3A_61 : memref<8x512xf32, #tpu.memory_space<hbm>>)
    %dma_wait3A_66 = arith.constant 0 : i32
    %dma_wait3A_67 = arith.constant 0 : i32
    %dma_wait3A_68 = arith.constant 0 : i32
    %dma_wait3A_69 = tpu.memref_slice %arg11[%dma_wait3A_66, %dma_wait3A_67, %dma_wait3A_68] : memref<2x8x512xf32, #tpu.memory_space<vmem>> -> memref<1x8x512xf32, #tpu.memory_space<vmem>>
    %dma_wait3A_70 = tpu.memref_squeeze %dma_wait3A_69 : memref<1x8x512xf32, #tpu.memory_space<vmem>> -> memref<8x512xf32, #tpu.memory_space<vmem>>
    %dma_wait3A_71 = arith.constant 192 : i32
    %dma_wait3A_72 = tpu.memref_slice %arg6[%dma_wait3A_71, %mul3A_2] : memref<200x16384xf32, #tpu.memory_space<hbm>> -> memref<8x512xf32, #tpu.memory_space<hbm>>
    %dma_wait3A_73 = arith.constant 192 : i32
    %dma_wait3A_74 = tpu.memref_slice %arg6[%dma_wait3A_73, %mul3A_2] : memref<200x16384xf32, #tpu.memory_space<hbm>> -> memref<8x512xf32, #tpu.memory_space<hbm>>
    %dma_wait3A_75 = arith.constant 0 : i32
    %dma_wait3A_76 = arith.constant 0 : i32
    %dma_wait3A_77 = tpu.memref_slice %arg11[%dma_wait3A_66, %dma_wait3A_75, %dma_wait3A_76] : memref<2x8x512xf32, #tpu.memory_space<vmem>> -> memref<1x8x512xf32, #tpu.memory_space<vmem>>
    %dma_wait3A_78 = tpu.memref_squeeze %dma_wait3A_77 : memref<1x8x512xf32, #tpu.memory_space<vmem>> -> memref<8x512xf32, #tpu.memory_space<vmem>>
    tpu.wait_dma2 semaphore(%arg14 : memref<!tpu.dma_semaphore, #tpu.memory_space<semaphore_mem>>) src(%dma_wait3A_78 : memref<8x512xf32, #tpu.memory_space<vmem>>) dst(%dma_wait3A_74 : memref<8x512xf32, #tpu.memory_space<hbm>>)
    return
  }
}

</mosaic_0001>

<sc_bundles>
// kernel: kernel.3.cloned.1.call-start
scs
__scs_entry_jumppad:
0x0: {  	(pc) =	sbr.rel $0x88, $3  }
0x1: {  	(tag) =	ssettag $0x0;
	lr =	simm.s32 $0x1  }
0x2: {  	[smem:$0x3F9D] =	sst lr;
	_ =	strace $0xD0000000  }
0x3: {  	_ = 	snop  }
0x4: {  	_ = 	snop  }
0x5: {  	_ = 	snop  }
0x6: {  	_ = 	snop  }
0x7: {  	_ = 	snop  }
__scs_overlays_trampoline_lowered:
0x8: {  	[smem:$0x3FAC] =	sst s0  }
0x9: {  	[smem:$0x3FAD] =	sst s1  }
0xa: {  	[smem:$0x3FAE] =	sst s2  }
0xb: {  	[smem:$0x3FAF] =	sst s3  }
0xc: {  	[smem:$0x3FB0] =	sst s4  }
0xd: {  	[smem:$0x3FB1] =	sst s5  }
0xe: {  	[smem:$0x3FB2] =	sst s6  }
0xf: {  	[smem:$0x3FB3] =	sst s7  }
0x10: {  	[smem:$0x3FB4] =	sst s8  }
0x11: {  	[smem:$0x3FB5] =	sst s9;
	s0 =	simm.s32 @!p0 $0x0  }
0x12: {  	s1 =	sld [smem:$0x3F9B];
	s0 =	simm.s32 @p0 $0x1  }
0x13: {  	[smem:$0x3FB6] =	sst s0;
	s0 =	simm.s32 @!p1 $0x0  }
0x14: {  	s2 =	sld [smem:$0x3F9A];
	s0 =	simm.s32 @p1 $0x1  }
0x15: {  	[smem:$0x3FB7] =	sst s0;
	s0 =	simm.s32 @!p2 $0x0  }
0x16: {  	s3 =	sld [smem:$0x3FDB];
	s0 =	simm.s32 @p2 $0x1  }
0x17: {  	s4 =	simm.s32 $0x1BF5;
	[smem:$0x3FB9] =	sst s0  }
0x18: {  	s0 =	sld [smem:$0x3F9C];
	_ =	swait.ge [sflag:s4], $0x0  }
0x19: {  	s7 =	sld [smem:$0x3F9D]  }
0x1a: {  	s8 =	sadd.s32 $0xFFFFE003, lr  }
0x1b: {  	s9 =	sadd.s32 $0xFFFFFEF7, lr;
	s5 =	simm.s32 $0xFFFFFFFF;
	p2 =	slt.u32 s8, $0xFFFFF086  }
0x1c: {  	p1 =	slt.u32 s9, $0xF7A;
	s5 =	simm.s32 @!p2 $0x0  }
0x1d: {  	s5 =	simm.s32 @p1 $0x1;
	p0 =	seq.s32 s7, s2  }
0x1e: {  	s7 =	smul.u32 @!p0 $0xF7A, s2;
	p2 =	seq.s32 @!p0 s5, $0x0  }
0x1f: {  	s9 =	smul.u32 $0xF7A, s1;
	s8 =	simm.s32 @!p0 $0x1BF5;
	p2 =	por !p2, p0  }
0x20: {  	[sflag:s8] =	ssyncset.s32 @!p0 $0xFFFFF086;
	s6 =	sadd.s32 @!p0 s3, s7;
	s7 =	simm.s32 @!p0 $0x108  }
0x21: {  	s3 =	sadd.s32 s3, s9;
	s6 =	sadd.s32 @!p0 $0x88, s6;
	s7 =	simm.s32 @p2 $0x1082  }
0x22: {  	[simem:s7], [sflag:s8] =	dma.local @!p0 [hbm:s6], $0xF7A  }
0x23: {  	s9 =	sor.u32 $0xD0000000, s2;
	s6 =	simm.s32 $0x108;
	_ =	swait.ge @!p0 [sflag:s8], $0x0  }
0x24: {  	s3 =	sadd.s32 $0x88, s3;
	s6 =	simm.s32 @!p1 $0x1082;
	[sflag:s4] =	ssyncset.s32 $0xFFFFF086  }
0x25: {  	[simem:s6], [sflag:s4] =	dma.local [hbm:s3], $0xF7A  }
0x26: {  	[smem:$0x3F9D] =	sst s1;
	(tag) =	ssettag s2;
	_ =	strace s9  }
0x27: {  	s1 =	sld [smem:$0x3FAD]  }
0x28: {  	s2 =	sld [smem:$0x3FAE]  }
0x29: {  	s4 =	sld [smem:$0x3FB0]  }
0x2a: {  	p0 =	seq.s32 s5, $0x0;
	s5 =	sld [smem:$0x3FB1]  }
0x2b: {  	s6 =	sld [smem:$0x3FB2]  }
0x2c: {  	s7 =	sld [smem:$0x3FB3]  }
0x2d: {  	s3 =	simm.s32 $0x108;
	s8 =	sld [smem:$0x3FB4]  }
0x2e: {  	s3 =	simm.s32 @!p0 $0x1082;
	s9 =	sld [smem:$0x3FB5]  }
0x2f: {  	lr =	sadd.s32 s0, s3;
	s0 =	sld [smem:$0x3FAC]  }
0x30: {  	s3 =	sld [smem:$0x3FAF]  }
0x31: {  	[smem:$0x3FB8] =	sst s10  }
0x32: {  	s10 =	sld [smem:$0x3FB6];
	_ =	sdelay $0x3  }
0x33: {  	p0 =	seq.s32 s10, $0x1;
	s10 =	sld [smem:$0x3FB8];
	_ =	sdelay $0x3  }
0x34: {  	[smem:$0x3FB8] =	sst s10  }
0x35: {  	s10 =	sld [smem:$0x3FB7];
	_ =	sdelay $0x3  }
0x36: {  	p1 =	seq.s32 s10, $0x1;
	s10 =	sld [smem:$0x3FB8];
	_ =	sdelay $0x3  }
0x37: {  	[smem:$0x3FB8] =	sst s10  }
0x38: {  	s10 =	sld [smem:$0x3FB9]  }
0x39: {  	_ = 	snop;
	(pc) =	sbr.ind lr, $3  }
0x3a: {  	_ = 	snop  }
0x3b: {  	_ = 	snop  }
0x3c: {  	p2 =	seq.s32 s10, $0x1;
	s10 =	sld [smem:$0x3FB8]  }
0x3d: {  	_ =	shalt  }
0x3e: {  	_ =	shalt  }
0x3f: {  	_ =	shalt  }
0x40: {  	_ =	shalt  }
0x41: {  	_ =	shalt  }
0x42: {  	_ =	shalt  }
0x43: {  	_ =	shalt  }
0x44: {  	_ =	shalt  }
0x45: {  	_ =	shalt  }
0x46: {  	_ =	shalt  }
0x47: {  	_ =	shalt  }
0x48: {  	_ =	shalt  }
0x49: {  	_ =	shalt  }
0x4a: {  	_ =	shalt  }
0x4b: {  	_ =	shalt  }
0x4c: {  	_ =	shalt  }
0x4d: {  	_ =	shalt  }
0x4e: {  	_ =	shalt  }
0x4f: {  	_ =	shalt  }
0x50: {  	_ =	shalt  }
0x51: {  	_ =	shalt  }
0x52: {  	_ =	shalt  }
0x53: {  	_ =	shalt  }
0x54: {  	_ =	shalt  }
0x55: {  	_ =	shalt  }
0x56: {  	_ =	shalt  }
0x57: {  	_ =	shalt  }
0x58: {  	_ =	shalt  }
0x59: {  	_ =	shalt  }
0x5a: {  	_ =	shalt  }
0x5b: {  	_ =	shalt  }
0x5c: {  	_ =	shalt  }
0x5d: {  	_ =	shalt  }
0x5e: {  	_ =	shalt  }
0x5f: {  	_ =	shalt  }
0x60: {  	_ =	shalt  }
0x61: {  	_ =	shalt  }
0x62: {  	_ =	shalt  }
0x63: {  	_ =	shalt  }
0x64: {  	_ =	shalt  }
0x65: {  	_ =	shalt  }
0x66: {  	_ =	shalt  }
0x67: {  	_ =	shalt  }
0x68: {  	_ =	shalt  }
0x69: {  	_ =	shalt  }
0x6a: {  	_ =	shalt  }
0x6b: {  	_ =	shalt  }
0x6c: {  	_ =	shalt  }
0x6d: {  	_ =	shalt  }
0x6e: {  	_ =	shalt  }
0x6f: {  	_ =	shalt  }
0x70: {  	_ =	shalt  }
0x71: {  	_ =	shalt  }
0x72: {  	_ =	shalt  }
0x73: {  	_ =	shalt  }
0x74: {  	_ =	shalt  }
0x75: {  	_ =	shalt  }
0x76: {  	_ =	shalt  }
0x77: {  	_ =	shalt  }
0x78: {  	_ =	shalt  }
0x79: {  	_ =	shalt  }
0x7a: {  	_ =	shalt  }
0x7b: {  	_ =	shalt  }
0x7c: {  	_ =	shalt  }
0x7d: {  	_ =	shalt  }
0x7e: {  	_ =	shalt  }
0x7f: {  	_ =	shalt  }
0x80: {  	_ =	shalt  }
0x81: {  	_ =	shalt  }
0x82: {  	_ =	shalt  }
0x83: {  	_ =	shalt  }
0x84: {  	_ =	shalt  }
0x85: {  	_ =	shalt  }
0x86: {  	_ =	shalt  }
0x87: {  	_ =	shalt  }
.Lfunc_end0:
.L_simem_size_0:
called_computation_lowered:
.L_overlay_start_0:
0x88: {  	s2 =	sld [smem:$0x3FD9]  }
0x89: {  	s3 =	sld [smem:$0x3FFE];
	_ =	sdelay $0x1  }
0x8a: {  	s1 =	srdreg.scid  }
0x8b: {  	s0 =	sand.u32 $0x1, s1  }
0x8c: {  	s17 =	sshll.u32 s0, $0xA;
	s2 =	sadd.s32 s3, s2  }
0x8d: {  	s2 =	sadd.s32 s2, s17  }
0x8e: {  	[smem:$0x3FC4] =	sst s2  }
0x8f: {  	_ = 	snop  }
0x90: {  	s2 =	sld [smem:$0x3FC9]  }
0x91: {  	s18 =	sld [smem:$0x3FC8]  }
0x92: {  	s4 =	sld [smem:$0x3FC7]  }
0x93: {  	s5 =	sld [smem:$0x3FD0];
	(tm) =	ssettm $0x1  }
0x94: {  	s6 =	sld [smem:$0x3FFB];
	_ =	sdelay $0x3  }
0x95: {  	_ =	strace s6  }
0x96: {  	s6 =	sld [smem:$0x3FFC];
	_ =	sdelay $0x3  }
0x97: {  	_ =	strace s6  }
0x98: {  	s6 =	sld [smem:$0x3FFD];
	_ =	sdelay $0x3  }
0x99: {  	_ =	strace s6  }
0x9a: {  	_ =	strace $0x8FFFFFFF  }
0x9b: {  	s19 =	sld [smem:$0x3FDB];
	_ =	sdelay $0x1  }
0x9c: {  	s7 =	simm.s32 $_scs_section_size  }
0x9d: {  	s8 =	simm.s32 $_size__tile_overlayer_lowered;
	s9 =	simm.s32 $_tile_overlayer_lowered  }
0x9e: {  	s22 =	simm.s32 $0x1BFF;
	s21 =	sshll.u32 s9, $0x1;
	s6 =	sadd.s32 s7, s19  }
0x9f: {  	s10 =	simm.s32 $0x0;
	s20 =	sshll.u32 s8, $0x1;
	s8 =	sadd.s32 s21, s6  }
0xa0: {  	[timem:s10], [sflag:s22] =	dma.local [hbm:s8], s20  }
0xa1: {  	_ =	swait.ge [sflag:s22], s20  }
0xa2: {  	s7 =	ssub.s32 $0x0, s20;
	[sflag:s22] =	ssyncset.done $0x0  }
0xa3: {  	[sflag:s22] =	ssyncadd.s32 s7;
	_ =	sdelay $0x1  }
0xa4: {  	s23 =	simm.s32 $0x1B8B  }
0xa5: {  	_ =	swait.ge [sflag:s23], $0x1  }
0xa6: {  	[sflag:s23] =	ssyncset.done $0x0  }
0xa7: {  	s25 =	simm.s32 $0x1B8E;
	s24 =	sld [smem:$0x3FFE];
	[sflag:s23] =	ssyncadd.s32 $0xFFFFFFFF  }
0xa8: {  	s26 =	simm.s32 $execute0_lowered;
	[smem:$0x3FD2] =	sst s25  }
0xa9: {  	s8 =	sshll.u32 s26, $0x1;
	_ =	strace $0x80000046;
	[dreg:$0x1] =	wrdreg $0xFFFFFFFF  }
0xaa: {  	s28 =	simm.s32 $_size_execute0_lowered;
	s6 =	sadd.s32 s6, s8;
	[dreg:$0x0] =	wrdreg $0x0  }
0xab: {  	s8 =	sshll.u32 s28, $0x1;
	[dreg:$0x2] =	wrdreg s6  }
0xac: {  	[dreg:$0x3] =	wrdreg s8  }
0xad: {  	[dreg:$0x4] =	wrdreg $0xC0  }
0xae: {  	_ =	task [dreg:s10], $0x5FFFF  }
0xaf: {  	[dreg:$0x1] =	wrdreg $0xFFFFFFFF  }
0xb0: {  	[dreg:$0x0] =	wrdreg $0x60  }
0xb1: {  	[dreg:$0x2] =	wrdreg s2  }
0xb2: {  	[dreg:$0x3] =	wrdreg s18  }
0xb3: {  	[dreg:$0x4] =	wrdreg s4  }
0xb4: {  	[dreg:$0x5] =	wrdreg s24  }
0xb5: {  	[dreg:$0x6] =	wrdreg s5  }
0xb6: {  	[dreg:$0x7] =	wrdreg $0x9  }
0xb7: {  	_ =	task.clear_ibuf [dreg:s10], $0x8FFFF;
	_ =	strace $0x90000046  }
0xb8: {  	s29 =	simm.s32 $0x9;
	_ =	strace $0x80000048  }
0xb9: {  	_ =	swait.ge [sflag:s29], $0x1  }
0xba: {  	[sflag:s29] =	ssyncadd.s32 $0xFFFFFFFF  }
0xbb: {  	_ =	strace $0x90000048  }
0xbc: {  	_ =	sfence  }
0xbd: {  	s30 =	sld [smem:$0x0];
	_ =	sdelay $0x2  }
0xbe: {  	s31 =	sshll.u32 s1, $0xD;
	s1 =	sshrl.u32 s1, $0x2  }
0xbf: {  	s3 =	sand.u32 $0x4000, s31;
	s1 =	sadd.s32 s1, s30  }
0xc0: {  	s0 =	sor.u32 s3, s0;
	s1 =	sshll.u32 s1, $0x11  }
0xc1: {  	s0 =	sor.u32 s1, s0  }
0xc2: {  	s0 =	sadd.s32 $0x8F2B, s0  }
0xc3: {  	[sflag:s0] =	ssyncadd.remote.s32 $0x1  }
0xc4: {  	_ =	sfence.sel $0xFFFF  }
0xc5: {  	[dreg:$0x0] =	wrdreg $0xFFFFFFFF;
	(pc) =	sbr.abs _section_cstart, $3  }
0xc6: {  	[dreg:$0x1] =	wrdreg $0xFFFFFFFF  }
0xc7: {  	_ =	task.clear_ibuf [dreg:s10], $0x2FFFF;
	_ =	strace $0x9FFFFFFF  }
0xc8: {  	(tm) =	ssettm $0x7FFFFFFF  }
0xc9: {  	_ =	shalt  }
tec
execute0_lowered:
.L_overlay_start_1:
0x0: {  	(tag) =	ssettag $0x1  }
0x1: {  	s4 =	rddreg [dreg:$0x0]  }
0x2: {  	s5 =	rddreg [dreg:$0x1]  }
0x3: {  	s6 =	rddreg [dreg:$0x2]  }
0x4: {  	s0 =	rddreg [dreg:$0x3]  }
0x5: {  	s1 =	srdreg.scid;
	s2 =	stileid.u32;
	s7 =	simm.s32 $0x0  }
0x6: {  	s1 =	sand.u32 $0x1, s1;
	s2 =	sshll.u32 s2, $0xD;
	[smem:$0x7FF] =	sst s7  }
0x7: {  	s0 =	sadd.s32 $0x400, s0;
	s3 =	sshll.u32 s1, $0xC;
	s1 =	ssub.s32 $0x2, s1  }
0x8: {  	_ =	strace $0x80000047;
	[dreg:$0x13] =	wrdreg s0;
	s24 =	sor.u32 s3, s2  }
0x9: {  	s3 =	sshrl.u32 s24, $0x3;
	[dreg:$0x12] =	wrdreg s24;
	s31 =	sor.u32 $0x40000, s24  }
.Ltmp0:
0xa: {  	s28 =	sadd.s32 s4, s3;
	[dreg:$0x17] =	wrdreg s31;
	(pc) =	sbr.rel .LBB2_1-.Ltmp0, $4  }
0xb: {  	s25 =	sshrl.u32 s1, $0x1;
	s29 =	sadd.s32 s5, s3;
	[dreg:$0x14] =	wrdreg s28  }
0xc: {  	s26 =	ssub.s32 s1, s25;
	s30 =	sadd.s32 s6, s3;
	[dreg:$0x15] =	wrdreg s29  }
0xd: {  	s0 =	smax.u32 s26, $0x1;
	[dreg:$0x16] =	wrdreg s30  }
0xe: {  	s2 =	simm.s32 $0x0;
	[dreg:$0x18] =	wrdreg s0  }
.LBB2_9:
0xf: {  	s0 =	simm.s32 $0x4  }
0x10: {  	_ =	swait.ge [sflag:s0], $0x1000  }
0x11: {  	[sflag:s0] =	ssyncset.done $0x0  }
0x12: {  	s1 =	simm.s32 $0x3;
	[sflag:s0] =	ssyncadd.s32 $0xFFFFF000  }
0x13: {  	_ =	swait.ge [sflag:s1], $0x1000  }
0x14: {  	s2 =	rddreg [dreg:$0x19]  }
0x15: {  	s31 =	rddreg [dreg:$0x18];
	s2 =	sadd.s32 $0x1, s2  }
0x16: {  	p0 =	sne.s32 s2, s31  }
.Ltmp1:
0x17: {  	_ = 	snop;
	(pc) =	sbr.rel @!p0 .LBB2_10-.Ltmp1, $3  }
0x18: {  	_ =	sdelay $0x1  }
0x19: {  	[sflag:s1] =	ssyncset.done $0x0  }
0x1a: {  	[sflag:s1] =	ssyncadd.s32 $0xFFFFF000  }
.LBB2_1:
0x1b: {  	[dreg:$0x19] =	wrdreg s2  }
0x1c: {  	s0 =	simm.s32 $0x0;
	s1 =	rddreg [dreg:$0x13];
	s24 =	simm.s32 $0x5  }
0x1d: {  	[tilespmem:s0], [sflag:$0x5] =	stream.linear.gather [hbm4b:s1+s0], $0x80, $0x38;
	[tilespmem:$0x8080] =	vst v63  }
0x1e: {  	_ =	swait.ge [sflag:s24], $0x80  }
0x1f: {  	[sflag:s24] =	ssyncset.done $0x0  }
0x20: {  	[sflag:s24] =	ssyncadd.s32 $0xFFFFFF80  }
0x21: {  	v0 =	vld [tilespmem:$0x0];
	_ =	sdelay $0x4  }
0x22: {  	v0 =	vsub.f32 $0.0e+00, v0;
	_ =	sdelay $0x1  }
0x23: {  	v0 =	vmul.f32 $1.442695020e+00, v0;
	_ =	sdelay $0x1  }
0x24: {  	(erf) = vpow2.f32 v0;
	_ =	sdelay $0x3  }
0x25: {  	s26 =	simm.s32 $0x80;
	s25 =	rddreg [dreg:$0x14]  }
0x26: {  	[tilespmem:s26], [sflag:$0x1] =	stream.linear.gather [hbm4b:s25+s0], $0x1000, $0x38;
	[tilespmem:$0x8080] =	vst v63  }
.Ltmp2:
0x27: {  	_ = 	snop;
	(pc) =	sbr.rel .LBB2_2-.Ltmp2, $4  }
0x28: {  	s29 =	simm.s32 $0x2080;
	s28 =	rddreg [dreg:$0x15]  }
0x29: {  	[tilespmem:s29], [sflag:$0x1] =	stream.linear.gather [hbm4b:s28+s0], $0x1000, $0x38;
	[tilespmem:$0x8080] =	vst v63  }
0x2a: {  	s31 =	simm.s32 $0x4080;
	s4 =	simm.s32 $0x0;
	s30 =	rddreg [dreg:$0x16];
	v0 =	vpop (erf)  }
0x2b: {  	[tilespmem:s31], [sflag:$0x1] =	stream.linear.gather [hbm4b:s30+s0], $0x1000, $0x38;
	v0 =	vsub.f32 $0.0e+00, v0;
	[tilespmem:$0x8080] =	vst v63  }
.LBB2_8:
0x2c: {  	s4 =	sadd.s32 $0x1, s4  }
0x2d: {  	p0 =	sne.s32 s4, $0xD  }
.Ltmp3:
0x2e: {  	_ = 	snop;
	(pc) =	sbr.rel @!p0 .LBB2_9-.Ltmp3, $1  }
0x2f: {  	_ =	sdelay $0x3  }
.LBB2_2:
0x30: {  	s0 =	sshllo.u32 s4, $0x1  }
0x31: {  	s1 =	rddreg [dreg:$0x12];
	p1 =	sgt.u32 s0, $0x18  }
0x32: {  	[dreg:$0x1b] =	wrdreg s0;
	s0 =	sshll.u32 @!p1 s0, $0x11  }
0x33: {  	s0 =	sor.u32 @!p1 s1, s0  }
0x34: {  	s1 =	rddreg [dreg:$0x0];
	s0 =	sshrl.u32 @!p1 s0, $0x3  }
0x35: {  	s2 =	simm.s32 @!p1 $0x0;
	s3 =	simm.s32 @!p1 $0x1080;
	s1 =	sadd.s32 @!p1 s1, s0  }
0x36: {  	[tilespmem:s3], [sflag:$0x2] =	stream.linear.gather @!p1 [hbm4b:s1+s2], $0x1000, $0x38;
	[tilespmem:$0x8080] =	vst v63  }
0x37: {  	s1 =	rddreg [dreg:$0x1]  }
0x38: {  	s3 =	simm.s32 @!p1 $0x3080;
	s1 =	sadd.s32 @!p1 s1, s0  }
0x39: {  	[tilespmem:s3], [sflag:$0x2] =	stream.linear.gather @!p1 [hbm4b:s1+s2], $0x1000, $0x38;
	[tilespmem:$0x8080] =	vst v63  }
0x3a: {  	s1 =	rddreg [dreg:$0x2]  }
0x3b: {  	s11 =	simm.s32 $0x1;
	s0 =	sadd.s32 @!p1 s1, s0;
	s1 =	simm.s32 @!p1 $0x5080  }
0x3c: {  	[tilespmem:s1], [sflag:$0x2] =	stream.linear.gather @!p1 [hbm4b:s0+s2], $0x1000, $0x38;
	[tilespmem:$0x8080] =	vst v63  }
0x3d: {  	_ =	swait.ge [sflag:s11], $0x1000  }
0x3e: {  	[sflag:s11] =	ssyncset.done $0x0  }
0x3f: {  	[sflag:s11] =	ssyncadd.s32 $0xFFFFF000  }
0x40: {  	_ =	swait.ge [sflag:s11], $0x1000  }
0x41: {  	[sflag:s11] =	ssyncset.done $0x0  }
0x42: {  	[sflag:s11] =	ssyncadd.s32 $0xFFFFF000  }
0x43: {  	_ =	swait.ge [sflag:s11], $0x1000  }
0x44: {  	p0 =	seq.s32 s4, $0x0;
	[sflag:s11] =	ssyncset.done $0x0  }
0x45: {  	s2 =	simm.s32 @!p0 $0x3;
	[dreg:$0x1a] =	wrdreg s4;
	[sflag:s11] =	ssyncadd.s32 $0xFFFFF000  }
0x46: {  	s12 =	simm.s32 $0x0;
	s5 =	simm.s32 $0x0;
	_ =	swait.ge @!p0 [sflag:s2], $0x1000  }
0x47: {  	s15 =	sand.u32 $0x40, s5;
	s16 =	sand.u32 $0xC00, s12;
	[sflag:s2] =	ssyncset.done @!p0 $0x0  }
0x48: {  	s17 =	sor.u32 s15, s16;
	[sflag:s2] =	ssyncadd.s32 @!p0 $0xFFFFF000  }
0x49: {  	v1 =	vld [tilespmem:s17+$0x2080]  }
0x4a: {  	v2 =	vld [tilespmem:s17+$0x2100]  }
0x4b: {  	v3 =	vld [tilespmem:s17+$0x2180];
	_ =	sdelay $0x2  }
0x4c: {  	v1 =	vmul.f32 $5.129898550e+00, v1  }
0x4d: {  	v2 =	vmul.f32 $5.129898550e+00, v2  }
0x4e: {  	v3 =	vmul.f32 $5.129898550e+00, v3;
	v1 =	vmul.f32 $1.442695020e+00, v1  }
0x4f: {  	v2 =	vmul.f32 $1.442695020e+00, v2  }
0x50: {  	v3 =	vmul.f32 $1.442695020e+00, v3;
	(erf) = vpow2.f32 v1  }
0x51: {  	(erf) = vpow2.f32 v2  }
0x52: {  	(erf) = vpow2.f32 v3;
	_ =	sdelay $0x1  }
0x53: {  	v11 =	vld [tilespmem:s17+$0x20A0]  }
0x54: {  	v1 =	vld [tilespmem:s17+$0x4080]  }
0x55: {  	v2 =	vld [tilespmem:s17+$0x4100]  }
0x56: {  	v3 =	vld [tilespmem:s17+$0x4180]  }
0x57: {  	v12 =	vld [tilespmem:s17+$0x20B0]  }
0x58: {  	v6 =	vpop (erf)  }
0x59: {  	v15 =	vld [tilespmem:s17+$0x2230];
	v1 =	vperm.xlane v0, v1;
	v6 =	vadd.f32 $-1.000000000e+00, v6;
	v8 =	vpop (erf)  }
0x5a: {  	v4 =	vld [tilespmem:s17+$0x2090];
	v11 =	vmul.f32 $5.129898550e+00, v11;
	v2 =	vperm.xlane v0, v2;
	v8 =	vadd.f32 $-1.000000000e+00, v8;
	v10 =	vpop (erf)  }
0x5b: {  	v5 =	vld [tilespmem:s17+$0x2110];
	v3 =	vperm.xlane v0, v3;
	v1 =	vmul.f32 v6, v1;
	v6 =	vadd.f32 $-1.000000000e+00, v10  }
0x5c: {  	v7 =	vld [tilespmem:s17+$0x2190];
	v12 =	vmul.f32 $5.129898550e+00, v12;
	v2 =	vmul.f32 v8, v2  }
0x5d: {  	v9 =	vld [tilespmem:s17+$0x2210];
	v1 =	vmul.f32 $1.442695020e+00, v1;
	v3 =	vmul.f32 v6, v3  }
0x5e: {  	v15 =	vmul.f32 $5.129898550e+00, v15;
	v10 =	vld [tilespmem:s17+$0x2120];
	v2 =	vmul.f32 $1.442695020e+00, v2  }
0x5f: {  	v8 =	vld [tilespmem:s17+$0x21A0];
	v3 =	vmul.f32 $1.442695020e+00, v3;
	(erf) = vpow2.f32 v1  }
0x60: {  	v11 =	vmul.f32 $1.442695020e+00, v11;
	v6 =	vld [tilespmem:s17+$0x2220];
	(erf) = vpow2.f32 v2  }
0x61: {  	v13 =	vld [tilespmem:s17+$0x100];
	v12 =	vmul.f32 $1.442695020e+00, v12;
	(erf) = vpow2.f32 v3  }
0x62: {  	v3 =	vmul.f32 $5.129898550e+00, v7;
	v7 =	vmul.f32 $5.129898550e+00, v9;
	v9 =	vld [tilespmem:s17+$0x80]  }
0x63: {  	v14 =	vld [tilespmem:s17+$0x180];
	v1 =	vmul.f32 $5.129898550e+00, v4;
	v2 =	vmul.f32 $5.129898550e+00, v5  }
0x64: {  	v4 =	vld [tilespmem:s17+$0x2130];
	v10 =	vmul.f32 $5.129898550e+00, v10;
	v8 =	vmul.f32 $5.129898550e+00, v8  }
0x65: {  	v1 =	vmul.f32 $1.442695020e+00, v1;
	v6 =	vmul.f32 $5.129898550e+00, v6  }
0x66: {  	v2 =	vmul.f32 $1.442695020e+00, v2;
	v10 =	vmul.f32 $1.442695020e+00, v10  }
0x67: {  	v5 =	vld [tilespmem:s17+$0x21B0];
	v3 =	vmul.f32 $1.442695020e+00, v3;
	v7 =	vmul.f32 $1.442695020e+00, v7;
	v9 =	vsub.f32 $1.000000000e+00, v9  }
0x68: {  	v13 =	vsub.f32 $1.000000000e+00, v13;
	v8 =	vmul.f32 $1.442695020e+00, v8;
	(erf) = vpow2.f32 v1;
	v16 =	vpop (erf)  }
0x69: {  	v14 =	vsub.f32 $1.000000000e+00, v14;
	v4 =	vmul.f32 $5.129898550e+00, v4;
	v9 =	vmul.f32 v16, v9;
	v16 =	vpop (erf)  }
0x6a: {  	v17 =	vld [tilespmem:s17+$0x4090];
	v6 =	vmul.f32 $1.442695020e+00, v6;
	v13 =	vmul.f32 v16, v13;
	v16 =	vpop (erf)  }
0x6b: {  	v18 =	vld [tilespmem:s17+$0x4110];
	(erf) = vpow2.f32 v2;
	v9 =	vsub.f32 $1.000000000e+00, v9;
	v14 =	vmul.f32 v16, v14  }
0x6c: {  	v5 =	vmul.f32 $5.129898550e+00, v5;
	(erf) = vpow2.f32 v3;
	v16 =	vld [tilespmem:s17+$0x4190];
	v1 =	vsub.f32 $1.000000000e+00, v13  }
0x6d: {  	v4 =	vmul.f32 $1.442695020e+00, v4;
	(erf) = vpow2.f32 v7;
	v7 =	vld [tilespmem:s17+$0x41A0];
	[tilespmem:s17+$0x6080] =	vst v9;
	v2 =	vsub.f32 $1.000000000e+00, v14  }
0x6e: {  	s0 =	sor.u32 s16, s5;
	v3 =	vmul.f32 $1.442695020e+00, v5;
	v13 =	vld [tilespmem:s17+$0x4210];
	(erf) = vpow2.f32 v11;
	[tilespmem:s17+$0x6100] =	vst v1  }
0x6f: {  	s0 =	sor.u32 $0x180, s0;
	v11 =	vperm.xlane v0, v17;
	v9 =	vld [tilespmem:s17+$0x40A0];
	(erf) = vpow2.f32 v10;
	[tilespmem:s17+$0x6180] =	vst v2  }
0x70: {  	v14 =	vperm.xlane v0, v18;
	(erf) = vpow2.f32 v8;
	v5 =	vld [tilespmem:s0+$0x2080]  }
0x71: {  	v1 =	vld [tilespmem:s17+$0x4120];
	v2 =	vmul.f32 $1.442695020e+00, v15;
	(erf) = vpow2.f32 v6  }
0x72: {  	v10 =	vld [tilespmem:s17+$0x4220];
	v15 =	vperm.xlane v0, v16;
	(erf) = vpow2.f32 v12  }
0x73: {  	v6 =	vld [tilespmem:s17+$0x4130];
	v16 =	vpop (erf);
	v7 =	vperm.xlane v0, v7;
	(erf) = vpow2.f32 v4  }
0x74: {  	v8 =	vld [tilespmem:s17+$0x40B0];
	v13 =	vperm.xlane v0, v13;
	v17 =	vpop (erf);
	(erf) = vpow2.f32 v3  }
0x75: {  	v12 =	vld [tilespmem:s17+$0x41B0];
	v9 =	vperm.xlane v0, v9;
	v3 =	vadd.f32 $-1.000000000e+00, v16;
	v16 =	vpop (erf);
	v4 =	vmul.f32 $5.129898550e+00, v5  }
0x76: {  	v1 =	vperm.xlane v0, v1;
	v17 =	vadd.f32 $-1.000000000e+00, v17;
	(erf) = vpow2.f32 v2;
	v32 =	vpop (erf)  }
0x77: {  	v2 =	vperm.xlane v0, v10;
	v10 =	vadd.f32 $-1.000000000e+00, v16;
	v16 =	vpop (erf);
	v4 =	vmul.f32 $1.442695020e+00, v4  }
0x78: {  	v6 =	vperm.xlane v0, v6;
	v3 =	vmul.f32 v3, v11;
	v33 =	vpop (erf);
	v16 =	vadd.f32 $-1.000000000e+00, v16  }
0x79: {  	v19 =	vpop (erf);
	(erf) = vpow2.f32 v4;
	v4 =	vperm.xlane v0, v8;
	v8 =	vadd.f32 $-1.000000000e+00, v32  }
0x7a: {  	v12 =	vperm.xlane v0, v12;
	v11 =	vmul.f32 v17, v14;
	v14 =	vadd.f32 $-1.000000000e+00, v33;
	v17 =	vpop (erf)  }
0x7b: {  	v5 =	vld [tilespmem:s17+$0x4230];
	v10 =	vmul.f32 v10, v15;
	v15 =	vpop (erf);
	v8 =	vmul.f32 v8, v13;
	v13 =	vadd.f32 $-1.000000000e+00, v19  }
0x7c: {  	v9 =	vmul.f32 v16, v9;
	v1 =	vmul.f32 v14, v1;
	v14 =	vadd.f32 $-1.000000000e+00, v17;
	v16 =	vpop (erf)  }
0x7d: {  	v7 =	vmul.f32 v13, v7;
	v13 =	vadd.f32 $-1.000000000e+00, v15;
	v15 =	vadd.f32 $-1.000000000e+00, v16;
	v16 =	vpop (erf)  }
0x7e: {  	v3 =	vmul.f32 $1.442695020e+00, v3;
	v17 =	vld [tilespmem:s0+$0x4080];
	v2 =	vmul.f32 v14, v2;
	v14 =	vadd.f32 $-1.000000000e+00, v16  }
0x7f: {  	v11 =	vmul.f32 $1.442695020e+00, v11;
	v10 =	vmul.f32 $1.442695020e+00, v10  }
0x80: {  	v5 =	vperm.xlane v0, v5;
	(erf) = vpow2.f32 v3  }
0x81: {  	v9 =	vmul.f32 $1.442695020e+00, v9;
	v4 =	vmul.f32 v13, v4;
	v13 =	vpop (erf)  }
0x82: {  	(erf) = vpow2.f32 v11;
	v12 =	vmul.f32 v14, v12;
	v14 =	vpop (erf)  }
0x83: {  	v6 =	vmul.f32 v15, v6;
	v15 =	vperm.xlane v0, v17;
	v14 =	vadd.f32 $-1.000000000e+00, v14  }
0x84: {  	v1 =	vmul.f32 $1.442695020e+00, v1;
	v8 =	vmul.f32 $1.442695020e+00, v8  }
0x85: {  	(erf) = vpow2.f32 v10;
	v10 =	vld [tilespmem:s17+$0x90];
	v3 =	vmul.f32 v14, v15  }
0x86: {  	v2 =	vmul.f32 $1.442695020e+00, v2;
	(erf) = vpow2.f32 v8;
	v8 =	vld [tilespmem:s17+$0x110]  }
0x87: {  	v7 =	vmul.f32 $1.442695020e+00, v7;
	v3 =	vmul.f32 $1.442695020e+00, v3  }
0x88: {  	(erf) = vpow2.f32 v9;
	v9 =	vld [tilespmem:s17+$0x190];
	v4 =	vmul.f32 $1.442695020e+00, v4;
	v11 =	vadd.f32 $-1.000000000e+00, v13  }
0x89: {  	v6 =	vmul.f32 $1.442695020e+00, v6;
	(erf) = vpow2.f32 v3;
	v3 =	vld [tilespmem:s17+$0x210]  }
0x8a: {  	v5 =	vmul.f32 v11, v5;
	(erf) = vpow2.f32 v1  }
0x8b: {  	v8 =	vsub.f32 $1.000000000e+00, v8;
	v1 =	vsub.f32 $1.000000000e+00, v10;
	v10 =	vld [tilespmem:s17+$0xA0];
	(erf) = vpow2.f32 v7  }
0x8c: {  	v11 =	vmul.f32 $1.442695020e+00, v12;
	v7 =	vld [tilespmem:s0+$0x80];
	(erf) = vpow2.f32 v2;
	v2 =	vpop (erf)  }
0x8d: {  	v12 =	vld [tilespmem:s17+$0x120];
	v9 =	vsub.f32 $1.000000000e+00, v9;
	(erf) = vpow2.f32 v4;
	v1 =	vmul.f32 v2, v1;
	v2 =	vpop (erf)  }
0x8e: {  	v5 =	vmul.f32 $1.442695020e+00, v5;
	v4 =	vld [tilespmem:s17+$0x1A0];
	v3 =	vsub.f32 $1.000000000e+00, v3;
	(erf) = vpow2.f32 v6;
	v6 =	vpop (erf)  }
0x8f: {  	v13 =	vld [tilespmem:s17+$0x220];
	v2 =	vmul.f32 v2, v8;
	(erf) = vpow2.f32 v11;
	v1 =	vsub.f32 $1.000000000e+00, v1;
	v8 =	vpop (erf)  }
0x90: {  	v11 =	vld [tilespmem:s17+$0xB0];
	v10 =	vsub.f32 $1.000000000e+00, v10;
	(erf) = vpow2.f32 v5;
	v3 =	vmul.f32 v8, v3  }
0x91: {  	v6 =	vmul.f32 v6, v9;
	v9 =	vld [tilespmem:s17+$0x130];
	v5 =	vsub.f32 $1.000000000e+00, v7;
	v7 =	vpop (erf);
	v2 =	vsub.f32 $1.000000000e+00, v2  }
0x92: {  	v14 =	vld [tilespmem:s17+$0x1B0];
	v12 =	vsub.f32 $1.000000000e+00, v12;
	[tilespmem:s17+$0x6090] =	vst v1;
	v7 =	vmul.f32 v7, v10;
	v8 =	vpop (erf);
	v3 =	vsub.f32 $1.000000000e+00, v3  }
0x93: {  	p2 =	por $0x0, $0x0;
	s3 =	simm.s32 $0x1;
	v4 =	vsub.f32 $1.000000000e+00, v4;
	[tilespmem:s17+$0x6110] =	vst v2;
	v1 =	vmul.f32 v8, v5;
	v5 =	vsub.f32 $1.000000000e+00, v6;
	v6 =	vld [tilespmem:s17+$0x230];
	v8 =	vpop (erf)  }
0x94: {  	s3 =	simm.s32 @!p2 $0x0;
	v2 =	vsub.f32 $1.000000000e+00, v13;
	v7 =	vsub.f32 $1.000000000e+00, v7;
	v8 =	vmul.f32 v8, v12;
	v10 =	vpop (erf);
	[tilespmem:s17+$0x6210] =	vst v3  }
0x95: {  	s3 =	sshll.u32 s3, $0x6;
	v1 =	vsub.f32 $1.000000000e+00, v1;
	[tilespmem:s17+$0x6190] =	vst v5;
	v5 =	vsub.f32 $1.000000000e+00, v11;
	v4 =	vmul.f32 v10, v4;
	v10 =	vpop (erf)  }
0x96: {  	s3 =	sadd.s32 $0x0, s3;
	v3 =	vsub.f32 $1.000000000e+00, v9;
	[tilespmem:s17+$0x60A0] =	vst v7;
	v8 =	vsub.f32 $1.000000000e+00, v8;
	v2 =	vmul.f32 v10, v2;
	v9 =	vpop (erf)  }
0x97: {  	s6 =	sor.u32 $0x200, s3;
	[tilespmem:s0+$0x6080] =	vst v1;
	v1 =	vsub.f32 $1.000000000e+00, v14;
	v4 =	vsub.f32 $1.000000000e+00, v4;
	v5 =	vmul.f32 v9, v5;
	v9 =	vpop (erf)  }
0x98: {  	v10 =	vld [tilespmem:s6+$0x2080];
	v6 =	vsub.f32 $1.000000000e+00, v6;
	v2 =	vsub.f32 $1.000000000e+00, v2;
	v3 =	vmul.f32 v9, v3;
	v7 =	vpop (erf);
	[tilespmem:s17+$0x6120] =	vst v8  }
0x99: {  	s4 =	sadd.s32 $0x10, s3;
	v5 =	vsub.f32 $1.000000000e+00, v5;
	v1 =	vmul.f32 v7, v1;
	v7 =	vpop (erf);
	[tilespmem:s17+$0x61A0] =	vst v4  }
0x9a: {  	s7 =	sor.u32 $0x200, s4;
	v3 =	vsub.f32 $1.000000000e+00, v3;
	v4 =	vmul.f32 v7, v6;
	[tilespmem:s17+$0x6220] =	vst v2  }
0x9b: {  	v2 =	vld [tilespmem:s7+$0x2080];
	v1 =	vsub.f32 $1.000000000e+00, v1;
	[tilespmem:s17+$0x60B0] =	vst v5  }
0x9c: {  	s8 =	sadd.s32 $0x20, s3;
	v4 =	vsub.f32 $1.000000000e+00, v4;
	[tilespmem:s17+$0x6130] =	vst v3  }
0x9d: {  	s9 =	sor.u32 $0x200, s8;
	s0 =	sadd.s32 $0x30, s3;
	v5 =	vmul.f32 $5.129898550e+00, v10;
	[tilespmem:s17+$0x61B0] =	vst v1  }
0x9e: {  	s10 =	sor.u32 $0x200, s0;
	v1 =	vld [tilespmem:s9+$0x2080];
	[tilespmem:s17+$0x6230] =	vst v4  }
0x9f: {  	v5 =	vmul.f32 $1.442695020e+00, v5;
	v4 =	vld [tilespmem:s10+$0x2080]  }
0xa0: {  	v2 =	vmul.f32 $5.129898550e+00, v2  }
0xa1: {  	v6 =	vld [tilespmem:s9+$0x4080];
	(erf) = vpow2.f32 v5  }
0xa2: {  	v7 =	vld [tilespmem:s9+$0x80];
	v2 =	vmul.f32 $1.442695020e+00, v2  }
0xa3: {  	v3 =	vld [tilespmem:s7+$0x4080];
	v1 =	vmul.f32 $5.129898550e+00, v1  }
0xa4: {  	v10 =	vld [tilespmem:s6+$0x4080];
	(erf) = vpow2.f32 v2;
	v4 =	vmul.f32 $5.129898550e+00, v4  }
0xa5: {  	v8 =	vld [tilespmem:s10+$0x4080];
	v1 =	vmul.f32 $1.442695020e+00, v1  }
0xa6: {  	v9 =	vld [tilespmem:s10+$0x80];
	v2 =	vmul.f32 $1.442695020e+00, v4  }
0xa7: {  	v5 =	vld [tilespmem:s7+$0x80];
	(erf) = vpow2.f32 v1  }
0xa8: {  	(erf) = vpow2.f32 v2  }
0xa9: {  	v2 =	vperm.xlane v0, v10  }
0xaa: {  	v1 =	vpop (erf)  }
0xab: {  	v1 =	vadd.f32 $-1.000000000e+00, v1;
	_ =	sdelay $0x1  }
0xac: {  	v1 =	vmul.f32 v1, v2;
	v2 =	vpop (erf)  }
0xad: {  	v3 =	vperm.xlane v0, v3;
	v2 =	vadd.f32 $-1.000000000e+00, v2  }
0xae: {  	v1 =	vmul.f32 $1.442695020e+00, v1  }
0xaf: {  	v4 =	vpop (erf);
	v2 =	vmul.f32 v2, v3  }
0xb0: {  	(erf) = vpow2.f32 v1;
	v1 =	vperm.xlane v0, v6;
	v6 =	vpop (erf)  }
0xb1: {  	v8 =	vperm.xlane v0, v8;
	v4 =	vadd.f32 $-1.000000000e+00, v4;
	v3 =	vadd.f32 $-1.000000000e+00, v6  }
0xb2: {  	v2 =	vmul.f32 $1.442695020e+00, v2  }
0xb3: {  	v1 =	vmul.f32 v4, v1;
	v4 =	vld [tilespmem:s6+$0x80];
	v3 =	vmul.f32 v3, v8  }
0xb4: {  	(erf) = vpow2.f32 v2  }
0xb5: {  	v1 =	vmul.f32 $1.442695020e+00, v1;
	v2 =	vmul.f32 $1.442695020e+00, v3;
	_ =	sdelay $0x1  }
0xb6: {  	(erf) = vpow2.f32 v1  }
0xb7: {  	v1 =	vsub.f32 $1.000000000e+00, v4;
	(erf) = vpow2.f32 v2  }
0xb8: {  	v2 =	vpop (erf)  }
0xb9: {  	v1 =	vmul.f32 v2, v1;
	_ =	sdelay $0x1  }
0xba: {  	v1 =	vsub.f32 $1.000000000e+00, v1;
	_ =	sdelay $0x1  }
0xbb: {  	s18 =	sor.u32 $0x280, s3;
	v2 =	vsub.f32 $1.000000000e+00, v5;
	[tilespmem:s6+$0x6080] =	vst v1  }
0xbc: {  	v3 =	vpop (erf);
	v1 =	vsub.f32 $1.000000000e+00, v7;
	v4 =	vld [tilespmem:s18+$0x2080]  }
0xbd: {  	v5 =	vsub.f32 $1.000000000e+00, v9;
	v2 =	vmul.f32 v3, v2;
	v3 =	vpop (erf)  }
0xbe: {  	v1 =	vmul.f32 v3, v1;
	v3 =	vpop (erf)  }
0xbf: {  	v2 =	vsub.f32 $1.000000000e+00, v2;
	v3 =	vmul.f32 v3, v5  }
0xc0: {  	v1 =	vsub.f32 $1.000000000e+00, v1  }
0xc1: {  	s13 =	sor.u32 $0x280, s4;
	[tilespmem:s7+$0x6080] =	vst v2;
	v3 =	vsub.f32 $1.000000000e+00, v3;
	v2 =	vmul.f32 $5.129898550e+00, v4  }
0xc2: {  	s19 =	sor.u32 $0x280, s8;
	v4 =	vld [tilespmem:s13+$0x2080];
	[tilespmem:s9+$0x6080] =	vst v1  }
0xc3: {  	s14 =	sor.u32 $0x280, s0;
	v1 =	vld [tilespmem:s19+$0x2080];
	[tilespmem:s10+$0x6080] =	vst v3;
	v2 =	vmul.f32 $1.442695020e+00, v2  }
0xc4: {  	s11 =	simm.s32 $0x200;
	s10 =	simm.s32 $0x40;
	v3 =	vld [tilespmem:s14+$0x2080]  }
0xc5: {  	s21 =	sand.u32 $0xC00, s11;
	s20 =	sand.u32 $0x40, s10;
	(erf) = vpow2.f32 v2  }
0xc6: {  	v8 =	vld [tilespmem:s18+$0x4080];
	s17 =	sor.u32 s20, s21  }
0xc7: {  	v5 =	vld [tilespmem:s17+$0x2080];
	v4 =	vmul.f32 $5.129898550e+00, v4  }
0xc8: {  	v6 =	vld [tilespmem:s17+$0x2100];
	v1 =	vmul.f32 $5.129898550e+00, v1  }
0xc9: {  	v7 =	vld [tilespmem:s17+$0x2180];
	v4 =	vmul.f32 $1.442695020e+00, v4;
	v3 =	vmul.f32 $5.129898550e+00, v3  }
0xca: {  	v34 =	vld [tilespmem:s18+$0x80];
	v1 =	vmul.f32 $1.442695020e+00, v1  }
0xcb: {  	v9 =	vld [tilespmem:s19+$0x4080];
	(erf) = vpow2.f32 v4;
	v3 =	vmul.f32 $1.442695020e+00, v3  }
0xcc: {  	v2 =	vld [tilespmem:s13+$0x4080];
	(erf) = vpow2.f32 v1;
	v1 =	vmul.f32 $5.129898550e+00, v5  }
0xcd: {  	v10 =	vld [tilespmem:s17+$0x2110];
	v6 =	vmul.f32 $5.129898550e+00, v6;
	(erf) = vpow2.f32 v3  }
0xce: {  	v11 =	vld [tilespmem:s17+$0x2190];
	v3 =	vmul.f32 $5.129898550e+00, v7;
	v1 =	vmul.f32 $1.442695020e+00, v1;
	v7 =	vpop (erf)  }
0xcf: {  	v8 =	vperm.xlane v0, v8;
	v12 =	vld [tilespmem:s17+$0x2210];
	v6 =	vmul.f32 $1.442695020e+00, v6;
	v7 =	vadd.f32 $-1.000000000e+00, v7  }
0xd0: {  	v13 =	vld [tilespmem:s17+$0x20A0];
	v3 =	vmul.f32 $1.442695020e+00, v3;
	(erf) = vpow2.f32 v1  }
0xd1: {  	v14 =	vld [tilespmem:s17+$0x2220];
	(erf) = vpow2.f32 v6;
	v1 =	vmul.f32 v7, v8  }
0xd2: {  	v4 =	vld [tilespmem:s14+$0x4080];
	(erf) = vpow2.f32 v3  }
0xd3: {  	v5 =	vld [tilespmem:s17+$0x2090];
	v1 =	vmul.f32 $1.442695020e+00, v1  }
0xd4: {  	v15 =	vld [tilespmem:s17+$0x4080]  }
0xd5: {  	v17 =	vld [tilespmem:s17+$0x4180];
	(erf) = vpow2.f32 v1  }
0xd6: {  	v3 =	vperm.xlane v0, v2;
	v2 =	vperm.xlane v0, v9;
	v9 =	vld [tilespmem:s17+$0x4100];
	v6 =	vpop (erf)  }
0xd7: {  	v26 =	vld [tilespmem:s17+$0x4130];
	v10 =	vmul.f32 $5.129898550e+00, v10;
	v1 =	vperm.xlane v0, v4;
	v4 =	vpop (erf)  }
0xd8: {  	v27 =	vld [tilespmem:s17+$0x41B0];
	v11 =	vmul.f32 $5.129898550e+00, v11;
	v16 =	vmul.f32 $5.129898550e+00, v5;
	v5 =	vpop (erf)  }
0xd9: {  	v12 =	vmul.f32 $5.129898550e+00, v12;
	v13 =	vmul.f32 $5.129898550e+00, v13;
	v35 =	vpop (erf)  }
0xda: {  	v15 =	vperm.xlane v0, v15;
	v17 =	vperm.xlane v0, v17;
	v19 =	vadd.f32 $-1.000000000e+00, v35;
	v20 =	vpop (erf)  }
0xdb: {  	v14 =	vmul.f32 $5.129898550e+00, v14;
	v9 =	vperm.xlane v0, v9;
	v20 =	vadd.f32 $-1.000000000e+00, v20;
	v21 =	vpop (erf)  }
0xdc: {  	v28 =	vld [tilespmem:s17+$0x4230];
	v56 =	vperm.xlane v0, v26;
	v15 =	vmul.f32 v19, v15;
	v36 =	vadd.f32 $-1.000000000e+00, v21  }
0xdd: {  	v18 =	vsub.f32 $1.000000000e+00, v34;
	v57 =	vperm.xlane v0, v27;
	v9 =	vmul.f32 v20, v9  }
0xde: {  	v15 =	vmul.f32 $1.442695020e+00, v15;
	v17 =	vmul.f32 v36, v17;
	v39 =	vpop (erf)  }
0xdf: {  	v7 =	vld [tilespmem:s17+$0x2120];
	v9 =	vmul.f32 $1.442695020e+00, v9;
	v18 =	vmul.f32 v39, v18  }
0xe0: {  	v40 =	vld [tilespmem:s17+$0x21B0];
	v17 =	vmul.f32 $1.442695020e+00, v17;
	(erf) = vpow2.f32 v15  }
0xe1: {  	v58 =	vperm.xlane v0, v28;
	v8 =	vld [tilespmem:s17+$0x21A0];
	(erf) = vpow2.f32 v9  }
0xe2: {  	v41 =	vld [tilespmem:s17+$0x80];
	v10 =	vmul.f32 $1.442695020e+00, v10;
	v9 =	vsub.f32 $1.000000000e+00, v18;
	(erf) = vpow2.f32 v17  }
0xe3: {  	s22 =	sor.u32 $0x300, s3;
	v42 =	vld [tilespmem:s17+$0x100];
	v11 =	vmul.f32 $1.442695020e+00, v11;
	v14 =	vmul.f32 $1.442695020e+00, v14  }
0xe4: {  	v22 =	vld [tilespmem:s17+$0x180];
	v16 =	vmul.f32 $1.442695020e+00, v16;
	v7 =	vmul.f32 $5.129898550e+00, v7;
	[tilespmem:s18+$0x6080] =	vst v9  }
0xe5: {  	v9 =	vmul.f32 $1.442695020e+00, v12;
	v12 =	vmul.f32 $1.442695020e+00, v13;
	v13 =	vld [tilespmem:s22+$0x2080]  }
0xe6: {  	v8 =	vmul.f32 $5.129898550e+00, v8;
	(erf) = vpow2.f32 v16  }
0xe7: {  	v7 =	vmul.f32 $1.442695020e+00, v7;
	(erf) = vpow2.f32 v10  }
0xe8: {  	v38 =	vld [tilespmem:s17+$0x2130];
	v8 =	vmul.f32 $1.442695020e+00, v8;
	v16 =	vsub.f32 $1.000000000e+00, v41;
	(erf) = vpow2.f32 v11  }
0xe9: {  	v37 =	vld [tilespmem:s17+$0x20B0];
	v43 =	vsub.f32 $1.000000000e+00, v42;
	v19 =	vmul.f32 $5.129898550e+00, v40;
	(erf) = vpow2.f32 v9;
	v44 =	vpop (erf)  }
0xea: {  	v45 =	vsub.f32 $1.000000000e+00, v22;
	v15 =	vld [tilespmem:s17+$0x2230];
	v9 =	vmul.f32 $5.129898550e+00, v13;
	v16 =	vmul.f32 v44, v16;
	v46 =	vpop (erf)  }
0xeb: {  	(erf) = vpow2.f32 v12;
	v18 =	vmul.f32 v46, v43;
	v47 =	vpop (erf)  }
0xec: {  	v10 =	vld [tilespmem:s17+$0x4090];
	v9 =	vmul.f32 $1.442695020e+00, v9;
	v16 =	vsub.f32 $1.000000000e+00, v16;
	v21 =	vmul.f32 v47, v45  }
0xed: {  	v20 =	vmul.f32 $5.129898550e+00, v38;
	v11 =	vld [tilespmem:s17+$0x4110];
	(erf) = vpow2.f32 v7;
	v18 =	vsub.f32 $1.000000000e+00, v18  }
0xee: {  	v17 =	vmul.f32 $5.129898550e+00, v37;
	v12 =	vld [tilespmem:s17+$0x4210];
	(erf) = vpow2.f32 v9;
	[tilespmem:s17+$0x6080] =	vst v16;
	v16 =	vsub.f32 $1.000000000e+00, v21  }
0xef: {  	s23 =	sor.u32 s21, s10;
	v19 =	vmul.f32 $1.442695020e+00, v19;
	v15 =	vmul.f32 $5.129898550e+00, v15;
	v7 =	vld [tilespmem:s17+$0x4120];
	[tilespmem:s17+$0x6100] =	vst v18  }
0xf0: {  	s3 =	sor.u32 $0x180, s23;
	v20 =	vmul.f32 $1.442695020e+00, v20;
	v17 =	vmul.f32 $1.442695020e+00, v17;
	v13 =	vld [tilespmem:s17+$0x4190];
	[tilespmem:s17+$0x6180] =	vst v16  }
0xf1: {  	v15 =	vmul.f32 $1.442695020e+00, v15;
	v10 =	vperm.xlane v0, v10;
	v50 =	vpop (erf);
	v24 =	vld [tilespmem:s3+$0x2080]  }
0xf2: {  	v49 =	vld [tilespmem:s17+$0x40B0];
	v11 =	vperm.xlane v0, v11;
	v51 =	vpop (erf);
	(erf) = vpow2.f32 v8  }
0xf3: {  	v25 =	vld [tilespmem:s22+$0x4080];
	v12 =	vperm.xlane v0, v12;
	v8 =	vpop (erf);
	(erf) = vpow2.f32 v14  }
0xf4: {  	v23 =	vld [tilespmem:s17+$0x40A0];
	v7 =	vperm.xlane v0, v7;
	v14 =	vpop (erf);
	(erf) = vpow2.f32 v17  }
0xf5: {  	v13 =	vperm.xlane v0, v13;
	v52 =	vpop (erf);
	(erf) = vpow2.f32 v20  }
0xf6: {  	v48 =	vld [tilespmem:s17+$0x4220];
	v53 =	vpop (erf);
	(erf) = vpow2.f32 v19;
	v54 =	vmul.f32 $5.129898550e+00, v24  }
0xf7: {  	v22 =	vadd.f32 $-1.000000000e+00, v50;
	v18 =	vperm.xlane v0, v49;
	(erf) = vpow2.f32 v15;
	v55 =	vpop (erf)  }
0xf8: {  	v15 =	vperm.xlane v0, v25;
	v24 =	vadd.f32 $-1.000000000e+00, v55;
	v19 =	vmul.f32 $1.442695020e+00, v54  }
0xf9: {  	v9 =	vld [tilespmem:s17+$0x41A0];
	v10 =	vmul.f32 v22, v10;
	v16 =	vperm.xlane v0, v23  }
0xfa: {  	v15 =	vmul.f32 v24, v15;
	(erf) = vpow2.f32 v19  }
0xfb: {  	v23 =	vadd.f32 $-1.000000000e+00, v51;
	v8 =	vadd.f32 $-1.000000000e+00, v8;
	v17 =	vperm.xlane v0, v48  }
0xfc: {  	v10 =	vmul.f32 $1.442695020e+00, v10;
	v60 =	vpop (erf);
	v15 =	vmul.f32 $1.442695020e+00, v15  }
0xfd: {  	v14 =	vadd.f32 $-1.000000000e+00, v14;
	v27 =	vld [tilespmem:s3+$0x4080];
	v11 =	vmul.f32 v23, v11;
	v8 =	vmul.f32 v8, v13;
	v61 =	vpop (erf)  }
0xfe: {  	v59 =	vadd.f32 $-1.000000000e+00, v52;
	v9 =	vperm.xlane v0, v9;
	v62 =	vpop (erf);
	(erf) = vpow2.f32 v15  }
0xff: {  	v13 =	vadd.f32 $-1.000000000e+00, v53;
	v12 =	vmul.f32 v14, v12;
	v11 =	vmul.f32 $1.442695020e+00, v11  }
0x100: {  	v8 =	vmul.f32 $1.442695020e+00, v8;
	v14 =	vadd.f32 $-1.000000000e+00, v60;
	v15 =	vmul.f32 v59, v16;
	v16 =	vpop (erf)  }
0x101: {  	v29 =	vld [tilespmem:s22+$0x80];
	v7 =	vmul.f32 v13, v7;
	v12 =	vmul.f32 $1.442695020e+00, v12;
	v13 =	vadd.f32 $-1.000000000e+00, v61;
	v63 =	vpop (erf)  }
0x102: {  	v20 =	vperm.xlane v0, v27;
	v9 =	vmul.f32 v14, v9;
	v14 =	vadd.f32 $-1.000000000e+00, v62;
	v28 =	vpop (erf)  }
0x103: {  	v7 =	vmul.f32 $1.442695020e+00, v7;
	v13 =	vmul.f32 v13, v17;
	v31 =	vpop (erf)  }
0x104: {  	v14 =	vmul.f32 v14, v18;
	(erf) = vpow2.f32 v10;
	v19 =	vadd.f32 $-1.000000000e+00, v31  }
0x105: {  	v9 =	vmul.f32 $1.442695020e+00, v9;
	(erf) = vpow2.f32 v11  }
0x106: {  	v10 =	vsub.f32 $1.000000000e+00, v29;
	(erf) = vpow2.f32 v8;
	v19 =	vmul.f32 v19, v20  }
0x107: {  	v15 =	vmul.f32 $1.442695020e+00, v15;
	(erf) = vpow2.f32 v12;
	v11 =	vpop (erf)  }
0x108: {  	v32 =	vld [tilespmem:s17+$0x90];
	v16 =	vadd.f32 $-1.000000000e+00, v16;
	v8 =	vmul.f32 v11, v10;
	v11 =	vmul.f32 $1.442695020e+00, v19  }
0x109: {  	v33 =	vld [tilespmem:s17+$0x110];
	v13 =	vmul.f32 $1.442695020e+00, v13;
	v17 =	vadd.f32 $-1.000000000e+00, v63;
	(erf) = vpow2.f32 v15  }
0x10a: {  	v34 =	vld [tilespmem:s17+$0x190];
	v16 =	vmul.f32 v16, v56;
	(erf) = vpow2.f32 v11  }
0x10b: {  	v14 =	vmul.f32 $1.442695020e+00, v14;
	v17 =	vmul.f32 v17, v57;
	v12 =	vld [tilespmem:s17+$0xA0]  }
0x10c: {  	v16 =	vmul.f32 $1.442695020e+00, v16;
	v10 =	vld [tilespmem:s17+$0x210];
	v8 =	vsub.f32 $1.000000000e+00, v8;
	(erf) = vpow2.f32 v7  }
0x10d: {  	s1 =	sor.u32 s12, s5;
	v17 =	vmul.f32 $1.442695020e+00, v17;
	(erf) = vpow2.f32 v9;
	v9 =	vld [tilespmem:s3+$0x80]  }
0x10e: {  	s9 =	sor.u32 $0x380, s1;
	v30 =	vadd.f32 $-1.000000000e+00, v28;
	v15 =	vld [tilespmem:s17+$0x120];
	[tilespmem:s22+$0x6080] =	vst v8;
	(erf) = vpow2.f32 v13;
	v13 =	vpop (erf)  }
0x10f: {  	v35 =	vsub.f32 $1.000000000e+00, v32;
	v7 =	vld [tilespmem:s9+$0x2080];
	(erf) = vpow2.f32 v14;
	v14 =	vpop (erf)  }
0x110: {  	v18 =	vmul.f32 v30, v58;
	v11 =	vld [tilespmem:s17+$0x1A0];
	v8 =	vsub.f32 $1.000000000e+00, v34;
	(erf) = vpow2.f32 v16;
	v16 =	vpop (erf)  }
0x111: {  	v21 =	vsub.f32 $1.000000000e+00, v33;
	v10 =	vsub.f32 $1.000000000e+00, v10;
	(erf) = vpow2.f32 v17;
	v17 =	vpop (erf)  }
0x112: {  	v18 =	vmul.f32 $1.442695020e+00, v18;
	v8 =	vmul.f32 v16, v8;
	v9 =	vsub.f32 $1.000000000e+00, v9;
	v16 =	vpop (erf)  }
0x113: {  	v15 =	vsub.f32 $1.000000000e+00, v15;
	v14 =	vmul.f32 v14, v21;
	v10 =	vmul.f32 v17, v10;
	v17 =	vpop (erf)  }
0x114: {  	v38 =	vld [tilespmem:s17+$0x130];
	v12 =	vsub.f32 $1.000000000e+00, v12;
	v7 =	vmul.f32 $5.129898550e+00, v7;
	v9 =	vmul.f32 v17, v9  }
0x115: {  	v13 =	vmul.f32 v13, v35;
	v11 =	vsub.f32 $1.000000000e+00, v11;
	v14 =	vsub.f32 $1.000000000e+00, v14  }
0x116: {  	v12 =	vmul.f32 v16, v12;
	v7 =	vmul.f32 $1.442695020e+00, v7;
	v16 =	vpop (erf);
	v9 =	vsub.f32 $1.000000000e+00, v9  }
0x117: {  	v39 =	vld [tilespmem:s17+$0x1B0];
	(erf) = vpow2.f32 v18;
	v8 =	vsub.f32 $1.000000000e+00, v8;
	[tilespmem:s17+$0x6110] =	vst v14;
	v14 =	vmul.f32 v16, v15;
	v15 =	vpop (erf)  }
0x118: {  	(erf) = vpow2.f32 v7;
	v11 =	vmul.f32 v15, v11;
	v15 =	vpop (erf)  }
0x119: {  	v36 =	vld [tilespmem:s17+$0x220];
	v13 =	vsub.f32 $1.000000000e+00, v13;
	[tilespmem:s17+$0x6190] =	vst v8;
	v8 =	vsub.f32 $1.000000000e+00, v38;
	v16 =	vpop (erf)  }
0x11a: {  	p2 =	por !p2, !p2;
	s1 =	simm.s32 $0x1;
	v6 =	vadd.f32 $-1.000000000e+00, v6;
	v37 =	vld [tilespmem:s17+$0xB0];
	v10 =	vsub.f32 $1.000000000e+00, v10;
	[tilespmem:s3+$0x6080] =	vst v9;
	v9 =	vpop (erf)  }
0x11b: {  	s1 =	simm.s32 @!p2 $0x0;
	v4 =	vadd.f32 $-1.000000000e+00, v4;
	[tilespmem:s17+$0x6090] =	vst v13;
	v14 =	vsub.f32 $1.000000000e+00, v14;
	v8 =	vmul.f32 v9, v8  }
0x11c: {  	s1 =	sshll.u32 s1, $0x6;
	v3 =	vmul.f32 v6, v3;
	v13 =	vld [tilespmem:s17+$0x230];
	[tilespmem:s17+$0x6210] =	vst v10;
	v10 =	vsub.f32 $1.000000000e+00, v39  }
0x11d: {  	s1 =	sadd.s32 $0x200, s1;
	v5 =	vadd.f32 $-1.000000000e+00, v5;
	v2 =	vmul.f32 v4, v2;
	[tilespmem:s17+$0x6120] =	vst v14;
	v14 =	vld [tilespmem:s9+$0x4080];
	v9 =	vpop (erf);
	v4 =	vsub.f32 $1.000000000e+00, v8  }
0x11e: {  	s24 =	sor.u32 $0x200, s1;
	v20 =	vsub.f32 $1.000000000e+00, v36;
	v12 =	vsub.f32 $1.000000000e+00, v12;
	v9 =	vmul.f32 v9, v10  }
0x11f: {  	v3 =	vmul.f32 $1.442695020e+00, v3;
	v7 =	vsub.f32 $1.000000000e+00, v37;
	v6 =	vsub.f32 $1.000000000e+00, v11;
	v11 =	vld [tilespmem:s24+$0x2080]  }
0x120: {  	s12 =	sadd.s32 $0x10, s1;
	v1 =	vmul.f32 v5, v1;
	[tilespmem:s17+$0x60A0] =	vst v12;
	v15 =	vmul.f32 v15, v20;
	v10 =	vpop (erf);
	v5 =	vsub.f32 $1.000000000e+00, v9  }
0x121: {  	s25 =	sor.u32 $0x200, s12;
	v12 =	vsub.f32 $1.000000000e+00, v13;
	v7 =	vmul.f32 v16, v7;
	(erf) = vpow2.f32 v3;
	[tilespmem:s17+$0x6130] =	vst v4;
	v4 =	vpop (erf)  }
0x122: {  	v13 =	vsub.f32 $1.000000000e+00, v15;
	v3 =	vld [tilespmem:s25+$0x2080];
	[tilespmem:s17+$0x61B0] =	vst v5;
	v5 =	vperm.xlane v0, v14;
	v4 =	vadd.f32 $-1.000000000e+00, v4  }
0x123: {  	s15 =	sadd.s32 $0x20, s1;
	v2 =	vmul.f32 $1.442695020e+00, v2;
	v7 =	vsub.f32 $1.000000000e+00, v7;
	[tilespmem:s17+$0x61A0] =	vst v6;
	v6 =	vmul.f32 v10, v12  }
0x124: {  	s26 =	sor.u32 $0x200, s15;
	[tilespmem:s17+$0x6220] =	vst v13;
	v8 =	vmul.f32 $5.129898550e+00, v11;
	v9 =	vld [tilespmem:s13+$0x80];
	v4 =	vmul.f32 v4, v5  }
0x125: {  	v1 =	vmul.f32 $1.442695020e+00, v1;
	[tilespmem:s17+$0x60B0] =	vst v7;
	v7 =	vld [tilespmem:s26+$0x2080];
	(erf) = vpow2.f32 v2;
	v6 =	vsub.f32 $1.000000000e+00, v6  }
0x126: {  	s16 =	sadd.s32 $0x30, s1;
	v2 =	vmul.f32 $1.442695020e+00, v8;
	v4 =	vmul.f32 $1.442695020e+00, v4  }
0x127: {  	s18 =	sor.u32 $0x200, s16;
	(erf) = vpow2.f32 v1;
	[tilespmem:s17+$0x6230] =	vst v6;
	v3 =	vmul.f32 $5.129898550e+00, v3  }
0x128: {  	v1 =	vld [tilespmem:s18+$0x2080];
	(erf) = vpow2.f32 v2  }
0x129: {  	v3 =	vmul.f32 $1.442695020e+00, v3;
	v6 =	vsub.f32 $1.000000000e+00, v9  }
0x12a: {  	v2 =	vmul.f32 $5.129898550e+00, v7;
	v5 =	vld [tilespmem:s19+$0x80];
	(erf) = vpow2.f32 v4;
	v4 =	vpop (erf)  }
0x12b: {  	(erf) = vpow2.f32 v3;
	v3 =	vmul.f32 v4, v6;
	_ =	sdelay $0x1  }
0x12c: {  	v2 =	vmul.f32 $1.442695020e+00, v2;
	v1 =	vmul.f32 $5.129898550e+00, v1;
	v4 =	vld [tilespmem:s24+$0x4080];
	v3 =	vsub.f32 $1.000000000e+00, v3;
	_ =	sdelay $0x1  }
0x12d: {  	v1 =	vmul.f32 $1.442695020e+00, v1;
	v5 =	vsub.f32 $1.000000000e+00, v5;
	(erf) = vpow2.f32 v2;
	v2 =	vld [tilespmem:s14+$0x80];
	v6 =	vpop (erf)  }
0x12e: {  	v8 =	vpop (erf)  }
0x12f: {  	v7 =	vld [tilespmem:s25+$0x4080];
	(erf) = vpow2.f32 v1;
	v1 =	vmul.f32 v6, v5;
	[tilespmem:s13+$0x6080] =	vst v3;
	v3 =	vpop (erf)  }
0x130: {  	v9 =	vld [tilespmem:s26+$0x4080];
	v4 =	vperm.xlane v0, v4;
	v3 =	vadd.f32 $-1.000000000e+00, v3  }
0x131: {  	v6 =	vsub.f32 $1.000000000e+00, v1  }
0x132: {  	s5 =	sor.u32 $0x300, s4;
	v2 =	vsub.f32 $1.000000000e+00, v2;
	v3 =	vmul.f32 v3, v4  }
0x133: {  	v5 =	vld [tilespmem:s5+$0x2080]  }
0x134: {  	v10 =	vld [tilespmem:s18+$0x4080];
	s13 =	sor.u32 $0x300, s8;
	[tilespmem:s19+$0x6080] =	vst v6;
	v2 =	vmul.f32 v8, v2;
	v1 =	vpop (erf);
	v3 =	vmul.f32 $1.442695020e+00, v3  }
0x135: {  	v6 =	vpop (erf);
	v4 =	vperm.xlane v0, v7;
	v7 =	vperm.xlane v0, v9;
	v9 =	vld [tilespmem:s13+$0x2080]  }
0x136: {  	v6 =	vadd.f32 $-1.000000000e+00, v6;
	v11 =	vpop (erf);
	(erf) = vpow2.f32 v3  }
0x137: {  	v2 =	vsub.f32 $1.000000000e+00, v2;
	v8 =	vadd.f32 $-1.000000000e+00, v11  }
0x138: {  	v5 =	vmul.f32 $5.129898550e+00, v5;
	v4 =	vmul.f32 v6, v4  }
0x139: {  	s2 =	sor.u32 $0x300, s0;
	[tilespmem:s14+$0x6080] =	vst v2;
	v6 =	vmul.f32 v8, v7;
	v8 =	vld [tilespmem:s24+$0x80];
	v3 =	vperm.xlane v0, v10;
	v7 =	vpop (erf)  }
0x13a: {  	v4 =	vmul.f32 $1.442695020e+00, v4;
	v7 =	vadd.f32 $-1.000000000e+00, v7;
	v2 =	vmul.f32 $5.129898550e+00, v9;
	v9 =	vld [tilespmem:s2+$0x2080]  }
0x13b: {  	v5 =	vmul.f32 $1.442695020e+00, v5;
	v6 =	vmul.f32 $1.442695020e+00, v6  }
0x13c: {  	(erf) = vpow2.f32 v4;
	v3 =	vmul.f32 v7, v3  }
0x13d: {  	v2 =	vmul.f32 $1.442695020e+00, v2;
	(erf) = vpow2.f32 v6  }
0x13e: {  	(erf) = vpow2.f32 v5;
	v4 =	vsub.f32 $1.000000000e+00, v8;
	v3 =	vmul.f32 $1.442695020e+00, v3  }
0x13f: {  	(erf) = vpow2.f32 v2;
	v5 =	vmul.f32 $5.129898550e+00, v9;
	v6 =	vpop (erf)  }
0x140: {  	v7 =	vld [tilespmem:s18+$0x80];
	(erf) = vpow2.f32 v3;
	v4 =	vmul.f32 v6, v4  }
0x141: {  	v2 =	vld [tilespmem:s25+$0x80];
	v5 =	vmul.f32 $1.442695020e+00, v5  }
0x142: {  	v3 =	vld [tilespmem:s26+$0x80];
	v4 =	vsub.f32 $1.000000000e+00, v4  }
0x143: {  	v8 =	vld [tilespmem:s13+$0x4080]  }
0x144: {  	v6 =	vld [tilespmem:s5+$0x4080]  }
0x145: {  	(erf) = vpow2.f32 v5;
	v5 =	vpop (erf)  }
0x146: {  	v2 =	vsub.f32 $1.000000000e+00, v2;
	[tilespmem:s24+$0x6080] =	vst v4;
	v4 =	vpop (erf)  }
0x147: {  	s14 =	sor.u32 $0x280, s1;
	v7 =	vsub.f32 $1.000000000e+00, v7;
	v3 =	vsub.f32 $1.000000000e+00, v3;
	v10 =	vpop (erf)  }
0x148: {  	v8 =	vperm.xlane v0, v8;
	v2 =	vmul.f32 v5, v2;
	v9 =	vld [tilespmem:s14+$0x2080];
	v5 =	vadd.f32 $-1.000000000e+00, v10;
	v10 =	vpop (erf)  }
0x149: {  	v6 =	vperm.xlane v0, v6;
	v3 =	vmul.f32 v4, v3;
	v4 =	vpop (erf);
	v10 =	vadd.f32 $-1.000000000e+00, v10  }
0x14a: {  	v4 =	vmul.f32 v4, v7  }
0x14b: {  	v11 =	vld [tilespmem:s2+$0x4080];
	v2 =	vsub.f32 $1.000000000e+00, v2;
	v5 =	vmul.f32 v5, v6;
	v6 =	vmul.f32 v10, v8  }
0x14c: {  	v3 =	vsub.f32 $1.000000000e+00, v3  }
0x14d: {  	s21 =	sor.u32 $0x280, s12;
	[tilespmem:s25+$0x6080] =	vst v2;
	v2 =	vmul.f32 $5.129898550e+00, v9;
	v4 =	vsub.f32 $1.000000000e+00, v4  }
0x14e: {  	s24 =	sor.u32 $0x280, s15;
	v7 =	vld [tilespmem:s21+$0x2080];
	[tilespmem:s26+$0x6080] =	vst v3;
	v5 =	vmul.f32 $1.442695020e+00, v5  }
0x14f: {  	s28 =	simm.s32 $0x80;
	s29 =	simm.s32 $0x400;
	s17 =	sor.u32 $0x280, s16;
	v8 =	vld [tilespmem:s24+$0x2080];
	v2 =	vmul.f32 $1.442695020e+00, v2;
	v3 =	vmul.f32 $1.442695020e+00, v6;
	[tilespmem:s18+$0x6080] =	vst v4;
	v6 =	vpop (erf)  }
0x150: {  	s20 =	sand.u32 $0xC00, s29;
	s19 =	sand.u32 $0x40, s28;
	(erf) = vpow2.f32 v5;
	v4 =	vperm.xlane v0, v11;
	v5 =	vadd.f32 $-1.000000000e+00, v6;
	v6 =	vld [tilespmem:s17+$0x2080]  }
0x151: {  	s22 =	sor.u32 s19, s20;
	(erf) = vpow2.f32 v3  }
0x152: {  	v12 =	vld [tilespmem:s22+$0x2090];
	(erf) = vpow2.f32 v2;
	v2 =	vmul.f32 v5, v4  }
0x153: {  	v13 =	vld [tilespmem:s22+$0x2110];
	v3 =	vmul.f32 $5.129898550e+00, v7  }
0x154: {  	v4 =	vld [tilespmem:s22+$0x2080];
	v5 =	vmul.f32 $5.129898550e+00, v8;
	v2 =	vmul.f32 $1.442695020e+00, v2  }
0x155: {  	v7 =	vld [tilespmem:s22+$0x2100];
	v3 =	vmul.f32 $1.442695020e+00, v3;
	v6 =	vmul.f32 $5.129898550e+00, v6  }
0x156: {  	v8 =	vld [tilespmem:s22+$0x2180];
	(erf) = vpow2.f32 v2;
	v2 =	vmul.f32 $1.442695020e+00, v5  }
0x157: {  	v5 =	vld [tilespmem:s14+$0x4080]  }
0x158: {  	v14 =	vld [tilespmem:s22+$0x2190];
	(erf) = vpow2.f32 v3;
	v6 =	vmul.f32 $1.442695020e+00, v6  }
0x159: {  	v15 =	vld [tilespmem:s22+$0x2210];
	v4 =	vmul.f32 $5.129898550e+00, v4;
	v3 =	vpop (erf);
	(erf) = vpow2.f32 v2  }
0x15a: {  	v16 =	vld [tilespmem:s22+$0x20A0];
	v7 =	vmul.f32 $5.129898550e+00, v7;
	(erf) = vpow2.f32 v6;
	v2 =	vpop (erf)  }
0x15b: {  	v17 =	vld [tilespmem:s22+$0x21A0];
	v4 =	vmul.f32 $1.442695020e+00, v4;
	v6 =	vmul.f32 $5.129898550e+00, v8;
	v8 =	vpop (erf)  }
0x15c: {  	v40 =	vld [tilespmem:s22+$0x4080];
	v7 =	vmul.f32 $1.442695020e+00, v7;
	v5 =	vperm.xlane v0, v5;
	v8 =	vadd.f32 $-1.000000000e+00, v8  }
0x15d: {  	v41 =	vld [tilespmem:s22+$0x4100];
	v6 =	vmul.f32 $1.442695020e+00, v6;
	(erf) = vpow2.f32 v4  }
0x15e: {  	v42 =	vld [tilespmem:s22+$0x4180];
	(erf) = vpow2.f32 v7;
	v4 =	vmul.f32 v8, v5  }
0x15f: {  	v10 =	vld [tilespmem:s24+$0x4080];
	(erf) = vpow2.f32 v6  }
0x160: {  	v11 =	vld [tilespmem:s17+$0x4080];
	v5 =	vmul.f32 $1.442695020e+00, v4  }
0x161: {  	v47 =	vld [tilespmem:s22+$0x20B0];
	v12 =	vmul.f32 $5.129898550e+00, v12;
	v13 =	vmul.f32 $5.129898550e+00, v13  }
0x162: {  	v49 =	vld [tilespmem:s22+$0x2130];
	v14 =	vmul.f32 $5.129898550e+00, v14;
	v4 =	vpop (erf);
	(erf) = vpow2.f32 v5  }
0x163: {  	v30 =	vld [tilespmem:s22+$0x4120];
	v15 =	vmul.f32 $5.129898550e+00, v15;
	v16 =	vmul.f32 $5.129898550e+00, v16;
	v19 =	vpop (erf)  }
0x164: {  	v17 =	vmul.f32 $5.129898550e+00, v17;
	v43 =	vld [tilespmem:s14+$0x80];
	v6 =	vperm.xlane v0, v10;
	v10 =	vpop (erf)  }
0x165: {  	v18 =	vperm.xlane v0, v40;
	v9 =	vld [tilespmem:s21+$0x4080];
	v5 =	vperm.xlane v0, v11;
	v11 =	vpop (erf)  }
0x166: {  	v20 =	vperm.xlane v0, v41;
	v21 =	vperm.xlane v0, v42;
	v44 =	vpop (erf)  }
0x167: {  	v26 =	vmul.f32 $5.129898550e+00, v47;
	v55 =	vmul.f32 $5.129898550e+00, v49;
	v23 =	vadd.f32 $-1.000000000e+00, v44;
	v45 =	vpop (erf)  }
0x168: {  	v30 =	vperm.xlane v0, v30;
	v12 =	vmul.f32 $1.442695020e+00, v12;
	v24 =	vadd.f32 $-1.000000000e+00, v45;
	v46 =	vpop (erf)  }
0x169: {  	v13 =	vmul.f32 $1.442695020e+00, v13;
	v18 =	vmul.f32 v23, v18;
	v48 =	vadd.f32 $-1.000000000e+00, v46  }
0x16a: {  	v56 =	vld [tilespmem:s22+$0x80];
	v22 =	vsub.f32 $1.000000000e+00, v43;
	v7 =	vperm.xlane v0, v9;
	v20 =	vmul.f32 v24, v20  }
0x16b: {  	v42 =	vld [tilespmem:s22+$0x4230];
	v18 =	vmul.f32 $1.442695020e+00, v18;
	v21 =	vmul.f32 v48, v21;
	v50 =	vpop (erf)  }
0x16c: {  	v9 =	vld [tilespmem:s22+$0x2220];
	v20 =	vmul.f32 $1.442695020e+00, v20;
	v22 =	vmul.f32 v50, v22  }
0x16d: {  	v8 =	vld [tilespmem:s22+$0x2120];
	v21 =	vmul.f32 $1.442695020e+00, v21;
	(erf) = vpow2.f32 v18  }
0x16e: {  	v57 =	vld [tilespmem:s22+$0x100];
	v14 =	vmul.f32 $1.442695020e+00, v14;
	(erf) = vpow2.f32 v20;
	v54 =	vsub.f32 $1.000000000e+00, v22  }
0x16f: {  	v58 =	vld [tilespmem:s22+$0x180];
	v15 =	vmul.f32 $1.442695020e+00, v15;
	(erf) = vpow2.f32 v21  }
0x170: {  	v38 =	vld [tilespmem:s22+$0x40B0];
	s1 =	sor.u32 $0x300, s1;
	v16 =	vmul.f32 $1.442695020e+00, v16;
	v17 =	vmul.f32 $1.442695020e+00, v17;
	[tilespmem:s14+$0x6080] =	vst v54  }
0x171: {  	v26 =	vmul.f32 $1.442695020e+00, v26;
	v9 =	vmul.f32 $5.129898550e+00, v9;
	v20 =	vld [tilespmem:s1+$0x2080]  }
0x172: {  	v28 =	vperm.xlane v0, v42;
	v8 =	vmul.f32 $5.129898550e+00, v8  }
0x173: {  	v9 =	vmul.f32 $1.442695020e+00, v9;
	(erf) = vpow2.f32 v12  }
0x174: {  	v25 =	vsub.f32 $1.000000000e+00, v56;
	v8 =	vmul.f32 $1.442695020e+00, v8;
	(erf) = vpow2.f32 v13  }
0x175: {  	v52 =	vld [tilespmem:s22+$0x2230];
	v27 =	vsub.f32 $1.000000000e+00, v58;
	v44 =	vperm.xlane v0, v38;
	(erf) = vpow2.f32 v14  }
0x176: {  	v21 =	vsub.f32 $1.000000000e+00, v57;
	(erf) = vpow2.f32 v15;
	v29 =	vpop (erf);
	v15 =	vmul.f32 $5.129898550e+00, v20  }
0x177: {  	v51 =	vld [tilespmem:s22+$0x21B0];
	v10 =	vadd.f32 $-1.000000000e+00, v10;
	(erf) = vpow2.f32 v16;
	v25 =	vmul.f32 v29, v25;
	v61 =	vpop (erf)  }
0x178: {  	v40 =	vld [tilespmem:s22+$0x41B0];
	v11 =	vadd.f32 $-1.000000000e+00, v11;
	v21 =	vmul.f32 v61, v21;
	v62 =	vpop (erf);
	v15 =	vmul.f32 $1.442695020e+00, v15  }
0x179: {  	v60 =	vld [tilespmem:s22+$0x4210];
	(erf) = vpow2.f32 v8;
	v25 =	vsub.f32 $1.000000000e+00, v25;
	v27 =	vmul.f32 v62, v27  }
0x17a: {  	v23 =	vmul.f32 $5.129898550e+00, v52;
	v12 =	vld [tilespmem:s22+$0x4090];
	v21 =	vsub.f32 $1.000000000e+00, v21;
	(erf) = vpow2.f32 v15  }
0x17b: {  	v6 =	vmul.f32 v10, v6;
	v5 =	vmul.f32 v11, v5;
	v13 =	vld [tilespmem:s22+$0x4110];
	[tilespmem:s22+$0x6080] =	vst v25;
	v36 =	vsub.f32 $1.000000000e+00, v27  }
0x17c: {  	s3 =	sor.u32 s20, s28;
	v24 =	vmul.f32 $5.129898550e+00, v51;
	v23 =	vmul.f32 $1.442695020e+00, v23;
	v33 =	vld [tilespmem:s1+$0x4080];
	[tilespmem:s22+$0x6100] =	vst v21  }
0x17d: {  	s3 =	sor.u32 $0x180, s3;
	v18 =	vperm.xlane v0, v40;
	v22 =	vmul.f32 $1.442695020e+00, v55;
	v14 =	vld [tilespmem:s22+$0x4190];
	v31 =	vpop (erf);
	[tilespmem:s22+$0x6180] =	vst v36  }
0x17e: {  	v15 =	vmul.f32 $1.442695020e+00, v24;
	(erf) = vpow2.f32 v17;
	v17 =	vpop (erf);
	v25 =	vld [tilespmem:s3+$0x2080]  }
0x17f: {  	v37 =	vperm.xlane v0, v12;
	(erf) = vpow2.f32 v9;
	v32 =	vpop (erf)  }
0x180: {  	v13 =	vperm.xlane v0, v13;
	(erf) = vpow2.f32 v26;
	v41 =	vpop (erf)  }
0x181: {  	v16 =	vld [tilespmem:s22+$0x40A0];
	v20 =	vperm.xlane v0, v60;
	(erf) = vpow2.f32 v22;
	v43 =	vpop (erf)  }
0x182: {  	v12 =	vadd.f32 $-1.000000000e+00, v19;
	v47 =	vperm.xlane v0, v33;
	(erf) = vpow2.f32 v15;
	v15 =	vpop (erf)  }
0x183: {  	v63 =	vld [tilespmem:s22+$0x4220];
	v14 =	vperm.xlane v0, v14;
	v45 =	vadd.f32 $-1.000000000e+00, v31;
	v25 =	vmul.f32 $5.129898550e+00, v25;
	v46 =	vpop (erf)  }
0x184: {  	v8 =	vld [tilespmem:s22+$0x41A0];
	v7 =	vmul.f32 v12, v7;
	v17 =	vadd.f32 $-1.000000000e+00, v17;
	v31 =	vadd.f32 $-1.000000000e+00, v46  }
0x185: {  	v53 =	vld [tilespmem:s5+$0x80];
	(erf) = vpow2.f32 v23;
	v25 =	vmul.f32 $1.442695020e+00, v25  }
0x186: {  	v39 =	vld [tilespmem:s22+$0x4130];
	v16 =	vperm.xlane v0, v16;
	v23 =	vmul.f32 v31, v47  }
0x187: {  	v7 =	vmul.f32 $1.442695020e+00, v7;
	(erf) = vpow2.f32 v25  }
0x188: {  	v13 =	vmul.f32 v17, v13;
	v17 =	vpop (erf);
	v23 =	vmul.f32 $1.442695020e+00, v23  }
0x189: {  	v34 =	vperm.xlane v0, v8;
	v24 =	vperm.xlane v0, v63;
	v48 =	vpop (erf)  }
0x18a: {  	v27 =	vmul.f32 v45, v37;
	v32 =	vadd.f32 $-1.000000000e+00, v32;
	v49 =	vpop (erf);
	(erf) = vpow2.f32 v23  }
0x18b: {  	v9 =	vsub.f32 $1.000000000e+00, v53;
	v21 =	vperm.xlane v0, v39;
	v26 =	vadd.f32 $-1.000000000e+00, v41;
	v53 =	vld [tilespmem:s3+$0x4080]  }
0x18c: {  	v27 =	vmul.f32 $1.442695020e+00, v27;
	v22 =	vadd.f32 $-1.000000000e+00, v43;
	v14 =	vmul.f32 v32, v14;
	v51 =	vpop (erf)  }
0x18d: {  	v56 =	vld [tilespmem:s1+$0x80];
	v15 =	vadd.f32 $-1.000000000e+00, v15;
	v20 =	vmul.f32 v26, v20;
	v13 =	vmul.f32 $1.442695020e+00, v13;
	v52 =	vpop (erf)  }
0x18e: {  	v16 =	vmul.f32 v22, v16;
	v14 =	vmul.f32 $1.442695020e+00, v14;
	v55 =	vpop (erf)  }
0x18f: {  	v15 =	vmul.f32 v15, v30;
	v23 =	vadd.f32 $-1.000000000e+00, v51;
	v58 =	vadd.f32 $-1.000000000e+00, v55  }
0x190: {  	v20 =	vmul.f32 $1.442695020e+00, v20;
	v26 =	vperm.xlane v0, v53;
	v61 =	vpop (erf)  }
0x191: {  	v21 =	vmul.f32 v23, v21;
	v23 =	vmul.f32 v58, v28;
	v28 =	vadd.f32 $-1.000000000e+00, v61  }
0x192: {  	v35 =	vsub.f32 $1.000000000e+00, v56;
	v16 =	vmul.f32 $1.442695020e+00, v16;
	(erf) = vpow2.f32 v27  }
0x193: {  	(erf) = vpow2.f32 v13;
	v26 =	vmul.f32 v28, v26;
	v13 =	vpop (erf)  }
0x194: {  	v59 =	vld [tilespmem:s13+$0x80];
	v17 =	vadd.f32 $-1.000000000e+00, v17;
	(erf) = vpow2.f32 v14;
	v13 =	vmul.f32 v13, v35  }
0x195: {  	v57 =	vld [tilespmem:s22+$0x90];
	v25 =	vadd.f32 $-1.000000000e+00, v48;
	(erf) = vpow2.f32 v20;
	v26 =	vmul.f32 $1.442695020e+00, v26  }
0x196: {  	v60 =	vld [tilespmem:s22+$0x190];
	v17 =	vmul.f32 v17, v34;
	(erf) = vpow2.f32 v16;
	v13 =	vsub.f32 $1.000000000e+00, v13  }
0x197: {  	s23 =	sor.u32 s11, s10;
	v62 =	vld [tilespmem:s22+$0x210];
	v15 =	vmul.f32 $1.442695020e+00, v15;
	v50 =	vadd.f32 $-1.000000000e+00, v49;
	(erf) = vpow2.f32 v26  }
0x198: {  	s11 =	sor.u32 $0x380, s23;
	v63 =	vld [tilespmem:s22+$0xA0];
	v24 =	vmul.f32 v25, v24;
	v17 =	vmul.f32 $1.442695020e+00, v17;
	[tilespmem:s1+$0x6080] =	vst v13  }
0x199: {  	v19 =	vmul.f32 v50, v44;
	v54 =	vadd.f32 $-1.000000000e+00, v52;
	(erf) = vpow2.f32 v15;
	v15 =	vld [tilespmem:s11+$0x2080]  }
0x19a: {  	v24 =	vmul.f32 $1.442695020e+00, v24;
	(erf) = vpow2.f32 v17;
	v17 =	vld [tilespmem:s3+$0x80]  }
0x19b: {  	v8 =	vsub.f32 $1.000000000e+00, v59;
	v36 =	vld [tilespmem:s22+$0x120];
	v18 =	vmul.f32 v54, v18;
	v19 =	vmul.f32 $1.442695020e+00, v19;
	v42 =	vpop (erf)  }
0x19c: {  	v59 =	vld [tilespmem:s22+$0x110];
	v39 =	vsub.f32 $1.000000000e+00, v62;
	v21 =	vmul.f32 $1.442695020e+00, v21;
	v45 =	vpop (erf);
	(erf) = vpow2.f32 v24  }
0x19d: {  	v41 =	vsub.f32 $1.000000000e+00, v63;
	v22 =	vsub.f32 $1.000000000e+00, v60;
	v14 =	vld [tilespmem:s22+$0x220];
	v47 =	vpop (erf);
	(erf) = vpow2.f32 v19  }
0x19e: {  	v30 =	vsub.f32 $1.000000000e+00, v57;
	v18 =	vmul.f32 $1.442695020e+00, v18;
	v49 =	vpop (erf);
	(erf) = vpow2.f32 v21  }
0x19f: {  	v37 =	vld [tilespmem:s22+$0x1A0];
	v23 =	vmul.f32 $1.442695020e+00, v23;
	v50 =	vpop (erf);
	v15 =	vmul.f32 $5.129898550e+00, v15;
	v17 =	vsub.f32 $1.000000000e+00, v17  }
0x1a0: {  	v16 =	vld [tilespmem:s22+$0x130];
	v44 =	vmul.f32 v42, v30;
	v13 =	vsub.f32 $1.000000000e+00, v36;
	(erf) = vpow2.f32 v18;
	v51 =	vpop (erf)  }
0x1a1: {  	v25 =	vsub.f32 $1.000000000e+00, v59;
	v15 =	vmul.f32 $1.442695020e+00, v15;
	v17 =	vmul.f32 v51, v17  }
0x1a2: {  	v38 =	vld [tilespmem:s22+$0xB0];
	v14 =	vsub.f32 $1.000000000e+00, v14;
	v22 =	vmul.f32 v47, v22;
	(erf) = vpow2.f32 v23  }
0x1a3: {  	v48 =	vsub.f32 $1.000000000e+00, v44;
	v55 =	vpop (erf);
	(erf) = vpow2.f32 v15;
	v15 =	vsub.f32 $1.000000000e+00, v17  }
0x1a4: {  	v40 =	vld [tilespmem:s22+$0x1B0];
	v53 =	vsub.f32 $1.000000000e+00, v22;
	v54 =	vmul.f32 v50, v41;
	v12 =	vmul.f32 v55, v13;
	v13 =	vpop (erf)  }
0x1a5: {  	v28 =	vsub.f32 $1.000000000e+00, v37;
	v16 =	vsub.f32 $1.000000000e+00, v16;
	v46 =	vmul.f32 v45, v25;
	[tilespmem:s22+$0x6090] =	vst v48;
	v17 =	vpop (erf)  }
0x1a6: {  	p2 =	por !p2, !p2;
	v43 =	vld [tilespmem:s22+$0x230];
	s1 =	simm.s32 $0x1;
	[tilespmem:s22+$0x6190] =	vst v53;
	v10 =	vsub.f32 $1.000000000e+00, v54;
	v11 =	vsub.f32 $1.000000000e+00, v12;
	v12 =	vmul.f32 v17, v14;
	v14 =	vpop (erf)  }
0x1a7: {  	v20 =	vsub.f32 $1.000000000e+00, v38;
	s1 =	simm.s32 @!p2 $0x0;
	v19 =	vmul.f32 v49, v39;
	v21 =	vsub.f32 $1.000000000e+00, v46;
	[tilespmem:s3+$0x6080] =	vst v15;
	v15 =	vpop (erf)  }
0x1a8: {  	s1 =	sshll.u32 s1, $0x6;
	[tilespmem:s22+$0x60A0] =	vst v10;
	v13 =	vmul.f32 v13, v28;
	v10 =	vsub.f32 $1.000000000e+00, v12;
	v12 =	vmul.f32 v15, v16  }
0x1a9: {  	v56 =	vld [tilespmem:s2+$0x80];
	v26 =	vsub.f32 $1.000000000e+00, v40;
	s1 =	sadd.s32 $0x400, s1;
	v19 =	vsub.f32 $1.000000000e+00, v19;
	[tilespmem:s22+$0x6110] =	vst v21  }
0x1aa: {  	s25 =	sor.u32 $0x200, s1;
	(erf) = vpow2.f32 v7;
	v13 =	vsub.f32 $1.000000000e+00, v13;
	[tilespmem:s22+$0x6120] =	vst v11;
	v11 =	vld [tilespmem:s11+$0x4080];
	v7 =	vsub.f32 $1.000000000e+00, v12  }
0x1ab: {  	v6 =	vmul.f32 $1.442695020e+00, v6;
	v52 =	vsub.f32 $1.000000000e+00, v43;
	s6 =	sadd.s32 $0x10, s1;
	[tilespmem:s22+$0x6210] =	vst v19;
	v17 =	vld [tilespmem:s25+$0x2080];
	v14 =	vmul.f32 v14, v20;
	v15 =	vpop (erf)  }
0x1ac: {  	v5 =	vmul.f32 $1.442695020e+00, v5;
	s23 =	sor.u32 $0x200, s6;
	[tilespmem:s22+$0x61A0] =	vst v13;
	v15 =	vmul.f32 v15, v26;
	v57 =	vpop (erf)  }
0x1ad: {  	s7 =	sadd.s32 $0x20, s1;
	(erf) = vpow2.f32 v6;
	v6 =	vld [tilespmem:s23+$0x2080];
	v14 =	vsub.f32 $1.000000000e+00, v14;
	v12 =	vmul.f32 v57, v52;
	[tilespmem:s22+$0x6220] =	vst v10  }
0x1ae: {  	v3 =	vmul.f32 v3, v9;
	s26 =	sor.u32 $0x200, s7;
	(erf) = vpow2.f32 v5;
	v16 =	vld [tilespmem:s9+$0x80];
	v15 =	vsub.f32 $1.000000000e+00, v15;
	[tilespmem:s22+$0x6130] =	vst v7;
	v7 =	vpop (erf)  }
0x1af: {  	[tilespmem:s22+$0x60B0] =	vst v14;
	v5 =	vld [tilespmem:s26+$0x2080];
	v9 =	vperm.xlane v0, v11;
	v12 =	vsub.f32 $1.000000000e+00, v12;
	v7 =	vadd.f32 $-1.000000000e+00, v7  }
0x1b0: {  	v2 =	vmul.f32 v2, v8;
	s18 =	sadd.s32 $0x30, s1;
	v13 =	vld [tilespmem:s21+$0x80];
	v10 =	vsub.f32 $1.000000000e+00, v56;
	v14 =	vmul.f32 $5.129898550e+00, v17;
	[tilespmem:s22+$0x61B0] =	vst v15  }
0x1b1: {  	s20 =	sor.u32 $0x200, s18;
	v17 =	vld [tilespmem:s24+$0x80];
	[tilespmem:s22+$0x6230] =	vst v12;
	v7 =	vmul.f32 v7, v9  }
0x1b2: {  	v2 =	vsub.f32 $1.000000000e+00, v2;
	v4 =	vmul.f32 v4, v10;
	v8 =	vmul.f32 $1.442695020e+00, v14;
	v10 =	vld [tilespmem:s20+$0x2080]  }
0x1b3: {  	v6 =	vmul.f32 $5.129898550e+00, v6;
	v11 =	vld [tilespmem:s17+$0x80];
	v12 =	vsub.f32 $1.000000000e+00, v16;
	v7 =	vmul.f32 $1.442695020e+00, v7  }
0x1b4: {  	v3 =	vsub.f32 $1.000000000e+00, v3;
	(erf) = vpow2.f32 v8;
	v5 =	vmul.f32 $5.129898550e+00, v5  }
0x1b5: {  	s31 =	sor.u32 $0x380, s8;
	[tilespmem:s13+$0x6080] =	vst v2;
	v6 =	vmul.f32 $1.442695020e+00, v6;
	v4 =	vsub.f32 $1.000000000e+00, v4;
	v1 =	vmul.f32 v1, v12  }
0x1b6: {  	s19 =	sor.u32 $0x380, s4;
	[tilespmem:s5+$0x6080] =	vst v3;
	v12 =	vsub.f32 $1.000000000e+00, v13;
	v13 =	vld [tilespmem:s31+$0x2080];
	v2 =	vmul.f32 $1.442695020e+00, v5;
	(erf) = vpow2.f32 v7  }
0x1b7: {  	v5 =	vld [tilespmem:s19+$0x2080];
	v10 =	vmul.f32 $5.129898550e+00, v10;
	(erf) = vpow2.f32 v6;
	v6 =	vsub.f32 $1.000000000e+00, v17;
	v7 =	vpop (erf)  }
0x1b8: {  	[tilespmem:s2+$0x6080] =	vst v4;
	(erf) = vpow2.f32 v2;
	v2 =	vsub.f32 $1.000000000e+00, v11;
	v4 =	vmul.f32 v7, v12;
	v7 =	vld [tilespmem:s25+$0x4080];
	v11 =	vpop (erf)  }
0x1b9: {  	s4 =	sor.u32 $0x380, s0;
	v8 =	vld [tilespmem:s26+$0x4080];
	v10 =	vmul.f32 $1.442695020e+00, v10;
	v6 =	vmul.f32 v11, v6  }
0x1ba: {  	v12 =	vld [tilespmem:s4+$0x2080];
	v4 =	vsub.f32 $1.000000000e+00, v4  }
0x1bb: {  	v14 =	vld [tilespmem:s11+$0x80];
	(erf) = vpow2.f32 v10;
	v11 =	vpop (erf)  }
0x1bc: {  	v3 =	vld [tilespmem:s20+$0x4080];
	v2 =	vmul.f32 v11, v2;
	[tilespmem:s21+$0x6080] =	vst v4;
	v4 =	vmul.f32 $5.129898550e+00, v5  }
0x1bd: {  	v9 =	vld [tilespmem:s23+$0x4080];
	v11 =	vmul.f32 $5.129898550e+00, v13;
	v5 =	vsub.f32 $1.000000000e+00, v6;
	v6 =	vpop (erf);
	v7 =	vperm.xlane v0, v7  }
0x1be: {  	s14 =	sor.u32 $0x300, s12;
	v2 =	vsub.f32 $1.000000000e+00, v2;
	v6 =	vadd.f32 $-1.000000000e+00, v6;
	v4 =	vmul.f32 $1.442695020e+00, v4  }
0x1bf: {  	s22 =	sor.u32 $0x300, s15;
	v8 =	vperm.xlane v0, v8;
	v10 =	vld [tilespmem:s14+$0x2080];
	v12 =	vmul.f32 $5.129898550e+00, v12;
	[tilespmem:s24+$0x6080] =	vst v5  }
0x1c0: {  	s13 =	sor.u32 $0x300, s16;
	v5 =	vmul.f32 $1.442695020e+00, v11;
	v11 =	vsub.f32 $1.000000000e+00, v14;
	[tilespmem:s17+$0x6080] =	vst v2;
	v14 =	vld [tilespmem:s22+$0x2080];
	v6 =	vmul.f32 v6, v7  }
0x1c1: {  	v3 =	vperm.xlane v0, v3;
	v2 =	vmul.f32 $1.442695020e+00, v12;
	v12 =	vld [tilespmem:s13+$0x2080];
	v7 =	vpop (erf)  }
0x1c2: {  	v9 =	vperm.xlane v0, v9;
	(erf) = vpow2.f32 v4;
	v4 =	vpop (erf)  }
0x1c3: {  	(erf) = vpow2.f32 v5;
	v5 =	vmul.f32 $1.442695020e+00, v6;
	v4 =	vadd.f32 $-1.000000000e+00, v4  }
0x1c4: {  	v15 =	vld [tilespmem:s26+$0x80];
	v7 =	vmul.f32 v7, v11;
	v10 =	vmul.f32 $5.129898550e+00, v10;
	v6 =	vpop (erf)  }
0x1c5: {  	(erf) = vpow2.f32 v5;
	v5 =	vld [tilespmem:s14+$0x4080];
	v6 =	vadd.f32 $-1.000000000e+00, v6;
	v4 =	vmul.f32 v4, v9  }
0x1c6: {  	v16 =	vld [tilespmem:s20+$0x80];
	v14 =	vmul.f32 $5.129898550e+00, v14;
	v12 =	vmul.f32 $5.129898550e+00, v12  }
0x1c7: {  	v17 =	vld [tilespmem:s25+$0x80];
	v6 =	vmul.f32 v6, v8;
	v8 =	vpop (erf);
	v4 =	vmul.f32 $1.442695020e+00, v4  }
0x1c8: {  	v13 =	vld [tilespmem:s23+$0x80];
	v9 =	vmul.f32 $1.442695020e+00, v10;
	v12 =	vmul.f32 $1.442695020e+00, v12;
	v8 =	vadd.f32 $-1.000000000e+00, v8  }
0x1c9: {  	v10 =	vld [tilespmem:s14+$0x80];
	v6 =	vmul.f32 $1.442695020e+00, v6;
	(erf) = vpow2.f32 v4  }
0x1ca: {  	v4 =	vld [tilespmem:s13+$0x4080];
	v59 =	vperm.xlane v0, v5;
	v3 =	vmul.f32 v8, v3  }
0x1cb: {  	v11 =	vld [tilespmem:s19+$0x4080];
	v8 =	vmul.f32 $1.442695020e+00, v14;
	(erf) = vpow2.f32 v6  }
0x1cc: {  	v14 =	vld [tilespmem:s22+$0x80];
	v3 =	vmul.f32 $1.442695020e+00, v3;
	(erf) = vpow2.f32 v9  }
0x1cd: {  	v6 =	vsub.f32 $1.000000000e+00, v15;
	v15 =	vsub.f32 $1.000000000e+00, v16;
	v16 =	vpop (erf);
	v9 =	vld [tilespmem:s31+$0x4080];
	(erf) = vpow2.f32 v8  }
0x1ce: {  	v5 =	vpop (erf);
	v16 =	vadd.f32 $-1.000000000e+00, v16;
	(erf) = vpow2.f32 v3;
	v3 =	vsub.f32 $1.000000000e+00, v10;
	v10 =	vld [tilespmem:s13+$0x80]  }
0x1cf: {  	v17 =	vsub.f32 $1.000000000e+00, v17;
	v62 =	vperm.xlane v0, v4  }
0x1d0: {  	v13 =	vsub.f32 $1.000000000e+00, v13;
	v60 =	vpop (erf);
	v4 =	vperm.xlane v0, v11;
	(erf) = vpow2.f32 v12  }
0x1d1: {  	v61 =	vadd.f32 $-1.000000000e+00, v5;
	v17 =	vmul.f32 v60, v17;
	v12 =	vld [tilespmem:s19+$0x80];
	(erf) = vpow2.f32 v2  }
0x1d2: {  	v58 =	vld [tilespmem:s22+$0x4080];
	v5 =	vsub.f32 $1.000000000e+00, v14;
	v14 =	vmul.f32 v16, v4;
	v2 =	vperm.xlane v0, v9;
	v16 =	vpop (erf)  }
0x1d3: {  	v9 =	vsub.f32 $1.000000000e+00, v17;
	v4 =	vsub.f32 $1.000000000e+00, v10;
	v10 =	vmul.f32 v16, v13  }
0x1d4: {  	v1 =	vsub.f32 $1.000000000e+00, v1;
	v8 =	vld [tilespmem:s4+$0x4080];
	v2 =	vmul.f32 v61, v2;
	v13 =	vpop (erf)  }
0x1d5: {  	s3 =	sor.u32 $0x280, s1;
	v11 =	vld [tilespmem:s31+$0x80];
	[tilespmem:s25+$0x6080] =	vst v9;
	v6 =	vmul.f32 v13, v6;
	v10 =	vsub.f32 $1.000000000e+00, v10  }
0x1d6: {  	[tilespmem:s9+$0x6080] =	vst v1;
	v9 =	vsub.f32 $1.000000000e+00, v12;
	v12 =	vmul.f32 $1.442695020e+00, v14;
	v14 =	vld [tilespmem:s3+$0x2080]  }
0x1d7: {  	v7 =	vsub.f32 $1.000000000e+00, v7;
	v18 =	vperm.xlane v0, v58;
	v13 =	vpop (erf);
	v17 =	vmul.f32 $1.442695020e+00, v2;
	[tilespmem:s23+$0x6080] =	vst v10;
	s23 =	sor.u32 $0x300, s6  }
0x1d8: {  	v16 =	vld [tilespmem:s4+$0x80];
	s25 =	sor.u32 $0x300, s7;
	v13 =	vadd.f32 $-1.000000000e+00, v13;
	(erf) = vpow2.f32 v12;
	v2 =	vpop (erf);
	v1 =	vsub.f32 $1.000000000e+00, v6;
	[dreg:$0x8] =	wrdreg s23  }
0x1d9: {  	s2 =	sor.u32 $0x380, s15;
	s15 =	sor.u32 $0x280, s6;
	v8 =	vperm.xlane v0, v8;
	(erf) = vpow2.f32 v17;
	v12 =	vadd.f32 $-1.000000000e+00, v2;
	[dreg:$0x6] =	wrdreg s25;
	v6 =	vpop (erf)  }
0x1da: {  	s8 =	sor.u32 $0x380, s16;
	s16 =	sor.u32 $0x280, s7;
	v10 =	vmul.f32 v13, v59;
	v13 =	vld [tilespmem:s15+$0x2080];
	[tilespmem:s26+$0x6080] =	vst v1;
	s26 =	sor.u32 $0x300, s18;
	v6 =	vmul.f32 v6, v15  }
0x1db: {  	v2 =	vsub.f32 $1.000000000e+00, v11;
	v17 =	vmul.f32 $5.129898550e+00, v14;
	v11 =	vpop (erf);
	v12 =	vmul.f32 v12, v18;
	v14 =	vld [tilespmem:s16+$0x2080];
	[dreg:$0xa] =	wrdreg s26  }
0x1dc: {  	s30 =	simm.s32 $0x400;
	v19 =	vmul.f32 $1.442695020e+00, v10;
	v15 =	vadd.f32 $-1.000000000e+00, v11;
	[tilespmem:s11+$0x6080] =	vst v7;
	v7 =	vpop (erf);
	v63 =	vsub.f32 $1.000000000e+00, v6  }
0x1dd: {  	s5 =	sor.u32 $0x380, s6;
	s21 =	sor.u32 $0x380, s7;
	s24 =	sor.u32 $0x380, s12;
	v11 =	vld [tilespmem:s15+$0x4080];
	v6 =	vmul.f32 $1.442695020e+00, v12;
	v10 =	vadd.f32 $-1.000000000e+00, v7;
	v7 =	vmul.f32 $1.442695020e+00, v17  }
0x1de: {  	s17 =	sor.u32 $0x280, s18;
	s12 =	sor.u32 $0x380, s18;
	s7 =	simm.s32 $0x80;
	v1 =	vsub.f32 $1.000000000e+00, v16;
	v12 =	vld [tilespmem:s16+$0x4080];
	(erf) = vpow2.f32 v19;
	v15 =	vmul.f32 v15, v62;
	[tilespmem:s20+$0x6080] =	vst v63  }
.LBB2_3:
0x1df: {  	s28 =	sadd.s32 $0x40, s28;
	v16 =	vld [tilespmem:s17+$0x2080];
	s29 =	sadd.s32 $0x200, s29  }
0x1e0: {  	v17 =	vld [tilespmem:s17+$0x4080];
	s0 =	sand.u32 $0x40, s28;
	s6 =	sand.u32 $0xC00, s29  }
0x1e1: {  	[dreg:$0xe] =	wrdreg s2;
	v22 =	vld [tilespmem:s3+$0x4080];
	v19 =	vmul.f32 $1.442695020e+00, v15;
	(erf) = vpow2.f32 v6;
	s2 =	sor.u32 s0, s6  }
0x1e2: {  	v8 =	vmul.f32 v10, v8;
	(erf) = vpow2.f32 v7;
	v33 =	vld [tilespmem:s2+$0x2080]  }
0x1e3: {  	(erf) = vpow2.f32 v19;
	v21 =	vld [tilespmem:s2+$0x2180];
	v6 =	vmul.f32 $5.129898550e+00, v13  }
0x1e4: {  	v35 =	vld [tilespmem:s2+$0x2110];
	v14 =	vmul.f32 $5.129898550e+00, v14;
	v13 =	vperm.xlane v0, v11  }
0x1e5: {  	v38 =	vld [tilespmem:s2+$0x2210];
	v12 =	vperm.xlane v0, v12;
	v16 =	vmul.f32 $5.129898550e+00, v16  }
0x1e6: {  	v25 =	vld [tilespmem:s2+$0x20A0];
	v22 =	vperm.xlane v0, v22;
	v6 =	vmul.f32 $1.442695020e+00, v6  }
0x1e7: {  	v27 =	vld [tilespmem:s2+$0x21A0];
	v15 =	vpop (erf);
	v20 =	vmul.f32 $1.442695020e+00, v14;
	v14 =	vperm.xlane v0, v17  }
0x1e8: {  	v11 =	vld [tilespmem:s2+$0x2100];
	v7 =	vpop (erf);
	v15 =	vmul.f32 v15, v9;
	v16 =	vmul.f32 $1.442695020e+00, v16  }
0x1e9: {  	v2 =	vmul.f32 v7, v2;
	(erf) = vpow2.f32 v6  }
0x1ea: {  	v43 =	vld [tilespmem:s2+$0x20B0];
	v34 =	vmul.f32 $5.129898550e+00, v33;
	v37 =	vmul.f32 $5.129898550e+00, v21  }
0x1eb: {  	v18 =	vld [tilespmem:s15+$0x80];
	v42 =	vmul.f32 $5.129898550e+00, v35;
	v21 =	vmul.f32 $5.129898550e+00, v38  }
0x1ec: {  	v28 =	vld [tilespmem:s2+$0x4080];
	v10 =	vpop (erf);
	v25 =	vmul.f32 $5.129898550e+00, v25;
	(erf) = vpow2.f32 v20  }
0x1ed: {  	v30 =	vld [tilespmem:s2+$0x4180];
	v27 =	vmul.f32 $5.129898550e+00, v27;
	v26 =	vmul.f32 $5.129898550e+00, v11;
	v9 =	vpop (erf)  }
0x1ee: {  	v32 =	vld [tilespmem:s2+$0x21B0];
	(erf) = vpow2.f32 v16;
	v16 =	vmul.f32 $1.442695020e+00, v34;
	v23 =	vpop (erf)  }
0x1ef: {  	v51 =	vld [tilespmem:s2+$0x4120];
	v19 =	vmul.f32 $5.129898550e+00, v43;
	v24 =	vmul.f32 $1.442695020e+00, v26;
	v23 =	vadd.f32 $-1.000000000e+00, v23  }
0x1f0: {  	v36 =	vld [tilespmem:s2+$0x2190];
	v6 =	vsub.f32 $1.000000000e+00, v18;
	v18 =	vmul.f32 $1.442695020e+00, v37;
	v11 =	vpop (erf);
	(erf) = vpow2.f32 v16  }
0x1f1: {  	v15 =	vsub.f32 $1.000000000e+00, v15;
	(erf) = vpow2.f32 v24;
	v40 =	vmul.f32 v23, v22  }
0x1f2: {  	v28 =	vperm.xlane v0, v28;
	(erf) = vpow2.f32 v18  }
0x1f3: {  	v39 =	vld [tilespmem:s2+$0x2120];
	v30 =	vperm.xlane v0, v30;
	v23 =	vmul.f32 $1.442695020e+00, v40  }
0x1f4: {  	v17 =	vld [tilespmem:s2+$0x2090];
	v32 =	vmul.f32 $5.129898550e+00, v32;
	v63 =	vperm.xlane v0, v51;
	v16 =	vpop (erf)  }
0x1f5: {  	v20 =	vmul.f32 $5.129898550e+00, v36;
	[tilespmem:s19+$0x6080] =	vst v15;
	v15 =	vpop (erf);
	(erf) = vpow2.f32 v23  }
0x1f6: {  	v45 =	vld [tilespmem:s2+$0x4100];
	v3 =	vmul.f32 v10, v3;
	v21 =	vmul.f32 $1.442695020e+00, v21  }
0x1f7: {  	v44 =	vld [tilespmem:s2+$0x2130];
	v25 =	vmul.f32 $1.442695020e+00, v25;
	v27 =	vmul.f32 $1.442695020e+00, v27  }
0x1f8: {  	v46 =	vld [tilespmem:s3+$0x80];
	v19 =	vmul.f32 $1.442695020e+00, v19;
	v32 =	vmul.f32 $1.442695020e+00, v32;
	v29 =	vpop (erf)  }
0x1f9: {  	v17 =	vmul.f32 $5.129898550e+00, v17;
	v26 =	vmul.f32 $5.129898550e+00, v39;
	v33 =	vpop (erf)  }
0x1fa: {  	v20 =	vmul.f32 $1.442695020e+00, v20;
	v5 =	vmul.f32 v9, v5;
	v33 =	vadd.f32 $-1.000000000e+00, v33;
	v35 =	vpop (erf)  }
0x1fb: {  	v31 =	vmul.f32 $1.442695020e+00, v17;
	v23 =	vperm.xlane v0, v45;
	v35 =	vadd.f32 $-1.000000000e+00, v35;
	v37 =	vpop (erf)  }
0x1fc: {  	v41 =	vld [tilespmem:s2+$0x2220];
	v24 =	vmul.f32 $5.129898550e+00, v44;
	v28 =	vmul.f32 v33, v28;
	v47 =	vadd.f32 $-1.000000000e+00, v37  }
0x1fd: {  	v54 =	vld [tilespmem:s2+$0x80];
	v17 =	vadd.f32 $-1.000000000e+00, v29;
	v29 =	vsub.f32 $1.000000000e+00, v46;
	v23 =	vmul.f32 v35, v23  }
0x1fe: {  	v34 =	vld [tilespmem:s2+$0x2230];
	v28 =	vmul.f32 $1.442695020e+00, v28;
	v30 =	vmul.f32 v47, v30;
	v38 =	vpop (erf)  }
0x1ff: {  	v36 =	vld [tilespmem:s2+$0x4090];
	v23 =	vmul.f32 $1.442695020e+00, v23;
	v29 =	vmul.f32 v38, v29  }
0x200: {  	v39 =	vld [tilespmem:s2+$0x40A0];
	v30 =	vmul.f32 $1.442695020e+00, v30;
	(erf) = vpow2.f32 v28  }
0x201: {  	v22 =	vmul.f32 $5.129898550e+00, v41;
	v41 =	vld [tilespmem:s2+$0x4220];
	(erf) = vpow2.f32 v23;
	v53 =	vsub.f32 $1.000000000e+00, v29  }
0x202: {  	s1 =	sor.u32 $0x300, s1;
	v55 =	vld [tilespmem:s2+$0x100];
	v26 =	vmul.f32 $1.442695020e+00, v26;
	(erf) = vpow2.f32 v30  }
0x203: {  	v48 =	vld [tilespmem:s2+$0x4110];
	v18 =	vmul.f32 $1.442695020e+00, v42;
	v34 =	vmul.f32 $5.129898550e+00, v34;
	[tilespmem:s3+$0x6080] =	vst v53  }
0x204: {  	v22 =	vmul.f32 $1.442695020e+00, v22;
	v36 =	vperm.xlane v0, v36;
	v56 =	vld [tilespmem:s1+$0x2080]  }
0x205: {  	v62 =	vperm.xlane v0, v39;
	v34 =	vmul.f32 $1.442695020e+00, v34;
	v40 =	vld [tilespmem:s2+$0x180]  }
0x206: {  	v58 =	vsub.f32 $1.000000000e+00, v54;
	v54 =	vperm.xlane v0, v41;
	(erf) = vpow2.f32 v31  }
0x207: {  	v23 =	vmul.f32 $1.442695020e+00, v24;
	(erf) = vpow2.f32 v18  }
0x208: {  	v16 =	vadd.f32 $-1.000000000e+00, v16;
	v31 =	vperm.xlane v0, v48;
	(erf) = vpow2.f32 v20  }
0x209: {  	v45 =	vsub.f32 $1.000000000e+00, v55;
	v42 =	vpop (erf);
	(erf) = vpow2.f32 v21;
	v46 =	vmul.f32 $5.129898550e+00, v56  }
0x20a: {  	v18 =	vmul.f32 v42, v58;
	v47 =	vsub.f32 $1.000000000e+00, v40;
	v48 =	vpop (erf);
	(erf) = vpow2.f32 v25  }
0x20b: {  	v50 =	vld [tilespmem:s2+$0x4210];
	v15 =	vadd.f32 $-1.000000000e+00, v15;
	v20 =	vmul.f32 v48, v45;
	v60 =	vpop (erf);
	v21 =	vmul.f32 $1.442695020e+00, v46  }
0x20c: {  	v52 =	vld [tilespmem:s2+$0x41A0];
	(erf) = vpow2.f32 v26;
	v18 =	vsub.f32 $1.000000000e+00, v18;
	v24 =	vmul.f32 v60, v47  }
0x20d: {  	v57 =	vld [tilespmem:s2+$0x40B0];
	v16 =	vmul.f32 v16, v13;
	v20 =	vsub.f32 $1.000000000e+00, v20;
	(erf) = vpow2.f32 v21  }
0x20e: {  	v59 =	vld [tilespmem:s2+$0x4130];
	v15 =	vmul.f32 v15, v12;
	v14 =	vmul.f32 v17, v14;
	[tilespmem:s2+$0x6080] =	vst v18;
	v61 =	vsub.f32 $1.000000000e+00, v24  }
0x20f: {  	s10 =	sor.u32 s6, s28;
	v49 =	vld [tilespmem:s2+$0x4190];
	v16 =	vmul.f32 $1.442695020e+00, v16;
	(erf) = vpow2.f32 v27;
	[tilespmem:s2+$0x6100] =	vst v20  }
0x210: {  	s11 =	sor.u32 $0x180, s10;
	v33 =	vperm.xlane v0, v50;
	v30 =	vld [tilespmem:s2+$0x41B0];
	v50 =	vpop (erf);
	(erf) = vpow2.f32 v22;
	[tilespmem:s2+$0x6180] =	vst v61  }
0x211: {  	v28 =	vperm.xlane v0, v52;
	v52 =	vpop (erf);
	(erf) = vpow2.f32 v19;
	v53 =	vld [tilespmem:s11+$0x2080]  }
0x212: {  	v15 =	vmul.f32 $1.442695020e+00, v15;
	v55 =	vpop (erf);
	v58 =	vld [tilespmem:s1+$0x4080];
	(erf) = vpow2.f32 v23  }
0x213: {  	v37 =	vperm.xlane v0, v57;
	v40 =	vld [tilespmem:s2+$0x4230];
	v57 =	vpop (erf);
	(erf) = vpow2.f32 v32  }
0x214: {  	v14 =	vmul.f32 $1.442695020e+00, v14;
	v44 =	vpop (erf);
	(erf) = vpow2.f32 v34  }
0x215: {  	v35 =	vperm.xlane v0, v59;
	v29 =	vperm.xlane v0, v49;
	v60 =	vpop (erf)  }
0x216: {  	v30 =	vperm.xlane v0, v30;
	v19 =	vmul.f32 $5.129898550e+00, v53;
	v45 =	vpop (erf)  }
0x217: {  	v51 =	vadd.f32 $-1.000000000e+00, v50;
	v32 =	vperm.xlane v0, v58;
	v45 =	vadd.f32 $-1.000000000e+00, v45  }
0x218: {  	v38 =	vadd.f32 $-1.000000000e+00, v52;
	v40 =	vperm.xlane v0, v40;
	v46 =	vpop (erf);
	v48 =	vmul.f32 $1.442695020e+00, v19  }
0x219: {  	v18 =	vmul.f32 v51, v36;
	v47 =	vpop (erf);
	v32 =	vmul.f32 v45, v32  }
0x21a: {  	v56 =	vadd.f32 $-1.000000000e+00, v55;
	v31 =	vmul.f32 v38, v31;
	v19 =	vpop (erf);
	(erf) = vpow2.f32 v48  }
0x21b: {  	v18 =	vmul.f32 $1.442695020e+00, v18;
	v41 =	vadd.f32 $-1.000000000e+00, v57;
	v51 =	vpop (erf);
	v32 =	vmul.f32 $1.442695020e+00, v32  }
0x21c: {  	v49 =	vld [tilespmem:s2+$0x90];
	v23 =	vmul.f32 v56, v29;
	v31 =	vmul.f32 $1.442695020e+00, v31;
	v59 =	vadd.f32 $-1.000000000e+00, v44;
	v53 =	vpop (erf)  }
0x21d: {  	v42 =	vld [tilespmem:s2+$0x110];
	v61 =	vadd.f32 $-1.000000000e+00, v60;
	v33 =	vmul.f32 v41, v33;
	v55 =	vpop (erf);
	(erf) = vpow2.f32 v32  }
0x21e: {  	v23 =	vmul.f32 $1.442695020e+00, v23;
	v24 =	vmul.f32 v59, v62;
	v58 =	vld [tilespmem:s11+$0x4080]  }
0x21f: {  	v27 =	vmul.f32 v61, v63;
	v33 =	vmul.f32 $1.442695020e+00, v33;
	v62 =	vadd.f32 $-1.000000000e+00, v46  }
0x220: {  	v59 =	vld [tilespmem:s1+$0x80];
	v24 =	vmul.f32 $1.442695020e+00, v24;
	v63 =	vadd.f32 $-1.000000000e+00, v47;
	v50 =	vadd.f32 $-1.000000000e+00, v19  }
0x221: {  	v25 =	vsub.f32 $1.000000000e+00, v49;
	v27 =	vmul.f32 $1.442695020e+00, v27;
	v28 =	vmul.f32 v62, v28  }
0x222: {  	v29 =	vmul.f32 v63, v54;
	v19 =	vadd.f32 $-1.000000000e+00, v51;
	v34 =	vmul.f32 v50, v37  }
0x223: {  	v57 =	vsub.f32 $1.000000000e+00, v42;
	v28 =	vmul.f32 $1.442695020e+00, v28;
	v37 =	vperm.xlane v0, v58;
	v61 =	vpop (erf)  }
0x224: {  	v19 =	vmul.f32 v19, v35;
	(erf) = vpow2.f32 v18;
	v42 =	vadd.f32 $-1.000000000e+00, v61  }
0x225: {  	v62 =	vsub.f32 $1.000000000e+00, v59;
	v29 =	vmul.f32 $1.442695020e+00, v29;
	(erf) = vpow2.f32 v31  }
0x226: {  	v49 =	vld [tilespmem:s16+$0x80];
	v54 =	vadd.f32 $-1.000000000e+00, v53;
	v37 =	vmul.f32 v42, v37;
	v63 =	vpop (erf);
	(erf) = vpow2.f32 v23  }
0x227: {  	v26 =	vld [tilespmem:s2+$0x190];
	v18 =	vmul.f32 v63, v62;
	(erf) = vpow2.f32 v33  }
0x228: {  	v21 =	vld [tilespmem:s2+$0x210];
	v56 =	vadd.f32 $-1.000000000e+00, v55;
	v30 =	vmul.f32 v54, v30;
	v42 =	vmul.f32 $1.442695020e+00, v37  }
0x229: {  	v52 =	vld [tilespmem:s17+$0x80];
	v34 =	vmul.f32 $1.442695020e+00, v34;
	(erf) = vpow2.f32 v24;
	v18 =	vsub.f32 $1.000000000e+00, v18  }
0x22a: {  	s18 =	sor.u32 s30, s7;
	v3 =	vsub.f32 $1.000000000e+00, v3;
	v20 =	vld [tilespmem:s2+$0xA0];
	v35 =	vmul.f32 v56, v40;
	(erf) = vpow2.f32 v42  }
0x22b: {  	v43 =	vld [tilespmem:s2+$0x1A0];
	s3 =	sor.u32 $0x380, s18;
	v13 =	vsub.f32 $1.000000000e+00, v49;
	v19 =	vmul.f32 $1.442695020e+00, v19;
	(erf) = vpow2.f32 v27;
	[tilespmem:s1+$0x6080] =	vst v18  }
0x22c: {  	v26 =	vsub.f32 $1.000000000e+00, v26;
	v30 =	vmul.f32 $1.442695020e+00, v30;
	(erf) = vpow2.f32 v28;
	v18 =	vld [tilespmem:s3+$0x2080]  }
0x22d: {  	v21 =	vsub.f32 $1.000000000e+00, v21;
	v35 =	vmul.f32 $1.442695020e+00, v35;
	v47 =	vpop (erf);
	v17 =	vld [tilespmem:s11+$0x80];
	(erf) = vpow2.f32 v29  }
0x22e: {  	v36 =	vld [tilespmem:s2+$0xB0];
	v12 =	vsub.f32 $1.000000000e+00, v52;
	v23 =	vmul.f32 v47, v25;
	v48 =	vpop (erf);
	(erf) = vpow2.f32 v34  }
0x22f: {  	v22 =	vld [tilespmem:s2+$0x120];
	v20 =	vsub.f32 $1.000000000e+00, v20;
	v49 =	vmul.f32 v48, v57;
	(erf) = vpow2.f32 v19;
	v50 =	vpop (erf)  }
0x230: {  	p2 =	por !p2, !p2;
	s0 =	simm.s32 $0x1;
	v38 =	vld [tilespmem:s2+$0x130];
	v51 =	vsub.f32 $1.000000000e+00, v23;
	(erf) = vpow2.f32 v30;
	v52 =	vpop (erf);
	v26 =	vmul.f32 v50, v26  }
0x231: {  	s0 =	simm.s32 @!p2 $0x0;
	v44 =	vld [tilespmem:s2+$0x220];
	v19 =	vsub.f32 $1.000000000e+00, v49;
	v18 =	vmul.f32 $5.129898550e+00, v18;
	v21 =	vmul.f32 v52, v21  }
0x232: {  	s0 =	sshll.u32 s0, $0x6;
	v41 =	vld [tilespmem:s2+$0x1B0];
	(erf) = vpow2.f32 v35;
	[tilespmem:s2+$0x6090] =	vst v51;
	v17 =	vsub.f32 $1.000000000e+00, v17;
	v53 =	vpop (erf);
	v55 =	vsub.f32 $1.000000000e+00, v26  }
0x233: {  	s1 =	sadd.s32 s0, s29;
	[tilespmem:s2+$0x6110] =	vst v19;
	v20 =	vmul.f32 v53, v20;
	v54 =	vpop (erf);
	v18 =	vmul.f32 $1.442695020e+00, v18;
	v21 =	vsub.f32 $1.000000000e+00, v21  }
0x234: {  	v36 =	vsub.f32 $1.000000000e+00, v36;
	v22 =	vsub.f32 $1.000000000e+00, v22;
	s23 =	sadd.s32 $0x10, s1;
	v17 =	vmul.f32 v54, v17;
	v56 =	vpop (erf);
	[tilespmem:s2+$0x6190] =	vst v55  }
0x235: {  	v60 =	vsub.f32 $1.000000000e+00, v43;
	v46 =	vld [tilespmem:s2+$0x230];
	s7 =	sor.u32 $0x200, s23;
	v57 =	vsub.f32 $1.000000000e+00, v20;
	v59 =	vpop (erf);
	(erf) = vpow2.f32 v18;
	[tilespmem:s2+$0x6210] =	vst v21  }
0x236: {  	v43 =	vsub.f32 $1.000000000e+00, v44;
	v58 =	vmul.f32 v56, v22;
	v17 =	vsub.f32 $1.000000000e+00, v17;
	v10 =	vld [tilespmem:s7+$0x2080]  }
0x237: {  	v38 =	vsub.f32 $1.000000000e+00, v38;
	v44 =	vsub.f32 $1.000000000e+00, v41;
	v60 =	vmul.f32 v59, v60;
	v61 =	vpop (erf);
	[tilespmem:s2+$0x60A0] =	vst v57;
	v9 =	vld [tilespmem:s7+$0x4080]  }
0x238: {  	s26 =	sor.u32 $0x200, s1;
	v62 =	vsub.f32 $1.000000000e+00, v58;
	v63 =	vmul.f32 v61, v43;
	v26 =	vpop (erf);
	(erf) = vpow2.f32 v16;
	v7 =	vld [tilespmem:s7+$0x80];
	[tilespmem:s11+$0x6080] =	vst v17  }
0x239: {  	[tilespmem:s14+$0x6080] =	vst v3;
	v16 =	vsub.f32 $1.000000000e+00, v60;
	v17 =	vmul.f32 v26, v36;
	v27 =	vpop (erf);
	(erf) = vpow2.f32 v15;
	v15 =	vld [tilespmem:s26+$0x2080]  }
0x23a: {  	v46 =	vsub.f32 $1.000000000e+00, v46;
	v28 =	vsub.f32 $1.000000000e+00, v63;
	v18 =	vmul.f32 v27, v38;
	v29 =	vpop (erf);
	[tilespmem:s2+$0x6120] =	vst v62;
	v31 =	vld [tilespmem:s3+$0x4080]  }
0x23b: {  	s9 =	smov.u32 s5;
	(erf) = vpow2.f32 v14;
	v14 =	vsub.f32 $1.000000000e+00, v17;
	v17 =	vmul.f32 v29, v44;
	v30 =	vpop (erf);
	[tilespmem:s2+$0x61A0] =	vst v16  }
0x23c: {  	[dreg:$0xc] =	wrdreg s9;
	s20 =	smov.u32 s28;
	s9 =	sadd.s32 $0x20, s1;
	v32 =	vsub.f32 $1.000000000e+00, v18;
	v34 =	vmul.f32 v30, v46;
	[tilespmem:s2+$0x6220] =	vst v28  }
0x23d: {  	[dreg:$0x10] =	wrdreg s20;
	v8 =	vmul.f32 $1.442695020e+00, v8;
	s19 =	smov.u32 s24;
	s20 =	sor.u32 $0x200, s9;
	v17 =	vsub.f32 $1.000000000e+00, v17;
	[tilespmem:s2+$0x60B0] =	vst v14  }
0x23e: {  	s24 =	smov.u32 s4;
	v4 =	vmul.f32 v11, v4;
	s18 =	sadd.s32 $0x30, s1;
	s4 =	sor.u32 $0x280, s23;
	v11 =	vld [tilespmem:s20+$0x2080];
	v35 =	vsub.f32 $1.000000000e+00, v34;
	[tilespmem:s2+$0x6130] =	vst v32;
	v15 =	vmul.f32 $5.129898550e+00, v15;
	v16 =	vpop (erf)  }
0x23f: {  	s6 =	sor.u32 $0x200, s18;
	s10 =	sor.u32 $0x300, s23;
	s5 =	sor.u32 $0x380, s23;
	[tilespmem:s2+$0x61B0] =	vst v17;
	v37 =	vperm.xlane v0, v31;
	v16 =	vadd.f32 $-1.000000000e+00, v16  }
0x240: {  	v40 =	vld [tilespmem:s19+$0x2080];
	v10 =	vmul.f32 $5.129898550e+00, v10;
	[tilespmem:s2+$0x6230] =	vst v35;
	v38 =	vmul.f32 $1.442695020e+00, v15  }
0x241: {  	v5 =	vsub.f32 $1.000000000e+00, v5;
	s23 =	sor.u32 $0x300, s18;
	s11 =	sor.u32 $0x300, s9;
	(erf) = vpow2.f32 v8;
	s2 =	rddreg [dreg:$0x8];
	v14 =	vpop (erf);
	v19 =	vld [tilespmem:s6+$0x2080];
	v16 =	vmul.f32 v16, v37  }
0x242: {  	v2 =	vsub.f32 $1.000000000e+00, v2;
	v9 =	vperm.xlane v0, v9;
	v15 =	vld [tilespmem:s20+$0x80];
	s14 =	smov.u32 s2;
	s2 =	smov.u32 s10;
	s10 =	rddreg [dreg:$0x6];
	v17 =	vpop (erf);
	(erf) = vpow2.f32 v38  }
0x243: {  	v36 =	vld [tilespmem:s20+$0x4080];
	[tilespmem:s22+$0x6080] =	vst v5;
	v3 =	vmul.f32 $5.129898550e+00, v11;
	s22 =	smov.u32 s10;
	v16 =	vmul.f32 $1.442695020e+00, v16  }
0x244: {  	v5 =	vmul.f32 $1.442695020e+00, v10;
	v39 =	vld [tilespmem:s6+$0x80];
	s10 =	smov.u32 s11;
	s11 =	smov.u32 s23;
	[tilespmem:s31+$0x6080] =	vst v2;
	s23 =	rddreg [dreg:$0xe];
	v2 =	vmul.f32 v14, v6  }
0x245: {  	v4 =	vsub.f32 $1.000000000e+00, v4;
	v11 =	vld [tilespmem:s6+$0x4080];
	v8 =	vpop (erf);
	s31 =	smov.u32 s23;
	v3 =	vmul.f32 $1.442695020e+00, v3;
	(erf) = vpow2.f32 v16  }
0x246: {  	v14 =	vld [tilespmem:s31+$0x2080];
	v6 =	vmul.f32 $5.129898550e+00, v19;
	(erf) = vpow2.f32 v5  }
0x247: {  	[tilespmem:s13+$0x6080] =	vst v4;
	v2 =	vsub.f32 $1.000000000e+00, v2;
	v10 =	vsub.f32 $1.000000000e+00, v15;
	v15 =	vld [tilespmem:s26+$0x4080];
	(erf) = vpow2.f32 v3  }
0x248: {  	v13 =	vmul.f32 v17, v13;
	v5 =	vld [tilespmem:s8+$0x2080];
	v3 =	vmul.f32 $1.442695020e+00, v6  }
0x249: {  	v4 =	vperm.xlane v0, v36;
	[tilespmem:s15+$0x6080] =	vst v2;
	v2 =	vmul.f32 v8, v12;
	v16 =	vld [tilespmem:s3+$0x80]  }
0x24a: {  	v13 =	vsub.f32 $1.000000000e+00, v13;
	v12 =	vmul.f32 $5.129898550e+00, v40;
	v17 =	vpop (erf);
	(erf) = vpow2.f32 v3  }
0x24b: {  	v11 =	vperm.xlane v0, v11;
	v42 =	vld [tilespmem:s14+$0x4080];
	v2 =	vsub.f32 $1.000000000e+00, v2;
	v14 =	vmul.f32 $5.129898550e+00, v14;
	v41 =	vpop (erf)  }
0x24c: {  	v43 =	vmul.f32 $1.442695020e+00, v12;
	v3 =	vld [tilespmem:s14+$0x2080];
	v15 =	vperm.xlane v0, v15;
	v18 =	vadd.f32 $-1.000000000e+00, v41  }
0x24d: {  	[dreg:$0x6] =	wrdreg s10;
	[tilespmem:s16+$0x6080] =	vst v13;
	v45 =	vmul.f32 $1.442695020e+00, v14;
	v5 =	vmul.f32 $5.129898550e+00, v5  }
0x24e: {  	s10 =	rddreg [dreg:$0xa];
	[tilespmem:s17+$0x6080] =	vst v2;
	v14 =	vsub.f32 $1.000000000e+00, v16;
	(erf) = vpow2.f32 v43;
	v2 =	vmul.f32 v18, v15;
	v12 =	vpop (erf)  }
0x24f: {  	s13 =	smov.u32 s10;
	v16 =	vld [tilespmem:s22+$0x2080];
	v46 =	vmul.f32 $1.442695020e+00, v5;
	(erf) = vpow2.f32 v45;
	v13 =	vpop (erf)  }
0x250: {  	v5 =	vld [tilespmem:s13+$0x2080];
	v12 =	vmul.f32 v12, v14;
	v2 =	vmul.f32 $1.442695020e+00, v2;
	v47 =	vadd.f32 $-1.000000000e+00, v13;
	v15 =	vpop (erf)  }
0x251: {  	v48 =	vperm.xlane v0, v42;
	v3 =	vmul.f32 $5.129898550e+00, v3;
	v15 =	vadd.f32 $-1.000000000e+00, v15  }
0x252: {  	v8 =	vld [tilespmem:s19+$0x4080];
	v12 =	vsub.f32 $1.000000000e+00, v12;
	(erf) = vpow2.f32 v2;
	v9 =	vmul.f32 v47, v9  }
0x253: {  	v44 =	vld [tilespmem:s14+$0x80];
	v50 =	vmul.f32 $1.442695020e+00, v3;
	v13 =	vpop (erf);
	v4 =	vmul.f32 v15, v4  }
0x254: {  	v49 =	vld [tilespmem:s13+$0x4080];
	[tilespmem:s3+$0x6080] =	vst v12;
	v12 =	vmul.f32 $5.129898550e+00, v16;
	v52 =	vadd.f32 $-1.000000000e+00, v13;
	v9 =	vmul.f32 $1.442695020e+00, v9  }
0x255: {  	v16 =	vmul.f32 $5.129898550e+00, v5;
	v54 =	vld [tilespmem:s26+$0x80];
	v4 =	vmul.f32 $1.442695020e+00, v4  }
0x256: {  	v56 =	vld [tilespmem:s8+$0x80];
	v11 =	vmul.f32 v52, v11;
	(erf) = vpow2.f32 v9  }
0x257: {  	v14 =	vld [tilespmem:s22+$0x4080];
	v13 =	vpop (erf);
	v12 =	vmul.f32 $1.442695020e+00, v12;
	(erf) = vpow2.f32 v4  }
0x258: {  	v7 =	vsub.f32 $1.000000000e+00, v7;
	v15 =	vld [tilespmem:s31+$0x4080];
	v55 =	vpop (erf);
	v25 =	vmul.f32 $1.442695020e+00, v11;
	(erf) = vpow2.f32 v50  }
0x259: {  	v6 =	vsub.f32 $1.000000000e+00, v39;
	v53 =	vld [tilespmem:s8+$0x4080];
	v16 =	vmul.f32 $1.442695020e+00, v16;
	(erf) = vpow2.f32 v12  }
0x25a: {  	v51 =	vld [tilespmem:s22+$0x80];
	v19 =	vperm.xlane v0, v49;
	v57 =	vsub.f32 $1.000000000e+00, v54;
	(erf) = vpow2.f32 v25  }
0x25b: {  	v58 =	vsub.f32 $1.000000000e+00, v56;
	v3 =	vsub.f32 $1.000000000e+00, v44;
	v2 =	vld [tilespmem:s13+$0x80];
	v11 =	vpop (erf);
	(erf) = vpow2.f32 v16  }
0x25c: {  	v13 =	vadd.f32 $-1.000000000e+00, v13;
	v14 =	vperm.xlane v0, v14;
	v11 =	vmul.f32 v11, v57  }
0x25d: {  	v15 =	vperm.xlane v0, v15;
	v12 =	vadd.f32 $-1.000000000e+00, v55;
	v16 =	vperm.xlane v0, v8  }
0x25e: {  	v8 =	vperm.xlane v0, v53;
	(erf) = vpow2.f32 v46;
	v59 =	vsub.f32 $1.000000000e+00, v11  }
0x25f: {  	v5 =	vsub.f32 $1.000000000e+00, v51;
	v9 =	vld [tilespmem:s19+$0x80];
	v13 =	vmul.f32 v13, v16;
	v16 =	vmul.f32 v17, v1;
	v17 =	vpop (erf)  }
0x260: {  	s3 =	sor.u32 $0x280, s1;
	v4 =	vsub.f32 $1.000000000e+00, v2;
	v12 =	vmul.f32 v12, v15;
	[tilespmem:s26+$0x6080] =	vst v59;
	v7 =	vmul.f32 v17, v7;
	v11 =	vpop (erf)  }
0x261: {  	v60 =	vmul.f32 $1.442695020e+00, v13;
	v15 =	vsub.f32 $1.000000000e+00, v16;
	v16 =	vld [tilespmem:s3+$0x2080];
	v10 =	vmul.f32 v11, v10;
	v11 =	vpop (erf)  }
0x262: {  	p3 =	slt.u32 s28, $0x1C0;
	v2 =	vld [tilespmem:s31+$0x80];
	v12 =	vmul.f32 $1.442695020e+00, v12;
	v7 =	vsub.f32 $1.000000000e+00, v7;
	v61 =	vadd.f32 $-1.000000000e+00, v11;
	v17 =	vpop (erf)  }
0x263: {  	s30 =	smov.u32 s29;
	s25 =	sor.u32 $0x280, s9;
	s0 =	sor.u32 $0x280, s18;
	[tilespmem:s24+$0x6080] =	vst v15;
	(erf) = vpow2.f32 v60;
	v10 =	vsub.f32 $1.000000000e+00, v10;
	v13 =	vpop (erf);
	v15 =	vadd.f32 $-1.000000000e+00, v17  }
.Ltmp4:
0x264: {  	s18 =	sor.u32 $0x380, s18;
	s15 =	smov.u32 s4;
	v9 =	vsub.f32 $1.000000000e+00, v9;
	[tilespmem:s7+$0x6080] =	vst v7;
	v6 =	vmul.f32 v13, v6;
	v7 =	vmul.f32 v61, v48;
	v11 =	vpop (erf);
	(pc) =	sbr.rel @p3 .LBB2_3-.Ltmp4, $4  }
0x265: {  	s9 =	sor.u32 $0x380, s9;
	[dreg:$0x8] =	wrdreg s2;
	s2 =	smov.u32 s21;
	(erf) = vpow2.f32 v12;
	v13 =	vld [tilespmem:s15+$0x2080];
	[tilespmem:s20+$0x6080] =	vst v10;
	v10 =	vmul.f32 v15, v14;
	v12 =	vadd.f32 $-1.000000000e+00, v11  }
0x266: {  	s21 =	smov.u32 s9;
	[dreg:$0xa] =	wrdreg s11;
	s16 =	smov.u32 s25;
	v16 =	vmul.f32 $5.129898550e+00, v16;
	v11 =	vld [tilespmem:s15+$0x4080];
	v62 =	vsub.f32 $1.000000000e+00, v6;
	v63 =	vmul.f32 $1.442695020e+00, v7  }
0x267: {  	s4 =	smov.u32 s8;
	s17 =	smov.u32 s0;
	v2 =	vsub.f32 $1.000000000e+00, v2;
	s24 =	rddreg [dreg:$0xc];
	v17 =	vpop (erf);
	v14 =	vld [tilespmem:s16+$0x2080];
	v6 =	vmul.f32 $1.442695020e+00, v10;
	v15 =	vmul.f32 v12, v19  }
0x268: {  	s8 =	smov.u32 s12;
	s12 =	smov.u32 s18;
	v1 =	vmovc v58;
	s7 =	rddreg [dreg:$0x10];
	v10 =	vadd.f32 $-1.000000000e+00, v17;
	v7 =	vmul.f32 $1.442695020e+00, v16;
	v12 =	vld [tilespmem:s16+$0x4080];
	[tilespmem:s6+$0x6080] =	vst v62;
	(erf) = vpow2.f32 v63  }
0x269: {  	(erf) = vpow2.f32 v6  }
0x26a: {  	(erf) = vpow2.f32 v7;
	_ =	sdelay $0x4  }
0x26b: {  	v16 =	vld [tilespmem:s3+$0x4080];
	v6 =	vpop (erf)  }
0x26c: {  	v17 =	vld [tilespmem:s17+$0x2080];
	v7 =	vpop (erf)  }
0x26d: {  	v18 =	vpop (erf)  }
0x26e: {  	v13 =	vmul.f32 $5.129898550e+00, v13;
	v19 =	vpop (erf)  }
0x26f: {  	v15 =	vmul.f32 $1.442695020e+00, v15;
	v14 =	vmul.f32 $5.129898550e+00, v14;
	v20 =	vpop (erf)  }
0x270: {  	v13 =	vmul.f32 $1.442695020e+00, v13;
	v63 =	vperm.xlane v0, v16;
	v20 =	vadd.f32 $-1.000000000e+00, v20  }
0x271: {  	v17 =	vmul.f32 $5.129898550e+00, v17;
	v14 =	vmul.f32 $1.442695020e+00, v14  }
0x272: {  	(erf) = vpow2.f32 v15;
	v15 =	vmul.f32 v20, v63  }
0x273: {  	v21 =	vmul.f32 $1.442695020e+00, v17;
	(erf) = vpow2.f32 v13  }
0x274: {  	(erf) = vpow2.f32 v14;
	v22 =	vmul.f32 $1.442695020e+00, v15  }
0x275: {  	(erf) = vpow2.f32 v21  }
0x276: {  	(erf) = vpow2.f32 v22;
	_ =	sdelay $0x2  }
0x277: {  	v23 =	vld [tilespmem:s3+$0x80];
	_ =	sdelay $0x1  }
0x278: {  	v24 =	vpop (erf)  }
0x279: {  	v25 =	vpop (erf)  }
0x27a: {  	v26 =	vpop (erf)  }
0x27b: {  	v13 =	vsub.f32 $1.000000000e+00, v23;
	v27 =	vpop (erf)  }
0x27c: {  	v28 =	vpop (erf)  }
0x27d: {  	v13 =	vmul.f32 v28, v13;
	_ =	sdelay $0x1  }
0x27e: {  	v13 =	vsub.f32 $1.000000000e+00, v13;
	_ =	sdelay $0x1  }
0x27f: {  	s0 =	sor.u32 $0x300, s1;
	[tilespmem:s3+$0x6080] =	vst v13  }
0x280: {  	v13 =	vld [tilespmem:s0+$0x2080];
	_ =	sdelay $0x4  }
0x281: {  	v13 =	vmul.f32 $5.129898550e+00, v13;
	_ =	sdelay $0x1  }
0x282: {  	v13 =	vmul.f32 $1.442695020e+00, v13;
	_ =	sdelay $0x1  }
0x283: {  	(erf) = vpow2.f32 v13;
	_ =	sdelay $0x4  }
0x284: {  	v29 =	vld [tilespmem:s0+$0x4080];
	_ =	sdelay $0x3  }
0x285: {  	v30 =	vpop (erf)  }
0x286: {  	v13 =	vperm.xlane v0, v29;
	v20 =	vadd.f32 $-1.000000000e+00, v30;
	_ =	sdelay $0x1  }
0x287: {  	v13 =	vmul.f32 v20, v13;
	_ =	sdelay $0x1  }
0x288: {  	v13 =	vmul.f32 $1.442695020e+00, v13;
	_ =	sdelay $0x1  }
0x289: {  	(erf) = vpow2.f32 v13;
	_ =	sdelay $0x2  }
0x28a: {  	v31 =	vld [tilespmem:s0+$0x80];
	_ =	sdelay $0x4  }
0x28b: {  	v13 =	vsub.f32 $1.000000000e+00, v31  }
0x28c: {  	v32 =	vpop (erf)  }
0x28d: {  	v13 =	vmul.f32 v32, v13;
	_ =	sdelay $0x1  }
0x28e: {  	v13 =	vsub.f32 $1.000000000e+00, v13  }
0x28f: {  	s28 =	sor.u32 s30, s7  }
0x290: {  	s1 =	sor.u32 $0x380, s28;
	[tilespmem:s0+$0x6080] =	vst v13  }
0x291: {  	v13 =	vld [tilespmem:s1+$0x2080];
	_ =	sdelay $0x1  }
0x292: {  	v33 =	vld [tilespmem:s17+$0x4080]  }
0x293: {  	v11 =	vperm.xlane v0, v11  }
0x294: {  	v12 =	vperm.xlane v0, v12;
	v15 =	vadd.f32 $-1.000000000e+00, v25;
	v16 =	vadd.f32 $-1.000000000e+00, v26  }
0x295: {  	v13 =	vmul.f32 $5.129898550e+00, v13  }
0x296: {  	v11 =	vmul.f32 v15, v11;
	v12 =	vmul.f32 v16, v12  }
0x297: {  	v17 =	vadd.f32 $-1.000000000e+00, v27;
	v20 =	vperm.xlane v0, v33;
	v13 =	vmul.f32 $1.442695020e+00, v13  }
0x298: {  	v11 =	vmul.f32 $1.442695020e+00, v11;
	v12 =	vmul.f32 $1.442695020e+00, v12  }
0x299: {  	v34 =	vmul.f32 v17, v20;
	(erf) = vpow2.f32 v13  }
0x29a: {  	(erf) = vpow2.f32 v11  }
0x29b: {  	v35 =	vmul.f32 $1.442695020e+00, v34;
	(erf) = vpow2.f32 v12;
	_ =	sdelay $0x1  }
0x29c: {  	v36 =	vld [tilespmem:s15+$0x80];
	(erf) = vpow2.f32 v35  }
0x29d: {  	v37 =	vld [tilespmem:s16+$0x80];
	_ =	sdelay $0x1  }
0x29e: {  	v38 =	vld [tilespmem:s17+$0x80]  }
0x29f: {  	v3 =	vmul.f32 v18, v3  }
0x2a0: {  	v11 =	vsub.f32 $1.000000000e+00, v36;
	v40 =	vpop (erf)  }
0x2a1: {  	v5 =	vmul.f32 v19, v5;
	v3 =	vsub.f32 $1.000000000e+00, v3;
	v12 =	vsub.f32 $1.000000000e+00, v37;
	v41 =	vpop (erf)  }
0x2a2: {  	v39 =	vld [tilespmem:s1+$0x4080];
	v42 =	vpop (erf);
	v11 =	vmul.f32 v41, v11  }
0x2a3: {  	v5 =	vsub.f32 $1.000000000e+00, v5;
	[tilespmem:s14+$0x6080] =	vst v3;
	v3 =	vsub.f32 $1.000000000e+00, v38;
	v12 =	vmul.f32 v42, v12  }
0x2a4: {  	v43 =	vpop (erf);
	v11 =	vsub.f32 $1.000000000e+00, v11  }
0x2a5: {  	[tilespmem:s22+$0x6080] =	vst v5;
	v44 =	vld [tilespmem:s24+$0x2080];
	v3 =	vmul.f32 v43, v3;
	v12 =	vsub.f32 $1.000000000e+00, v12  }
0x2a6: {  	[tilespmem:s15+$0x6080] =	vst v11  }
0x2a7: {  	v46 =	vperm.xlane v0, v39;
	v47 =	vadd.f32 $-1.000000000e+00, v40;
	v3 =	vsub.f32 $1.000000000e+00, v3;
	[tilespmem:s16+$0x6080] =	vst v12  }
0x2a8: {  	v8 =	vmul.f32 v10, v8;
	v45 =	vld [tilespmem:s2+$0x2080];
	s3 =	rddreg [dreg:$0x8]  }
0x2a9: {  	v5 =	vmul.f32 v47, v46;
	[tilespmem:s17+$0x6080] =	vst v3;
	v48 =	vld [tilespmem:s3+$0x2080]  }
0x2aa: {  	v49 =	vmul.f32 $5.129898550e+00, v44;
	v3 =	vmul.f32 $1.442695020e+00, v8;
	s0 =	rddreg [dreg:$0x6]  }
0x2ab: {  	v4 =	vmul.f32 v24, v4;
	v5 =	vmul.f32 $1.442695020e+00, v5;
	s6 =	rddreg [dreg:$0xa];
	v50 =	vld [tilespmem:s0+$0x2080]  }
0x2ac: {  	v52 =	vld [tilespmem:s6+$0x2080];
	(erf) = vpow2.f32 v3;
	v3 =	vmul.f32 $1.442695020e+00, v49  }
0x2ad: {  	v51 =	vmul.f32 $5.129898550e+00, v45;
	(erf) = vpow2.f32 v5  }
0x2ae: {  	(erf) = vpow2.f32 v3;
	v3 =	vmul.f32 $5.129898550e+00, v48  }
0x2af: {  	v53 =	vmul.f32 $1.442695020e+00, v51  }
0x2b0: {  	v4 =	vsub.f32 $1.000000000e+00, v4;
	v54 =	vmul.f32 $5.129898550e+00, v50;
	v3 =	vmul.f32 $1.442695020e+00, v3  }
0x2b1: {  	(erf) = vpow2.f32 v53;
	v55 =	vmul.f32 $5.129898550e+00, v52  }
0x2b2: {  	[tilespmem:s13+$0x6080] =	vst v4;
	v58 =	vld [tilespmem:s3+$0x4080];
	v56 =	vmul.f32 $1.442695020e+00, v54;
	(erf) = vpow2.f32 v3  }
0x2b3: {  	v57 =	vld [tilespmem:s8+$0x2080];
	v8 =	vmul.f32 $1.442695020e+00, v55  }
0x2b4: {  	v3 =	vld [tilespmem:s24+$0x4080];
	(erf) = vpow2.f32 v56  }
0x2b5: {  	v61 =	vld [tilespmem:s0+$0x4080];
	(erf) = vpow2.f32 v8  }
0x2b6: {  	v59 =	vld [tilespmem:s2+$0x4080];
	v60 =	vpop (erf)  }
0x2b7: {  	v63 =	vld [tilespmem:s6+$0x4080];
	v62 =	vpop (erf)  }
0x2b8: {  	v18 =	vpop (erf)  }
0x2b9: {  	v4 =	vperm.xlane v0, v58;
	v14 =	vadd.f32 $-1.000000000e+00, v18;
	v3 =	vperm.xlane v0, v3  }
0x2ba: {  	v5 =	vmul.f32 $5.129898550e+00, v57;
	v11 =	vperm.xlane v0, v61;
	v19 =	vpop (erf)  }
0x2bb: {  	v8 =	vperm.xlane v0, v59;
	v15 =	vadd.f32 $-1.000000000e+00, v19;
	v3 =	vmul.f32 v14, v3;
	v20 =	vpop (erf)  }
0x2bc: {  	v13 =	vperm.xlane v0, v63;
	v5 =	vmul.f32 $1.442695020e+00, v5;
	v14 =	vadd.f32 $-1.000000000e+00, v20  }
0x2bd: {  	v8 =	vmul.f32 v15, v8;
	v3 =	vmul.f32 $1.442695020e+00, v3;
	v21 =	vpop (erf)  }
0x2be: {  	(erf) = vpow2.f32 v5;
	v22 =	vadd.f32 $-1.000000000e+00, v21;
	v23 =	vpop (erf);
	v4 =	vmul.f32 v14, v4  }
0x2bf: {  	v8 =	vmul.f32 $1.442695020e+00, v8;
	(erf) = vpow2.f32 v3;
	v24 =	vadd.f32 $-1.000000000e+00, v23  }
0x2c0: {  	v3 =	vmul.f32 v22, v11;
	v4 =	vmul.f32 $1.442695020e+00, v4  }
0x2c1: {  	(erf) = vpow2.f32 v8;
	v25 =	vmul.f32 v24, v13  }
0x2c2: {  	v3 =	vmul.f32 $1.442695020e+00, v3;
	(erf) = vpow2.f32 v4  }
0x2c3: {  	v26 =	vmul.f32 $1.442695020e+00, v25  }
0x2c4: {  	(erf) = vpow2.f32 v3  }
0x2c5: {  	v3 =	vld [tilespmem:s3+$0x80];
	(erf) = vpow2.f32 v26;
	_ =	sdelay $0x1  }
0x2c6: {  	v27 =	vld [tilespmem:s0+$0x80]  }
0x2c7: {  	v28 =	vld [tilespmem:s6+$0x80];
	v29 =	vpop (erf)  }
0x2c8: {  	v30 =	vpop (erf)  }
0x2c9: {  	v31 =	vpop (erf);
	v3 =	vsub.f32 $1.000000000e+00, v3  }
0x2ca: {  	v32 =	vpop (erf)  }
0x2cb: {  	v4 =	vsub.f32 $1.000000000e+00, v27;
	v3 =	vmul.f32 v32, v3  }
0x2cc: {  	v5 =	vsub.f32 $1.000000000e+00, v28;
	v33 =	vpop (erf)  }
0x2cd: {  	v35 =	vld [tilespmem:s8+$0x4080];
	v34 =	vpop (erf);
	v4 =	vmul.f32 v33, v4;
	v3 =	vsub.f32 $1.000000000e+00, v3  }
0x2ce: {  	v5 =	vmul.f32 v34, v5  }
0x2cf: {  	v4 =	vsub.f32 $1.000000000e+00, v4;
	[tilespmem:s3+$0x6080] =	vst v3  }
0x2d0: {  	v3 =	vsub.f32 $1.000000000e+00, v5;
	v36 =	vld [tilespmem:s5+$0x2080]  }
0x2d1: {  	[tilespmem:s0+$0x6080] =	vst v4  }
0x2d2: {  	v37 =	vperm.xlane v0, v35;
	v8 =	vadd.f32 $-1.000000000e+00, v29;
	[tilespmem:s6+$0x6080] =	vst v3;
	v3 =	vld [tilespmem:s21+$0x2080]  }
0x2d3: {  	v38 =	vld [tilespmem:s12+$0x2080]  }
0x2d4: {  	v5 =	vmul.f32 v8, v37  }
0x2d5: {  	v4 =	vmul.f32 $5.129898550e+00, v36  }
0x2d6: {  	v5 =	vmul.f32 $1.442695020e+00, v5  }
0x2d7: {  	v3 =	vmul.f32 $5.129898550e+00, v3;
	v4 =	vmul.f32 $1.442695020e+00, v4  }
0x2d8: {  	(erf) = vpow2.f32 v5;
	v39 =	vmul.f32 $5.129898550e+00, v38  }
0x2d9: {  	v3 =	vmul.f32 $1.442695020e+00, v3;
	(erf) = vpow2.f32 v4  }
0x2da: {  	v40 =	vmul.f32 $1.442695020e+00, v39  }
0x2db: {  	(erf) = vpow2.f32 v3  }
0x2dc: {  	(erf) = vpow2.f32 v40;
	_ =	sdelay $0x1  }
0x2dd: {  	v3 =	vld [tilespmem:s5+$0x4080];
	_ =	sdelay $0x1  }
0x2de: {  	v41 =	vld [tilespmem:s21+$0x4080]  }
0x2df: {  	v42 =	vld [tilespmem:s12+$0x4080];
	v43 =	vpop (erf)  }
0x2e0: {  	v44 =	vpop (erf)  }
0x2e1: {  	v3 =	vperm.xlane v0, v3;
	v14 =	vadd.f32 $-1.000000000e+00, v44  }
0x2e2: {  	v45 =	vpop (erf)  }
0x2e3: {  	v4 =	vperm.xlane v0, v41;
	v15 =	vadd.f32 $-1.000000000e+00, v45;
	v46 =	vpop (erf);
	v3 =	vmul.f32 v14, v3  }
0x2e4: {  	v5 =	vperm.xlane v0, v42;
	v47 =	vadd.f32 $-1.000000000e+00, v46  }
0x2e5: {  	v48 =	vld [tilespmem:s1+$0x80];
	v4 =	vmul.f32 v15, v4;
	v3 =	vmul.f32 $1.442695020e+00, v3  }
0x2e6: {  	v5 =	vmul.f32 v47, v5  }
0x2e7: {  	v49 =	vld [tilespmem:s24+$0x80];
	v4 =	vmul.f32 $1.442695020e+00, v4;
	(erf) = vpow2.f32 v3  }
0x2e8: {  	v50 =	vld [tilespmem:s2+$0x80];
	v3 =	vmul.f32 $1.442695020e+00, v5  }
0x2e9: {  	v51 =	vld [tilespmem:s8+$0x80];
	(erf) = vpow2.f32 v4  }
0x2ea: {  	v52 =	vsub.f32 $1.000000000e+00, v48;
	v53 =	vld [tilespmem:s5+$0x80];
	(erf) = vpow2.f32 v3;
	v3 =	vmul.f32 v6, v9  }
0x2eb: {  	v2 =	vmul.f32 v7, v2  }
0x2ec: {  	v55 =	vsub.f32 $1.000000000e+00, v49;
	v6 =	vmul.f32 v62, v52;
	v3 =	vsub.f32 $1.000000000e+00, v3  }
0x2ed: {  	v2 =	vsub.f32 $1.000000000e+00, v2;
	v1 =	vmul.f32 v60, v1;
	v54 =	vld [tilespmem:s21+$0x80];
	v5 =	vsub.f32 $1.000000000e+00, v50  }
0x2ee: {  	v57 =	vmul.f32 v30, v55;
	v56 =	vld [tilespmem:s12+$0x80];
	v4 =	vsub.f32 $1.000000000e+00, v51;
	[tilespmem:s19+$0x6080] =	vst v3;
	v3 =	vsub.f32 $1.000000000e+00, v6  }
0x2ef: {  	[tilespmem:s31+$0x6080] =	vst v2;
	v1 =	vsub.f32 $1.000000000e+00, v1;
	v58 =	vsub.f32 $1.000000000e+00, v53;
	v2 =	vmul.f32 v31, v5  }
0x2f0: {  	v4 =	vmul.f32 v43, v4;
	[tilespmem:s1+$0x6080] =	vst v3;
	v3 =	vsub.f32 $1.000000000e+00, v57;
	v60 =	vpop (erf)  }
0x2f1: {  	[tilespmem:s4+$0x6080] =	vst v1;
	v1 =	vsub.f32 $1.000000000e+00, v2;
	v5 =	vmul.f32 v60, v58  }
0x2f2: {  	v59 =	vsub.f32 $1.000000000e+00, v54;
	[tilespmem:s24+$0x6080] =	vst v3;
	v3 =	vsub.f32 $1.000000000e+00, v4  }
0x2f3: {  	v2 =	vsub.f32 $1.000000000e+00, v56;
	[tilespmem:s2+$0x6080] =	vst v1;
	v61 =	vpop (erf);
	v1 =	vsub.f32 $1.000000000e+00, v5  }
0x2f4: {  	v62 =	vmul.f32 v61, v59;
	v63 =	vpop (erf);
	[tilespmem:s8+$0x6080] =	vst v3  }
0x2f5: {  	v2 =	vmul.f32 v63, v2;
	s4 =	rddreg [dreg:$0x1a];
	[tilespmem:s5+$0x6080] =	vst v1  }
.Ltmp5:
0x2f6: {  	v3 =	vsub.f32 $1.000000000e+00, v62;
	s0 =	sshll.u32 s4, $0x12;
	s1 =	rddreg [dreg:$0x12];
	(pc) =	sbr.rel @p1 .LBB2_8-.Ltmp5, $4  }
0x2f7: {  	v1 =	vsub.f32 $1.000000000e+00, v2;
	s1 =	sor.u32 s1, s0  }
0x2f8: {  	s29 =	rddreg [dreg:$0x4];
	[tilespmem:s21+$0x6080] =	vst v3;
	s1 =	sshrl.u32 s1, $0x3  }
0x2f9: {  	s30 =	simm.s32 $0x0;
	s31 =	simm.s32 $0x6080;
	[tilespmem:s12+$0x6080] =	vst v1;
	s1 =	sadd.s32 s29, s1  }
0x2fa: {  	[hbm4b:s1+s30] =	stream.linear.scatter [tilespmem:s31], [sflag:$0x3], $0x1000, $0x38;
	[tilespmem:$0x8080] =	vst v63  }
0x2fb: {  	s1 =	rddreg [dreg:$0x17]  }
0x2fc: {  	s0 =	sadd.s32 s1, s0  }
0x2fd: {  	s6 =	rddreg [dreg:$0x0];
	s2 =	simm.s32 $0x0;
	s0 =	sshrl.u32 s0, $0x3  }
0x2fe: {  	s3 =	simm.s32 $0x80;
	s7 =	rddreg [dreg:$0x1];
	s1 =	sadd.s32 s6, s0  }
0x2ff: {  	[tilespmem:s3], [sflag:$0x1] =	stream.linear.gather [hbm4b:s1+s2], $0x1000, $0x38;
	[tilespmem:$0x8080] =	vst v63  }
0x300: {  	s8 =	simm.s32 $0x2080;
	s9 =	rddreg [dreg:$0x2];
	s1 =	sadd.s32 s7, s0  }
0x301: {  	[tilespmem:s8], [sflag:$0x1] =	stream.linear.gather [hbm4b:s1+s2], $0x1000, $0x38;
	[tilespmem:$0x8080] =	vst v63  }
0x302: {  	s10 =	simm.s32 $0x4080;
	s11 =	simm.s32 $0x2;
	s0 =	sadd.s32 s9, s0  }
0x303: {  	[tilespmem:s10], [sflag:$0x1] =	stream.linear.gather [hbm4b:s0+s2], $0x1000, $0x38;
	[tilespmem:$0x8080] =	vst v63  }
0x304: {  	_ =	swait.ge [sflag:s11], $0x1000  }
0x305: {  	[sflag:s11] =	ssyncset.done $0x0  }
0x306: {  	[sflag:s11] =	ssyncadd.s32 $0xFFFFF000  }
0x307: {  	_ =	swait.ge [sflag:s11], $0x1000  }
0x308: {  	[sflag:s11] =	ssyncset.done $0x0  }
0x309: {  	[sflag:s11] =	ssyncadd.s32 $0xFFFFF000  }
0x30a: {  	_ =	swait.ge [sflag:s11], $0x1000  }
0x30b: {  	[sflag:s11] =	ssyncset.done $0x0  }
0x30c: {  	s2 =	simm.s32 @!p0 $0x4;
	[sflag:s11] =	ssyncadd.s32 $0xFFFFF000  }
0x30d: {  	s12 =	simm.s32 $0x0;
	s5 =	simm.s32 $0x0;
	_ =	swait.ge @!p0 [sflag:s2], $0x1000  }
0x30e: {  	s15 =	sand.u32 $0x40, s5;
	s16 =	sand.u32 $0xC00, s12;
	[sflag:s2] =	ssyncset.done @!p0 $0x0  }
0x30f: {  	s17 =	sor.u32 s15, s16;
	[sflag:s2] =	ssyncadd.s32 @!p0 $0xFFFFF000  }
0x310: {  	v1 =	vld [tilespmem:s17+$0x3080]  }
0x311: {  	v2 =	vld [tilespmem:s17+$0x3100]  }
0x312: {  	v3 =	vld [tilespmem:s17+$0x3180];
	_ =	sdelay $0x2  }
0x313: {  	v1 =	vmul.f32 $5.129898550e+00, v1  }
0x314: {  	v2 =	vmul.f32 $5.129898550e+00, v2  }
0x315: {  	v3 =	vmul.f32 $5.129898550e+00, v3;
	v1 =	vmul.f32 $1.442695020e+00, v1  }
0x316: {  	v2 =	vmul.f32 $1.442695020e+00, v2  }
0x317: {  	v3 =	vmul.f32 $1.442695020e+00, v3;
	(erf) = vpow2.f32 v1  }
0x318: {  	(erf) = vpow2.f32 v2  }
0x319: {  	(erf) = vpow2.f32 v3;
	_ =	sdelay $0x1  }
0x31a: {  	v11 =	vld [tilespmem:s17+$0x30A0]  }
0x31b: {  	v1 =	vld [tilespmem:s17+$0x5080]  }
0x31c: {  	v2 =	vld [tilespmem:s17+$0x5100]  }
0x31d: {  	v3 =	vld [tilespmem:s17+$0x5180]  }
0x31e: {  	v12 =	vld [tilespmem:s17+$0x30B0]  }
0x31f: {  	v6 =	vpop (erf)  }
0x320: {  	v15 =	vld [tilespmem:s17+$0x3230];
	v1 =	vperm.xlane v0, v1;
	v6 =	vadd.f32 $-1.000000000e+00, v6;
	v8 =	vpop (erf)  }
0x321: {  	v4 =	vld [tilespmem:s17+$0x3090];
	v11 =	vmul.f32 $5.129898550e+00, v11;
	v2 =	vperm.xlane v0, v2;
	v8 =	vadd.f32 $-1.000000000e+00, v8;
	v10 =	vpop (erf)  }
0x322: {  	v5 =	vld [tilespmem:s17+$0x3110];
	v3 =	vperm.xlane v0, v3;
	v1 =	vmul.f32 v6, v1;
	v6 =	vadd.f32 $-1.000000000e+00, v10  }
0x323: {  	v7 =	vld [tilespmem:s17+$0x3190];
	v12 =	vmul.f32 $5.129898550e+00, v12;
	v2 =	vmul.f32 v8, v2  }
0x324: {  	v9 =	vld [tilespmem:s17+$0x3210];
	v1 =	vmul.f32 $1.442695020e+00, v1;
	v3 =	vmul.f32 v6, v3  }
0x325: {  	v15 =	vmul.f32 $5.129898550e+00, v15;
	v10 =	vld [tilespmem:s17+$0x3120];
	v2 =	vmul.f32 $1.442695020e+00, v2  }
0x326: {  	v8 =	vld [tilespmem:s17+$0x31A0];
	v3 =	vmul.f32 $1.442695020e+00, v3;
	(erf) = vpow2.f32 v1  }
0x327: {  	v11 =	vmul.f32 $1.442695020e+00, v11;
	v6 =	vld [tilespmem:s17+$0x3220];
	(erf) = vpow2.f32 v2  }
0x328: {  	v13 =	vld [tilespmem:s17+$0x1100];
	v12 =	vmul.f32 $1.442695020e+00, v12;
	(erf) = vpow2.f32 v3  }
0x329: {  	v3 =	vmul.f32 $5.129898550e+00, v7;
	v7 =	vmul.f32 $5.129898550e+00, v9;
	v9 =	vld [tilespmem:s17+$0x1080]  }
0x32a: {  	v14 =	vld [tilespmem:s17+$0x1180];
	v1 =	vmul.f32 $5.129898550e+00, v4;
	v2 =	vmul.f32 $5.129898550e+00, v5  }
0x32b: {  	v4 =	vld [tilespmem:s17+$0x3130];
	v10 =	vmul.f32 $5.129898550e+00, v10;
	v8 =	vmul.f32 $5.129898550e+00, v8  }
0x32c: {  	v1 =	vmul.f32 $1.442695020e+00, v1;
	v6 =	vmul.f32 $5.129898550e+00, v6  }
0x32d: {  	v2 =	vmul.f32 $1.442695020e+00, v2;
	v10 =	vmul.f32 $1.442695020e+00, v10  }
0x32e: {  	v5 =	vld [tilespmem:s17+$0x31B0];
	v3 =	vmul.f32 $1.442695020e+00, v3;
	v7 =	vmul.f32 $1.442695020e+00, v7;
	v9 =	vsub.f32 $1.000000000e+00, v9  }
0x32f: {  	v13 =	vsub.f32 $1.000000000e+00, v13;
	v8 =	vmul.f32 $1.442695020e+00, v8;
	(erf) = vpow2.f32 v1;
	v16 =	vpop (erf)  }
0x330: {  	v14 =	vsub.f32 $1.000000000e+00, v14;
	v4 =	vmul.f32 $5.129898550e+00, v4;
	v9 =	vmul.f32 v16, v9;
	v16 =	vpop (erf)  }
0x331: {  	v17 =	vld [tilespmem:s17+$0x5090];
	v6 =	vmul.f32 $1.442695020e+00, v6;
	v13 =	vmul.f32 v16, v13;
	v16 =	vpop (erf)  }
0x332: {  	v18 =	vld [tilespmem:s17+$0x5110];
	(erf) = vpow2.f32 v2;
	v9 =	vsub.f32 $1.000000000e+00, v9;
	v14 =	vmul.f32 v16, v14  }
0x333: {  	v5 =	vmul.f32 $5.129898550e+00, v5;
	(erf) = vpow2.f32 v3;
	v16 =	vld [tilespmem:s17+$0x5190];
	v1 =	vsub.f32 $1.000000000e+00, v13  }
0x334: {  	v4 =	vmul.f32 $1.442695020e+00, v4;
	(erf) = vpow2.f32 v7;
	v7 =	vld [tilespmem:s17+$0x51A0];
	[tilespmem:s17+$0x7080] =	vst v9;
	v2 =	vsub.f32 $1.000000000e+00, v14  }
0x335: {  	s0 =	sor.u32 s16, s5;
	v3 =	vmul.f32 $1.442695020e+00, v5;
	v13 =	vld [tilespmem:s17+$0x5210];
	(erf) = vpow2.f32 v11;
	[tilespmem:s17+$0x7100] =	vst v1  }
0x336: {  	s0 =	sor.u32 $0x1180, s0;
	v11 =	vperm.xlane v0, v17;
	v9 =	vld [tilespmem:s17+$0x50A0];
	(erf) = vpow2.f32 v10;
	[tilespmem:s17+$0x7180] =	vst v2  }
0x337: {  	v14 =	vperm.xlane v0, v18;
	(erf) = vpow2.f32 v8;
	v5 =	vld [tilespmem:s0+$0x2080]  }
0x338: {  	v1 =	vld [tilespmem:s17+$0x5120];
	v2 =	vmul.f32 $1.442695020e+00, v15;
	(erf) = vpow2.f32 v6  }
0x339: {  	v10 =	vld [tilespmem:s17+$0x5220];
	v15 =	vperm.xlane v0, v16;
	(erf) = vpow2.f32 v12  }
0x33a: {  	v6 =	vld [tilespmem:s17+$0x5130];
	v16 =	vpop (erf);
	v7 =	vperm.xlane v0, v7;
	(erf) = vpow2.f32 v4  }
0x33b: {  	v8 =	vld [tilespmem:s17+$0x50B0];
	v13 =	vperm.xlane v0, v13;
	v17 =	vpop (erf);
	(erf) = vpow2.f32 v3  }
0x33c: {  	v12 =	vld [tilespmem:s17+$0x51B0];
	v9 =	vperm.xlane v0, v9;
	v3 =	vadd.f32 $-1.000000000e+00, v16;
	v16 =	vpop (erf);
	v4 =	vmul.f32 $5.129898550e+00, v5  }
0x33d: {  	v1 =	vperm.xlane v0, v1;
	v17 =	vadd.f32 $-1.000000000e+00, v17;
	(erf) = vpow2.f32 v2;
	v32 =	vpop (erf)  }
0x33e: {  	v2 =	vperm.xlane v0, v10;
	v10 =	vadd.f32 $-1.000000000e+00, v16;
	v16 =	vpop (erf);
	v4 =	vmul.f32 $1.442695020e+00, v4  }
0x33f: {  	v6 =	vperm.xlane v0, v6;
	v3 =	vmul.f32 v3, v11;
	v33 =	vpop (erf);
	v16 =	vadd.f32 $-1.000000000e+00, v16  }
0x340: {  	v19 =	vpop (erf);
	(erf) = vpow2.f32 v4;
	v4 =	vperm.xlane v0, v8;
	v8 =	vadd.f32 $-1.000000000e+00, v32  }
0x341: {  	v12 =	vperm.xlane v0, v12;
	v11 =	vmul.f32 v17, v14;
	v14 =	vadd.f32 $-1.000000000e+00, v33;
	v17 =	vpop (erf)  }
0x342: {  	v5 =	vld [tilespmem:s17+$0x5230];
	v10 =	vmul.f32 v10, v15;
	v15 =	vpop (erf);
	v8 =	vmul.f32 v8, v13;
	v13 =	vadd.f32 $-1.000000000e+00, v19  }
0x343: {  	v9 =	vmul.f32 v16, v9;
	v1 =	vmul.f32 v14, v1;
	v14 =	vadd.f32 $-1.000000000e+00, v17;
	v16 =	vpop (erf)  }
0x344: {  	v7 =	vmul.f32 v13, v7;
	v13 =	vadd.f32 $-1.000000000e+00, v15;
	v15 =	vadd.f32 $-1.000000000e+00, v16;
	v16 =	vpop (erf)  }
0x345: {  	v3 =	vmul.f32 $1.442695020e+00, v3;
	v17 =	vld [tilespmem:s0+$0x4080];
	v2 =	vmul.f32 v14, v2;
	v14 =	vadd.f32 $-1.000000000e+00, v16  }
0x346: {  	v11 =	vmul.f32 $1.442695020e+00, v11;
	v10 =	vmul.f32 $1.442695020e+00, v10  }
0x347: {  	v5 =	vperm.xlane v0, v5;
	(erf) = vpow2.f32 v3  }
0x348: {  	v9 =	vmul.f32 $1.442695020e+00, v9;
	v4 =	vmul.f32 v13, v4;
	v13 =	vpop (erf)  }
0x349: {  	(erf) = vpow2.f32 v11;
	v12 =	vmul.f32 v14, v12;
	v14 =	vpop (erf)  }
0x34a: {  	v6 =	vmul.f32 v15, v6;
	v15 =	vperm.xlane v0, v17;
	v14 =	vadd.f32 $-1.000000000e+00, v14  }
0x34b: {  	v1 =	vmul.f32 $1.442695020e+00, v1;
	v8 =	vmul.f32 $1.442695020e+00, v8  }
0x34c: {  	(erf) = vpow2.f32 v10;
	v10 =	vld [tilespmem:s17+$0x1090];
	v3 =	vmul.f32 v14, v15  }
0x34d: {  	v2 =	vmul.f32 $1.442695020e+00, v2;
	(erf) = vpow2.f32 v8;
	v8 =	vld [tilespmem:s17+$0x1110]  }
0x34e: {  	v7 =	vmul.f32 $1.442695020e+00, v7;
	v3 =	vmul.f32 $1.442695020e+00, v3  }
0x34f: {  	(erf) = vpow2.f32 v9;
	v9 =	vld [tilespmem:s17+$0x1190];
	v4 =	vmul.f32 $1.442695020e+00, v4;
	v11 =	vadd.f32 $-1.000000000e+00, v13  }
0x350: {  	v6 =	vmul.f32 $1.442695020e+00, v6;
	(erf) = vpow2.f32 v3;
	v3 =	vld [tilespmem:s17+$0x1210]  }
0x351: {  	v5 =	vmul.f32 v11, v5;
	(erf) = vpow2.f32 v1  }
0x352: {  	v8 =	vsub.f32 $1.000000000e+00, v8;
	v1 =	vsub.f32 $1.000000000e+00, v10;
	v10 =	vld [tilespmem:s17+$0x10A0];
	(erf) = vpow2.f32 v7  }
0x353: {  	v11 =	vmul.f32 $1.442695020e+00, v12;
	v7 =	vld [tilespmem:s0+$0x80];
	(erf) = vpow2.f32 v2;
	v2 =	vpop (erf)  }
0x354: {  	v12 =	vld [tilespmem:s17+$0x1120];
	v9 =	vsub.f32 $1.000000000e+00, v9;
	(erf) = vpow2.f32 v4;
	v1 =	vmul.f32 v2, v1;
	v2 =	vpop (erf)  }
0x355: {  	v5 =	vmul.f32 $1.442695020e+00, v5;
	v4 =	vld [tilespmem:s17+$0x11A0];
	v3 =	vsub.f32 $1.000000000e+00, v3;
	(erf) = vpow2.f32 v6;
	v6 =	vpop (erf)  }
0x356: {  	v13 =	vld [tilespmem:s17+$0x1220];
	v2 =	vmul.f32 v2, v8;
	(erf) = vpow2.f32 v11;
	v1 =	vsub.f32 $1.000000000e+00, v1;
	v8 =	vpop (erf)  }
0x357: {  	v11 =	vld [tilespmem:s17+$0x10B0];
	v10 =	vsub.f32 $1.000000000e+00, v10;
	(erf) = vpow2.f32 v5;
	v3 =	vmul.f32 v8, v3  }
0x358: {  	v6 =	vmul.f32 v6, v9;
	v9 =	vld [tilespmem:s17+$0x1130];
	v5 =	vsub.f32 $1.000000000e+00, v7;
	v7 =	vpop (erf);
	v2 =	vsub.f32 $1.000000000e+00, v2  }
0x359: {  	v14 =	vld [tilespmem:s17+$0x11B0];
	v12 =	vsub.f32 $1.000000000e+00, v12;
	[tilespmem:s17+$0x7090] =	vst v1;
	v7 =	vmul.f32 v7, v10;
	v8 =	vpop (erf);
	v3 =	vsub.f32 $1.000000000e+00, v3  }
0x35a: {  	s3 =	simm.s32 $0x1;
	p0 =	por $0x0, $0x0;
	v4 =	vsub.f32 $1.000000000e+00, v4;
	[tilespmem:s17+$0x7110] =	vst v2;
	v1 =	vmul.f32 v8, v5;
	v5 =	vsub.f32 $1.000000000e+00, v6;
	v6 =	vld [tilespmem:s17+$0x1230];
	v8 =	vpop (erf)  }
0x35b: {  	s3 =	simm.s32 @!p0 $0x0;
	v2 =	vsub.f32 $1.000000000e+00, v13;
	v7 =	vsub.f32 $1.000000000e+00, v7;
	v8 =	vmul.f32 v8, v12;
	v10 =	vpop (erf);
	[tilespmem:s17+$0x7210] =	vst v3  }
0x35c: {  	s3 =	sshll.u32 s3, $0x6;
	v1 =	vsub.f32 $1.000000000e+00, v1;
	[tilespmem:s17+$0x7190] =	vst v5;
	v5 =	vsub.f32 $1.000000000e+00, v11;
	v4 =	vmul.f32 v10, v4;
	v10 =	vpop (erf)  }
0x35d: {  	s3 =	sadd.s32 $0x0, s3;
	v3 =	vsub.f32 $1.000000000e+00, v9;
	[tilespmem:s17+$0x70A0] =	vst v7;
	v8 =	vsub.f32 $1.000000000e+00, v8;
	v2 =	vmul.f32 v10, v2;
	v9 =	vpop (erf)  }
0x35e: {  	s6 =	sor.u32 $0x1200, s3;
	[tilespmem:s0+$0x6080] =	vst v1;
	v1 =	vsub.f32 $1.000000000e+00, v14;
	v4 =	vsub.f32 $1.000000000e+00, v4;
	v5 =	vmul.f32 v9, v5;
	v9 =	vpop (erf)  }
0x35f: {  	v10 =	vld [tilespmem:s6+$0x2080];
	v6 =	vsub.f32 $1.000000000e+00, v6;
	v2 =	vsub.f32 $1.000000000e+00, v2;
	v3 =	vmul.f32 v9, v3;
	v7 =	vpop (erf);
	[tilespmem:s17+$0x7120] =	vst v8  }
0x360: {  	s4 =	sadd.s32 $0x10, s3;
	v5 =	vsub.f32 $1.000000000e+00, v5;
	v1 =	vmul.f32 v7, v1;
	v7 =	vpop (erf);
	[tilespmem:s17+$0x71A0] =	vst v4  }
0x361: {  	s7 =	sor.u32 $0x1200, s4;
	v3 =	vsub.f32 $1.000000000e+00, v3;
	v4 =	vmul.f32 v7, v6;
	[tilespmem:s17+$0x7220] =	vst v2  }
0x362: {  	v2 =	vld [tilespmem:s7+$0x2080];
	v1 =	vsub.f32 $1.000000000e+00, v1;
	[tilespmem:s17+$0x70B0] =	vst v5  }
0x363: {  	s8 =	sadd.s32 $0x20, s3;
	v4 =	vsub.f32 $1.000000000e+00, v4;
	[tilespmem:s17+$0x7130] =	vst v3  }
0x364: {  	s9 =	sor.u32 $0x1200, s8;
	s0 =	sadd.s32 $0x30, s3;
	v5 =	vmul.f32 $5.129898550e+00, v10;
	[tilespmem:s17+$0x71B0] =	vst v1  }
0x365: {  	s10 =	sor.u32 $0x1200, s0;
	v1 =	vld [tilespmem:s9+$0x2080];
	[tilespmem:s17+$0x7230] =	vst v4  }
0x366: {  	v5 =	vmul.f32 $1.442695020e+00, v5;
	v4 =	vld [tilespmem:s10+$0x2080]  }
0x367: {  	v2 =	vmul.f32 $5.129898550e+00, v2  }
0x368: {  	v6 =	vld [tilespmem:s9+$0x4080];
	(erf) = vpow2.f32 v5  }
0x369: {  	v7 =	vld [tilespmem:s9+$0x80];
	v2 =	vmul.f32 $1.442695020e+00, v2  }
0x36a: {  	v3 =	vld [tilespmem:s7+$0x4080];
	v1 =	vmul.f32 $5.129898550e+00, v1  }
0x36b: {  	v10 =	vld [tilespmem:s6+$0x4080];
	(erf) = vpow2.f32 v2;
	v4 =	vmul.f32 $5.129898550e+00, v4  }
0x36c: {  	v8 =	vld [tilespmem:s10+$0x4080];
	v1 =	vmul.f32 $1.442695020e+00, v1  }
0x36d: {  	v9 =	vld [tilespmem:s10+$0x80];
	v2 =	vmul.f32 $1.442695020e+00, v4  }
0x36e: {  	v5 =	vld [tilespmem:s7+$0x80];
	(erf) = vpow2.f32 v1  }
0x36f: {  	(erf) = vpow2.f32 v2  }
0x370: {  	v2 =	vperm.xlane v0, v10  }
0x371: {  	v1 =	vpop (erf)  }
0x372: {  	v1 =	vadd.f32 $-1.000000000e+00, v1;
	_ =	sdelay $0x1  }
0x373: {  	v1 =	vmul.f32 v1, v2;
	v2 =	vpop (erf)  }
0x374: {  	v3 =	vperm.xlane v0, v3;
	v2 =	vadd.f32 $-1.000000000e+00, v2  }
0x375: {  	v1 =	vmul.f32 $1.442695020e+00, v1  }
0x376: {  	v4 =	vpop (erf);
	v2 =	vmul.f32 v2, v3  }
0x377: {  	(erf) = vpow2.f32 v1;
	v1 =	vperm.xlane v0, v6;
	v6 =	vpop (erf)  }
0x378: {  	v8 =	vperm.xlane v0, v8;
	v4 =	vadd.f32 $-1.000000000e+00, v4;
	v3 =	vadd.f32 $-1.000000000e+00, v6  }
0x379: {  	v2 =	vmul.f32 $1.442695020e+00, v2  }
0x37a: {  	v1 =	vmul.f32 v4, v1;
	v4 =	vld [tilespmem:s6+$0x80];
	v3 =	vmul.f32 v3, v8  }
0x37b: {  	(erf) = vpow2.f32 v2  }
0x37c: {  	v1 =	vmul.f32 $1.442695020e+00, v1;
	v2 =	vmul.f32 $1.442695020e+00, v3;
	_ =	sdelay $0x1  }
0x37d: {  	(erf) = vpow2.f32 v1  }
0x37e: {  	v1 =	vsub.f32 $1.000000000e+00, v4;
	(erf) = vpow2.f32 v2  }
0x37f: {  	v2 =	vpop (erf)  }
0x380: {  	v1 =	vmul.f32 v2, v1;
	_ =	sdelay $0x1  }
0x381: {  	v1 =	vsub.f32 $1.000000000e+00, v1;
	_ =	sdelay $0x1  }
0x382: {  	s18 =	sor.u32 $0x1280, s3;
	v2 =	vsub.f32 $1.000000000e+00, v5;
	[tilespmem:s6+$0x6080] =	vst v1  }
0x383: {  	v3 =	vpop (erf);
	v1 =	vsub.f32 $1.000000000e+00, v7;
	v4 =	vld [tilespmem:s18+$0x2080]  }
0x384: {  	v5 =	vsub.f32 $1.000000000e+00, v9;
	v2 =	vmul.f32 v3, v2;
	v3 =	vpop (erf)  }
0x385: {  	v1 =	vmul.f32 v3, v1;
	v3 =	vpop (erf)  }
0x386: {  	v2 =	vsub.f32 $1.000000000e+00, v2;
	v3 =	vmul.f32 v3, v5  }
0x387: {  	v1 =	vsub.f32 $1.000000000e+00, v1  }
0x388: {  	s13 =	sor.u32 $0x1280, s4;
	[tilespmem:s7+$0x6080] =	vst v2;
	v3 =	vsub.f32 $1.000000000e+00, v3;
	v2 =	vmul.f32 $5.129898550e+00, v4  }
0x389: {  	s19 =	sor.u32 $0x1280, s8;
	v4 =	vld [tilespmem:s13+$0x2080];
	[tilespmem:s9+$0x6080] =	vst v1  }
0x38a: {  	s14 =	sor.u32 $0x1280, s0;
	v1 =	vld [tilespmem:s19+$0x2080];
	[tilespmem:s10+$0x6080] =	vst v3;
	v2 =	vmul.f32 $1.442695020e+00, v2  }
0x38b: {  	s11 =	simm.s32 $0x200;
	s10 =	simm.s32 $0x40;
	v3 =	vld [tilespmem:s14+$0x2080]  }
0x38c: {  	s21 =	sand.u32 $0xC00, s11;
	s20 =	sand.u32 $0x40, s10;
	(erf) = vpow2.f32 v2  }
0x38d: {  	v8 =	vld [tilespmem:s18+$0x4080];
	s17 =	sor.u32 s20, s21  }
0x38e: {  	v5 =	vld [tilespmem:s17+$0x3080];
	v4 =	vmul.f32 $5.129898550e+00, v4  }
0x38f: {  	v6 =	vld [tilespmem:s17+$0x3100];
	v1 =	vmul.f32 $5.129898550e+00, v1  }
0x390: {  	v7 =	vld [tilespmem:s17+$0x3180];
	v4 =	vmul.f32 $1.442695020e+00, v4;
	v3 =	vmul.f32 $5.129898550e+00, v3  }
0x391: {  	v34 =	vld [tilespmem:s18+$0x80];
	v1 =	vmul.f32 $1.442695020e+00, v1  }
0x392: {  	v9 =	vld [tilespmem:s19+$0x4080];
	(erf) = vpow2.f32 v4;
	v3 =	vmul.f32 $1.442695020e+00, v3  }
0x393: {  	v2 =	vld [tilespmem:s13+$0x4080];
	(erf) = vpow2.f32 v1;
	v1 =	vmul.f32 $5.129898550e+00, v5  }
0x394: {  	v10 =	vld [tilespmem:s17+$0x3110];
	v6 =	vmul.f32 $5.129898550e+00, v6;
	(erf) = vpow2.f32 v3  }
0x395: {  	v11 =	vld [tilespmem:s17+$0x3190];
	v3 =	vmul.f32 $5.129898550e+00, v7;
	v1 =	vmul.f32 $1.442695020e+00, v1;
	v7 =	vpop (erf)  }
0x396: {  	v8 =	vperm.xlane v0, v8;
	v12 =	vld [tilespmem:s17+$0x3210];
	v6 =	vmul.f32 $1.442695020e+00, v6;
	v7 =	vadd.f32 $-1.000000000e+00, v7  }
0x397: {  	v13 =	vld [tilespmem:s17+$0x30A0];
	v3 =	vmul.f32 $1.442695020e+00, v3;
	(erf) = vpow2.f32 v1  }
0x398: {  	v14 =	vld [tilespmem:s17+$0x3220];
	(erf) = vpow2.f32 v6;
	v1 =	vmul.f32 v7, v8  }
0x399: {  	v4 =	vld [tilespmem:s14+$0x4080];
	(erf) = vpow2.f32 v3  }
0x39a: {  	v5 =	vld [tilespmem:s17+$0x3090];
	v1 =	vmul.f32 $1.442695020e+00, v1  }
0x39b: {  	v15 =	vld [tilespmem:s17+$0x5080]  }
0x39c: {  	v17 =	vld [tilespmem:s17+$0x5180];
	(erf) = vpow2.f32 v1  }
0x39d: {  	v3 =	vperm.xlane v0, v2;
	v2 =	vperm.xlane v0, v9;
	v9 =	vld [tilespmem:s17+$0x5100];
	v6 =	vpop (erf)  }
0x39e: {  	v26 =	vld [tilespmem:s17+$0x5130];
	v10 =	vmul.f32 $5.129898550e+00, v10;
	v1 =	vperm.xlane v0, v4;
	v4 =	vpop (erf)  }
0x39f: {  	v27 =	vld [tilespmem:s17+$0x51B0];
	v11 =	vmul.f32 $5.129898550e+00, v11;
	v16 =	vmul.f32 $5.129898550e+00, v5;
	v5 =	vpop (erf)  }
0x3a0: {  	v12 =	vmul.f32 $5.129898550e+00, v12;
	v13 =	vmul.f32 $5.129898550e+00, v13;
	v35 =	vpop (erf)  }
0x3a1: {  	v15 =	vperm.xlane v0, v15;
	v17 =	vperm.xlane v0, v17;
	v19 =	vadd.f32 $-1.000000000e+00, v35;
	v20 =	vpop (erf)  }
0x3a2: {  	v14 =	vmul.f32 $5.129898550e+00, v14;
	v9 =	vperm.xlane v0, v9;
	v20 =	vadd.f32 $-1.000000000e+00, v20;
	v21 =	vpop (erf)  }
0x3a3: {  	v28 =	vld [tilespmem:s17+$0x5230];
	v56 =	vperm.xlane v0, v26;
	v15 =	vmul.f32 v19, v15;
	v36 =	vadd.f32 $-1.000000000e+00, v21  }
0x3a4: {  	v18 =	vsub.f32 $1.000000000e+00, v34;
	v57 =	vperm.xlane v0, v27;
	v9 =	vmul.f32 v20, v9  }
0x3a5: {  	v15 =	vmul.f32 $1.442695020e+00, v15;
	v17 =	vmul.f32 v36, v17;
	v39 =	vpop (erf)  }
0x3a6: {  	v7 =	vld [tilespmem:s17+$0x3120];
	v9 =	vmul.f32 $1.442695020e+00, v9;
	v18 =	vmul.f32 v39, v18  }
0x3a7: {  	v40 =	vld [tilespmem:s17+$0x31B0];
	v17 =	vmul.f32 $1.442695020e+00, v17;
	(erf) = vpow2.f32 v15  }
0x3a8: {  	v58 =	vperm.xlane v0, v28;
	v8 =	vld [tilespmem:s17+$0x31A0];
	(erf) = vpow2.f32 v9  }
0x3a9: {  	v41 =	vld [tilespmem:s17+$0x1080];
	v10 =	vmul.f32 $1.442695020e+00, v10;
	v9 =	vsub.f32 $1.000000000e+00, v18;
	(erf) = vpow2.f32 v17  }
0x3aa: {  	s22 =	sor.u32 $0x1300, s3;
	v42 =	vld [tilespmem:s17+$0x1100];
	v11 =	vmul.f32 $1.442695020e+00, v11;
	v14 =	vmul.f32 $1.442695020e+00, v14  }
0x3ab: {  	v22 =	vld [tilespmem:s17+$0x1180];
	v16 =	vmul.f32 $1.442695020e+00, v16;
	v7 =	vmul.f32 $5.129898550e+00, v7;
	[tilespmem:s18+$0x6080] =	vst v9  }
0x3ac: {  	v9 =	vmul.f32 $1.442695020e+00, v12;
	v12 =	vmul.f32 $1.442695020e+00, v13;
	v13 =	vld [tilespmem:s22+$0x2080]  }
0x3ad: {  	v8 =	vmul.f32 $5.129898550e+00, v8;
	(erf) = vpow2.f32 v16  }
0x3ae: {  	v7 =	vmul.f32 $1.442695020e+00, v7;
	(erf) = vpow2.f32 v10  }
0x3af: {  	v38 =	vld [tilespmem:s17+$0x3130];
	v8 =	vmul.f32 $1.442695020e+00, v8;
	v16 =	vsub.f32 $1.000000000e+00, v41;
	(erf) = vpow2.f32 v11  }
0x3b0: {  	v37 =	vld [tilespmem:s17+$0x30B0];
	v43 =	vsub.f32 $1.000000000e+00, v42;
	v19 =	vmul.f32 $5.129898550e+00, v40;
	(erf) = vpow2.f32 v9;
	v44 =	vpop (erf)  }
0x3b1: {  	v45 =	vsub.f32 $1.000000000e+00, v22;
	v15 =	vld [tilespmem:s17+$0x3230];
	v9 =	vmul.f32 $5.129898550e+00, v13;
	v16 =	vmul.f32 v44, v16;
	v46 =	vpop (erf)  }
0x3b2: {  	(erf) = vpow2.f32 v12;
	v18 =	vmul.f32 v46, v43;
	v47 =	vpop (erf)  }
0x3b3: {  	v10 =	vld [tilespmem:s17+$0x5090];
	v9 =	vmul.f32 $1.442695020e+00, v9;
	v16 =	vsub.f32 $1.000000000e+00, v16;
	v21 =	vmul.f32 v47, v45  }
0x3b4: {  	v20 =	vmul.f32 $5.129898550e+00, v38;
	v11 =	vld [tilespmem:s17+$0x5110];
	(erf) = vpow2.f32 v7;
	v18 =	vsub.f32 $1.000000000e+00, v18  }
0x3b5: {  	v17 =	vmul.f32 $5.129898550e+00, v37;
	v12 =	vld [tilespmem:s17+$0x5210];
	(erf) = vpow2.f32 v9;
	[tilespmem:s17+$0x7080] =	vst v16;
	v16 =	vsub.f32 $1.000000000e+00, v21  }
0x3b6: {  	s23 =	sor.u32 s21, s10;
	v19 =	vmul.f32 $1.442695020e+00, v19;
	v15 =	vmul.f32 $5.129898550e+00, v15;
	v7 =	vld [tilespmem:s17+$0x5120];
	[tilespmem:s17+$0x7100] =	vst v18  }
0x3b7: {  	s3 =	sor.u32 $0x1180, s23;
	v20 =	vmul.f32 $1.442695020e+00, v20;
	v17 =	vmul.f32 $1.442695020e+00, v17;
	v13 =	vld [tilespmem:s17+$0x5190];
	[tilespmem:s17+$0x7180] =	vst v16  }
0x3b8: {  	v15 =	vmul.f32 $1.442695020e+00, v15;
	v10 =	vperm.xlane v0, v10;
	v50 =	vpop (erf);
	v24 =	vld [tilespmem:s3+$0x2080]  }
0x3b9: {  	v49 =	vld [tilespmem:s17+$0x50B0];
	v11 =	vperm.xlane v0, v11;
	v51 =	vpop (erf);
	(erf) = vpow2.f32 v8  }
0x3ba: {  	v25 =	vld [tilespmem:s22+$0x4080];
	v12 =	vperm.xlane v0, v12;
	v8 =	vpop (erf);
	(erf) = vpow2.f32 v14  }
0x3bb: {  	v23 =	vld [tilespmem:s17+$0x50A0];
	v7 =	vperm.xlane v0, v7;
	v14 =	vpop (erf);
	(erf) = vpow2.f32 v17  }
0x3bc: {  	v13 =	vperm.xlane v0, v13;
	v52 =	vpop (erf);
	(erf) = vpow2.f32 v20  }
0x3bd: {  	v48 =	vld [tilespmem:s17+$0x5220];
	v53 =	vpop (erf);
	(erf) = vpow2.f32 v19;
	v54 =	vmul.f32 $5.129898550e+00, v24  }
0x3be: {  	v22 =	vadd.f32 $-1.000000000e+00, v50;
	v18 =	vperm.xlane v0, v49;
	(erf) = vpow2.f32 v15;
	v55 =	vpop (erf)  }
0x3bf: {  	v15 =	vperm.xlane v0, v25;
	v24 =	vadd.f32 $-1.000000000e+00, v55;
	v19 =	vmul.f32 $1.442695020e+00, v54  }
0x3c0: {  	v9 =	vld [tilespmem:s17+$0x51A0];
	v10 =	vmul.f32 v22, v10;
	v16 =	vperm.xlane v0, v23  }
0x3c1: {  	v15 =	vmul.f32 v24, v15;
	(erf) = vpow2.f32 v19  }
0x3c2: {  	v23 =	vadd.f32 $-1.000000000e+00, v51;
	v8 =	vadd.f32 $-1.000000000e+00, v8;
	v17 =	vperm.xlane v0, v48  }
0x3c3: {  	v10 =	vmul.f32 $1.442695020e+00, v10;
	v60 =	vpop (erf);
	v15 =	vmul.f32 $1.442695020e+00, v15  }
0x3c4: {  	v14 =	vadd.f32 $-1.000000000e+00, v14;
	v27 =	vld [tilespmem:s3+$0x4080];
	v11 =	vmul.f32 v23, v11;
	v8 =	vmul.f32 v8, v13;
	v61 =	vpop (erf)  }
0x3c5: {  	v59 =	vadd.f32 $-1.000000000e+00, v52;
	v9 =	vperm.xlane v0, v9;
	v62 =	vpop (erf);
	(erf) = vpow2.f32 v15  }
0x3c6: {  	v13 =	vadd.f32 $-1.000000000e+00, v53;
	v12 =	vmul.f32 v14, v12;
	v11 =	vmul.f32 $1.442695020e+00, v11  }
0x3c7: {  	v8 =	vmul.f32 $1.442695020e+00, v8;
	v14 =	vadd.f32 $-1.000000000e+00, v60;
	v15 =	vmul.f32 v59, v16;
	v16 =	vpop (erf)  }
0x3c8: {  	v29 =	vld [tilespmem:s22+$0x80];
	v7 =	vmul.f32 v13, v7;
	v12 =	vmul.f32 $1.442695020e+00, v12;
	v13 =	vadd.f32 $-1.000000000e+00, v61;
	v63 =	vpop (erf)  }
0x3c9: {  	v20 =	vperm.xlane v0, v27;
	v9 =	vmul.f32 v14, v9;
	v14 =	vadd.f32 $-1.000000000e+00, v62;
	v28 =	vpop (erf)  }
0x3ca: {  	v7 =	vmul.f32 $1.442695020e+00, v7;
	v13 =	vmul.f32 v13, v17;
	v31 =	vpop (erf)  }
0x3cb: {  	v14 =	vmul.f32 v14, v18;
	(erf) = vpow2.f32 v10;
	v19 =	vadd.f32 $-1.000000000e+00, v31  }
0x3cc: {  	v9 =	vmul.f32 $1.442695020e+00, v9;
	(erf) = vpow2.f32 v11  }
0x3cd: {  	v10 =	vsub.f32 $1.000000000e+00, v29;
	(erf) = vpow2.f32 v8;
	v19 =	vmul.f32 v19, v20  }
0x3ce: {  	v15 =	vmul.f32 $1.442695020e+00, v15;
	(erf) = vpow2.f32 v12;
	v11 =	vpop (erf)  }
0x3cf: {  	v32 =	vld [tilespmem:s17+$0x1090];
	v16 =	vadd.f32 $-1.000000000e+00, v16;
	v8 =	vmul.f32 v11, v10;
	v11 =	vmul.f32 $1.442695020e+00, v19  }
0x3d0: {  	v33 =	vld [tilespmem:s17+$0x1110];
	v13 =	vmul.f32 $1.442695020e+00, v13;
	v17 =	vadd.f32 $-1.000000000e+00, v63;
	(erf) = vpow2.f32 v15  }
0x3d1: {  	v34 =	vld [tilespmem:s17+$0x1190];
	v16 =	vmul.f32 v16, v56;
	(erf) = vpow2.f32 v11  }
0x3d2: {  	v14 =	vmul.f32 $1.442695020e+00, v14;
	v17 =	vmul.f32 v17, v57;
	v12 =	vld [tilespmem:s17+$0x10A0]  }
0x3d3: {  	v16 =	vmul.f32 $1.442695020e+00, v16;
	v10 =	vld [tilespmem:s17+$0x1210];
	v8 =	vsub.f32 $1.000000000e+00, v8;
	(erf) = vpow2.f32 v7  }
0x3d4: {  	s1 =	sor.u32 s12, s5;
	v17 =	vmul.f32 $1.442695020e+00, v17;
	(erf) = vpow2.f32 v9;
	v9 =	vld [tilespmem:s3+$0x80]  }
0x3d5: {  	s9 =	sor.u32 $0x1380, s1;
	v30 =	vadd.f32 $-1.000000000e+00, v28;
	v15 =	vld [tilespmem:s17+$0x1120];
	[tilespmem:s22+$0x6080] =	vst v8;
	(erf) = vpow2.f32 v13;
	v13 =	vpop (erf)  }
0x3d6: {  	v35 =	vsub.f32 $1.000000000e+00, v32;
	v7 =	vld [tilespmem:s9+$0x2080];
	(erf) = vpow2.f32 v14;
	v14 =	vpop (erf)  }
0x3d7: {  	v18 =	vmul.f32 v30, v58;
	v11 =	vld [tilespmem:s17+$0x11A0];
	v8 =	vsub.f32 $1.000000000e+00, v34;
	(erf) = vpow2.f32 v16;
	v16 =	vpop (erf)  }
0x3d8: {  	v21 =	vsub.f32 $1.000000000e+00, v33;
	v10 =	vsub.f32 $1.000000000e+00, v10;
	(erf) = vpow2.f32 v17;
	v17 =	vpop (erf)  }
0x3d9: {  	v18 =	vmul.f32 $1.442695020e+00, v18;
	v8 =	vmul.f32 v16, v8;
	v9 =	vsub.f32 $1.000000000e+00, v9;
	v16 =	vpop (erf)  }
0x3da: {  	v15 =	vsub.f32 $1.000000000e+00, v15;
	v14 =	vmul.f32 v14, v21;
	v10 =	vmul.f32 v17, v10;
	v17 =	vpop (erf)  }
0x3db: {  	v38 =	vld [tilespmem:s17+$0x1130];
	v12 =	vsub.f32 $1.000000000e+00, v12;
	v7 =	vmul.f32 $5.129898550e+00, v7;
	v9 =	vmul.f32 v17, v9  }
0x3dc: {  	v13 =	vmul.f32 v13, v35;
	v11 =	vsub.f32 $1.000000000e+00, v11;
	v14 =	vsub.f32 $1.000000000e+00, v14  }
0x3dd: {  	v12 =	vmul.f32 v16, v12;
	v7 =	vmul.f32 $1.442695020e+00, v7;
	v16 =	vpop (erf);
	v9 =	vsub.f32 $1.000000000e+00, v9  }
0x3de: {  	v39 =	vld [tilespmem:s17+$0x11B0];
	(erf) = vpow2.f32 v18;
	v8 =	vsub.f32 $1.000000000e+00, v8;
	[tilespmem:s17+$0x7110] =	vst v14;
	v14 =	vmul.f32 v16, v15;
	v15 =	vpop (erf)  }
0x3df: {  	(erf) = vpow2.f32 v7;
	v11 =	vmul.f32 v15, v11;
	v15 =	vpop (erf)  }
0x3e0: {  	v36 =	vld [tilespmem:s17+$0x1220];
	v13 =	vsub.f32 $1.000000000e+00, v13;
	[tilespmem:s17+$0x7190] =	vst v8;
	v8 =	vsub.f32 $1.000000000e+00, v38;
	v16 =	vpop (erf)  }
0x3e1: {  	p0 =	por !p0, !p0;
	s1 =	simm.s32 $0x1;
	v6 =	vadd.f32 $-1.000000000e+00, v6;
	v37 =	vld [tilespmem:s17+$0x10B0];
	v10 =	vsub.f32 $1.000000000e+00, v10;
	[tilespmem:s3+$0x6080] =	vst v9;
	v9 =	vpop (erf)  }
0x3e2: {  	s1 =	simm.s32 @!p0 $0x0;
	v4 =	vadd.f32 $-1.000000000e+00, v4;
	[tilespmem:s17+$0x7090] =	vst v13;
	v14 =	vsub.f32 $1.000000000e+00, v14;
	v8 =	vmul.f32 v9, v8  }
0x3e3: {  	s1 =	sshll.u32 s1, $0x6;
	v3 =	vmul.f32 v6, v3;
	v13 =	vld [tilespmem:s17+$0x1230];
	[tilespmem:s17+$0x7210] =	vst v10;
	v10 =	vsub.f32 $1.000000000e+00, v39  }
0x3e4: {  	s1 =	sadd.s32 $0x200, s1;
	v5 =	vadd.f32 $-1.000000000e+00, v5;
	v2 =	vmul.f32 v4, v2;
	[tilespmem:s17+$0x7120] =	vst v14;
	v14 =	vld [tilespmem:s9+$0x4080];
	v9 =	vpop (erf);
	v4 =	vsub.f32 $1.000000000e+00, v8  }
0x3e5: {  	s24 =	sor.u32 $0x1200, s1;
	v20 =	vsub.f32 $1.000000000e+00, v36;
	v12 =	vsub.f32 $1.000000000e+00, v12;
	v9 =	vmul.f32 v9, v10  }
0x3e6: {  	v3 =	vmul.f32 $1.442695020e+00, v3;
	v7 =	vsub.f32 $1.000000000e+00, v37;
	v6 =	vsub.f32 $1.000000000e+00, v11;
	v11 =	vld [tilespmem:s24+$0x2080]  }
0x3e7: {  	s12 =	sadd.s32 $0x10, s1;
	v1 =	vmul.f32 v5, v1;
	[tilespmem:s17+$0x70A0] =	vst v12;
	v15 =	vmul.f32 v15, v20;
	v10 =	vpop (erf);
	v5 =	vsub.f32 $1.000000000e+00, v9  }
0x3e8: {  	s25 =	sor.u32 $0x1200, s12;
	v12 =	vsub.f32 $1.000000000e+00, v13;
	v7 =	vmul.f32 v16, v7;
	(erf) = vpow2.f32 v3;
	[tilespmem:s17+$0x7130] =	vst v4;
	v4 =	vpop (erf)  }
0x3e9: {  	v13 =	vsub.f32 $1.000000000e+00, v15;
	v3 =	vld [tilespmem:s25+$0x2080];
	[tilespmem:s17+$0x71B0] =	vst v5;
	v5 =	vperm.xlane v0, v14;
	v4 =	vadd.f32 $-1.000000000e+00, v4  }
0x3ea: {  	s15 =	sadd.s32 $0x20, s1;
	v2 =	vmul.f32 $1.442695020e+00, v2;
	v7 =	vsub.f32 $1.000000000e+00, v7;
	[tilespmem:s17+$0x71A0] =	vst v6;
	v6 =	vmul.f32 v10, v12  }
0x3eb: {  	s26 =	sor.u32 $0x1200, s15;
	[tilespmem:s17+$0x7220] =	vst v13;
	v8 =	vmul.f32 $5.129898550e+00, v11;
	v9 =	vld [tilespmem:s13+$0x80];
	v4 =	vmul.f32 v4, v5  }
0x3ec: {  	v1 =	vmul.f32 $1.442695020e+00, v1;
	[tilespmem:s17+$0x70B0] =	vst v7;
	v7 =	vld [tilespmem:s26+$0x2080];
	(erf) = vpow2.f32 v2;
	v6 =	vsub.f32 $1.000000000e+00, v6  }
0x3ed: {  	s16 =	sadd.s32 $0x30, s1;
	v2 =	vmul.f32 $1.442695020e+00, v8;
	v4 =	vmul.f32 $1.442695020e+00, v4  }
0x3ee: {  	s18 =	sor.u32 $0x1200, s16;
	(erf) = vpow2.f32 v1;
	[tilespmem:s17+$0x7230] =	vst v6;
	v3 =	vmul.f32 $5.129898550e+00, v3  }
0x3ef: {  	v1 =	vld [tilespmem:s18+$0x2080];
	(erf) = vpow2.f32 v2  }
0x3f0: {  	v3 =	vmul.f32 $1.442695020e+00, v3;
	v6 =	vsub.f32 $1.000000000e+00, v9  }
0x3f1: {  	v2 =	vmul.f32 $5.129898550e+00, v7;
	v5 =	vld [tilespmem:s19+$0x80];
	(erf) = vpow2.f32 v4;
	v4 =	vpop (erf)  }
0x3f2: {  	(erf) = vpow2.f32 v3;
	v3 =	vmul.f32 v4, v6;
	_ =	sdelay $0x1  }
0x3f3: {  	v2 =	vmul.f32 $1.442695020e+00, v2;
	v1 =	vmul.f32 $5.129898550e+00, v1;
	v4 =	vld [tilespmem:s24+$0x4080];
	v3 =	vsub.f32 $1.000000000e+00, v3;
	_ =	sdelay $0x1  }
0x3f4: {  	v1 =	vmul.f32 $1.442695020e+00, v1;
	v5 =	vsub.f32 $1.000000000e+00, v5;
	(erf) = vpow2.f32 v2;
	v2 =	vld [tilespmem:s14+$0x80];
	v6 =	vpop (erf)  }
0x3f5: {  	v8 =	vpop (erf)  }
0x3f6: {  	v7 =	vld [tilespmem:s25+$0x4080];
	(erf) = vpow2.f32 v1;
	v1 =	vmul.f32 v6, v5;
	[tilespmem:s13+$0x6080] =	vst v3;
	v3 =	vpop (erf)  }
0x3f7: {  	v9 =	vld [tilespmem:s26+$0x4080];
	v4 =	vperm.xlane v0, v4;
	v3 =	vadd.f32 $-1.000000000e+00, v3  }
0x3f8: {  	v6 =	vsub.f32 $1.000000000e+00, v1  }
0x3f9: {  	s5 =	sor.u32 $0x1300, s4;
	v2 =	vsub.f32 $1.000000000e+00, v2;
	v3 =	vmul.f32 v3, v4  }
0x3fa: {  	v5 =	vld [tilespmem:s5+$0x2080]  }
0x3fb: {  	v10 =	vld [tilespmem:s18+$0x4080];
	s13 =	sor.u32 $0x1300, s8;
	[tilespmem:s19+$0x6080] =	vst v6;
	v2 =	vmul.f32 v8, v2;
	v1 =	vpop (erf);
	v3 =	vmul.f32 $1.442695020e+00, v3  }
0x3fc: {  	v6 =	vpop (erf);
	v4 =	vperm.xlane v0, v7;
	v7 =	vperm.xlane v0, v9;
	v9 =	vld [tilespmem:s13+$0x2080]  }
0x3fd: {  	v6 =	vadd.f32 $-1.000000000e+00, v6;
	v11 =	vpop (erf);
	(erf) = vpow2.f32 v3  }
0x3fe: {  	v2 =	vsub.f32 $1.000000000e+00, v2;
	v8 =	vadd.f32 $-1.000000000e+00, v11  }
0x3ff: {  	v5 =	vmul.f32 $5.129898550e+00, v5;
	v4 =	vmul.f32 v6, v4  }
0x400: {  	s2 =	sor.u32 $0x1300, s0;
	[tilespmem:s14+$0x6080] =	vst v2;
	v6 =	vmul.f32 v8, v7;
	v8 =	vld [tilespmem:s24+$0x80];
	v3 =	vperm.xlane v0, v10;
	v7 =	vpop (erf)  }
0x401: {  	v4 =	vmul.f32 $1.442695020e+00, v4;
	v7 =	vadd.f32 $-1.000000000e+00, v7;
	v2 =	vmul.f32 $5.129898550e+00, v9;
	v9 =	vld [tilespmem:s2+$0x2080]  }
0x402: {  	v5 =	vmul.f32 $1.442695020e+00, v5;
	v6 =	vmul.f32 $1.442695020e+00, v6  }
0x403: {  	(erf) = vpow2.f32 v4;
	v3 =	vmul.f32 v7, v3  }
0x404: {  	v2 =	vmul.f32 $1.442695020e+00, v2;
	(erf) = vpow2.f32 v6  }
0x405: {  	(erf) = vpow2.f32 v5;
	v4 =	vsub.f32 $1.000000000e+00, v8;
	v3 =	vmul.f32 $1.442695020e+00, v3  }
0x406: {  	(erf) = vpow2.f32 v2;
	v5 =	vmul.f32 $5.129898550e+00, v9;
	v6 =	vpop (erf)  }
0x407: {  	v7 =	vld [tilespmem:s18+$0x80];
	(erf) = vpow2.f32 v3;
	v4 =	vmul.f32 v6, v4  }
0x408: {  	v2 =	vld [tilespmem:s25+$0x80];
	v5 =	vmul.f32 $1.442695020e+00, v5  }
0x409: {  	v3 =	vld [tilespmem:s26+$0x80];
	v4 =	vsub.f32 $1.000000000e+00, v4  }
0x40a: {  	v8 =	vld [tilespmem:s13+$0x4080]  }
0x40b: {  	v6 =	vld [tilespmem:s5+$0x4080]  }
0x40c: {  	(erf) = vpow2.f32 v5;
	v5 =	vpop (erf)  }
0x40d: {  	v2 =	vsub.f32 $1.000000000e+00, v2;
	[tilespmem:s24+$0x6080] =	vst v4;
	v4 =	vpop (erf)  }
0x40e: {  	s14 =	sor.u32 $0x1280, s1;
	v7 =	vsub.f32 $1.000000000e+00, v7;
	v3 =	vsub.f32 $1.000000000e+00, v3;
	v10 =	vpop (erf)  }
0x40f: {  	v8 =	vperm.xlane v0, v8;
	v2 =	vmul.f32 v5, v2;
	v9 =	vld [tilespmem:s14+$0x2080];
	v5 =	vadd.f32 $-1.000000000e+00, v10;
	v10 =	vpop (erf)  }
0x410: {  	v6 =	vperm.xlane v0, v6;
	v3 =	vmul.f32 v4, v3;
	v4 =	vpop (erf);
	v10 =	vadd.f32 $-1.000000000e+00, v10  }
0x411: {  	v4 =	vmul.f32 v4, v7  }
0x412: {  	v11 =	vld [tilespmem:s2+$0x4080];
	v2 =	vsub.f32 $1.000000000e+00, v2;
	v5 =	vmul.f32 v5, v6;
	v6 =	vmul.f32 v10, v8  }
0x413: {  	v3 =	vsub.f32 $1.000000000e+00, v3  }
0x414: {  	s21 =	sor.u32 $0x1280, s12;
	[tilespmem:s25+$0x6080] =	vst v2;
	v2 =	vmul.f32 $5.129898550e+00, v9;
	v4 =	vsub.f32 $1.000000000e+00, v4  }
0x415: {  	s24 =	sor.u32 $0x1280, s15;
	v7 =	vld [tilespmem:s21+$0x2080];
	[tilespmem:s26+$0x6080] =	vst v3;
	v5 =	vmul.f32 $1.442695020e+00, v5  }
0x416: {  	s28 =	simm.s32 $0x80;
	s29 =	simm.s32 $0x400;
	s17 =	sor.u32 $0x1280, s16;
	v8 =	vld [tilespmem:s24+$0x2080];
	v2 =	vmul.f32 $1.442695020e+00, v2;
	v3 =	vmul.f32 $1.442695020e+00, v6;
	[tilespmem:s18+$0x6080] =	vst v4;
	v6 =	vpop (erf)  }
0x417: {  	s20 =	sand.u32 $0xC00, s29;
	s19 =	sand.u32 $0x40, s28;
	(erf) = vpow2.f32 v5;
	v4 =	vperm.xlane v0, v11;
	v5 =	vadd.f32 $-1.000000000e+00, v6;
	v6 =	vld [tilespmem:s17+$0x2080]  }
0x418: {  	s22 =	sor.u32 s19, s20;
	(erf) = vpow2.f32 v3  }
0x419: {  	v12 =	vld [tilespmem:s22+$0x3090];
	(erf) = vpow2.f32 v2;
	v2 =	vmul.f32 v5, v4  }
0x41a: {  	v13 =	vld [tilespmem:s22+$0x3110];
	v3 =	vmul.f32 $5.129898550e+00, v7  }
0x41b: {  	v4 =	vld [tilespmem:s22+$0x3080];
	v5 =	vmul.f32 $5.129898550e+00, v8;
	v2 =	vmul.f32 $1.442695020e+00, v2  }
0x41c: {  	v7 =	vld [tilespmem:s22+$0x3100];
	v3 =	vmul.f32 $1.442695020e+00, v3;
	v6 =	vmul.f32 $5.129898550e+00, v6  }
0x41d: {  	v8 =	vld [tilespmem:s22+$0x3180];
	(erf) = vpow2.f32 v2;
	v2 =	vmul.f32 $1.442695020e+00, v5  }
0x41e: {  	v5 =	vld [tilespmem:s14+$0x4080]  }
0x41f: {  	v14 =	vld [tilespmem:s22+$0x3190];
	(erf) = vpow2.f32 v3;
	v6 =	vmul.f32 $1.442695020e+00, v6  }
0x420: {  	v15 =	vld [tilespmem:s22+$0x3210];
	v4 =	vmul.f32 $5.129898550e+00, v4;
	v3 =	vpop (erf);
	(erf) = vpow2.f32 v2  }
0x421: {  	v16 =	vld [tilespmem:s22+$0x30A0];
	v7 =	vmul.f32 $5.129898550e+00, v7;
	(erf) = vpow2.f32 v6;
	v2 =	vpop (erf)  }
0x422: {  	v17 =	vld [tilespmem:s22+$0x31A0];
	v4 =	vmul.f32 $1.442695020e+00, v4;
	v6 =	vmul.f32 $5.129898550e+00, v8;
	v8 =	vpop (erf)  }
0x423: {  	v40 =	vld [tilespmem:s22+$0x5080];
	v7 =	vmul.f32 $1.442695020e+00, v7;
	v5 =	vperm.xlane v0, v5;
	v8 =	vadd.f32 $-1.000000000e+00, v8  }
0x424: {  	v41 =	vld [tilespmem:s22+$0x5100];
	v6 =	vmul.f32 $1.442695020e+00, v6;
	(erf) = vpow2.f32 v4  }
0x425: {  	v42 =	vld [tilespmem:s22+$0x5180];
	(erf) = vpow2.f32 v7;
	v4 =	vmul.f32 v8, v5  }
0x426: {  	v10 =	vld [tilespmem:s24+$0x4080];
	(erf) = vpow2.f32 v6  }
0x427: {  	v11 =	vld [tilespmem:s17+$0x4080];
	v5 =	vmul.f32 $1.442695020e+00, v4  }
0x428: {  	v47 =	vld [tilespmem:s22+$0x30B0];
	v12 =	vmul.f32 $5.129898550e+00, v12;
	v13 =	vmul.f32 $5.129898550e+00, v13  }
0x429: {  	v49 =	vld [tilespmem:s22+$0x3130];
	v14 =	vmul.f32 $5.129898550e+00, v14;
	v4 =	vpop (erf);
	(erf) = vpow2.f32 v5  }
0x42a: {  	v30 =	vld [tilespmem:s22+$0x5120];
	v15 =	vmul.f32 $5.129898550e+00, v15;
	v16 =	vmul.f32 $5.129898550e+00, v16;
	v19 =	vpop (erf)  }
0x42b: {  	v17 =	vmul.f32 $5.129898550e+00, v17;
	v43 =	vld [tilespmem:s14+$0x80];
	v6 =	vperm.xlane v0, v10;
	v10 =	vpop (erf)  }
0x42c: {  	v18 =	vperm.xlane v0, v40;
	v9 =	vld [tilespmem:s21+$0x4080];
	v5 =	vperm.xlane v0, v11;
	v11 =	vpop (erf)  }
0x42d: {  	v20 =	vperm.xlane v0, v41;
	v21 =	vperm.xlane v0, v42;
	v44 =	vpop (erf)  }
0x42e: {  	v26 =	vmul.f32 $5.129898550e+00, v47;
	v55 =	vmul.f32 $5.129898550e+00, v49;
	v23 =	vadd.f32 $-1.000000000e+00, v44;
	v45 =	vpop (erf)  }
0x42f: {  	v30 =	vperm.xlane v0, v30;
	v12 =	vmul.f32 $1.442695020e+00, v12;
	v24 =	vadd.f32 $-1.000000000e+00, v45;
	v46 =	vpop (erf)  }
0x430: {  	v13 =	vmul.f32 $1.442695020e+00, v13;
	v18 =	vmul.f32 v23, v18;
	v48 =	vadd.f32 $-1.000000000e+00, v46  }
0x431: {  	v56 =	vld [tilespmem:s22+$0x1080];
	v22 =	vsub.f32 $1.000000000e+00, v43;
	v7 =	vperm.xlane v0, v9;
	v20 =	vmul.f32 v24, v20  }
0x432: {  	v42 =	vld [tilespmem:s22+$0x5230];
	v18 =	vmul.f32 $1.442695020e+00, v18;
	v21 =	vmul.f32 v48, v21;
	v50 =	vpop (erf)  }
0x433: {  	v9 =	vld [tilespmem:s22+$0x3220];
	v20 =	vmul.f32 $1.442695020e+00, v20;
	v22 =	vmul.f32 v50, v22  }
0x434: {  	v8 =	vld [tilespmem:s22+$0x3120];
	v21 =	vmul.f32 $1.442695020e+00, v21;
	(erf) = vpow2.f32 v18  }
0x435: {  	v57 =	vld [tilespmem:s22+$0x1100];
	v14 =	vmul.f32 $1.442695020e+00, v14;
	(erf) = vpow2.f32 v20;
	v54 =	vsub.f32 $1.000000000e+00, v22  }
0x436: {  	v58 =	vld [tilespmem:s22+$0x1180];
	v15 =	vmul.f32 $1.442695020e+00, v15;
	(erf) = vpow2.f32 v21  }
0x437: {  	v38 =	vld [tilespmem:s22+$0x50B0];
	s1 =	sor.u32 $0x1300, s1;
	v16 =	vmul.f32 $1.442695020e+00, v16;
	v17 =	vmul.f32 $1.442695020e+00, v17;
	[tilespmem:s14+$0x6080] =	vst v54  }
0x438: {  	v26 =	vmul.f32 $1.442695020e+00, v26;
	v9 =	vmul.f32 $5.129898550e+00, v9;
	v20 =	vld [tilespmem:s1+$0x2080]  }
0x439: {  	v28 =	vperm.xlane v0, v42;
	v8 =	vmul.f32 $5.129898550e+00, v8  }
0x43a: {  	v9 =	vmul.f32 $1.442695020e+00, v9;
	(erf) = vpow2.f32 v12  }
0x43b: {  	v25 =	vsub.f32 $1.000000000e+00, v56;
	v8 =	vmul.f32 $1.442695020e+00, v8;
	(erf) = vpow2.f32 v13  }
0x43c: {  	v52 =	vld [tilespmem:s22+$0x3230];
	v27 =	vsub.f32 $1.000000000e+00, v58;
	v44 =	vperm.xlane v0, v38;
	(erf) = vpow2.f32 v14  }
0x43d: {  	v21 =	vsub.f32 $1.000000000e+00, v57;
	(erf) = vpow2.f32 v15;
	v29 =	vpop (erf);
	v15 =	vmul.f32 $5.129898550e+00, v20  }
0x43e: {  	v51 =	vld [tilespmem:s22+$0x31B0];
	v10 =	vadd.f32 $-1.000000000e+00, v10;
	(erf) = vpow2.f32 v16;
	v25 =	vmul.f32 v29, v25;
	v61 =	vpop (erf)  }
0x43f: {  	v40 =	vld [tilespmem:s22+$0x51B0];
	v11 =	vadd.f32 $-1.000000000e+00, v11;
	v21 =	vmul.f32 v61, v21;
	v62 =	vpop (erf);
	v15 =	vmul.f32 $1.442695020e+00, v15  }
0x440: {  	v60 =	vld [tilespmem:s22+$0x5210];
	(erf) = vpow2.f32 v8;
	v25 =	vsub.f32 $1.000000000e+00, v25;
	v27 =	vmul.f32 v62, v27  }
0x441: {  	v23 =	vmul.f32 $5.129898550e+00, v52;
	v12 =	vld [tilespmem:s22+$0x5090];
	v21 =	vsub.f32 $1.000000000e+00, v21;
	(erf) = vpow2.f32 v15  }
0x442: {  	v6 =	vmul.f32 v10, v6;
	v5 =	vmul.f32 v11, v5;
	v13 =	vld [tilespmem:s22+$0x5110];
	[tilespmem:s22+$0x7080] =	vst v25;
	v36 =	vsub.f32 $1.000000000e+00, v27  }
0x443: {  	s3 =	sor.u32 s20, s28;
	v24 =	vmul.f32 $5.129898550e+00, v51;
	v23 =	vmul.f32 $1.442695020e+00, v23;
	v33 =	vld [tilespmem:s1+$0x4080];
	[tilespmem:s22+$0x7100] =	vst v21  }
0x444: {  	s3 =	sor.u32 $0x1180, s3;
	v18 =	vperm.xlane v0, v40;
	v22 =	vmul.f32 $1.442695020e+00, v55;
	v14 =	vld [tilespmem:s22+$0x5190];
	v31 =	vpop (erf);
	[tilespmem:s22+$0x7180] =	vst v36  }
0x445: {  	v15 =	vmul.f32 $1.442695020e+00, v24;
	(erf) = vpow2.f32 v17;
	v17 =	vpop (erf);
	v25 =	vld [tilespmem:s3+$0x2080]  }
0x446: {  	v37 =	vperm.xlane v0, v12;
	(erf) = vpow2.f32 v9;
	v32 =	vpop (erf)  }
0x447: {  	v13 =	vperm.xlane v0, v13;
	(erf) = vpow2.f32 v26;
	v41 =	vpop (erf)  }
0x448: {  	v16 =	vld [tilespmem:s22+$0x50A0];
	v20 =	vperm.xlane v0, v60;
	(erf) = vpow2.f32 v22;
	v43 =	vpop (erf)  }
0x449: {  	v12 =	vadd.f32 $-1.000000000e+00, v19;
	v47 =	vperm.xlane v0, v33;
	(erf) = vpow2.f32 v15;
	v15 =	vpop (erf)  }
0x44a: {  	v63 =	vld [tilespmem:s22+$0x5220];
	v14 =	vperm.xlane v0, v14;
	v45 =	vadd.f32 $-1.000000000e+00, v31;
	v25 =	vmul.f32 $5.129898550e+00, v25;
	v46 =	vpop (erf)  }
0x44b: {  	v8 =	vld [tilespmem:s22+$0x51A0];
	v7 =	vmul.f32 v12, v7;
	v17 =	vadd.f32 $-1.000000000e+00, v17;
	v31 =	vadd.f32 $-1.000000000e+00, v46  }
0x44c: {  	v53 =	vld [tilespmem:s5+$0x80];
	(erf) = vpow2.f32 v23;
	v25 =	vmul.f32 $1.442695020e+00, v25  }
0x44d: {  	v39 =	vld [tilespmem:s22+$0x5130];
	v16 =	vperm.xlane v0, v16;
	v23 =	vmul.f32 v31, v47  }
0x44e: {  	v7 =	vmul.f32 $1.442695020e+00, v7;
	(erf) = vpow2.f32 v25  }
0x44f: {  	v13 =	vmul.f32 v17, v13;
	v17 =	vpop (erf);
	v23 =	vmul.f32 $1.442695020e+00, v23  }
0x450: {  	v34 =	vperm.xlane v0, v8;
	v24 =	vperm.xlane v0, v63;
	v48 =	vpop (erf)  }
0x451: {  	v27 =	vmul.f32 v45, v37;
	v32 =	vadd.f32 $-1.000000000e+00, v32;
	v49 =	vpop (erf);
	(erf) = vpow2.f32 v23  }
0x452: {  	v9 =	vsub.f32 $1.000000000e+00, v53;
	v21 =	vperm.xlane v0, v39;
	v26 =	vadd.f32 $-1.000000000e+00, v41;
	v53 =	vld [tilespmem:s3+$0x4080]  }
0x453: {  	v27 =	vmul.f32 $1.442695020e+00, v27;
	v22 =	vadd.f32 $-1.000000000e+00, v43;
	v14 =	vmul.f32 v32, v14;
	v51 =	vpop (erf)  }
0x454: {  	v56 =	vld [tilespmem:s1+$0x80];
	v15 =	vadd.f32 $-1.000000000e+00, v15;
	v20 =	vmul.f32 v26, v20;
	v13 =	vmul.f32 $1.442695020e+00, v13;
	v52 =	vpop (erf)  }
0x455: {  	v16 =	vmul.f32 v22, v16;
	v14 =	vmul.f32 $1.442695020e+00, v14;
	v55 =	vpop (erf)  }
0x456: {  	v15 =	vmul.f32 v15, v30;
	v23 =	vadd.f32 $-1.000000000e+00, v51;
	v58 =	vadd.f32 $-1.000000000e+00, v55  }
0x457: {  	v20 =	vmul.f32 $1.442695020e+00, v20;
	v26 =	vperm.xlane v0, v53;
	v61 =	vpop (erf)  }
0x458: {  	v21 =	vmul.f32 v23, v21;
	v23 =	vmul.f32 v58, v28;
	v28 =	vadd.f32 $-1.000000000e+00, v61  }
0x459: {  	v35 =	vsub.f32 $1.000000000e+00, v56;
	v16 =	vmul.f32 $1.442695020e+00, v16;
	(erf) = vpow2.f32 v27  }
0x45a: {  	(erf) = vpow2.f32 v13;
	v26 =	vmul.f32 v28, v26;
	v13 =	vpop (erf)  }
0x45b: {  	v59 =	vld [tilespmem:s13+$0x80];
	v17 =	vadd.f32 $-1.000000000e+00, v17;
	(erf) = vpow2.f32 v14;
	v13 =	vmul.f32 v13, v35  }
0x45c: {  	v57 =	vld [tilespmem:s22+$0x1090];
	v25 =	vadd.f32 $-1.000000000e+00, v48;
	(erf) = vpow2.f32 v20;
	v26 =	vmul.f32 $1.442695020e+00, v26  }
0x45d: {  	v60 =	vld [tilespmem:s22+$0x1190];
	v17 =	vmul.f32 v17, v34;
	(erf) = vpow2.f32 v16;
	v13 =	vsub.f32 $1.000000000e+00, v13  }
0x45e: {  	s23 =	sor.u32 s11, s10;
	v62 =	vld [tilespmem:s22+$0x1210];
	v15 =	vmul.f32 $1.442695020e+00, v15;
	v50 =	vadd.f32 $-1.000000000e+00, v49;
	(erf) = vpow2.f32 v26  }
0x45f: {  	s11 =	sor.u32 $0x1380, s23;
	v63 =	vld [tilespmem:s22+$0x10A0];
	v24 =	vmul.f32 v25, v24;
	v17 =	vmul.f32 $1.442695020e+00, v17;
	[tilespmem:s1+$0x6080] =	vst v13  }
0x460: {  	v19 =	vmul.f32 v50, v44;
	v54 =	vadd.f32 $-1.000000000e+00, v52;
	(erf) = vpow2.f32 v15;
	v15 =	vld [tilespmem:s11+$0x2080]  }
0x461: {  	v24 =	vmul.f32 $1.442695020e+00, v24;
	(erf) = vpow2.f32 v17;
	v17 =	vld [tilespmem:s3+$0x80]  }
0x462: {  	v8 =	vsub.f32 $1.000000000e+00, v59;
	v36 =	vld [tilespmem:s22+$0x1120];
	v18 =	vmul.f32 v54, v18;
	v19 =	vmul.f32 $1.442695020e+00, v19;
	v42 =	vpop (erf)  }
0x463: {  	v59 =	vld [tilespmem:s22+$0x1110];
	v39 =	vsub.f32 $1.000000000e+00, v62;
	v21 =	vmul.f32 $1.442695020e+00, v21;
	v45 =	vpop (erf);
	(erf) = vpow2.f32 v24  }
0x464: {  	v41 =	vsub.f32 $1.000000000e+00, v63;
	v22 =	vsub.f32 $1.000000000e+00, v60;
	v14 =	vld [tilespmem:s22+$0x1220];
	v47 =	vpop (erf);
	(erf) = vpow2.f32 v19  }
0x465: {  	v30 =	vsub.f32 $1.000000000e+00, v57;
	v18 =	vmul.f32 $1.442695020e+00, v18;
	v49 =	vpop (erf);
	(erf) = vpow2.f32 v21  }
0x466: {  	v37 =	vld [tilespmem:s22+$0x11A0];
	v23 =	vmul.f32 $1.442695020e+00, v23;
	v50 =	vpop (erf);
	v15 =	vmul.f32 $5.129898550e+00, v15;
	v17 =	vsub.f32 $1.000000000e+00, v17  }
0x467: {  	v16 =	vld [tilespmem:s22+$0x1130];
	v44 =	vmul.f32 v42, v30;
	v13 =	vsub.f32 $1.000000000e+00, v36;
	(erf) = vpow2.f32 v18;
	v51 =	vpop (erf)  }
0x468: {  	v25 =	vsub.f32 $1.000000000e+00, v59;
	v15 =	vmul.f32 $1.442695020e+00, v15;
	v17 =	vmul.f32 v51, v17  }
0x469: {  	v38 =	vld [tilespmem:s22+$0x10B0];
	v14 =	vsub.f32 $1.000000000e+00, v14;
	v22 =	vmul.f32 v47, v22;
	(erf) = vpow2.f32 v23  }
0x46a: {  	v48 =	vsub.f32 $1.000000000e+00, v44;
	v55 =	vpop (erf);
	(erf) = vpow2.f32 v15;
	v15 =	vsub.f32 $1.000000000e+00, v17  }
0x46b: {  	v40 =	vld [tilespmem:s22+$0x11B0];
	v53 =	vsub.f32 $1.000000000e+00, v22;
	v54 =	vmul.f32 v50, v41;
	v12 =	vmul.f32 v55, v13;
	v13 =	vpop (erf)  }
0x46c: {  	v28 =	vsub.f32 $1.000000000e+00, v37;
	v16 =	vsub.f32 $1.000000000e+00, v16;
	v46 =	vmul.f32 v45, v25;
	[tilespmem:s22+$0x7090] =	vst v48;
	v17 =	vpop (erf)  }
0x46d: {  	p0 =	por !p0, !p0;
	v43 =	vld [tilespmem:s22+$0x1230];
	s1 =	simm.s32 $0x1;
	[tilespmem:s22+$0x7190] =	vst v53;
	v10 =	vsub.f32 $1.000000000e+00, v54;
	v11 =	vsub.f32 $1.000000000e+00, v12;
	v12 =	vmul.f32 v17, v14;
	v14 =	vpop (erf)  }
0x46e: {  	v20 =	vsub.f32 $1.000000000e+00, v38;
	s1 =	simm.s32 @!p0 $0x0;
	v19 =	vmul.f32 v49, v39;
	v21 =	vsub.f32 $1.000000000e+00, v46;
	[tilespmem:s3+$0x6080] =	vst v15;
	v15 =	vpop (erf)  }
0x46f: {  	s1 =	sshll.u32 s1, $0x6;
	[tilespmem:s22+$0x70A0] =	vst v10;
	v13 =	vmul.f32 v13, v28;
	v10 =	vsub.f32 $1.000000000e+00, v12;
	v12 =	vmul.f32 v15, v16  }
0x470: {  	v56 =	vld [tilespmem:s2+$0x80];
	v26 =	vsub.f32 $1.000000000e+00, v40;
	s1 =	sadd.s32 $0x400, s1;
	v19 =	vsub.f32 $1.000000000e+00, v19;
	[tilespmem:s22+$0x7110] =	vst v21  }
0x471: {  	s25 =	sor.u32 $0x1200, s1;
	(erf) = vpow2.f32 v7;
	v13 =	vsub.f32 $1.000000000e+00, v13;
	[tilespmem:s22+$0x7120] =	vst v11;
	v11 =	vld [tilespmem:s11+$0x4080];
	v7 =	vsub.f32 $1.000000000e+00, v12  }
0x472: {  	v6 =	vmul.f32 $1.442695020e+00, v6;
	v52 =	vsub.f32 $1.000000000e+00, v43;
	s6 =	sadd.s32 $0x10, s1;
	[tilespmem:s22+$0x7210] =	vst v19;
	v17 =	vld [tilespmem:s25+$0x2080];
	v14 =	vmul.f32 v14, v20;
	v15 =	vpop (erf)  }
0x473: {  	v5 =	vmul.f32 $1.442695020e+00, v5;
	s23 =	sor.u32 $0x1200, s6;
	[tilespmem:s22+$0x71A0] =	vst v13;
	v15 =	vmul.f32 v15, v26;
	v57 =	vpop (erf)  }
0x474: {  	s7 =	sadd.s32 $0x20, s1;
	(erf) = vpow2.f32 v6;
	v6 =	vld [tilespmem:s23+$0x2080];
	v14 =	vsub.f32 $1.000000000e+00, v14;
	v12 =	vmul.f32 v57, v52;
	[tilespmem:s22+$0x7220] =	vst v10  }
0x475: {  	v3 =	vmul.f32 v3, v9;
	s26 =	sor.u32 $0x1200, s7;
	(erf) = vpow2.f32 v5;
	v16 =	vld [tilespmem:s9+$0x80];
	v15 =	vsub.f32 $1.000000000e+00, v15;
	[tilespmem:s22+$0x7130] =	vst v7;
	v7 =	vpop (erf)  }
0x476: {  	[tilespmem:s22+$0x70B0] =	vst v14;
	v5 =	vld [tilespmem:s26+$0x2080];
	v9 =	vperm.xlane v0, v11;
	v12 =	vsub.f32 $1.000000000e+00, v12;
	v7 =	vadd.f32 $-1.000000000e+00, v7  }
0x477: {  	v2 =	vmul.f32 v2, v8;
	s18 =	sadd.s32 $0x30, s1;
	v13 =	vld [tilespmem:s21+$0x80];
	v10 =	vsub.f32 $1.000000000e+00, v56;
	v14 =	vmul.f32 $5.129898550e+00, v17;
	[tilespmem:s22+$0x71B0] =	vst v15  }
0x478: {  	s20 =	sor.u32 $0x1200, s18;
	v17 =	vld [tilespmem:s24+$0x80];
	[tilespmem:s22+$0x7230] =	vst v12;
	v7 =	vmul.f32 v7, v9  }
0x479: {  	v2 =	vsub.f32 $1.000000000e+00, v2;
	v4 =	vmul.f32 v4, v10;
	v8 =	vmul.f32 $1.442695020e+00, v14;
	v10 =	vld [tilespmem:s20+$0x2080]  }
0x47a: {  	v6 =	vmul.f32 $5.129898550e+00, v6;
	v11 =	vld [tilespmem:s17+$0x80];
	v12 =	vsub.f32 $1.000000000e+00, v16;
	v7 =	vmul.f32 $1.442695020e+00, v7  }
0x47b: {  	v3 =	vsub.f32 $1.000000000e+00, v3;
	(erf) = vpow2.f32 v8;
	v5 =	vmul.f32 $5.129898550e+00, v5  }
0x47c: {  	s31 =	sor.u32 $0x1380, s8;
	[tilespmem:s13+$0x6080] =	vst v2;
	v6 =	vmul.f32 $1.442695020e+00, v6;
	v4 =	vsub.f32 $1.000000000e+00, v4;
	v1 =	vmul.f32 v1, v12  }
0x47d: {  	s19 =	sor.u32 $0x1380, s4;
	[tilespmem:s5+$0x6080] =	vst v3;
	v12 =	vsub.f32 $1.000000000e+00, v13;
	v13 =	vld [tilespmem:s31+$0x2080];
	v2 =	vmul.f32 $1.442695020e+00, v5;
	(erf) = vpow2.f32 v7  }
0x47e: {  	v5 =	vld [tilespmem:s19+$0x2080];
	v10 =	vmul.f32 $5.129898550e+00, v10;
	(erf) = vpow2.f32 v6;
	v6 =	vsub.f32 $1.000000000e+00, v17;
	v7 =	vpop (erf)  }
0x47f: {  	[tilespmem:s2+$0x6080] =	vst v4;
	(erf) = vpow2.f32 v2;
	v2 =	vsub.f32 $1.000000000e+00, v11;
	v4 =	vmul.f32 v7, v12;
	v7 =	vld [tilespmem:s25+$0x4080];
	v11 =	vpop (erf)  }
0x480: {  	s4 =	sor.u32 $0x1380, s0;
	v8 =	vld [tilespmem:s26+$0x4080];
	v10 =	vmul.f32 $1.442695020e+00, v10;
	v6 =	vmul.f32 v11, v6  }
0x481: {  	v12 =	vld [tilespmem:s4+$0x2080];
	v4 =	vsub.f32 $1.000000000e+00, v4  }
0x482: {  	v14 =	vld [tilespmem:s11+$0x80];
	(erf) = vpow2.f32 v10;
	v11 =	vpop (erf)  }
0x483: {  	v3 =	vld [tilespmem:s20+$0x4080];
	v2 =	vmul.f32 v11, v2;
	[tilespmem:s21+$0x6080] =	vst v4;
	v4 =	vmul.f32 $5.129898550e+00, v5  }
0x484: {  	v9 =	vld [tilespmem:s23+$0x4080];
	v11 =	vmul.f32 $5.129898550e+00, v13;
	v5 =	vsub.f32 $1.000000000e+00, v6;
	v6 =	vpop (erf);
	v7 =	vperm.xlane v0, v7  }
0x485: {  	s14 =	sor.u32 $0x1300, s12;
	v2 =	vsub.f32 $1.000000000e+00, v2;
	v6 =	vadd.f32 $-1.000000000e+00, v6;
	v4 =	vmul.f32 $1.442695020e+00, v4  }
0x486: {  	s22 =	sor.u32 $0x1300, s15;
	v8 =	vperm.xlane v0, v8;
	v10 =	vld [tilespmem:s14+$0x2080];
	v12 =	vmul.f32 $5.129898550e+00, v12;
	[tilespmem:s24+$0x6080] =	vst v5  }
0x487: {  	s13 =	sor.u32 $0x1300, s16;
	v5 =	vmul.f32 $1.442695020e+00, v11;
	v11 =	vsub.f32 $1.000000000e+00, v14;
	[tilespmem:s17+$0x6080] =	vst v2;
	v14 =	vld [tilespmem:s22+$0x2080];
	v6 =	vmul.f32 v6, v7  }
0x488: {  	v3 =	vperm.xlane v0, v3;
	v2 =	vmul.f32 $1.442695020e+00, v12;
	v12 =	vld [tilespmem:s13+$0x2080];
	v7 =	vpop (erf)  }
0x489: {  	v9 =	vperm.xlane v0, v9;
	(erf) = vpow2.f32 v4;
	v4 =	vpop (erf)  }
0x48a: {  	(erf) = vpow2.f32 v5;
	v5 =	vmul.f32 $1.442695020e+00, v6;
	v4 =	vadd.f32 $-1.000000000e+00, v4  }
0x48b: {  	v15 =	vld [tilespmem:s26+$0x80];
	v7 =	vmul.f32 v7, v11;
	v10 =	vmul.f32 $5.129898550e+00, v10;
	v6 =	vpop (erf)  }
0x48c: {  	(erf) = vpow2.f32 v5;
	v5 =	vld [tilespmem:s14+$0x4080];
	v6 =	vadd.f32 $-1.000000000e+00, v6;
	v4 =	vmul.f32 v4, v9  }
0x48d: {  	v16 =	vld [tilespmem:s20+$0x80];
	v14 =	vmul.f32 $5.129898550e+00, v14;
	v12 =	vmul.f32 $5.129898550e+00, v12  }
0x48e: {  	v17 =	vld [tilespmem:s25+$0x80];
	v6 =	vmul.f32 v6, v8;
	v8 =	vpop (erf);
	v4 =	vmul.f32 $1.442695020e+00, v4  }
0x48f: {  	v13 =	vld [tilespmem:s23+$0x80];
	v9 =	vmul.f32 $1.442695020e+00, v10;
	v12 =	vmul.f32 $1.442695020e+00, v12;
	v8 =	vadd.f32 $-1.000000000e+00, v8  }
0x490: {  	v10 =	vld [tilespmem:s14+$0x80];
	v6 =	vmul.f32 $1.442695020e+00, v6;
	(erf) = vpow2.f32 v4  }
0x491: {  	v4 =	vld [tilespmem:s13+$0x4080];
	v59 =	vperm.xlane v0, v5;
	v3 =	vmul.f32 v8, v3  }
0x492: {  	v11 =	vld [tilespmem:s19+$0x4080];
	v8 =	vmul.f32 $1.442695020e+00, v14;
	(erf) = vpow2.f32 v6  }
0x493: {  	v14 =	vld [tilespmem:s22+$0x80];
	v3 =	vmul.f32 $1.442695020e+00, v3;
	(erf) = vpow2.f32 v9  }
0x494: {  	v6 =	vsub.f32 $1.000000000e+00, v15;
	v15 =	vsub.f32 $1.000000000e+00, v16;
	v16 =	vpop (erf);
	v9 =	vld [tilespmem:s31+$0x4080];
	(erf) = vpow2.f32 v8  }
0x495: {  	v5 =	vpop (erf);
	v16 =	vadd.f32 $-1.000000000e+00, v16;
	(erf) = vpow2.f32 v3;
	v3 =	vsub.f32 $1.000000000e+00, v10;
	v10 =	vld [tilespmem:s13+$0x80]  }
0x496: {  	v17 =	vsub.f32 $1.000000000e+00, v17;
	v62 =	vperm.xlane v0, v4  }
0x497: {  	v13 =	vsub.f32 $1.000000000e+00, v13;
	v60 =	vpop (erf);
	v4 =	vperm.xlane v0, v11;
	(erf) = vpow2.f32 v12  }
0x498: {  	v61 =	vadd.f32 $-1.000000000e+00, v5;
	v17 =	vmul.f32 v60, v17;
	v12 =	vld [tilespmem:s19+$0x80];
	(erf) = vpow2.f32 v2  }
0x499: {  	v58 =	vld [tilespmem:s22+$0x4080];
	v5 =	vsub.f32 $1.000000000e+00, v14;
	v14 =	vmul.f32 v16, v4;
	v2 =	vperm.xlane v0, v9;
	v16 =	vpop (erf)  }
0x49a: {  	v9 =	vsub.f32 $1.000000000e+00, v17;
	v4 =	vsub.f32 $1.000000000e+00, v10;
	v10 =	vmul.f32 v16, v13  }
0x49b: {  	v1 =	vsub.f32 $1.000000000e+00, v1;
	v8 =	vld [tilespmem:s4+$0x4080];
	v2 =	vmul.f32 v61, v2;
	v13 =	vpop (erf)  }
0x49c: {  	s3 =	sor.u32 $0x1280, s1;
	v11 =	vld [tilespmem:s31+$0x80];
	[tilespmem:s25+$0x6080] =	vst v9;
	v6 =	vmul.f32 v13, v6;
	v10 =	vsub.f32 $1.000000000e+00, v10  }
0x49d: {  	[tilespmem:s9+$0x6080] =	vst v1;
	v9 =	vsub.f32 $1.000000000e+00, v12;
	v12 =	vmul.f32 $1.442695020e+00, v14;
	v14 =	vld [tilespmem:s3+$0x2080]  }
0x49e: {  	v7 =	vsub.f32 $1.000000000e+00, v7;
	v18 =	vperm.xlane v0, v58;
	v13 =	vpop (erf);
	v17 =	vmul.f32 $1.442695020e+00, v2;
	[tilespmem:s23+$0x6080] =	vst v10;
	s23 =	sor.u32 $0x1300, s6  }
0x49f: {  	v16 =	vld [tilespmem:s4+$0x80];
	s25 =	sor.u32 $0x1300, s7;
	v13 =	vadd.f32 $-1.000000000e+00, v13;
	(erf) = vpow2.f32 v12;
	v2 =	vpop (erf);
	v1 =	vsub.f32 $1.000000000e+00, v6;
	[dreg:$0x9] =	wrdreg s23  }
0x4a0: {  	s2 =	sor.u32 $0x1380, s15;
	s15 =	sor.u32 $0x1280, s6;
	v8 =	vperm.xlane v0, v8;
	(erf) = vpow2.f32 v17;
	v12 =	vadd.f32 $-1.000000000e+00, v2;
	[dreg:$0x7] =	wrdreg s25;
	v6 =	vpop (erf)  }
0x4a1: {  	s8 =	sor.u32 $0x1380, s16;
	s16 =	sor.u32 $0x1280, s7;
	v10 =	vmul.f32 v13, v59;
	v13 =	vld [tilespmem:s15+$0x2080];
	[tilespmem:s26+$0x6080] =	vst v1;
	s26 =	sor.u32 $0x1300, s18;
	v6 =	vmul.f32 v6, v15  }
0x4a2: {  	v2 =	vsub.f32 $1.000000000e+00, v11;
	v17 =	vmul.f32 $5.129898550e+00, v14;
	v11 =	vpop (erf);
	v12 =	vmul.f32 v12, v18;
	v14 =	vld [tilespmem:s16+$0x2080];
	[dreg:$0xb] =	wrdreg s26  }
0x4a3: {  	s30 =	simm.s32 $0x400;
	v19 =	vmul.f32 $1.442695020e+00, v10;
	v15 =	vadd.f32 $-1.000000000e+00, v11;
	[tilespmem:s11+$0x6080] =	vst v7;
	v7 =	vpop (erf);
	v63 =	vsub.f32 $1.000000000e+00, v6  }
0x4a4: {  	s5 =	sor.u32 $0x1380, s6;
	s21 =	sor.u32 $0x1380, s7;
	s24 =	sor.u32 $0x1380, s12;
	v11 =	vld [tilespmem:s15+$0x4080];
	v6 =	vmul.f32 $1.442695020e+00, v12;
	v10 =	vadd.f32 $-1.000000000e+00, v7;
	v7 =	vmul.f32 $1.442695020e+00, v17  }
0x4a5: {  	s17 =	sor.u32 $0x1280, s18;
	s12 =	sor.u32 $0x1380, s18;
	s7 =	simm.s32 $0x80;
	v1 =	vsub.f32 $1.000000000e+00, v16;
	v12 =	vld [tilespmem:s16+$0x4080];
	(erf) = vpow2.f32 v19;
	v15 =	vmul.f32 v15, v62;
	[tilespmem:s20+$0x6080] =	vst v63  }
.LBB2_6:
0x4a6: {  	s28 =	sadd.s32 $0x40, s28;
	v16 =	vld [tilespmem:s17+$0x2080];
	s29 =	sadd.s32 $0x200, s29  }
0x4a7: {  	v17 =	vld [tilespmem:s17+$0x4080];
	s0 =	sand.u32 $0x40, s28;
	s6 =	sand.u32 $0xC00, s29  }
0x4a8: {  	[dreg:$0xf] =	wrdreg s2;
	v22 =	vld [tilespmem:s3+$0x4080];
	v19 =	vmul.f32 $1.442695020e+00, v15;
	(erf) = vpow2.f32 v6;
	s2 =	sor.u32 s0, s6  }
0x4a9: {  	v8 =	vmul.f32 v10, v8;
	(erf) = vpow2.f32 v7;
	v33 =	vld [tilespmem:s2+$0x3080]  }
0x4aa: {  	(erf) = vpow2.f32 v19;
	v21 =	vld [tilespmem:s2+$0x3180];
	v6 =	vmul.f32 $5.129898550e+00, v13  }
0x4ab: {  	v35 =	vld [tilespmem:s2+$0x3110];
	v14 =	vmul.f32 $5.129898550e+00, v14;
	v13 =	vperm.xlane v0, v11  }
0x4ac: {  	v38 =	vld [tilespmem:s2+$0x3210];
	v12 =	vperm.xlane v0, v12;
	v16 =	vmul.f32 $5.129898550e+00, v16  }
0x4ad: {  	v25 =	vld [tilespmem:s2+$0x30A0];
	v22 =	vperm.xlane v0, v22;
	v6 =	vmul.f32 $1.442695020e+00, v6  }
0x4ae: {  	v27 =	vld [tilespmem:s2+$0x31A0];
	v15 =	vpop (erf);
	v20 =	vmul.f32 $1.442695020e+00, v14;
	v14 =	vperm.xlane v0, v17  }
0x4af: {  	v11 =	vld [tilespmem:s2+$0x3100];
	v7 =	vpop (erf);
	v15 =	vmul.f32 v15, v9;
	v16 =	vmul.f32 $1.442695020e+00, v16  }
0x4b0: {  	v2 =	vmul.f32 v7, v2;
	(erf) = vpow2.f32 v6  }
0x4b1: {  	v43 =	vld [tilespmem:s2+$0x30B0];
	v34 =	vmul.f32 $5.129898550e+00, v33;
	v37 =	vmul.f32 $5.129898550e+00, v21  }
0x4b2: {  	v18 =	vld [tilespmem:s15+$0x80];
	v42 =	vmul.f32 $5.129898550e+00, v35;
	v21 =	vmul.f32 $5.129898550e+00, v38  }
0x4b3: {  	v28 =	vld [tilespmem:s2+$0x5080];
	v10 =	vpop (erf);
	v25 =	vmul.f32 $5.129898550e+00, v25;
	(erf) = vpow2.f32 v20  }
0x4b4: {  	v30 =	vld [tilespmem:s2+$0x5180];
	v27 =	vmul.f32 $5.129898550e+00, v27;
	v26 =	vmul.f32 $5.129898550e+00, v11;
	v9 =	vpop (erf)  }
0x4b5: {  	v32 =	vld [tilespmem:s2+$0x31B0];
	(erf) = vpow2.f32 v16;
	v16 =	vmul.f32 $1.442695020e+00, v34;
	v23 =	vpop (erf)  }
0x4b6: {  	v51 =	vld [tilespmem:s2+$0x5120];
	v19 =	vmul.f32 $5.129898550e+00, v43;
	v24 =	vmul.f32 $1.442695020e+00, v26;
	v23 =	vadd.f32 $-1.000000000e+00, v23  }
0x4b7: {  	v36 =	vld [tilespmem:s2+$0x3190];
	v6 =	vsub.f32 $1.000000000e+00, v18;
	v18 =	vmul.f32 $1.442695020e+00, v37;
	v11 =	vpop (erf);
	(erf) = vpow2.f32 v16  }
0x4b8: {  	v15 =	vsub.f32 $1.000000000e+00, v15;
	(erf) = vpow2.f32 v24;
	v40 =	vmul.f32 v23, v22  }
0x4b9: {  	v28 =	vperm.xlane v0, v28;
	(erf) = vpow2.f32 v18  }
0x4ba: {  	v39 =	vld [tilespmem:s2+$0x3120];
	v30 =	vperm.xlane v0, v30;
	v23 =	vmul.f32 $1.442695020e+00, v40  }
0x4bb: {  	v17 =	vld [tilespmem:s2+$0x3090];
	v32 =	vmul.f32 $5.129898550e+00, v32;
	v63 =	vperm.xlane v0, v51;
	v16 =	vpop (erf)  }
0x4bc: {  	v20 =	vmul.f32 $5.129898550e+00, v36;
	[tilespmem:s19+$0x6080] =	vst v15;
	v15 =	vpop (erf);
	(erf) = vpow2.f32 v23  }
0x4bd: {  	v45 =	vld [tilespmem:s2+$0x5100];
	v3 =	vmul.f32 v10, v3;
	v21 =	vmul.f32 $1.442695020e+00, v21  }
0x4be: {  	v44 =	vld [tilespmem:s2+$0x3130];
	v25 =	vmul.f32 $1.442695020e+00, v25;
	v27 =	vmul.f32 $1.442695020e+00, v27  }
0x4bf: {  	v46 =	vld [tilespmem:s3+$0x80];
	v19 =	vmul.f32 $1.442695020e+00, v19;
	v32 =	vmul.f32 $1.442695020e+00, v32;
	v29 =	vpop (erf)  }
0x4c0: {  	v17 =	vmul.f32 $5.129898550e+00, v17;
	v26 =	vmul.f32 $5.129898550e+00, v39;
	v33 =	vpop (erf)  }
0x4c1: {  	v20 =	vmul.f32 $1.442695020e+00, v20;
	v5 =	vmul.f32 v9, v5;
	v33 =	vadd.f32 $-1.000000000e+00, v33;
	v35 =	vpop (erf)  }
0x4c2: {  	v31 =	vmul.f32 $1.442695020e+00, v17;
	v23 =	vperm.xlane v0, v45;
	v35 =	vadd.f32 $-1.000000000e+00, v35;
	v37 =	vpop (erf)  }
0x4c3: {  	v41 =	vld [tilespmem:s2+$0x3220];
	v24 =	vmul.f32 $5.129898550e+00, v44;
	v28 =	vmul.f32 v33, v28;
	v47 =	vadd.f32 $-1.000000000e+00, v37  }
0x4c4: {  	v54 =	vld [tilespmem:s2+$0x1080];
	v17 =	vadd.f32 $-1.000000000e+00, v29;
	v29 =	vsub.f32 $1.000000000e+00, v46;
	v23 =	vmul.f32 v35, v23  }
0x4c5: {  	v34 =	vld [tilespmem:s2+$0x3230];
	v28 =	vmul.f32 $1.442695020e+00, v28;
	v30 =	vmul.f32 v47, v30;
	v38 =	vpop (erf)  }
0x4c6: {  	v36 =	vld [tilespmem:s2+$0x5090];
	v23 =	vmul.f32 $1.442695020e+00, v23;
	v29 =	vmul.f32 v38, v29  }
0x4c7: {  	v39 =	vld [tilespmem:s2+$0x50A0];
	v30 =	vmul.f32 $1.442695020e+00, v30;
	(erf) = vpow2.f32 v28  }
0x4c8: {  	v22 =	vmul.f32 $5.129898550e+00, v41;
	v41 =	vld [tilespmem:s2+$0x5220];
	(erf) = vpow2.f32 v23;
	v53 =	vsub.f32 $1.000000000e+00, v29  }
0x4c9: {  	s1 =	sor.u32 $0x1300, s1;
	v55 =	vld [tilespmem:s2+$0x1100];
	v26 =	vmul.f32 $1.442695020e+00, v26;
	(erf) = vpow2.f32 v30  }
0x4ca: {  	v48 =	vld [tilespmem:s2+$0x5110];
	v18 =	vmul.f32 $1.442695020e+00, v42;
	v34 =	vmul.f32 $5.129898550e+00, v34;
	[tilespmem:s3+$0x6080] =	vst v53  }
0x4cb: {  	v22 =	vmul.f32 $1.442695020e+00, v22;
	v36 =	vperm.xlane v0, v36;
	v56 =	vld [tilespmem:s1+$0x2080]  }
0x4cc: {  	v62 =	vperm.xlane v0, v39;
	v34 =	vmul.f32 $1.442695020e+00, v34;
	v40 =	vld [tilespmem:s2+$0x1180]  }
0x4cd: {  	v58 =	vsub.f32 $1.000000000e+00, v54;
	v54 =	vperm.xlane v0, v41;
	(erf) = vpow2.f32 v31  }
0x4ce: {  	v23 =	vmul.f32 $1.442695020e+00, v24;
	(erf) = vpow2.f32 v18  }
0x4cf: {  	v16 =	vadd.f32 $-1.000000000e+00, v16;
	v31 =	vperm.xlane v0, v48;
	(erf) = vpow2.f32 v20  }
0x4d0: {  	v45 =	vsub.f32 $1.000000000e+00, v55;
	v42 =	vpop (erf);
	(erf) = vpow2.f32 v21;
	v46 =	vmul.f32 $5.129898550e+00, v56  }
0x4d1: {  	v18 =	vmul.f32 v42, v58;
	v47 =	vsub.f32 $1.000000000e+00, v40;
	v48 =	vpop (erf);
	(erf) = vpow2.f32 v25  }
0x4d2: {  	v50 =	vld [tilespmem:s2+$0x5210];
	v15 =	vadd.f32 $-1.000000000e+00, v15;
	v20 =	vmul.f32 v48, v45;
	v60 =	vpop (erf);
	v21 =	vmul.f32 $1.442695020e+00, v46  }
0x4d3: {  	v52 =	vld [tilespmem:s2+$0x51A0];
	(erf) = vpow2.f32 v26;
	v18 =	vsub.f32 $1.000000000e+00, v18;
	v24 =	vmul.f32 v60, v47  }
0x4d4: {  	v57 =	vld [tilespmem:s2+$0x50B0];
	v16 =	vmul.f32 v16, v13;
	v20 =	vsub.f32 $1.000000000e+00, v20;
	(erf) = vpow2.f32 v21  }
0x4d5: {  	v59 =	vld [tilespmem:s2+$0x5130];
	v15 =	vmul.f32 v15, v12;
	v14 =	vmul.f32 v17, v14;
	[tilespmem:s2+$0x7080] =	vst v18;
	v61 =	vsub.f32 $1.000000000e+00, v24  }
0x4d6: {  	s10 =	sor.u32 s6, s28;
	v49 =	vld [tilespmem:s2+$0x5190];
	v16 =	vmul.f32 $1.442695020e+00, v16;
	(erf) = vpow2.f32 v27;
	[tilespmem:s2+$0x7100] =	vst v20  }
0x4d7: {  	s11 =	sor.u32 $0x1180, s10;
	v33 =	vperm.xlane v0, v50;
	v30 =	vld [tilespmem:s2+$0x51B0];
	v50 =	vpop (erf);
	(erf) = vpow2.f32 v22;
	[tilespmem:s2+$0x7180] =	vst v61  }
0x4d8: {  	v28 =	vperm.xlane v0, v52;
	v52 =	vpop (erf);
	(erf) = vpow2.f32 v19;
	v53 =	vld [tilespmem:s11+$0x2080]  }
0x4d9: {  	v15 =	vmul.f32 $1.442695020e+00, v15;
	v55 =	vpop (erf);
	v58 =	vld [tilespmem:s1+$0x4080];
	(erf) = vpow2.f32 v23  }
0x4da: {  	v37 =	vperm.xlane v0, v57;
	v40 =	vld [tilespmem:s2+$0x5230];
	v57 =	vpop (erf);
	(erf) = vpow2.f32 v32  }
0x4db: {  	v14 =	vmul.f32 $1.442695020e+00, v14;
	v44 =	vpop (erf);
	(erf) = vpow2.f32 v34  }
0x4dc: {  	v35 =	vperm.xlane v0, v59;
	v29 =	vperm.xlane v0, v49;
	v60 =	vpop (erf)  }
0x4dd: {  	v30 =	vperm.xlane v0, v30;
	v19 =	vmul.f32 $5.129898550e+00, v53;
	v45 =	vpop (erf)  }
0x4de: {  	v51 =	vadd.f32 $-1.000000000e+00, v50;
	v32 =	vperm.xlane v0, v58;
	v45 =	vadd.f32 $-1.000000000e+00, v45  }
0x4df: {  	v38 =	vadd.f32 $-1.000000000e+00, v52;
	v40 =	vperm.xlane v0, v40;
	v46 =	vpop (erf);
	v48 =	vmul.f32 $1.442695020e+00, v19  }
0x4e0: {  	v18 =	vmul.f32 v51, v36;
	v47 =	vpop (erf);
	v32 =	vmul.f32 v45, v32  }
0x4e1: {  	v56 =	vadd.f32 $-1.000000000e+00, v55;
	v31 =	vmul.f32 v38, v31;
	v19 =	vpop (erf);
	(erf) = vpow2.f32 v48  }
0x4e2: {  	v18 =	vmul.f32 $1.442695020e+00, v18;
	v41 =	vadd.f32 $-1.000000000e+00, v57;
	v51 =	vpop (erf);
	v32 =	vmul.f32 $1.442695020e+00, v32  }
0x4e3: {  	v49 =	vld [tilespmem:s2+$0x1090];
	v23 =	vmul.f32 v56, v29;
	v31 =	vmul.f32 $1.442695020e+00, v31;
	v59 =	vadd.f32 $-1.000000000e+00, v44;
	v53 =	vpop (erf)  }
0x4e4: {  	v42 =	vld [tilespmem:s2+$0x1110];
	v61 =	vadd.f32 $-1.000000000e+00, v60;
	v33 =	vmul.f32 v41, v33;
	v55 =	vpop (erf);
	(erf) = vpow2.f32 v32  }
0x4e5: {  	v23 =	vmul.f32 $1.442695020e+00, v23;
	v24 =	vmul.f32 v59, v62;
	v58 =	vld [tilespmem:s11+$0x4080]  }
0x4e6: {  	v27 =	vmul.f32 v61, v63;
	v33 =	vmul.f32 $1.442695020e+00, v33;
	v62 =	vadd.f32 $-1.000000000e+00, v46  }
0x4e7: {  	v59 =	vld [tilespmem:s1+$0x80];
	v24 =	vmul.f32 $1.442695020e+00, v24;
	v63 =	vadd.f32 $-1.000000000e+00, v47;
	v50 =	vadd.f32 $-1.000000000e+00, v19  }
0x4e8: {  	v25 =	vsub.f32 $1.000000000e+00, v49;
	v27 =	vmul.f32 $1.442695020e+00, v27;
	v28 =	vmul.f32 v62, v28  }
0x4e9: {  	v29 =	vmul.f32 v63, v54;
	v19 =	vadd.f32 $-1.000000000e+00, v51;
	v34 =	vmul.f32 v50, v37  }
0x4ea: {  	v57 =	vsub.f32 $1.000000000e+00, v42;
	v28 =	vmul.f32 $1.442695020e+00, v28;
	v37 =	vperm.xlane v0, v58;
	v61 =	vpop (erf)  }
0x4eb: {  	v19 =	vmul.f32 v19, v35;
	(erf) = vpow2.f32 v18;
	v42 =	vadd.f32 $-1.000000000e+00, v61  }
0x4ec: {  	v62 =	vsub.f32 $1.000000000e+00, v59;
	v29 =	vmul.f32 $1.442695020e+00, v29;
	(erf) = vpow2.f32 v31  }
0x4ed: {  	v49 =	vld [tilespmem:s16+$0x80];
	v54 =	vadd.f32 $-1.000000000e+00, v53;
	v37 =	vmul.f32 v42, v37;
	v63 =	vpop (erf);
	(erf) = vpow2.f32 v23  }
0x4ee: {  	v26 =	vld [tilespmem:s2+$0x1190];
	v18 =	vmul.f32 v63, v62;
	(erf) = vpow2.f32 v33  }
0x4ef: {  	v21 =	vld [tilespmem:s2+$0x1210];
	v56 =	vadd.f32 $-1.000000000e+00, v55;
	v30 =	vmul.f32 v54, v30;
	v42 =	vmul.f32 $1.442695020e+00, v37  }
0x4f0: {  	v52 =	vld [tilespmem:s17+$0x80];
	v34 =	vmul.f32 $1.442695020e+00, v34;
	(erf) = vpow2.f32 v24;
	v18 =	vsub.f32 $1.000000000e+00, v18  }
0x4f1: {  	s18 =	sor.u32 s30, s7;
	v3 =	vsub.f32 $1.000000000e+00, v3;
	v20 =	vld [tilespmem:s2+$0x10A0];
	v35 =	vmul.f32 v56, v40;
	(erf) = vpow2.f32 v42  }
0x4f2: {  	v43 =	vld [tilespmem:s2+$0x11A0];
	s3 =	sor.u32 $0x1380, s18;
	v13 =	vsub.f32 $1.000000000e+00, v49;
	v19 =	vmul.f32 $1.442695020e+00, v19;
	(erf) = vpow2.f32 v27;
	[tilespmem:s1+$0x6080] =	vst v18  }
0x4f3: {  	v26 =	vsub.f32 $1.000000000e+00, v26;
	v30 =	vmul.f32 $1.442695020e+00, v30;
	(erf) = vpow2.f32 v28;
	v18 =	vld [tilespmem:s3+$0x2080]  }
0x4f4: {  	v21 =	vsub.f32 $1.000000000e+00, v21;
	v35 =	vmul.f32 $1.442695020e+00, v35;
	v47 =	vpop (erf);
	v17 =	vld [tilespmem:s11+$0x80];
	(erf) = vpow2.f32 v29  }
0x4f5: {  	v36 =	vld [tilespmem:s2+$0x10B0];
	v12 =	vsub.f32 $1.000000000e+00, v52;
	v23 =	vmul.f32 v47, v25;
	v48 =	vpop (erf);
	(erf) = vpow2.f32 v34  }
0x4f6: {  	v22 =	vld [tilespmem:s2+$0x1120];
	v20 =	vsub.f32 $1.000000000e+00, v20;
	v49 =	vmul.f32 v48, v57;
	(erf) = vpow2.f32 v19;
	v50 =	vpop (erf)  }
0x4f7: {  	p0 =	por !p0, !p0;
	s0 =	simm.s32 $0x1;
	v38 =	vld [tilespmem:s2+$0x1130];
	v51 =	vsub.f32 $1.000000000e+00, v23;
	(erf) = vpow2.f32 v30;
	v52 =	vpop (erf);
	v26 =	vmul.f32 v50, v26  }
0x4f8: {  	s0 =	simm.s32 @!p0 $0x0;
	v44 =	vld [tilespmem:s2+$0x1220];
	v19 =	vsub.f32 $1.000000000e+00, v49;
	v18 =	vmul.f32 $5.129898550e+00, v18;
	v21 =	vmul.f32 v52, v21  }
0x4f9: {  	s0 =	sshll.u32 s0, $0x6;
	v41 =	vld [tilespmem:s2+$0x11B0];
	(erf) = vpow2.f32 v35;
	[tilespmem:s2+$0x7090] =	vst v51;
	v17 =	vsub.f32 $1.000000000e+00, v17;
	v53 =	vpop (erf);
	v55 =	vsub.f32 $1.000000000e+00, v26  }
0x4fa: {  	s1 =	sadd.s32 s0, s29;
	[tilespmem:s2+$0x7110] =	vst v19;
	v20 =	vmul.f32 v53, v20;
	v54 =	vpop (erf);
	v18 =	vmul.f32 $1.442695020e+00, v18;
	v21 =	vsub.f32 $1.000000000e+00, v21  }
0x4fb: {  	v36 =	vsub.f32 $1.000000000e+00, v36;
	v22 =	vsub.f32 $1.000000000e+00, v22;
	s23 =	sadd.s32 $0x10, s1;
	v17 =	vmul.f32 v54, v17;
	v56 =	vpop (erf);
	[tilespmem:s2+$0x7190] =	vst v55  }
0x4fc: {  	v60 =	vsub.f32 $1.000000000e+00, v43;
	v46 =	vld [tilespmem:s2+$0x1230];
	s7 =	sor.u32 $0x1200, s23;
	v57 =	vsub.f32 $1.000000000e+00, v20;
	v59 =	vpop (erf);
	(erf) = vpow2.f32 v18;
	[tilespmem:s2+$0x7210] =	vst v21  }
0x4fd: {  	v43 =	vsub.f32 $1.000000000e+00, v44;
	v58 =	vmul.f32 v56, v22;
	v17 =	vsub.f32 $1.000000000e+00, v17;
	v10 =	vld [tilespmem:s7+$0x2080]  }
0x4fe: {  	v38 =	vsub.f32 $1.000000000e+00, v38;
	v44 =	vsub.f32 $1.000000000e+00, v41;
	v60 =	vmul.f32 v59, v60;
	v61 =	vpop (erf);
	[tilespmem:s2+$0x70A0] =	vst v57;
	v9 =	vld [tilespmem:s7+$0x4080]  }
0x4ff: {  	s26 =	sor.u32 $0x1200, s1;
	v62 =	vsub.f32 $1.000000000e+00, v58;
	v63 =	vmul.f32 v61, v43;
	v26 =	vpop (erf);
	(erf) = vpow2.f32 v16;
	v7 =	vld [tilespmem:s7+$0x80];
	[tilespmem:s11+$0x6080] =	vst v17  }
0x500: {  	[tilespmem:s14+$0x6080] =	vst v3;
	v16 =	vsub.f32 $1.000000000e+00, v60;
	v17 =	vmul.f32 v26, v36;
	v27 =	vpop (erf);
	(erf) = vpow2.f32 v15;
	v15 =	vld [tilespmem:s26+$0x2080]  }
0x501: {  	v46 =	vsub.f32 $1.000000000e+00, v46;
	v28 =	vsub.f32 $1.000000000e+00, v63;
	v18 =	vmul.f32 v27, v38;
	v29 =	vpop (erf);
	[tilespmem:s2+$0x7120] =	vst v62;
	v31 =	vld [tilespmem:s3+$0x4080]  }
0x502: {  	s9 =	smov.u32 s5;
	(erf) = vpow2.f32 v14;
	v14 =	vsub.f32 $1.000000000e+00, v17;
	v17 =	vmul.f32 v29, v44;
	v30 =	vpop (erf);
	[tilespmem:s2+$0x71A0] =	vst v16  }
0x503: {  	[dreg:$0xd] =	wrdreg s9;
	s20 =	smov.u32 s28;
	s9 =	sadd.s32 $0x20, s1;
	v32 =	vsub.f32 $1.000000000e+00, v18;
	v34 =	vmul.f32 v30, v46;
	[tilespmem:s2+$0x7220] =	vst v28  }
0x504: {  	[dreg:$0x11] =	wrdreg s20;
	v8 =	vmul.f32 $1.442695020e+00, v8;
	s19 =	smov.u32 s24;
	s20 =	sor.u32 $0x1200, s9;
	v17 =	vsub.f32 $1.000000000e+00, v17;
	[tilespmem:s2+$0x70B0] =	vst v14  }
0x505: {  	s24 =	smov.u32 s4;
	v4 =	vmul.f32 v11, v4;
	s18 =	sadd.s32 $0x30, s1;
	s4 =	sor.u32 $0x1280, s23;
	v11 =	vld [tilespmem:s20+$0x2080];
	v35 =	vsub.f32 $1.000000000e+00, v34;
	[tilespmem:s2+$0x7130] =	vst v32;
	v15 =	vmul.f32 $5.129898550e+00, v15;
	v16 =	vpop (erf)  }
0x506: {  	s6 =	sor.u32 $0x1200, s18;
	s10 =	sor.u32 $0x1300, s23;
	s5 =	sor.u32 $0x1380, s23;
	[tilespmem:s2+$0x71B0] =	vst v17;
	v37 =	vperm.xlane v0, v31;
	v16 =	vadd.f32 $-1.000000000e+00, v16  }
0x507: {  	v40 =	vld [tilespmem:s19+$0x2080];
	v10 =	vmul.f32 $5.129898550e+00, v10;
	[tilespmem:s2+$0x7230] =	vst v35;
	v38 =	vmul.f32 $1.442695020e+00, v15  }
0x508: {  	v5 =	vsub.f32 $1.000000000e+00, v5;
	s23 =	sor.u32 $0x1300, s18;
	s11 =	sor.u32 $0x1300, s9;
	(erf) = vpow2.f32 v8;
	s2 =	rddreg [dreg:$0x9];
	v14 =	vpop (erf);
	v19 =	vld [tilespmem:s6+$0x2080];
	v16 =	vmul.f32 v16, v37  }
0x509: {  	v2 =	vsub.f32 $1.000000000e+00, v2;
	v9 =	vperm.xlane v0, v9;
	v15 =	vld [tilespmem:s20+$0x80];
	s14 =	smov.u32 s2;
	s2 =	smov.u32 s10;
	s10 =	rddreg [dreg:$0x7];
	v17 =	vpop (erf);
	(erf) = vpow2.f32 v38  }
0x50a: {  	v36 =	vld [tilespmem:s20+$0x4080];
	[tilespmem:s22+$0x6080] =	vst v5;
	v3 =	vmul.f32 $5.129898550e+00, v11;
	s22 =	smov.u32 s10;
	v16 =	vmul.f32 $1.442695020e+00, v16  }
0x50b: {  	v5 =	vmul.f32 $1.442695020e+00, v10;
	v39 =	vld [tilespmem:s6+$0x80];
	s10 =	smov.u32 s11;
	s11 =	smov.u32 s23;
	[tilespmem:s31+$0x6080] =	vst v2;
	s23 =	rddreg [dreg:$0xf];
	v2 =	vmul.f32 v14, v6  }
0x50c: {  	v4 =	vsub.f32 $1.000000000e+00, v4;
	v11 =	vld [tilespmem:s6+$0x4080];
	v8 =	vpop (erf);
	s31 =	smov.u32 s23;
	v3 =	vmul.f32 $1.442695020e+00, v3;
	(erf) = vpow2.f32 v16  }
0x50d: {  	v14 =	vld [tilespmem:s31+$0x2080];
	v6 =	vmul.f32 $5.129898550e+00, v19;
	(erf) = vpow2.f32 v5  }
0x50e: {  	[tilespmem:s13+$0x6080] =	vst v4;
	v2 =	vsub.f32 $1.000000000e+00, v2;
	v10 =	vsub.f32 $1.000000000e+00, v15;
	v15 =	vld [tilespmem:s26+$0x4080];
	(erf) = vpow2.f32 v3  }
0x50f: {  	v13 =	vmul.f32 v17, v13;
	v5 =	vld [tilespmem:s8+$0x2080];
	v3 =	vmul.f32 $1.442695020e+00, v6  }
0x510: {  	v4 =	vperm.xlane v0, v36;
	[tilespmem:s15+$0x6080] =	vst v2;
	v2 =	vmul.f32 v8, v12;
	v16 =	vld [tilespmem:s3+$0x80]  }
0x511: {  	v13 =	vsub.f32 $1.000000000e+00, v13;
	v12 =	vmul.f32 $5.129898550e+00, v40;
	v17 =	vpop (erf);
	(erf) = vpow2.f32 v3  }
0x512: {  	v11 =	vperm.xlane v0, v11;
	v42 =	vld [tilespmem:s14+$0x4080];
	v2 =	vsub.f32 $1.000000000e+00, v2;
	v14 =	vmul.f32 $5.129898550e+00, v14;
	v41 =	vpop (erf)  }
0x513: {  	v43 =	vmul.f32 $1.442695020e+00, v12;
	v3 =	vld [tilespmem:s14+$0x2080];
	v15 =	vperm.xlane v0, v15;
	v18 =	vadd.f32 $-1.000000000e+00, v41  }
0x514: {  	[dreg:$0x7] =	wrdreg s10;
	[tilespmem:s16+$0x6080] =	vst v13;
	v45 =	vmul.f32 $1.442695020e+00, v14;
	v5 =	vmul.f32 $5.129898550e+00, v5  }
0x515: {  	s10 =	rddreg [dreg:$0xb];
	[tilespmem:s17+$0x6080] =	vst v2;
	v14 =	vsub.f32 $1.000000000e+00, v16;
	(erf) = vpow2.f32 v43;
	v2 =	vmul.f32 v18, v15;
	v12 =	vpop (erf)  }
0x516: {  	s13 =	smov.u32 s10;
	v16 =	vld [tilespmem:s22+$0x2080];
	v46 =	vmul.f32 $1.442695020e+00, v5;
	(erf) = vpow2.f32 v45;
	v13 =	vpop (erf)  }
0x517: {  	v5 =	vld [tilespmem:s13+$0x2080];
	v12 =	vmul.f32 v12, v14;
	v2 =	vmul.f32 $1.442695020e+00, v2;
	v47 =	vadd.f32 $-1.000000000e+00, v13;
	v15 =	vpop (erf)  }
0x518: {  	v48 =	vperm.xlane v0, v42;
	v3 =	vmul.f32 $5.129898550e+00, v3;
	v15 =	vadd.f32 $-1.000000000e+00, v15  }
0x519: {  	v8 =	vld [tilespmem:s19+$0x4080];
	v12 =	vsub.f32 $1.000000000e+00, v12;
	(erf) = vpow2.f32 v2;
	v9 =	vmul.f32 v47, v9  }
0x51a: {  	v44 =	vld [tilespmem:s14+$0x80];
	v50 =	vmul.f32 $1.442695020e+00, v3;
	v13 =	vpop (erf);
	v4 =	vmul.f32 v15, v4  }
0x51b: {  	v49 =	vld [tilespmem:s13+$0x4080];
	[tilespmem:s3+$0x6080] =	vst v12;
	v12 =	vmul.f32 $5.129898550e+00, v16;
	v52 =	vadd.f32 $-1.000000000e+00, v13;
	v9 =	vmul.f32 $1.442695020e+00, v9  }
0x51c: {  	v16 =	vmul.f32 $5.129898550e+00, v5;
	v54 =	vld [tilespmem:s26+$0x80];
	v4 =	vmul.f32 $1.442695020e+00, v4  }
0x51d: {  	v56 =	vld [tilespmem:s8+$0x80];
	v11 =	vmul.f32 v52, v11;
	(erf) = vpow2.f32 v9  }
0x51e: {  	v14 =	vld [tilespmem:s22+$0x4080];
	v13 =	vpop (erf);
	v12 =	vmul.f32 $1.442695020e+00, v12;
	(erf) = vpow2.f32 v4  }
0x51f: {  	v7 =	vsub.f32 $1.000000000e+00, v7;
	v15 =	vld [tilespmem:s31+$0x4080];
	v55 =	vpop (erf);
	v25 =	vmul.f32 $1.442695020e+00, v11;
	(erf) = vpow2.f32 v50  }
0x520: {  	v6 =	vsub.f32 $1.000000000e+00, v39;
	v53 =	vld [tilespmem:s8+$0x4080];
	v16 =	vmul.f32 $1.442695020e+00, v16;
	(erf) = vpow2.f32 v12  }
0x521: {  	v51 =	vld [tilespmem:s22+$0x80];
	v19 =	vperm.xlane v0, v49;
	v57 =	vsub.f32 $1.000000000e+00, v54;
	(erf) = vpow2.f32 v25  }
0x522: {  	v58 =	vsub.f32 $1.000000000e+00, v56;
	v3 =	vsub.f32 $1.000000000e+00, v44;
	v2 =	vld [tilespmem:s13+$0x80];
	v11 =	vpop (erf);
	(erf) = vpow2.f32 v16  }
0x523: {  	v13 =	vadd.f32 $-1.000000000e+00, v13;
	v14 =	vperm.xlane v0, v14;
	v11 =	vmul.f32 v11, v57  }
0x524: {  	v15 =	vperm.xlane v0, v15;
	v12 =	vadd.f32 $-1.000000000e+00, v55;
	v16 =	vperm.xlane v0, v8  }
0x525: {  	v8 =	vperm.xlane v0, v53;
	(erf) = vpow2.f32 v46;
	v59 =	vsub.f32 $1.000000000e+00, v11  }
0x526: {  	v5 =	vsub.f32 $1.000000000e+00, v51;
	v9 =	vld [tilespmem:s19+$0x80];
	v13 =	vmul.f32 v13, v16;
	v16 =	vmul.f32 v17, v1;
	v17 =	vpop (erf)  }
0x527: {  	s3 =	sor.u32 $0x1280, s1;
	v4 =	vsub.f32 $1.000000000e+00, v2;
	v12 =	vmul.f32 v12, v15;
	[tilespmem:s26+$0x6080] =	vst v59;
	v7 =	vmul.f32 v17, v7;
	v11 =	vpop (erf)  }
0x528: {  	v60 =	vmul.f32 $1.442695020e+00, v13;
	v15 =	vsub.f32 $1.000000000e+00, v16;
	v16 =	vld [tilespmem:s3+$0x2080];
	v10 =	vmul.f32 v11, v10;
	v11 =	vpop (erf)  }
0x529: {  	p1 =	slt.u32 s28, $0x1C0;
	v2 =	vld [tilespmem:s31+$0x80];
	v12 =	vmul.f32 $1.442695020e+00, v12;
	v7 =	vsub.f32 $1.000000000e+00, v7;
	v61 =	vadd.f32 $-1.000000000e+00, v11;
	v17 =	vpop (erf)  }
0x52a: {  	s30 =	smov.u32 s29;
	s25 =	sor.u32 $0x1280, s9;
	s0 =	sor.u32 $0x1280, s18;
	[tilespmem:s24+$0x6080] =	vst v15;
	(erf) = vpow2.f32 v60;
	v10 =	vsub.f32 $1.000000000e+00, v10;
	v13 =	vpop (erf);
	v15 =	vadd.f32 $-1.000000000e+00, v17  }
.Ltmp6:
0x52b: {  	s18 =	sor.u32 $0x1380, s18;
	s15 =	smov.u32 s4;
	v9 =	vsub.f32 $1.000000000e+00, v9;
	[tilespmem:s7+$0x6080] =	vst v7;
	v6 =	vmul.f32 v13, v6;
	v7 =	vmul.f32 v61, v48;
	v11 =	vpop (erf);
	(pc) =	sbr.rel @p1 .LBB2_6-.Ltmp6, $4  }
0x52c: {  	s9 =	sor.u32 $0x1380, s9;
	[dreg:$0x9] =	wrdreg s2;
	s2 =	smov.u32 s21;
	(erf) = vpow2.f32 v12;
	v13 =	vld [tilespmem:s15+$0x2080];
	[tilespmem:s20+$0x6080] =	vst v10;
	v10 =	vmul.f32 v15, v14;
	v12 =	vadd.f32 $-1.000000000e+00, v11  }
0x52d: {  	s21 =	smov.u32 s9;
	[dreg:$0xb] =	wrdreg s11;
	s16 =	smov.u32 s25;
	v16 =	vmul.f32 $5.129898550e+00, v16;
	v11 =	vld [tilespmem:s15+$0x4080];
	v62 =	vsub.f32 $1.000000000e+00, v6;
	v63 =	vmul.f32 $1.442695020e+00, v7  }
0x52e: {  	s4 =	smov.u32 s8;
	s17 =	smov.u32 s0;
	v2 =	vsub.f32 $1.000000000e+00, v2;
	s24 =	rddreg [dreg:$0xd];
	v17 =	vpop (erf);
	v14 =	vld [tilespmem:s16+$0x2080];
	v6 =	vmul.f32 $1.442695020e+00, v10;
	v15 =	vmul.f32 v12, v19  }
0x52f: {  	s8 =	smov.u32 s12;
	s12 =	smov.u32 s18;
	v1 =	vmovc v58;
	s7 =	rddreg [dreg:$0x11];
	v10 =	vadd.f32 $-1.000000000e+00, v17;
	v7 =	vmul.f32 $1.442695020e+00, v16;
	v12 =	vld [tilespmem:s16+$0x4080];
	[tilespmem:s6+$0x6080] =	vst v62;
	(erf) = vpow2.f32 v63  }
0x530: {  	(erf) = vpow2.f32 v6  }
0x531: {  	(erf) = vpow2.f32 v7;
	_ =	sdelay $0x4  }
0x532: {  	v16 =	vld [tilespmem:s3+$0x4080];
	v6 =	vpop (erf)  }
0x533: {  	v17 =	vld [tilespmem:s17+$0x2080];
	v7 =	vpop (erf)  }
0x534: {  	v18 =	vpop (erf)  }
0x535: {  	v13 =	vmul.f32 $5.129898550e+00, v13;
	v19 =	vpop (erf)  }
0x536: {  	v15 =	vmul.f32 $1.442695020e+00, v15;
	v14 =	vmul.f32 $5.129898550e+00, v14;
	v20 =	vpop (erf)  }
0x537: {  	v13 =	vmul.f32 $1.442695020e+00, v13;
	v63 =	vperm.xlane v0, v16;
	v20 =	vadd.f32 $-1.000000000e+00, v20  }
0x538: {  	v17 =	vmul.f32 $5.129898550e+00, v17;
	v14 =	vmul.f32 $1.442695020e+00, v14  }
0x539: {  	(erf) = vpow2.f32 v15;
	v15 =	vmul.f32 v20, v63  }
0x53a: {  	v21 =	vmul.f32 $1.442695020e+00, v17;
	(erf) = vpow2.f32 v13  }
0x53b: {  	(erf) = vpow2.f32 v14;
	v22 =	vmul.f32 $1.442695020e+00, v15  }
0x53c: {  	(erf) = vpow2.f32 v21  }
0x53d: {  	(erf) = vpow2.f32 v22;
	_ =	sdelay $0x2  }
0x53e: {  	v23 =	vld [tilespmem:s3+$0x80];
	_ =	sdelay $0x1  }
0x53f: {  	v24 =	vpop (erf)  }
0x540: {  	v25 =	vpop (erf)  }
0x541: {  	v26 =	vpop (erf)  }
0x542: {  	v13 =	vsub.f32 $1.000000000e+00, v23;
	v27 =	vpop (erf)  }
0x543: {  	v28 =	vpop (erf)  }
0x544: {  	v13 =	vmul.f32 v28, v13;
	_ =	sdelay $0x1  }
0x545: {  	v13 =	vsub.f32 $1.000000000e+00, v13;
	_ =	sdelay $0x1  }
0x546: {  	s0 =	sor.u32 $0x1300, s1;
	[tilespmem:s3+$0x6080] =	vst v13  }
0x547: {  	v13 =	vld [tilespmem:s0+$0x2080];
	_ =	sdelay $0x4  }
0x548: {  	v13 =	vmul.f32 $5.129898550e+00, v13;
	_ =	sdelay $0x1  }
0x549: {  	v13 =	vmul.f32 $1.442695020e+00, v13;
	_ =	sdelay $0x1  }
0x54a: {  	(erf) = vpow2.f32 v13;
	_ =	sdelay $0x4  }
0x54b: {  	v29 =	vld [tilespmem:s0+$0x4080];
	_ =	sdelay $0x3  }
0x54c: {  	v30 =	vpop (erf)  }
0x54d: {  	v13 =	vperm.xlane v0, v29;
	v20 =	vadd.f32 $-1.000000000e+00, v30;
	_ =	sdelay $0x1  }
0x54e: {  	v13 =	vmul.f32 v20, v13;
	_ =	sdelay $0x1  }
0x54f: {  	v13 =	vmul.f32 $1.442695020e+00, v13;
	_ =	sdelay $0x1  }
0x550: {  	(erf) = vpow2.f32 v13;
	_ =	sdelay $0x2  }
0x551: {  	v31 =	vld [tilespmem:s0+$0x80];
	_ =	sdelay $0x4  }
0x552: {  	v13 =	vsub.f32 $1.000000000e+00, v31  }
0x553: {  	v32 =	vpop (erf)  }
0x554: {  	v13 =	vmul.f32 v32, v13;
	_ =	sdelay $0x1  }
0x555: {  	v13 =	vsub.f32 $1.000000000e+00, v13  }
0x556: {  	s28 =	sor.u32 s30, s7  }
0x557: {  	s1 =	sor.u32 $0x1380, s28;
	[tilespmem:s0+$0x6080] =	vst v13  }
0x558: {  	v13 =	vld [tilespmem:s1+$0x2080];
	_ =	sdelay $0x1  }
0x559: {  	v33 =	vld [tilespmem:s17+$0x4080]  }
0x55a: {  	v11 =	vperm.xlane v0, v11  }
0x55b: {  	v12 =	vperm.xlane v0, v12;
	v15 =	vadd.f32 $-1.000000000e+00, v25;
	v16 =	vadd.f32 $-1.000000000e+00, v26  }
0x55c: {  	v13 =	vmul.f32 $5.129898550e+00, v13  }
0x55d: {  	v11 =	vmul.f32 v15, v11;
	v12 =	vmul.f32 v16, v12  }
0x55e: {  	v17 =	vadd.f32 $-1.000000000e+00, v27;
	v20 =	vperm.xlane v0, v33;
	v13 =	vmul.f32 $1.442695020e+00, v13  }
0x55f: {  	v11 =	vmul.f32 $1.442695020e+00, v11;
	v12 =	vmul.f32 $1.442695020e+00, v12  }
0x560: {  	v34 =	vmul.f32 v17, v20;
	(erf) = vpow2.f32 v13  }
0x561: {  	(erf) = vpow2.f32 v11  }
0x562: {  	v35 =	vmul.f32 $1.442695020e+00, v34;
	(erf) = vpow2.f32 v12;
	_ =	sdelay $0x1  }
0x563: {  	v36 =	vld [tilespmem:s15+$0x80];
	(erf) = vpow2.f32 v35  }
0x564: {  	v37 =	vld [tilespmem:s16+$0x80];
	_ =	sdelay $0x1  }
0x565: {  	v38 =	vld [tilespmem:s17+$0x80]  }
0x566: {  	v3 =	vmul.f32 v18, v3  }
0x567: {  	v11 =	vsub.f32 $1.000000000e+00, v36;
	v40 =	vpop (erf)  }
0x568: {  	v5 =	vmul.f32 v19, v5;
	v3 =	vsub.f32 $1.000000000e+00, v3;
	v12 =	vsub.f32 $1.000000000e+00, v37;
	v41 =	vpop (erf)  }
0x569: {  	v39 =	vld [tilespmem:s1+$0x4080];
	v42 =	vpop (erf);
	v11 =	vmul.f32 v41, v11  }
0x56a: {  	v5 =	vsub.f32 $1.000000000e+00, v5;
	[tilespmem:s14+$0x6080] =	vst v3;
	v3 =	vsub.f32 $1.000000000e+00, v38;
	v12 =	vmul.f32 v42, v12  }
0x56b: {  	v43 =	vpop (erf);
	v11 =	vsub.f32 $1.000000000e+00, v11  }
0x56c: {  	[tilespmem:s22+$0x6080] =	vst v5;
	v44 =	vld [tilespmem:s24+$0x2080];
	v3 =	vmul.f32 v43, v3;
	v12 =	vsub.f32 $1.000000000e+00, v12  }
0x56d: {  	[tilespmem:s15+$0x6080] =	vst v11  }
0x56e: {  	v46 =	vperm.xlane v0, v39;
	v47 =	vadd.f32 $-1.000000000e+00, v40;
	v3 =	vsub.f32 $1.000000000e+00, v3;
	[tilespmem:s16+$0x6080] =	vst v12  }
0x56f: {  	v8 =	vmul.f32 v10, v8;
	v45 =	vld [tilespmem:s2+$0x2080];
	s3 =	rddreg [dreg:$0x9]  }
0x570: {  	v5 =	vmul.f32 v47, v46;
	[tilespmem:s17+$0x6080] =	vst v3;
	v48 =	vld [tilespmem:s3+$0x2080]  }
0x571: {  	v49 =	vmul.f32 $5.129898550e+00, v44;
	v3 =	vmul.f32 $1.442695020e+00, v8;
	s0 =	rddreg [dreg:$0x7]  }
0x572: {  	v4 =	vmul.f32 v24, v4;
	v5 =	vmul.f32 $1.442695020e+00, v5;
	s6 =	rddreg [dreg:$0xb];
	v50 =	vld [tilespmem:s0+$0x2080]  }
0x573: {  	v52 =	vld [tilespmem:s6+$0x2080];
	(erf) = vpow2.f32 v3;
	v3 =	vmul.f32 $1.442695020e+00, v49  }
0x574: {  	v51 =	vmul.f32 $5.129898550e+00, v45;
	(erf) = vpow2.f32 v5  }
0x575: {  	(erf) = vpow2.f32 v3;
	v3 =	vmul.f32 $5.129898550e+00, v48  }
0x576: {  	v53 =	vmul.f32 $1.442695020e+00, v51  }
0x577: {  	v4 =	vsub.f32 $1.000000000e+00, v4;
	v54 =	vmul.f32 $5.129898550e+00, v50;
	v3 =	vmul.f32 $1.442695020e+00, v3  }
0x578: {  	(erf) = vpow2.f32 v53;
	v55 =	vmul.f32 $5.129898550e+00, v52  }
0x579: {  	[tilespmem:s13+$0x6080] =	vst v4;
	v58 =	vld [tilespmem:s3+$0x4080];
	v56 =	vmul.f32 $1.442695020e+00, v54;
	(erf) = vpow2.f32 v3  }
0x57a: {  	v57 =	vld [tilespmem:s8+$0x2080];
	v8 =	vmul.f32 $1.442695020e+00, v55  }
0x57b: {  	v3 =	vld [tilespmem:s24+$0x4080];
	(erf) = vpow2.f32 v56  }
0x57c: {  	v61 =	vld [tilespmem:s0+$0x4080];
	(erf) = vpow2.f32 v8  }
0x57d: {  	v59 =	vld [tilespmem:s2+$0x4080];
	v60 =	vpop (erf)  }
0x57e: {  	v63 =	vld [tilespmem:s6+$0x4080];
	v62 =	vpop (erf)  }
0x57f: {  	v18 =	vpop (erf)  }
0x580: {  	v4 =	vperm.xlane v0, v58;
	v14 =	vadd.f32 $-1.000000000e+00, v18;
	v3 =	vperm.xlane v0, v3  }
0x581: {  	v5 =	vmul.f32 $5.129898550e+00, v57;
	v11 =	vperm.xlane v0, v61;
	v19 =	vpop (erf)  }
0x582: {  	v8 =	vperm.xlane v0, v59;
	v15 =	vadd.f32 $-1.000000000e+00, v19;
	v3 =	vmul.f32 v14, v3;
	v20 =	vpop (erf)  }
0x583: {  	v13 =	vperm.xlane v0, v63;
	v5 =	vmul.f32 $1.442695020e+00, v5;
	v14 =	vadd.f32 $-1.000000000e+00, v20  }
0x584: {  	v8 =	vmul.f32 v15, v8;
	v3 =	vmul.f32 $1.442695020e+00, v3;
	v21 =	vpop (erf)  }
0x585: {  	(erf) = vpow2.f32 v5;
	v22 =	vadd.f32 $-1.000000000e+00, v21;
	v23 =	vpop (erf);
	v4 =	vmul.f32 v14, v4  }
0x586: {  	v8 =	vmul.f32 $1.442695020e+00, v8;
	(erf) = vpow2.f32 v3;
	v24 =	vadd.f32 $-1.000000000e+00, v23  }
0x587: {  	v3 =	vmul.f32 v22, v11;
	v4 =	vmul.f32 $1.442695020e+00, v4  }
0x588: {  	(erf) = vpow2.f32 v8;
	v25 =	vmul.f32 v24, v13  }
0x589: {  	v3 =	vmul.f32 $1.442695020e+00, v3;
	(erf) = vpow2.f32 v4  }
0x58a: {  	v26 =	vmul.f32 $1.442695020e+00, v25  }
0x58b: {  	(erf) = vpow2.f32 v3  }
0x58c: {  	v3 =	vld [tilespmem:s3+$0x80];
	(erf) = vpow2.f32 v26;
	_ =	sdelay $0x1  }
0x58d: {  	v27 =	vld [tilespmem:s0+$0x80]  }
0x58e: {  	v28 =	vld [tilespmem:s6+$0x80];
	v29 =	vpop (erf)  }
0x58f: {  	v30 =	vpop (erf)  }
0x590: {  	v31 =	vpop (erf);
	v3 =	vsub.f32 $1.000000000e+00, v3  }
0x591: {  	v32 =	vpop (erf)  }
0x592: {  	v4 =	vsub.f32 $1.000000000e+00, v27;
	v3 =	vmul.f32 v32, v3  }
0x593: {  	v5 =	vsub.f32 $1.000000000e+00, v28;
	v33 =	vpop (erf)  }
0x594: {  	v35 =	vld [tilespmem:s8+$0x4080];
	v34 =	vpop (erf);
	v4 =	vmul.f32 v33, v4;
	v3 =	vsub.f32 $1.000000000e+00, v3  }
0x595: {  	v5 =	vmul.f32 v34, v5  }
0x596: {  	v4 =	vsub.f32 $1.000000000e+00, v4;
	[tilespmem:s3+$0x6080] =	vst v3  }
0x597: {  	v3 =	vsub.f32 $1.000000000e+00, v5;
	v36 =	vld [tilespmem:s5+$0x2080]  }
0x598: {  	[tilespmem:s0+$0x6080] =	vst v4  }
0x599: {  	v37 =	vperm.xlane v0, v35;
	v8 =	vadd.f32 $-1.000000000e+00, v29;
	[tilespmem:s6+$0x6080] =	vst v3;
	v3 =	vld [tilespmem:s21+$0x2080]  }
0x59a: {  	v38 =	vld [tilespmem:s12+$0x2080]  }
0x59b: {  	v5 =	vmul.f32 v8, v37  }
0x59c: {  	v4 =	vmul.f32 $5.129898550e+00, v36  }
0x59d: {  	v5 =	vmul.f32 $1.442695020e+00, v5  }
0x59e: {  	v3 =	vmul.f32 $5.129898550e+00, v3;
	v4 =	vmul.f32 $1.442695020e+00, v4  }
0x59f: {  	(erf) = vpow2.f32 v5;
	v39 =	vmul.f32 $5.129898550e+00, v38  }
0x5a0: {  	v3 =	vmul.f32 $1.442695020e+00, v3;
	(erf) = vpow2.f32 v4  }
0x5a1: {  	v40 =	vmul.f32 $1.442695020e+00, v39  }
0x5a2: {  	(erf) = vpow2.f32 v3  }
0x5a3: {  	(erf) = vpow2.f32 v40;
	_ =	sdelay $0x1  }
0x5a4: {  	v3 =	vld [tilespmem:s5+$0x4080];
	_ =	sdelay $0x1  }
0x5a5: {  	v41 =	vld [tilespmem:s21+$0x4080]  }
0x5a6: {  	v42 =	vld [tilespmem:s12+$0x4080];
	v43 =	vpop (erf)  }
0x5a7: {  	v44 =	vpop (erf)  }
0x5a8: {  	v3 =	vperm.xlane v0, v3;
	v14 =	vadd.f32 $-1.000000000e+00, v44  }
0x5a9: {  	v45 =	vpop (erf)  }
0x5aa: {  	v4 =	vperm.xlane v0, v41;
	v15 =	vadd.f32 $-1.000000000e+00, v45;
	v46 =	vpop (erf);
	v3 =	vmul.f32 v14, v3  }
0x5ab: {  	v5 =	vperm.xlane v0, v42;
	v47 =	vadd.f32 $-1.000000000e+00, v46  }
0x5ac: {  	v48 =	vld [tilespmem:s1+$0x80];
	v4 =	vmul.f32 v15, v4;
	v3 =	vmul.f32 $1.442695020e+00, v3  }
0x5ad: {  	v5 =	vmul.f32 v47, v5  }
0x5ae: {  	v49 =	vld [tilespmem:s24+$0x80];
	v4 =	vmul.f32 $1.442695020e+00, v4;
	(erf) = vpow2.f32 v3  }
0x5af: {  	v50 =	vld [tilespmem:s2+$0x80];
	v3 =	vmul.f32 $1.442695020e+00, v5  }
0x5b0: {  	v51 =	vld [tilespmem:s8+$0x80];
	(erf) = vpow2.f32 v4  }
0x5b1: {  	v52 =	vsub.f32 $1.000000000e+00, v48;
	v53 =	vld [tilespmem:s5+$0x80];
	(erf) = vpow2.f32 v3;
	v3 =	vmul.f32 v6, v9  }
0x5b2: {  	v2 =	vmul.f32 v7, v2  }
0x5b3: {  	v55 =	vsub.f32 $1.000000000e+00, v49;
	v54 =	vld [tilespmem:s21+$0x80];
	v6 =	vmul.f32 v62, v52;
	v3 =	vsub.f32 $1.000000000e+00, v3  }
0x5b4: {  	v2 =	vsub.f32 $1.000000000e+00, v2;
	v1 =	vmul.f32 v60, v1;
	v56 =	vld [tilespmem:s12+$0x80];
	v5 =	vsub.f32 $1.000000000e+00, v50  }
0x5b5: {  	v57 =	vmul.f32 v30, v55;
	v4 =	vsub.f32 $1.000000000e+00, v51;
	[tilespmem:s19+$0x6080] =	vst v3;
	v3 =	vsub.f32 $1.000000000e+00, v6  }
0x5b6: {  	[tilespmem:s31+$0x6080] =	vst v2;
	v1 =	vsub.f32 $1.000000000e+00, v1;
	v58 =	vsub.f32 $1.000000000e+00, v53;
	v2 =	vmul.f32 v31, v5  }
0x5b7: {  	v4 =	vmul.f32 v43, v4;
	[tilespmem:s1+$0x6080] =	vst v3;
	v3 =	vsub.f32 $1.000000000e+00, v57;
	v60 =	vpop (erf)  }
0x5b8: {  	[tilespmem:s4+$0x6080] =	vst v1;
	v59 =	vsub.f32 $1.000000000e+00, v54;
	v1 =	vsub.f32 $1.000000000e+00, v2;
	v5 =	vmul.f32 v60, v58  }
0x5b9: {  	v2 =	vsub.f32 $1.000000000e+00, v56;
	v61 =	vpop (erf);
	[tilespmem:s24+$0x6080] =	vst v3;
	v3 =	vsub.f32 $1.000000000e+00, v4  }
0x5ba: {  	[tilespmem:s2+$0x6080] =	vst v1;
	v62 =	vmul.f32 v61, v59;
	v63 =	vpop (erf);
	v1 =	vsub.f32 $1.000000000e+00, v5  }
0x5bb: {  	v2 =	vmul.f32 v63, v2;
	[tilespmem:s8+$0x6080] =	vst v3  }
0x5bc: {  	v3 =	vsub.f32 $1.000000000e+00, v62;
	s0 =	rddreg [dreg:$0x1b];
	[tilespmem:s5+$0x6080] =	vst v1  }
.Ltmp7:
0x5bd: {  	s0 =	sshll.u32 s0, $0x11;
	v1 =	vsub.f32 $1.000000000e+00, v2;
	s1 =	rddreg [dreg:$0x12];
	(pc) =	sbr.rel .LBB2_8-.Ltmp7, $4  }
0x5be: {  	[tilespmem:s21+$0x6080] =	vst v3;
	s0 =	sor.u32 s1, s0  }
0x5bf: {  	s29 =	rddreg [dreg:$0x4];
	s30 =	simm.s32 $0x0;
	[tilespmem:s12+$0x6080] =	vst v1;
	s0 =	sshrl.u32 s0, $0x3  }
0x5c0: {  	s31 =	simm.s32 $0x7080;
	s4 =	rddreg [dreg:$0x1a];
	s0 =	sadd.s32 s29, s0  }
0x5c1: {  	[hbm4b:s0+s30] =	stream.linear.scatter [tilespmem:s31], [sflag:$0x4], $0x1000, $0x38;
	[tilespmem:$0x8080] =	vst v63  }
.LBB2_10:
0x5c2: {  	_ =	sfence.sel $0x180000  }
0x5c3: {  	[bflag:$0x0] =	sbarrier.arrive $0xFFFF  }
0x5c4: {  	_ =	strace $0x90000047  }
0x5c5: {  	s0 =	stileid.u32;
	[bflag:$0x2] =	sbarrier.arrive $0xFFFF  }
0x5c6: {  	p0 =	sne.s32 s0, $0x0;
	s0 =	rddreg [dreg:$0x5]  }
0x5c7: {  	s0 =	sadd.s32 @!p0 $0x100000, s0  }
0x5c8: {  	[sflag:s0] =	ssyncadd.tile.s32 @!p0 $0x1;
	_ =	shalt  }
.Lfunc_end2:
_tile_overlayer_lowered:
.L_overlay_start_2:
0x5c9: {  	(tag) =	ssettag $0x2  }
0x5ca: {  	s0 =	rddreg [dreg:$0x0];
	s2 =	stileid.u32  }
0x5cb: {  	s1 =	rddreg [dreg:$0x1];
	p0 =	sne.s32 s2, $0x0  }
0x5cc: {  	s3 =	rddreg [dreg:$0x2];
	[bflag:$0x3] =	sbarrier.arrive $0xFFFF;
	s2 =	simm.s32 @!p0 $0x1C05  }
0x5cd: {  	[timem:s3], [sflag:s2] =	dma.local @!p0 [hbm:s0], s1  }
0x5ce: {  	s0 =	simm.s32 @!p0 $0x5  }
0x5cf: {  	_ =	swait.ge @!p0 [sflag:s0], s1  }
0x5d0: {  	s1 =	ssub.s32 @!p0 $0x0, s1;
	[sflag:s0] =	ssyncset.done @!p0 $0x0  }
0x5d1: {  	[sflag:s0] =	ssyncadd.s32 @!p0 s1  }
0x5d2: {  	[bflag:$0x3] =	sbarrier.arrive $0xFFFF  }
0x5d3: {  	_ =	shalt  }

</sc_bundles>
